<compile_context>
chip_gen: v7x
topology: tpu7x:2x2x1
jax: 0.10.2.dev20260603
libtpu: 0.0.44.dev20260713+nightly
codegen_flags: <defaults>
</compile_context>

<pallas_src>
import functools

import jax
import jax.numpy as jnp
from jax import lax
from jax.experimental import pallas as pl
from jax.experimental.pallas import tpu as pltpu
from jax.experimental.pallas import tpu_sc as plsc

N = 10000
E = 320000
F = 128
G = 64

NC = 2
NS = 16
NW = NC * NS

NPAD = 10240
CH = 128
EW = 10240
EPAD = NW * EW
NCHUNK = EW // CH
ROWS_T = NPAD // NS

BR = 1024
NBLK = NPAD // BR

_mesh = plsc.VectorSubcoreMesh(core_axis_name="c", subcore_axis_name="s")



@functools.partial(
    pl.kernel,
    out_type=jax.ShapeDtypeStruct((NC * NPAD,), jnp.float32),
    mesh=_mesh,
    scratch_types=[
        pltpu.VMEM((CH,), jnp.int32),
        pltpu.VMEM((CH,), jnp.float32),
        pltpu.VMEM_SHARED((NPAD,), jnp.float32),
    ],
)
def _deg_sc(dst_hbm, ones_hbm, zeros_hbm, out_hbm, didx, ones_v, dacc):
    c = lax.axis_index("c")
    s = lax.axis_index("s")
    wid = s * NC + c
    pltpu.sync_copy(zeros_hbm, dacc.at[pl.ds(s * ROWS_T, ROWS_T)])
    pltpu.sync_copy(ones_hbm, ones_v)
    plsc.subcore_barrier()
    base = wid * EW

    def body(i, _):
        off = pl.multiple_of(base + i * CH, CH)
        pltpu.sync_copy(dst_hbm.at[pl.ds(off, CH)], didx)
        pltpu.sync_copy(ones_v, dacc.at[didx], add=True)
        return ()

    lax.fori_loop(0, NCHUNK, body, ())
    plsc.subcore_barrier()
    pltpu.sync_copy(dacc.at[pl.ds(s * ROWS_T, ROWS_T)],
                    out_hbm.at[pl.ds(c * NPAD + s * ROWS_T, ROWS_T)])


NROW = 2
NIDX = 4
NCH_C0 = 152
NCH_C1 = 8
TOTCH = NW * NCHUNK


def _edge_pipeline(nch, base, src_hbm, dst_hbm, g_hbm,
                   sidx, didx, rows, acc, gsem, isem, ssem):
    for b in range(min(NIDX, nch)):
        pltpu.async_copy(src_hbm.at[base + b], sidx[b], isem[b])
        pltpu.async_copy(dst_hbm.at[base + b], didx[b], isem[b])

    def wait_idx(i, b):
        pltpu.make_async_copy(src_hbm.at[base + i], sidx[b], isem[b]).wait()
        pltpu.make_async_copy(dst_hbm.at[base + i], didx[b], isem[b]).wait()

    for k in range(min(NROW, nch)):
        wait_idx(k, k % NIDX)
        pltpu.async_copy(g_hbm.at[sidx[k % NIDX]], rows[k % NROW], gsem[k % NROW])

    def outer(g, _):
        for b in range(NIDX):
            i = g * NIDX + b
            rb = b % NROW
            pltpu.make_async_copy(g_hbm.at[sidx[b]], rows[rb],
                                  gsem[rb]).wait()
            pltpu.async_copy(rows[rb], acc.at[didx[b]], ssem,
                             add=True).wait()
            if nch > NIDX:
                @pl.when(i + NIDX < nch)
                def _():
                    pltpu.async_copy(src_hbm.at[base + i + NIDX], sidx[b],
                                     isem[b])
                    pltpu.async_copy(dst_hbm.at[base + i + NIDX], didx[b],
                                     isem[b])
            if nch > NROW:
                @pl.when(i + NROW < nch)
                def _():
                    b2 = (b + NROW) % NIDX
                    wait_idx(i + NROW, b2)
                    pltpu.async_copy(g_hbm.at[sidx[b2]], rows[rb],
                                     gsem[rb])
        return ()

    lax.fori_loop(0, nch // NIDX, outer, ())


@functools.partial(
    pl.kernel,
    out_type=jax.ShapeDtypeStruct((NC, NPAD, F), jnp.float32),
    mesh=_mesh,
    scratch_types=[
        [pltpu.VMEM((CH,), jnp.int32) for _ in range(NIDX)],
        [pltpu.VMEM((CH,), jnp.int32) for _ in range(NIDX)],
        [pltpu.VMEM((CH, F), jnp.float32) for _ in range(NROW)],
        pltpu.VMEM_SHARED((NPAD, F), jnp.float32),
        [pltpu.SemaphoreType.DMA for _ in range(NROW)],
        [pltpu.SemaphoreType.DMA for _ in range(NIDX)],
        pltpu.SemaphoreType.DMA,
    ],
)
def _scatter_sc(src_hbm, dst_hbm, g_hbm, zeros_hbm, out_hbm,
                sidx, didx, rows, acc, gsem, isem, ssem):
    c = lax.axis_index("c")
    s = lax.axis_index("s")
    pltpu.sync_copy(zeros_hbm, acc.at[pl.ds(s * ROWS_T, ROWS_T)])
    plsc.subcore_barrier()

    @pl.when(c == 0)
    def _():
        _edge_pipeline(NCH_C0, s * NCH_C0, src_hbm, dst_hbm, g_hbm,
                       sidx, didx, rows, acc, gsem, isem, ssem)

    @pl.when(c == 1)
    def _():
        _edge_pipeline(NCH_C1, NS * NCH_C0 + s * NCH_C1, src_hbm, dst_hbm,
                       g_hbm, sidx, didx, rows, acc, gsem, isem, ssem)

    plsc.subcore_barrier()
    pltpu.sync_copy(acc.at[pl.ds(s * ROWS_T, ROWS_T)],
                    out_hbm.at[c, pl.ds(s * ROWS_T, ROWS_T)])



def _dinv(deg0_ref, deg1_ref):
    deg = deg0_ref[...] + deg1_ref[...] + 1.0
    return lax.rsqrt(deg)


def _first_tc_body(x_ref, deg0_ref, deg1_ref, w_ref, g_ref):
    h = jnp.dot(x_ref[...], w_ref[...], preferred_element_type=jnp.float32)
    g_ref[...] = _dinv(deg0_ref, deg1_ref) * h


def _mid_tc_body(a0_ref, a1_ref, gp_ref, deg0_ref, deg1_ref, b_ref, w_ref,
                 g_ref):
    dinv = _dinv(deg0_ref, deg1_ref)
    y = jnp.maximum(dinv * (a0_ref[...] + a1_ref[...] + gp_ref[...])
                    + b_ref[...], 0.0)
    g_ref[...] = dinv * jnp.dot(y, w_ref[...],
                                preferred_element_type=jnp.float32)


def _final_tc_body(a0_ref, a1_ref, gp_ref, deg0_ref, deg1_ref, b_ref,
                   batch_ref, wout_ref, bout_ref, out_ref, sums, counts):
    i = pl.program_id(0)

    @pl.when(i == 0)
    def _():
        sums[...] = jnp.zeros_like(sums)
        counts[...] = jnp.zeros_like(counts)

    dinv = _dinv(deg0_ref, deg1_ref)
    y = jnp.maximum(dinv * (a0_ref[...] + a1_ref[...] + gp_ref[...])
                    + b_ref[...], 0.0)
    oh = (jnp.broadcast_to(batch_ref[...].reshape(1, BR), (G, BR))
          == lax.broadcasted_iota(jnp.int32, (G, BR), 0)).astype(jnp.float32)
    sums[...] += jnp.dot(oh, y, preferred_element_type=jnp.float32)
    counts[...] += jnp.broadcast_to(
        jnp.sum(oh, axis=1, keepdims=True), (G, F))

    @pl.when(i == pl.num_programs(0) - 1)
    def _():
        pooled = sums[...] / jnp.maximum(counts[...], 1.0)
        out_ref[...] = (jnp.dot(pooled, wout_ref[...],
                                preferred_element_type=jnp.float32)
                        + bout_ref[...])


def _row_spec():
    return pl.BlockSpec((BR, F), lambda i: (i, 0))


def _deg_spec():
    return pl.BlockSpec((BR, 1), lambda i: (i, 0))


def _full_spec(r, c):
    return pl.BlockSpec((r, c), lambda i: (0, 0))


def _first_tc(xp, deg0, deg1, w):
    return pl.pallas_call(
        _first_tc_body,
        grid=(NBLK,),
        in_specs=[_row_spec(), _deg_spec(), _deg_spec(), _full_spec(F, F)],
        out_specs=_row_spec(),
        out_shape=jax.ShapeDtypeStruct((NPAD, F), jnp.float32),
    )(xp, deg0, deg1, w)


def _mid_tc(a0, a1, gp, deg0, deg1, b2d, w):
    return pl.pallas_call(
        _mid_tc_body,
        grid=(NBLK,),
        in_specs=[_row_spec(), _row_spec(), _row_spec(), _deg_spec(),
                  _deg_spec(), _full_spec(1, F), _full_spec(F, F)],
        out_specs=_row_spec(),
        out_shape=jax.ShapeDtypeStruct((NPAD, F), jnp.float32),
    )(a0, a1, gp, deg0, deg1, b2d, w)


def _final_tc(a0, a1, gp, deg0, deg1, b2d, batch2d, wout, bout2d):
    return pl.pallas_call(
        _final_tc_body,
        grid=(NBLK,),
        in_specs=[_row_spec(), _row_spec(), _row_spec(), _deg_spec(),
                  _deg_spec(), _full_spec(1, F),
                  pl.BlockSpec((1, 1, BR), lambda i: (i, 0, 0)),
                  _full_spec(F, F), _full_spec(1, F)],
        out_specs=_full_spec(G, F),
        out_shape=jax.ShapeDtypeStruct((G, F), jnp.float32),
        scratch_shapes=[pltpu.VMEM((G, F), jnp.float32),
                        pltpu.VMEM((G, F), jnp.float32)],
    )(a0, a1, gp, deg0, deg1, b2d, batch2d, wout, bout2d)



def kernel(x, edge_index, batch, W1, b1, W2, b2, W3, b3, Wout, bout):
    f32 = jnp.float32
    xp = jnp.concatenate([x, jnp.zeros((NPAD - N, F), f32)], axis=0)
    pad_e = jnp.full((EPAD - E,), NPAD - 1, jnp.int32)
    dst = jnp.concatenate([edge_index[1], pad_e])
    src2d = jnp.concatenate([edge_index[0], pad_e]).reshape(NW * NCHUNK, CH)
    dst2d = dst.reshape(NW * NCHUNK, CH)
    batch2d = jnp.concatenate(
        [batch.astype(jnp.int32), jnp.full((NPAD - N,), G, jnp.int32)]
    ).reshape(NBLK, 1, BR)

    zeros1 = jnp.zeros((ROWS_T,), f32)
    zeros128 = jnp.zeros((ROWS_T, F), f32)
    ones1 = jnp.ones((CH,), f32)

    degs = _deg_sc(dst, ones1, zeros1)
    deg0 = degs[:NPAD].reshape(NPAD, 1)
    deg1 = degs[NPAD:].reshape(NPAD, 1)

    b1r = b1.reshape(1, F)
    b2r = b2.reshape(1, F)
    b3r = b3.reshape(1, F)
    boutr = bout.reshape(1, F)

    g1 = _first_tc(xp, deg0, deg1, W1)
    a1 = _scatter_sc(src2d, dst2d, g1, zeros128)
    g2 = _mid_tc(a1[0], a1[1], g1, deg0, deg1, b1r, W2)
    a2 = _scatter_sc(src2d, dst2d, g2, zeros128)
    g3 = _mid_tc(a2[0], a2[1], g2, deg0, deg1, b2r, W3)
    a3 = _scatter_sc(src2d, dst2d, g3, zeros128)
    return _final_tc(a3[0], a3[1], g3, deg0, deg1, b3r, batch2d, Wout, boutr)

# --- scband reference (transcript-rebuilt; emitter-appended) ---
"""Pipeline reference for scband-generator-31756988187185 (READ-ONLY COPY).

The authoritative reference and input builder live on the scoring server;
editing this copy changes nothing except your own understanding.
"""

import jax, jax.numpy as jnp
import numpy as np

N = 10000
E = 320000
D = 128
H = 128
O = 128
G = 64

def setup_inputs(seed: int = 0) -> dict:
    key = jax.random.key(seed)
    ks = jax.random.split(key, 12)
    x = jax.random.normal(ks[0], (N, D), dtype=jnp.float32)
    edge_index = jax.random.randint(ks[1], (2, E), 0, N, dtype=jnp.int32)
    batch = jnp.sort(jax.random.randint(ks[2], (N,), 0, G, dtype=jnp.int32))
    s = 1.0 / np.sqrt(D)
    W1 = jax.random.normal(ks[3], (D, H), dtype=jnp.float32) * s
    b1 = jnp.zeros((H,), dtype=jnp.float32)
    W2 = jax.random.normal(ks[4], (H, H), dtype=jnp.float32) * s
    b2 = jnp.zeros((H,), dtype=jnp.float32)
    W3 = jax.random.normal(ks[5], (H, H), dtype=jnp.float32) * s
    b3 = jnp.zeros((H,), dtype=jnp.float32)
    Wout = jax.random.normal(ks[6], (H, O), dtype=jnp.float32) * s
    bout = jnp.zeros((O,), dtype=jnp.float32)
    return {"x": x, "edge_index": edge_index, "batch": batch,
            "W1": W1, "b1": b1, "W2": W2, "b2": b2, "W3": W3, "b3": b3,
            "Wout": Wout, "bout": bout}

def _gcn_conv(x, edge_index, W, b):
    n = x.shape[0]
    loop = jnp.arange(n, dtype=edge_index.dtype)
    src = jnp.concatenate([edge_index[0], loop])
    dst = jnp.concatenate([edge_index[1], loop])
    deg = jax.ops.segment_sum(jnp.ones_like(dst, dtype=jnp.float32), dst, num_segments=n)
    dinv = jnp.where(deg > 0, jax.lax.rsqrt(jnp.maximum(deg, 1.0)), 0.0)
    norm = dinv[src] * dinv[dst]
    h = x @ W
    msg = h[src] * norm[:, None]
    agg = jax.ops.segment_sum(msg, dst, num_segments=n)
    return agg + b

def reference(x, edge_index, batch, W1, b1, W2, b2, W3, b3, Wout, bout):
    # GCNConv layers with ReLU activation (norm=None, dropout=0 -> no-op in eval)
    h = _gcn_conv(x, edge_index, W1, b1)
    h = jax.nn.relu(h)
    h = _gcn_conv(h, edge_index, W2, b2)
    h = jax.nn.relu(h)
    h = _gcn_conv(h, edge_index, W3, b3)
    h = jax.nn.relu(h)
    # global_mean_pool over batch assignment
    sums = jax.ops.segment_sum(h, batch, num_segments=G)
    counts = jax.ops.segment_sum(jnp.ones((h.shape[0],), dtype=jnp.float32), batch, num_segments=G)
    pooled = sums / jnp.maximum(counts, 1.0)[:, None]
    out = pooled @ Wout + bout
    return out

if __name__ == "__main__":
    import jax
    _d = setup_inputs()
    print(jax.jit(kernel)(*tuple(_d.values())))

</pallas_src>

<mosaic_0001>
#map = affine_map<(d0, d1) -> (0)>
module attributes {stable_mosaic.version = 14 : i64} {
  func.func @_deg_sc(%arg0: i32, %arg1: i32, %arg2: memref<327680xi32, #tpu.memory_space<hbm>>, %arg3: memref<128xf32, #tpu.memory_space<hbm>>, %arg4: memref<640xf32, #tpu.memory_space<hbm>>, %arg5: memref<20480xf32, #tpu.memory_space<hbm>>, %arg6: memref<128xi32, #tpu.memory_space<vmem>>, %arg7: memref<128xf32, #tpu.memory_space<vmem>>, %arg8: memref<10240xf32, #tpu.memory_space<vmem_shared>>) attributes {dimension_semantics = [#tpu.dimension_semantics<core_parallel>, #tpu.dimension_semantics<subcore_parallel>], iteration_bounds = array<i64: 2, 16>, scalar_prefetch = 0 : i64, scratch_operands = 3 : i64, tpu.core_type = #tpu.core_type<sc_vector_subcore>, window_params = [{transform_indices = #map}, {transform_indices = #map}, {transform_indices = #map}, {transform_indices = #map}]} {
    %mul3A = arith.constant 2 : i32
    %mul3A_0 = arith.muli %arg1, %mul3A : i32
    %add3A = arith.addi %mul3A_0, %arg0 : i32
    %mul3A_1 = arith.constant 640 : i32
    %mul3A_2 = arith.muli %arg1, %mul3A_1 : i32
    "tpu.region"() ({
      %run_scoped3A = tpu.sem_alloc : memref<!tpu.dma_semaphore, #tpu.memory_space<semaphore_mem>>
      %dma_start3A = tpu.memref_slice %arg8[%mul3A_2] : memref<10240xf32, #tpu.memory_space<vmem_shared>> -> memref<640xf32, #tpu.memory_space<vmem_shared>>
      tpu.enqueue_dma source(%arg4 : memref<640xf32, #tpu.memory_space<hbm>>) target(%dma_start3A : memref<640xf32, #tpu.memory_space<vmem_shared>>) target_semaphore(%run_scoped3A : memref<!tpu.dma_semaphore, #tpu.memory_space<semaphore_mem>>)
      %dma_wait3A = tpu.memref_slice %arg8[%mul3A_2] : memref<10240xf32, #tpu.memory_space<vmem_shared>> -> memref<640xf32, #tpu.memory_space<vmem_shared>>
      tpu.wait_dma2 semaphore(%run_scoped3A : memref<!tpu.dma_semaphore, #tpu.memory_space<semaphore_mem>>) src(%arg4 : memref<640xf32, #tpu.memory_space<hbm>>) dst(%dma_wait3A : memref<640xf32, #tpu.memory_space<vmem_shared>>)
      tpu.yield
    }) : () -> ()
    "tpu.region"() ({
      %run_scoped3A = tpu.sem_alloc : memref<!tpu.dma_semaphore, #tpu.memory_space<semaphore_mem>>
      tpu.enqueue_dma source(%arg3 : memref<128xf32, #tpu.memory_space<hbm>>) target(%arg7 : memref<128xf32, #tpu.memory_space<vmem>>) target_semaphore(%run_scoped3A : memref<!tpu.dma_semaphore, #tpu.memory_space<semaphore_mem>>)
      tpu.wait_dma2 semaphore(%run_scoped3A : memref<!tpu.dma_semaphore, #tpu.memory_space<semaphore_mem>>) src(%arg3 : memref<128xf32, #tpu.memory_space<hbm>>) dst(%arg7 : memref<128xf32, #tpu.memory_space<vmem>>)
      tpu.yield
    }) : () -> ()
    %barrier3A = arith.constant 0 : index
    tpu.barrier barrier_id(%barrier3A)
    %mul3A_3 = arith.constant 10240 : i32
    %mul3A_4 = arith.muli %add3A, %mul3A_3 : i32
    %scan3A = arith.constant 0 : i32
    %scan3A_5 = arith.constant 80 : i32
    %scan3A_6 = arith.addi %scan3A, %scan3A_5 : i32
    %scan3A_7 = arith.constant 1 : i32
    scf.for %scan3A_17 = %scan3A to %scan3A_6 step %scan3A_7  : i32 {
      %mul3A_18 = arith.constant 128 : i32
      %mul3A_19 = arith.muli %scan3A_17, %mul3A_18 : i32
      %add3A_20 = arith.addi %mul3A_4, %mul3A_19 : i32
      %multiple_of3A = tpu.assume_multiple %add3A_20, 128 : i32
      "tpu.region"() ({
        %run_scoped3A = tpu.sem_alloc : memref<!tpu.dma_semaphore, #tpu.memory_space<semaphore_mem>>
        %dma_start3A = tpu.memref_slice %arg2[%multiple_of3A] : memref<327680xi32, #tpu.memory_space<hbm>> -> memref<128xi32, #tpu.memory_space<hbm>>
        %dma_start3A_21 = tpu.memref_slice %arg2[%multiple_of3A] : memref<327680xi32, #tpu.memory_space<hbm>> -> memref<128xi32, #tpu.memory_space<hbm>>
        tpu.enqueue_dma source(%dma_start3A_21 : memref<128xi32, #tpu.memory_space<hbm>>) target(%arg6 : memref<128xi32, #tpu.memory_space<vmem>>) target_semaphore(%run_scoped3A : memref<!tpu.dma_semaphore, #tpu.memory_space<semaphore_mem>>)
        %dma_wait3A = tpu.memref_slice %arg2[%multiple_of3A] : memref<327680xi32, #tpu.memory_space<hbm>> -> memref<128xi32, #tpu.memory_space<hbm>>
        %dma_wait3A_22 = tpu.memref_slice %arg2[%multiple_of3A] : memref<327680xi32, #tpu.memory_space<hbm>> -> memref<128xi32, #tpu.memory_space<hbm>>
        tpu.wait_dma2 semaphore(%run_scoped3A : memref<!tpu.dma_semaphore, #tpu.memory_space<semaphore_mem>>) src(%dma_wait3A_22 : memref<128xi32, #tpu.memory_space<hbm>>) dst(%arg6 : memref<128xi32, #tpu.memory_space<vmem>>)
        tpu.yield
      }) : () -> ()
      "tpu.region"() ({
        %run_scoped3A = tpu.sem_alloc : memref<!tpu.dma_semaphore, #tpu.memory_space<semaphore_mem>>
        %dma_start3A = arith.constant 0 : i32
        %dma_start3A_21 = tpu.memref_slice %arg8[%dma_start3A] : memref<10240xf32, #tpu.memory_space<vmem_shared>> -> memref<10240xf32, #tpu.memory_space<vmem_shared>>
        tpu.enqueue_indirect_dma source(%arg7 : memref<128xf32, #tpu.memory_space<vmem>>) target(%dma_start3A_21 : memref<10240xf32, #tpu.memory_space<vmem_shared>>) offsets(%arg6 : memref<128xi32, #tpu.memory_space<vmem>>) semaphore(%run_scoped3A : memref<!tpu.dma_semaphore, #tpu.memory_space<semaphore_mem>>) {add = true}
        %dma_wait3A = arith.constant 0 : i32
        %dma_wait3A_22 = tpu.memref_slice %arg8[%dma_wait3A] : memref<10240xf32, #tpu.memory_space<vmem_shared>> -> memref<10240xf32, #tpu.memory_space<vmem_shared>>
        tpu.wait_indirect_dma semaphore(%run_scoped3A : memref<!tpu.dma_semaphore, #tpu.memory_space<semaphore_mem>>) src(%arg7 : memref<128xf32, #tpu.memory_space<vmem>>) dst(%dma_wait3A_22 : memref<10240xf32, #tpu.memory_space<vmem_shared>>)
        tpu.yield
      }) : () -> ()
    }
    %scan3A_8 = arith.constant 80 : i32
    %barrier3A_9 = arith.constant 0 : index
    tpu.barrier barrier_id(%barrier3A_9)
    %mul3A_10 = arith.constant 640 : i32
    %mul3A_11 = arith.muli %arg1, %mul3A_10 : i32
    %mul3A_12 = arith.constant 10240 : i32
    %mul3A_13 = arith.muli %arg0, %mul3A_12 : i32
    %mul3A_14 = arith.constant 640 : i32
    %mul3A_15 = arith.muli %arg1, %mul3A_14 : i32
    %add3A_16 = arith.addi %mul3A_13, %mul3A_15 : i32
    "tpu.region"() ({
      %run_scoped3A = tpu.sem_alloc : memref<!tpu.dma_semaphore, #tpu.memory_space<semaphore_mem>>
      %dma_start3A = tpu.memref_slice %arg5[%add3A_16] : memref<20480xf32, #tpu.memory_space<hbm>> -> memref<640xf32, #tpu.memory_space<hbm>>
      %dma_start3A_17 = tpu.memref_slice %arg8[%mul3A_11] : memref<10240xf32, #tpu.memory_space<vmem_shared>> -> memref<640xf32, #tpu.memory_space<vmem_shared>>
      tpu.enqueue_dma source(%dma_start3A_17 : memref<640xf32, #tpu.memory_space<vmem_shared>>) target(%dma_start3A : memref<640xf32, #tpu.memory_space<hbm>>) target_semaphore(%run_scoped3A : memref<!tpu.dma_semaphore, #tpu.memory_space<semaphore_mem>>)
      %dma_wait3A = tpu.memref_slice %arg5[%add3A_16] : memref<20480xf32, #tpu.memory_space<hbm>> -> memref<640xf32, #tpu.memory_space<hbm>>
      %dma_wait3A_18 = tpu.memref_slice %arg8[%mul3A_11] : memref<10240xf32, #tpu.memory_space<vmem_shared>> -> memref<640xf32, #tpu.memory_space<vmem_shared>>
      tpu.wait_dma2 semaphore(%run_scoped3A : memref<!tpu.dma_semaphore, #tpu.memory_space<semaphore_mem>>) src(%dma_wait3A_18 : memref<640xf32, #tpu.memory_space<vmem_shared>>) dst(%dma_wait3A : memref<640xf32, #tpu.memory_space<hbm>>)
      tpu.yield
    }) : () -> ()
    return
  }
}

#map = affine_map<(d0, d1) -> (0, 0)>
#map1 = affine_map<(d0, d1) -> (0, 0, 0)>
module attributes {stable_mosaic.version = 14 : i64} {
  func.func @_scatter_sc(%arg0: i32, %arg1: i32, %arg2: memref<2560x128xi32, #tpu.memory_space<hbm>>, %arg3: memref<2560x128xi32, #tpu.memory_space<hbm>>, %arg4: memref<10240x128xf32, #tpu.memory_space<hbm>>, %arg5: memref<640x128xf32, #tpu.memory_space<hbm>>, %arg6: memref<2x10240x128xf32, #tpu.memory_space<hbm>>, %arg7: memref<128xi32, #tpu.memory_space<vmem>>, %arg8: memref<128xi32, #tpu.memory_space<vmem>>, %arg9: memref<128xi32, #tpu.memory_space<vmem>>, %arg10: memref<128xi32, #tpu.memory_space<vmem>>, %arg11: memref<128xi32, #tpu.memory_space<vmem>>, %arg12: memref<128xi32, #tpu.memory_space<vmem>>, %arg13: memref<128xi32, #tpu.memory_space<vmem>>, %arg14: memref<128xi32, #tpu.memory_space<vmem>>, %arg15: memref<128x128xf32, #tpu.memory_space<vmem>>, %arg16: memref<128x128xf32, #tpu.memory_space<vmem>>, %arg17: memref<10240x128xf32, #tpu.memory_space<vmem_shared>>, %arg18: memref<!tpu.dma_semaphore, #tpu.memory_space<semaphore_mem>>, %arg19: memref<!tpu.dma_semaphore, #tpu.memory_space<semaphore_mem>>, %arg20: memref<!tpu.dma_semaphore, #tpu.memory_space<semaphore_mem>>, %arg21: memref<!tpu.dma_semaphore, #tpu.memory_space<semaphore_mem>>, %arg22: memref<!tpu.dma_semaphore, #tpu.memory_space<semaphore_mem>>, %arg23: memref<!tpu.dma_semaphore, #tpu.memory_space<semaphore_mem>>, %arg24: memref<!tpu.dma_semaphore, #tpu.memory_space<semaphore_mem>>) attributes {dimension_semantics = [#tpu.dimension_semantics<core_parallel>, #tpu.dimension_semantics<subcore_parallel>], iteration_bounds = array<i64: 2, 16>, scalar_prefetch = 0 : i64, scratch_operands = 18 : i64, tpu.core_type = #tpu.core_type<sc_vector_subcore>, window_params = [{transform_indices = #map}, {transform_indices = #map}, {transform_indices = #map}, {transform_indices = #map}, {transform_indices = #map1}]} {
    %mul3A = arith.constant 640 : i32
    %mul3A_0 = arith.muli %arg1, %mul3A : i32
    "tpu.region"() ({
      %run_scoped3A = tpu.sem_alloc : memref<!tpu.dma_semaphore, #tpu.memory_space<semaphore_mem>>
      %dma_start3A = arith.constant 0 : i32
      %dma_start3A_13 = tpu.memref_slice %arg17[%mul3A_0, %dma_start3A] : memref<10240x128xf32, #tpu.memory_space<vmem_shared>> -> memref<640x128xf32, #tpu.memory_space<vmem_shared>>
      tpu.enqueue_dma source(%arg5 : memref<640x128xf32, #tpu.memory_space<hbm>>) target(%dma_start3A_13 : memref<640x128xf32, #tpu.memory_space<vmem_shared>>) target_semaphore(%run_scoped3A : memref<!tpu.dma_semaphore, #tpu.memory_space<semaphore_mem>>)
      %dma_wait3A = arith.constant 0 : i32
      %dma_wait3A_14 = tpu.memref_slice %arg17[%mul3A_0, %dma_wait3A] : memref<10240x128xf32, #tpu.memory_space<vmem_shared>> -> memref<640x128xf32, #tpu.memory_space<vmem_shared>>
      tpu.wait_dma2 semaphore(%run_scoped3A : memref<!tpu.dma_semaphore, #tpu.memory_space<semaphore_mem>>) src(%arg5 : memref<640x128xf32, #tpu.memory_space<hbm>>) dst(%dma_wait3A_14 : memref<640x128xf32, #tpu.memory_space<vmem_shared>>)
      tpu.yield
    }) : () -> ()
    %barrier3A = arith.constant 0 : index
    tpu.barrier barrier_id(%barrier3A)
    %eq3A = arith.constant 0 : i32
    %eq3A_1 = arith.cmpi eq, %arg0, %eq3A : i32
    %convert_element_type3A = arith.extui %eq3A_1 : i1 to i32
    %cond3A = arith.constant 0 : i32
    %cond3A_2 = arith.cmpi ne, %convert_element_type3A, %cond3A : i32
    scf.if %cond3A_2 {
      %mul3A_13 = arith.constant 152 : i32
      %mul3A_14 = arith.muli %arg1, %mul3A_13 : i32
      %add3A = arith.constant 0 : i32
      %add3A_15 = arith.addi %mul3A_14, %add3A : i32
      %dma_start3A = arith.constant 0 : i32
      %dma_start3A_16 = tpu.memref_slice %arg2[%add3A_15, %dma_start3A] : memref<2560x128xi32, #tpu.memory_space<hbm>> -> memref<1x128xi32, #tpu.memory_space<hbm>>
      %dma_start3A_17 = tpu.memref_squeeze %dma_start3A_16 : memref<1x128xi32, #tpu.memory_space<hbm>> -> memref<128xi32, #tpu.memory_space<hbm>>
      %dma_start3A_18 = arith.constant 0 : i32
      %dma_start3A_19 = tpu.memref_slice %arg2[%add3A_15, %dma_start3A_18] : memref<2560x128xi32, #tpu.memory_space<hbm>> -> memref<1x128xi32, #tpu.memory_space<hbm>>
      %dma_start3A_20 = tpu.memref_squeeze %dma_start3A_19 : memref<1x128xi32, #tpu.memory_space<hbm>> -> memref<128xi32, #tpu.memory_space<hbm>>
      tpu.enqueue_dma source(%dma_start3A_20 : memref<128xi32, #tpu.memory_space<hbm>>) target(%arg7 : memref<128xi32, #tpu.memory_space<vmem>>) target_semaphore(%arg20 : memref<!tpu.dma_semaphore, #tpu.memory_space<semaphore_mem>>)
      %add3A_21 = arith.constant 0 : i32
      %add3A_22 = arith.addi %mul3A_14, %add3A_21 : i32
      %dma_start3A_23 = arith.constant 0 : i32
      %dma_start3A_24 = tpu.memref_slice %arg3[%add3A_22, %dma_start3A_23] : memref<2560x128xi32, #tpu.memory_space<hbm>> -> memref<1x128xi32, #tpu.memory_space<hbm>>
      %dma_start3A_25 = tpu.memref_squeeze %dma_start3A_24 : memref<1x128xi32, #tpu.memory_space<hbm>> -> memref<128xi32, #tpu.memory_space<hbm>>
      %dma_start3A_26 = arith.constant 0 : i32
      %dma_start3A_27 = tpu.memref_slice %arg3[%add3A_22, %dma_start3A_26] : memref<2560x128xi32, #tpu.memory_space<hbm>> -> memref<1x128xi32, #tpu.memory_space<hbm>>
      %dma_start3A_28 = tpu.memref_squeeze %dma_start3A_27 : memref<1x128xi32, #tpu.memory_space<hbm>> -> memref<128xi32, #tpu.memory_space<hbm>>
      tpu.enqueue_dma source(%dma_start3A_28 : memref<128xi32, #tpu.memory_space<hbm>>) target(%arg11 : memref<128xi32, #tpu.memory_space<vmem>>) target_semaphore(%arg20 : memref<!tpu.dma_semaphore, #tpu.memory_space<semaphore_mem>>)
      %add3A_29 = arith.constant 1 : i32
      %add3A_30 = arith.addi %mul3A_14, %add3A_29 : i32
      %dma_start3A_31 = arith.constant 0 : i32
      %dma_start3A_32 = tpu.memref_slice %arg2[%add3A_30, %dma_start3A_31] : memref<2560x128xi32, #tpu.memory_space<hbm>> -> memref<1x128xi32, #tpu.memory_space<hbm>>
      %dma_start3A_33 = tpu.memref_squeeze %dma_start3A_32 : memref<1x128xi32, #tpu.memory_space<hbm>> -> memref<128xi32, #tpu.memory_space<hbm>>
      %dma_start3A_34 = arith.constant 0 : i32
      %dma_start3A_35 = tpu.memref_slice %arg2[%add3A_30, %dma_start3A_34] : memref<2560x128xi32, #tpu.memory_space<hbm>> -> memref<1x128xi32, #tpu.memory_space<hbm>>
      %dma_start3A_36 = tpu.memref_squeeze %dma_start3A_35 : memref<1x128xi32, #tpu.memory_space<hbm>> -> memref<128xi32, #tpu.memory_space<hbm>>
      tpu.enqueue_dma source(%dma_start3A_36 : memref<128xi32, #tpu.memory_space<hbm>>) target(%arg8 : memref<128xi32, #tpu.memory_space<vmem>>) target_semaphore(%arg21 : memref<!tpu.dma_semaphore, #tpu.memory_space<semaphore_mem>>)
      %add3A_37 = arith.constant 1 : i32
      %add3A_38 = arith.addi %mul3A_14, %add3A_37 : i32
      %dma_start3A_39 = arith.constant 0 : i32
      %dma_start3A_40 = tpu.memref_slice %arg3[%add3A_38, %dma_start3A_39] : memref<2560x128xi32, #tpu.memory_space<hbm>> -> memref<1x128xi32, #tpu.memory_space<hbm>>
      %dma_start3A_41 = tpu.memref_squeeze %dma_start3A_40 : memref<1x128xi32, #tpu.memory_space<hbm>> -> memref<128xi32, #tpu.memory_space<hbm>>
      %dma_start3A_42 = arith.constant 0 : i32
      %dma_start3A_43 = tpu.memref_slice %arg3[%add3A_38, %dma_start3A_42] : memref<2560x128xi32, #tpu.memory_space<hbm>> -> memref<1x128xi32, #tpu.memory_space<hbm>>
      %dma_start3A_44 = tpu.memref_squeeze %dma_start3A_43 : memref<1x128xi32, #tpu.memory_space<hbm>> -> memref<128xi32, #tpu.memory_space<hbm>>
      tpu.enqueue_dma source(%dma_start3A_44 : memref<128xi32, #tpu.memory_space<hbm>>) target(%arg12 : memref<128xi32, #tpu.memory_space<vmem>>) target_semaphore(%arg21 : memref<!tpu.dma_semaphore, #tpu.memory_space<semaphore_mem>>)
      %add3A_45 = arith.constant 2 : i32
      %add3A_46 = arith.addi %mul3A_14, %add3A_45 : i32
      %dma_start3A_47 = arith.constant 0 : i32
      %dma_start3A_48 = tpu.memref_slice %arg2[%add3A_46, %dma_start3A_47] : memref<2560x128xi32, #tpu.memory_space<hbm>> -> memref<1x128xi32, #tpu.memory_space<hbm>>
      %dma_start3A_49 = tpu.memref_squeeze %dma_start3A_48 : memref<1x128xi32, #tpu.memory_space<hbm>> -> memref<128xi32, #tpu.memory_space<hbm>>
      %dma_start3A_50 = arith.constant 0 : i32
      %dma_start3A_51 = tpu.memref_slice %arg2[%add3A_46, %dma_start3A_50] : memref<2560x128xi32, #tpu.memory_space<hbm>> -> memref<1x128xi32, #tpu.memory_space<hbm>>
      %dma_start3A_52 = tpu.memref_squeeze %dma_start3A_51 : memref<1x128xi32, #tpu.memory_space<hbm>> -> memref<128xi32, #tpu.memory_space<hbm>>
      tpu.enqueue_dma source(%dma_start3A_52 : memref<128xi32, #tpu.memory_space<hbm>>) target(%arg9 : memref<128xi32, #tpu.memory_space<vmem>>) target_semaphore(%arg22 : memref<!tpu.dma_semaphore, #tpu.memory_space<semaphore_mem>>)
      %add3A_53 = arith.constant 2 : i32
      %add3A_54 = arith.addi %mul3A_14, %add3A_53 : i32
      %dma_start3A_55 = arith.constant 0 : i32
      %dma_start3A_56 = tpu.memref_slice %arg3[%add3A_54, %dma_start3A_55] : memref<2560x128xi32, #tpu.memory_space<hbm>> -> memref<1x128xi32, #tpu.memory_space<hbm>>
      %dma_start3A_57 = tpu.memref_squeeze %dma_start3A_56 : memref<1x128xi32, #tpu.memory_space<hbm>> -> memref<128xi32, #tpu.memory_space<hbm>>
      %dma_start3A_58 = arith.constant 0 : i32
      %dma_start3A_59 = tpu.memref_slice %arg3[%add3A_54, %dma_start3A_58] : memref<2560x128xi32, #tpu.memory_space<hbm>> -> memref<1x128xi32, #tpu.memory_space<hbm>>
      %dma_start3A_60 = tpu.memref_squeeze %dma_start3A_59 : memref<1x128xi32, #tpu.memory_space<hbm>> -> memref<128xi32, #tpu.memory_space<hbm>>
      tpu.enqueue_dma source(%dma_start3A_60 : memref<128xi32, #tpu.memory_space<hbm>>) target(%arg13 : memref<128xi32, #tpu.memory_space<vmem>>) target_semaphore(%arg22 : memref<!tpu.dma_semaphore, #tpu.memory_space<semaphore_mem>>)
      %add3A_61 = arith.constant 3 : i32
      %add3A_62 = arith.addi %mul3A_14, %add3A_61 : i32
      %dma_start3A_63 = arith.constant 0 : i32
      %dma_start3A_64 = tpu.memref_slice %arg2[%add3A_62, %dma_start3A_63] : memref<2560x128xi32, #tpu.memory_space<hbm>> -> memref<1x128xi32, #tpu.memory_space<hbm>>
      %dma_start3A_65 = tpu.memref_squeeze %dma_start3A_64 : memref<1x128xi32, #tpu.memory_space<hbm>> -> memref<128xi32, #tpu.memory_space<hbm>>
      %dma_start3A_66 = arith.constant 0 : i32
      %dma_start3A_67 = tpu.memref_slice %arg2[%add3A_62, %dma_start3A_66] : memref<2560x128xi32, #tpu.memory_space<hbm>> -> memref<1x128xi32, #tpu.memory_space<hbm>>
      %dma_start3A_68 = tpu.memref_squeeze %dma_start3A_67 : memref<1x128xi32, #tpu.memory_space<hbm>> -> memref<128xi32, #tpu.memory_space<hbm>>
      tpu.enqueue_dma source(%dma_start3A_68 : memref<128xi32, #tpu.memory_space<hbm>>) target(%arg10 : memref<128xi32, #tpu.memory_space<vmem>>) target_semaphore(%arg23 : memref<!tpu.dma_semaphore, #tpu.memory_space<semaphore_mem>>)
      %add3A_69 = arith.constant 3 : i32
      %add3A_70 = arith.addi %mul3A_14, %add3A_69 : i32
      %dma_start3A_71 = arith.constant 0 : i32
      %dma_start3A_72 = tpu.memref_slice %arg3[%add3A_70, %dma_start3A_71] : memref<2560x128xi32, #tpu.memory_space<hbm>> -> memref<1x128xi32, #tpu.memory_space<hbm>>
      %dma_start3A_73 = tpu.memref_squeeze %dma_start3A_72 : memref<1x128xi32, #tpu.memory_space<hbm>> -> memref<128xi32, #tpu.memory_space<hbm>>
      %dma_start3A_74 = arith.constant 0 : i32
      %dma_start3A_75 = tpu.memref_slice %arg3[%add3A_70, %dma_start3A_74] : memref<2560x128xi32, #tpu.memory_space<hbm>> -> memref<1x128xi32, #tpu.memory_space<hbm>>
      %dma_start3A_76 = tpu.memref_squeeze %dma_start3A_75 : memref<1x128xi32, #tpu.memory_space<hbm>> -> memref<128xi32, #tpu.memory_space<hbm>>
      tpu.enqueue_dma source(%dma_start3A_76 : memref<128xi32, #tpu.memory_space<hbm>>) target(%arg14 : memref<128xi32, #tpu.memory_space<vmem>>) target_semaphore(%arg23 : memref<!tpu.dma_semaphore, #tpu.memory_space<semaphore_mem>>)
      %add3A_77 = arith.constant 0 : i32
      %add3A_78 = arith.addi %mul3A_14, %add3A_77 : i32
      %dma_wait3A = arith.constant 0 : i32
      %dma_wait3A_79 = tpu.memref_slice %arg2[%add3A_78, %dma_wait3A] : memref<2560x128xi32, #tpu.memory_space<hbm>> -> memref<1x128xi32, #tpu.memory_space<hbm>>
      %dma_wait3A_80 = tpu.memref_squeeze %dma_wait3A_79 : memref<1x128xi32, #tpu.memory_space<hbm>> -> memref<128xi32, #tpu.memory_space<hbm>>
      %dma_wait3A_81 = arith.constant 0 : i32
      %dma_wait3A_82 = tpu.memref_slice %arg2[%add3A_78, %dma_wait3A_81] : memref<2560x128xi32, #tpu.memory_space<hbm>> -> memref<1x128xi32, #tpu.memory_space<hbm>>
      %dma_wait3A_83 = tpu.memref_squeeze %dma_wait3A_82 : memref<1x128xi32, #tpu.memory_space<hbm>> -> memref<128xi32, #tpu.memory_space<hbm>>
      tpu.wait_dma2 semaphore(%arg20 : memref<!tpu.dma_semaphore, #tpu.memory_space<semaphore_mem>>) src(%dma_wait3A_83 : memref<128xi32, #tpu.memory_space<hbm>>) dst(%arg7 : memref<128xi32, #tpu.memory_space<vmem>>)
      %add3A_84 = arith.constant 0 : i32
      %add3A_85 = arith.addi %mul3A_14, %add3A_84 : i32
      %dma_wait3A_86 = arith.constant 0 : i32
      %dma_wait3A_87 = tpu.memref_slice %arg3[%add3A_85, %dma_wait3A_86] : memref<2560x128xi32, #tpu.memory_space<hbm>> -> memref<1x128xi32, #tpu.memory_space<hbm>>
      %dma_wait3A_88 = tpu.memref_squeeze %dma_wait3A_87 : memref<1x128xi32, #tpu.memory_space<hbm>> -> memref<128xi32, #tpu.memory_space<hbm>>
      %dma_wait3A_89 = arith.constant 0 : i32
      %dma_wait3A_90 = tpu.memref_slice %arg3[%add3A_85, %dma_wait3A_89] : memref<2560x128xi32, #tpu.memory_space<hbm>> -> memref<1x128xi32, #tpu.memory_space<hbm>>
      %dma_wait3A_91 = tpu.memref_squeeze %dma_wait3A_90 : memref<1x128xi32, #tpu.memory_space<hbm>> -> memref<128xi32, #tpu.memory_space<hbm>>
      tpu.wait_dma2 semaphore(%arg20 : memref<!tpu.dma_semaphore, #tpu.memory_space<semaphore_mem>>) src(%dma_wait3A_91 : memref<128xi32, #tpu.memory_space<hbm>>) dst(%arg11 : memref<128xi32, #tpu.memory_space<vmem>>)
      %dma_start3A_92 = arith.constant 0 : i32
      %dma_start3A_93 = arith.constant 0 : i32
      %dma_start3A_94 = tpu.memref_slice %arg4[%dma_start3A_92, %dma_start3A_93] : memref<10240x128xf32, #tpu.memory_space<hbm>> -> memref<10240x128xf32, #tpu.memory_space<hbm>>
      tpu.enqueue_indirect_dma source(%dma_start3A_94 : memref<10240x128xf32, #tpu.memory_space<hbm>>) target(%arg15 : memref<128x128xf32, #tpu.memory_space<vmem>>) offsets(%arg7 : memref<128xi32, #tpu.memory_space<vmem>>) semaphore(%arg18 : memref<!tpu.dma_semaphore, #tpu.memory_space<semaphore_mem>>)
      %add3A_95 = arith.constant 1 : i32
      %add3A_96 = arith.addi %mul3A_14, %add3A_95 : i32
      %dma_wait3A_97 = arith.constant 0 : i32
      %dma_wait3A_98 = tpu.memref_slice %arg2[%add3A_96, %dma_wait3A_97] : memref<2560x128xi32, #tpu.memory_space<hbm>> -> memref<1x128xi32, #tpu.memory_space<hbm>>
      %dma_wait3A_99 = tpu.memref_squeeze %dma_wait3A_98 : memref<1x128xi32, #tpu.memory_space<hbm>> -> memref<128xi32, #tpu.memory_space<hbm>>
      %dma_wait3A_100 = arith.constant 0 : i32
      %dma_wait3A_101 = tpu.memref_slice %arg2[%add3A_96, %dma_wait3A_100] : memref<2560x128xi32, #tpu.memory_space<hbm>> -> memref<1x128xi32, #tpu.memory_space<hbm>>
      %dma_wait3A_102 = tpu.memref_squeeze %dma_wait3A_101 : memref<1x128xi32, #tpu.memory_space<hbm>> -> memref<128xi32, #tpu.memory_space<hbm>>
      tpu.wait_dma2 semaphore(%arg21 : memref<!tpu.dma_semaphore, #tpu.memory_space<semaphore_mem>>) src(%dma_wait3A_102 : memref<128xi32, #tpu.memory_space<hbm>>) dst(%arg8 : memref<128xi32, #tpu.memory_space<vmem>>)
      %add3A_103 = arith.constant 1 : i32
      %add3A_104 = arith.addi %mul3A_14, %add3A_103 : i32
      %dma_wait3A_105 = arith.constant 0 : i32
      %dma_wait3A_106 = tpu.memref_slice %arg3[%add3A_104, %dma_wait3A_105] : memref<2560x128xi32, #tpu.memory_space<hbm>> -> memref<1x128xi32, #tpu.memory_space<hbm>>
      %dma_wait3A_107 = tpu.memref_squeeze %dma_wait3A_106 : memref<1x128xi32, #tpu.memory_space<hbm>> -> memref<128xi32, #tpu.memory_space<hbm>>
      %dma_wait3A_108 = arith.constant 0 : i32
      %dma_wait3A_109 = tpu.memref_slice %arg3[%add3A_104, %dma_wait3A_108] : memref<2560x128xi32, #tpu.memory_space<hbm>> -> memref<1x128xi32, #tpu.memory_space<hbm>>
      %dma_wait3A_110 = tpu.memref_squeeze %dma_wait3A_109 : memref<1x128xi32, #tpu.memory_space<hbm>> -> memref<128xi32, #tpu.memory_space<hbm>>
      tpu.wait_dma2 semaphore(%arg21 : memref<!tpu.dma_semaphore, #tpu.memory_space<semaphore_mem>>) src(%dma_wait3A_110 : memref<128xi32, #tpu.memory_space<hbm>>) dst(%arg12 : memref<128xi32, #tpu.memory_space<vmem>>)
      %dma_start3A_111 = arith.constant 0 : i32
      %dma_start3A_112 = arith.constant 0 : i32
      %dma_start3A_113 = tpu.memref_slice %arg4[%dma_start3A_111, %dma_start3A_112] : memref<10240x128xf32, #tpu.memory_space<hbm>> -> memref<10240x128xf32, #tpu.memory_space<hbm>>
      tpu.enqueue_indirect_dma source(%dma_start3A_113 : memref<10240x128xf32, #tpu.memory_space<hbm>>) target(%arg16 : memref<128x128xf32, #tpu.memory_space<vmem>>) offsets(%arg8 : memref<128xi32, #tpu.memory_space<vmem>>) semaphore(%arg19 : memref<!tpu.dma_semaphore, #tpu.memory_space<semaphore_mem>>)
      %scan3A = arith.constant 0 : i32
      %scan3A_114 = arith.constant 38 : i32
      %scan3A_115 = arith.addi %scan3A, %scan3A_114 : i32
      %scan3A_116 = arith.constant 1 : i32
      scf.for %scan3A_118 = %scan3A to %scan3A_115 step %scan3A_116  : i32 {
        %mul3A_119 = arith.constant 4 : i32
        %mul3A_120 = arith.muli %scan3A_118, %mul3A_119 : i32
        %add3A_121 = arith.constant 0 : i32
        %add3A_122 = arith.addi %mul3A_120, %add3A_121 : i32
        %dma_wait3A_123 = arith.constant 0 : i32
        %dma_wait3A_124 = arith.constant 0 : i32
        %dma_wait3A_125 = tpu.memref_slice %arg4[%dma_wait3A_123, %dma_wait3A_124] : memref<10240x128xf32, #tpu.memory_space<hbm>> -> memref<10240x128xf32, #tpu.memory_space<hbm>>
        tpu.wait_indirect_dma semaphore(%arg18 : memref<!tpu.dma_semaphore, #tpu.memory_space<semaphore_mem>>) src(%dma_wait3A_125 : memref<10240x128xf32, #tpu.memory_space<hbm>>) dst(%arg15 : memref<128x128xf32, #tpu.memory_space<vmem>>)
        %dma_start3A_126 = arith.constant 0 : i32
        %dma_start3A_127 = arith.constant 0 : i32
        %dma_start3A_128 = tpu.memref_slice %arg17[%dma_start3A_126, %dma_start3A_127] : memref<10240x128xf32, #tpu.memory_space<vmem_shared>> -> memref<10240x128xf32, #tpu.memory_space<vmem_shared>>
        tpu.enqueue_indirect_dma source(%arg15 : memref<128x128xf32, #tpu.memory_space<vmem>>) target(%dma_start3A_128 : memref<10240x128xf32, #tpu.memory_space<vmem_shared>>) offsets(%arg11 : memref<128xi32, #tpu.memory_space<vmem>>) semaphore(%arg24 : memref<!tpu.dma_semaphore, #tpu.memory_space<semaphore_mem>>) {add = true}
        %dma_wait3A_129 = arith.constant 0 : i32
        %dma_wait3A_130 = arith.constant 0 : i32
        %dma_wait3A_131 = tpu.memref_slice %arg17[%dma_wait3A_129, %dma_wait3A_130] : memref<10240x128xf32, #tpu.memory_space<vmem_shared>> -> memref<10240x128xf32, #tpu.memory_space<vmem_shared>>
        tpu.wait_indirect_dma semaphore(%arg24 : memref<!tpu.dma_semaphore, #tpu.memory_space<semaphore_mem>>) src(%arg15 : memref<128x128xf32, #tpu.memory_space<vmem>>) dst(%dma_wait3A_131 : memref<10240x128xf32, #tpu.memory_space<vmem_shared>>)
        %add3A_132 = arith.constant 4 : i32
        %add3A_133 = arith.addi %add3A_122, %add3A_132 : i32
        %lt3A = arith.constant 152 : i32
        %lt3A_134 = arith.cmpi slt, %add3A_133, %lt3A : i32
        %convert_element_type3A_135 = arith.extui %lt3A_134 : i1 to i32
        %cond3A_136 = arith.constant 0 : i32
        %cond3A_137 = arith.cmpi ne, %convert_element_type3A_135, %cond3A_136 : i32
        scf.if %cond3A_137 {
          %add3A_226 = arith.addi %mul3A_14, %add3A_122 : i32
          %add3A_227 = arith.constant 4 : i32
          %add3A_228 = arith.addi %add3A_226, %add3A_227 : i32
          %dma_start3A_229 = arith.constant 0 : i32
          %dma_start3A_230 = tpu.memref_slice %arg2[%add3A_228, %dma_start3A_229] : memref<2560x128xi32, #tpu.memory_space<hbm>> -> memref<1x128xi32, #tpu.memory_space<hbm>>
          %dma_start3A_231 = tpu.memref_squeeze %dma_start3A_230 : memref<1x128xi32, #tpu.memory_space<hbm>> -> memref<128xi32, #tpu.memory_space<hbm>>
          %dma_start3A_232 = arith.constant 0 : i32
          %dma_start3A_233 = tpu.memref_slice %arg2[%add3A_228, %dma_start3A_232] : memref<2560x128xi32, #tpu.memory_space<hbm>> -> memref<1x128xi32, #tpu.memory_space<hbm>>
          %dma_start3A_234 = tpu.memref_squeeze %dma_start3A_233 : memref<1x128xi32, #tpu.memory_space<hbm>> -> memref<128xi32, #tpu.memory_space<hbm>>
          tpu.enqueue_dma source(%dma_start3A_234 : memref<128xi32, #tpu.memory_space<hbm>>) target(%arg7 : memref<128xi32, #tpu.memory_space<vmem>>) target_semaphore(%arg20 : memref<!tpu.dma_semaphore, #tpu.memory_space<semaphore_mem>>)
          %add3A_235 = arith.addi %mul3A_14, %add3A_122 : i32
          %add3A_236 = arith.constant 4 : i32
          %add3A_237 = arith.addi %add3A_235, %add3A_236 : i32
          %dma_start3A_238 = arith.constant 0 : i32
          %dma_start3A_239 = tpu.memref_slice %arg3[%add3A_237, %dma_start3A_238] : memref<2560x128xi32, #tpu.memory_space<hbm>> -> memref<1x128xi32, #tpu.memory_space<hbm>>
          %dma_start3A_240 = tpu.memref_squeeze %dma_start3A_239 : memref<1x128xi32, #tpu.memory_space<hbm>> -> memref<128xi32, #tpu.memory_space<hbm>>
          %dma_start3A_241 = arith.constant 0 : i32
          %dma_start3A_242 = tpu.memref_slice %arg3[%add3A_237, %dma_start3A_241] : memref<2560x128xi32, #tpu.memory_space<hbm>> -> memref<1x128xi32, #tpu.memory_space<hbm>>
          %dma_start3A_243 = tpu.memref_squeeze %dma_start3A_242 : memref<1x128xi32, #tpu.memory_space<hbm>> -> memref<128xi32, #tpu.memory_space<hbm>>
          tpu.enqueue_dma source(%dma_start3A_243 : memref<128xi32, #tpu.memory_space<hbm>>) target(%arg11 : memref<128xi32, #tpu.memory_space<vmem>>) target_semaphore(%arg20 : memref<!tpu.dma_semaphore, #tpu.memory_space<semaphore_mem>>)
        } else {
        }
        %add3A_138 = arith.constant 2 : i32
        %add3A_139 = arith.addi %add3A_122, %add3A_138 : i32
        %lt3A_140 = arith.constant 152 : i32
        %lt3A_141 = arith.cmpi slt, %add3A_139, %lt3A_140 : i32
        %convert_element_type3A_142 = arith.extui %lt3A_141 : i1 to i32
        %cond3A_143 = arith.constant 0 : i32
        %cond3A_144 = arith.cmpi ne, %convert_element_type3A_142, %cond3A_143 : i32
        scf.if %cond3A_144 {
          %add3A_226 = arith.constant 2 : i32
          %add3A_227 = arith.addi %add3A_122, %add3A_226 : i32
          %add3A_228 = arith.addi %mul3A_14, %add3A_227 : i32
          %dma_wait3A_229 = arith.constant 0 : i32
          %dma_wait3A_230 = tpu.memref_slice %arg2[%add3A_228, %dma_wait3A_229] : memref<2560x128xi32, #tpu.memory_space<hbm>> -> memref<1x128xi32, #tpu.memory_space<hbm>>
          %dma_wait3A_231 = tpu.memref_squeeze %dma_wait3A_230 : memref<1x128xi32, #tpu.memory_space<hbm>> -> memref<128xi32, #tpu.memory_space<hbm>>
          %dma_wait3A_232 = arith.constant 0 : i32
          %dma_wait3A_233 = tpu.memref_slice %arg2[%add3A_228, %dma_wait3A_232] : memref<2560x128xi32, #tpu.memory_space<hbm>> -> memref<1x128xi32, #tpu.memory_space<hbm>>
          %dma_wait3A_234 = tpu.memref_squeeze %dma_wait3A_233 : memref<1x128xi32, #tpu.memory_space<hbm>> -> memref<128xi32, #tpu.memory_space<hbm>>
          tpu.wait_dma2 semaphore(%arg22 : memref<!tpu.dma_semaphore, #tpu.memory_space<semaphore_mem>>) src(%dma_wait3A_234 : memref<128xi32, #tpu.memory_space<hbm>>) dst(%arg9 : memref<128xi32, #tpu.memory_space<vmem>>)
          %add3A_235 = arith.addi %mul3A_14, %add3A_227 : i32
          %dma_wait3A_236 = arith.constant 0 : i32
          %dma_wait3A_237 = tpu.memref_slice %arg3[%add3A_235, %dma_wait3A_236] : memref<2560x128xi32, #tpu.memory_space<hbm>> -> memref<1x128xi32, #tpu.memory_space<hbm>>
          %dma_wait3A_238 = tpu.memref_squeeze %dma_wait3A_237 : memref<1x128xi32, #tpu.memory_space<hbm>> -> memref<128xi32, #tpu.memory_space<hbm>>
          %dma_wait3A_239 = arith.constant 0 : i32
          %dma_wait3A_240 = tpu.memref_slice %arg3[%add3A_235, %dma_wait3A_239] : memref<2560x128xi32, #tpu.memory_space<hbm>> -> memref<1x128xi32, #tpu.memory_space<hbm>>
          %dma_wait3A_241 = tpu.memref_squeeze %dma_wait3A_240 : memref<1x128xi32, #tpu.memory_space<hbm>> -> memref<128xi32, #tpu.memory_space<hbm>>
          tpu.wait_dma2 semaphore(%arg22 : memref<!tpu.dma_semaphore, #tpu.memory_space<semaphore_mem>>) src(%dma_wait3A_241 : memref<128xi32, #tpu.memory_space<hbm>>) dst(%arg13 : memref<128xi32, #tpu.memory_space<vmem>>)
          %dma_start3A_242 = arith.constant 0 : i32
          %dma_start3A_243 = arith.constant 0 : i32
          %dma_start3A_244 = tpu.memref_slice %arg4[%dma_start3A_242, %dma_start3A_243] : memref<10240x128xf32, #tpu.memory_space<hbm>> -> memref<10240x128xf32, #tpu.memory_space<hbm>>
          tpu.enqueue_indirect_dma source(%dma_start3A_244 : memref<10240x128xf32, #tpu.memory_space<hbm>>) target(%arg15 : memref<128x128xf32, #tpu.memory_space<vmem>>) offsets(%arg9 : memref<128xi32, #tpu.memory_space<vmem>>) semaphore(%arg18 : memref<!tpu.dma_semaphore, #tpu.memory_space<semaphore_mem>>)
        } else {
        }
        %mul3A_145 = arith.constant 4 : i32
        %mul3A_146 = arith.muli %scan3A_118, %mul3A_145 : i32
        %add3A_147 = arith.constant 1 : i32
        %add3A_148 = arith.addi %mul3A_146, %add3A_147 : i32
        %dma_wait3A_149 = arith.constant 0 : i32
        %dma_wait3A_150 = arith.constant 0 : i32
        %dma_wait3A_151 = tpu.memref_slice %arg4[%dma_wait3A_149, %dma_wait3A_150] : memref<10240x128xf32, #tpu.memory_space<hbm>> -> memref<10240x128xf32, #tpu.memory_space<hbm>>
        tpu.wait_indirect_dma semaphore(%arg19 : memref<!tpu.dma_semaphore, #tpu.memory_space<semaphore_mem>>) src(%dma_wait3A_151 : memref<10240x128xf32, #tpu.memory_space<hbm>>) dst(%arg16 : memref<128x128xf32, #tpu.memory_space<vmem>>)
        %dma_start3A_152 = arith.constant 0 : i32
        %dma_start3A_153 = arith.constant 0 : i32
        %dma_start3A_154 = tpu.memref_slice %arg17[%dma_start3A_152, %dma_start3A_153] : memref<10240x128xf32, #tpu.memory_space<vmem_shared>> -> memref<10240x128xf32, #tpu.memory_space<vmem_shared>>
        tpu.enqueue_indirect_dma source(%arg16 : memref<128x128xf32, #tpu.memory_space<vmem>>) target(%dma_start3A_154 : memref<10240x128xf32, #tpu.memory_space<vmem_shared>>) offsets(%arg12 : memref<128xi32, #tpu.memory_space<vmem>>) semaphore(%arg24 : memref<!tpu.dma_semaphore, #tpu.memory_space<semaphore_mem>>) {add = true}
        %dma_wait3A_155 = arith.constant 0 : i32
        %dma_wait3A_156 = arith.constant 0 : i32
        %dma_wait3A_157 = tpu.memref_slice %arg17[%dma_wait3A_155, %dma_wait3A_156] : memref<10240x128xf32, #tpu.memory_space<vmem_shared>> -> memref<10240x128xf32, #tpu.memory_space<vmem_shared>>
        tpu.wait_indirect_dma semaphore(%arg24 : memref<!tpu.dma_semaphore, #tpu.memory_space<semaphore_mem>>) src(%arg16 : memref<128x128xf32, #tpu.memory_space<vmem>>) dst(%dma_wait3A_157 : memref<10240x128xf32, #tpu.memory_space<vmem_shared>>)
        %add3A_158 = arith.constant 4 : i32
        %add3A_159 = arith.addi %add3A_148, %add3A_158 : i32
        %lt3A_160 = arith.constant 152 : i32
        %lt3A_161 = arith.cmpi slt, %add3A_159, %lt3A_160 : i32
        %convert_element_type3A_162 = arith.extui %lt3A_161 : i1 to i32
        %cond3A_163 = arith.constant 0 : i32
        %cond3A_164 = arith.cmpi ne, %convert_element_type3A_162, %cond3A_163 : i32
        scf.if %cond3A_164 {
          %add3A_226 = arith.addi %mul3A_14, %add3A_148 : i32
          %add3A_227 = arith.constant 4 : i32
          %add3A_228 = arith.addi %add3A_226, %add3A_227 : i32
          %dma_start3A_229 = arith.constant 0 : i32
          %dma_start3A_230 = tpu.memref_slice %arg2[%add3A_228, %dma_start3A_229] : memref<2560x128xi32, #tpu.memory_space<hbm>> -> memref<1x128xi32, #tpu.memory_space<hbm>>
          %dma_start3A_231 = tpu.memref_squeeze %dma_start3A_230 : memref<1x128xi32, #tpu.memory_space<hbm>> -> memref<128xi32, #tpu.memory_space<hbm>>
          %dma_start3A_232 = arith.constant 0 : i32
          %dma_start3A_233 = tpu.memref_slice %arg2[%add3A_228, %dma_start3A_232] : memref<2560x128xi32, #tpu.memory_space<hbm>> -> memref<1x128xi32, #tpu.memory_space<hbm>>
          %dma_start3A_234 = tpu.memref_squeeze %dma_start3A_233 : memref<1x128xi32, #tpu.memory_space<hbm>> -> memref<128xi32, #tpu.memory_space<hbm>>
          tpu.enqueue_dma source(%dma_start3A_234 : memref<128xi32, #tpu.memory_space<hbm>>) target(%arg8 : memref<128xi32, #tpu.memory_space<vmem>>) target_semaphore(%arg21 : memref<!tpu.dma_semaphore, #tpu.memory_space<semaphore_mem>>)
          %add3A_235 = arith.addi %mul3A_14, %add3A_148 : i32
          %add3A_236 = arith.constant 4 : i32
          %add3A_237 = arith.addi %add3A_235, %add3A_236 : i32
          %dma_start3A_238 = arith.constant 0 : i32
          %dma_start3A_239 = tpu.memref_slice %arg3[%add3A_237, %dma_start3A_238] : memref<2560x128xi32, #tpu.memory_space<hbm>> -> memref<1x128xi32, #tpu.memory_space<hbm>>
          %dma_start3A_240 = tpu.memref_squeeze %dma_start3A_239 : memref<1x128xi32, #tpu.memory_space<hbm>> -> memref<128xi32, #tpu.memory_space<hbm>>
          %dma_start3A_241 = arith.constant 0 : i32
          %dma_start3A_242 = tpu.memref_slice %arg3[%add3A_237, %dma_start3A_241] : memref<2560x128xi32, #tpu.memory_space<hbm>> -> memref<1x128xi32, #tpu.memory_space<hbm>>
          %dma_start3A_243 = tpu.memref_squeeze %dma_start3A_242 : memref<1x128xi32, #tpu.memory_space<hbm>> -> memref<128xi32, #tpu.memory_space<hbm>>
          tpu.enqueue_dma source(%dma_start3A_243 : memref<128xi32, #tpu.memory_space<hbm>>) target(%arg12 : memref<128xi32, #tpu.memory_space<vmem>>) target_semaphore(%arg21 : memref<!tpu.dma_semaphore, #tpu.memory_space<semaphore_mem>>)
        } else {
        }
        %add3A_165 = arith.constant 2 : i32
        %add3A_166 = arith.addi %add3A_148, %add3A_165 : i32
        %lt3A_167 = arith.constant 152 : i32
        %lt3A_168 = arith.cmpi slt, %add3A_166, %lt3A_167 : i32
        %convert_element_type3A_169 = arith.extui %lt3A_168 : i1 to i32
        %cond3A_170 = arith.constant 0 : i32
        %cond3A_171 = arith.cmpi ne, %convert_element_type3A_169, %cond3A_170 : i32
        scf.if %cond3A_171 {
          %add3A_226 = arith.constant 2 : i32
          %add3A_227 = arith.addi %add3A_148, %add3A_226 : i32
          %add3A_228 = arith.addi %mul3A_14, %add3A_227 : i32
          %dma_wait3A_229 = arith.constant 0 : i32
          %dma_wait3A_230 = tpu.memref_slice %arg2[%add3A_228, %dma_wait3A_229] : memref<2560x128xi32, #tpu.memory_space<hbm>> -> memref<1x128xi32, #tpu.memory_space<hbm>>
          %dma_wait3A_231 = tpu.memref_squeeze %dma_wait3A_230 : memref<1x128xi32, #tpu.memory_space<hbm>> -> memref<128xi32, #tpu.memory_space<hbm>>
          %dma_wait3A_232 = arith.constant 0 : i32
          %dma_wait3A_233 = tpu.memref_slice %arg2[%add3A_228, %dma_wait3A_232] : memref<2560x128xi32, #tpu.memory_space<hbm>> -> memref<1x128xi32, #tpu.memory_space<hbm>>
          %dma_wait3A_234 = tpu.memref_squeeze %dma_wait3A_233 : memref<1x128xi32, #tpu.memory_space<hbm>> -> memref<128xi32, #tpu.memory_space<hbm>>
          tpu.wait_dma2 semaphore(%arg23 : memref<!tpu.dma_semaphore, #tpu.memory_space<semaphore_mem>>) src(%dma_wait3A_234 : memref<128xi32, #tpu.memory_space<hbm>>) dst(%arg10 : memref<128xi32, #tpu.memory_space<vmem>>)
          %add3A_235 = arith.addi %mul3A_14, %add3A_227 : i32
          %dma_wait3A_236 = arith.constant 0 : i32
          %dma_wait3A_237 = tpu.memref_slice %arg3[%add3A_235, %dma_wait3A_236] : memref<2560x128xi32, #tpu.memory_space<hbm>> -> memref<1x128xi32, #tpu.memory_space<hbm>>
          %dma_wait3A_238 = tpu.memref_squeeze %dma_wait3A_237 : memref<1x128xi32, #tpu.memory_space<hbm>> -> memref<128xi32, #tpu.memory_space<hbm>>
          %dma_wait3A_239 = arith.constant 0 : i32
          %dma_wait3A_240 = tpu.memref_slice %arg3[%add3A_235, %dma_wait3A_239] : memref<2560x128xi32, #tpu.memory_space<hbm>> -> memref<1x128xi32, #tpu.memory_space<hbm>>
          %dma_wait3A_241 = tpu.memref_squeeze %dma_wait3A_240 : memref<1x128xi32, #tpu.memory_space<hbm>> -> memref<128xi32, #tpu.memory_space<hbm>>
          tpu.wait_dma2 semaphore(%arg23 : memref<!tpu.dma_semaphore, #tpu.memory_space<semaphore_mem>>) src(%dma_wait3A_241 : memref<128xi32, #tpu.memory_space<hbm>>) dst(%arg14 : memref<128xi32, #tpu.memory_space<vmem>>)
          %dma_start3A_242 = arith.constant 0 : i32
          %dma_start3A_243 = arith.constant 0 : i32
          %dma_start3A_244 = tpu.memref_slice %arg4[%dma_start3A_242, %dma_start3A_243] : memref<10240x128xf32, #tpu.memory_space<hbm>> -> memref<10240x128xf32, #tpu.memory_space<hbm>>
          tpu.enqueue_indirect_dma source(%dma_start3A_244 : memref<10240x128xf32, #tpu.memory_space<hbm>>) target(%arg16 : memref<128x128xf32, #tpu.memory_space<vmem>>) offsets(%arg10 : memref<128xi32, #tpu.memory_space<vmem>>) semaphore(%arg19 : memref<!tpu.dma_semaphore, #tpu.memory_space<semaphore_mem>>)
        } else {
        }
        %mul3A_172 = arith.constant 4 : i32
        %mul3A_173 = arith.muli %scan3A_118, %mul3A_172 : i32
        %add3A_174 = arith.constant 2 : i32
        %add3A_175 = arith.addi %mul3A_173, %add3A_174 : i32
        %dma_wait3A_176 = arith.constant 0 : i32
        %dma_wait3A_177 = arith.constant 0 : i32
        %dma_wait3A_178 = tpu.memref_slice %arg4[%dma_wait3A_176, %dma_wait3A_177] : memref<10240x128xf32, #tpu.memory_space<hbm>> -> memref<10240x128xf32, #tpu.memory_space<hbm>>
        tpu.wait_indirect_dma semaphore(%arg18 : memref<!tpu.dma_semaphore, #tpu.memory_space<semaphore_mem>>) src(%dma_wait3A_178 : memref<10240x128xf32, #tpu.memory_space<hbm>>) dst(%arg15 : memref<128x128xf32, #tpu.memory_space<vmem>>)
        %dma_start3A_179 = arith.constant 0 : i32
        %dma_start3A_180 = arith.constant 0 : i32
        %dma_start3A_181 = tpu.memref_slice %arg17[%dma_start3A_179, %dma_start3A_180] : memref<10240x128xf32, #tpu.memory_space<vmem_shared>> -> memref<10240x128xf32, #tpu.memory_space<vmem_shared>>
        tpu.enqueue_indirect_dma source(%arg15 : memref<128x128xf32, #tpu.memory_space<vmem>>) target(%dma_start3A_181 : memref<10240x128xf32, #tpu.memory_space<vmem_shared>>) offsets(%arg13 : memref<128xi32, #tpu.memory_space<vmem>>) semaphore(%arg24 : memref<!tpu.dma_semaphore, #tpu.memory_space<semaphore_mem>>) {add = true}
        %dma_wait3A_182 = arith.constant 0 : i32
        %dma_wait3A_183 = arith.constant 0 : i32
        %dma_wait3A_184 = tpu.memref_slice %arg17[%dma_wait3A_182, %dma_wait3A_183] : memref<10240x128xf32, #tpu.memory_space<vmem_shared>> -> memref<10240x128xf32, #tpu.memory_space<vmem_shared>>
        tpu.wait_indirect_dma semaphore(%arg24 : memref<!tpu.dma_semaphore, #tpu.memory_space<semaphore_mem>>) src(%arg15 : memref<128x128xf32, #tpu.memory_space<vmem>>) dst(%dma_wait3A_184 : memref<10240x128xf32, #tpu.memory_space<vmem_shared>>)
        %add3A_185 = arith.constant 4 : i32
        %add3A_186 = arith.addi %add3A_175, %add3A_185 : i32
        %lt3A_187 = arith.constant 152 : i32
        %lt3A_188 = arith.cmpi slt, %add3A_186, %lt3A_187 : i32
        %convert_element_type3A_189 = arith.extui %lt3A_188 : i1 to i32
        %cond3A_190 = arith.constant 0 : i32
        %cond3A_191 = arith.cmpi ne, %convert_element_type3A_189, %cond3A_190 : i32
        scf.if %cond3A_191 {
          %add3A_226 = arith.addi %mul3A_14, %add3A_175 : i32
          %add3A_227 = arith.constant 4 : i32
          %add3A_228 = arith.addi %add3A_226, %add3A_227 : i32
          %dma_start3A_229 = arith.constant 0 : i32
          %dma_start3A_230 = tpu.memref_slice %arg2[%add3A_228, %dma_start3A_229] : memref<2560x128xi32, #tpu.memory_space<hbm>> -> memref<1x128xi32, #tpu.memory_space<hbm>>
          %dma_start3A_231 = tpu.memref_squeeze %dma_start3A_230 : memref<1x128xi32, #tpu.memory_space<hbm>> -> memref<128xi32, #tpu.memory_space<hbm>>
          %dma_start3A_232 = arith.constant 0 : i32
          %dma_start3A_233 = tpu.memref_slice %arg2[%add3A_228, %dma_start3A_232] : memref<2560x128xi32, #tpu.memory_space<hbm>> -> memref<1x128xi32, #tpu.memory_space<hbm>>
          %dma_start3A_234 = tpu.memref_squeeze %dma_start3A_233 : memref<1x128xi32, #tpu.memory_space<hbm>> -> memref<128xi32, #tpu.memory_space<hbm>>
          tpu.enqueue_dma source(%dma_start3A_234 : memref<128xi32, #tpu.memory_space<hbm>>) target(%arg9 : memref<128xi32, #tpu.memory_space<vmem>>) target_semaphore(%arg22 : memref<!tpu.dma_semaphore, #tpu.memory_space<semaphore_mem>>)
          %add3A_235 = arith.addi %mul3A_14, %add3A_175 : i32
          %add3A_236 = arith.constant 4 : i32
          %add3A_237 = arith.addi %add3A_235, %add3A_236 : i32
          %dma_start3A_238 = arith.constant 0 : i32
          %dma_start3A_239 = tpu.memref_slice %arg3[%add3A_237, %dma_start3A_238] : memref<2560x128xi32, #tpu.memory_space<hbm>> -> memref<1x128xi32, #tpu.memory_space<hbm>>
          %dma_start3A_240 = tpu.memref_squeeze %dma_start3A_239 : memref<1x128xi32, #tpu.memory_space<hbm>> -> memref<128xi32, #tpu.memory_space<hbm>>
          %dma_start3A_241 = arith.constant 0 : i32
          %dma_start3A_242 = tpu.memref_slice %arg3[%add3A_237, %dma_start3A_241] : memref<2560x128xi32, #tpu.memory_space<hbm>> -> memref<1x128xi32, #tpu.memory_space<hbm>>
          %dma_start3A_243 = tpu.memref_squeeze %dma_start3A_242 : memref<1x128xi32, #tpu.memory_space<hbm>> -> memref<128xi32, #tpu.memory_space<hbm>>
          tpu.enqueue_dma source(%dma_start3A_243 : memref<128xi32, #tpu.memory_space<hbm>>) target(%arg13 : memref<128xi32, #tpu.memory_space<vmem>>) target_semaphore(%arg22 : memref<!tpu.dma_semaphore, #tpu.memory_space<semaphore_mem>>)
        } else {
        }
        %add3A_192 = arith.constant 2 : i32
        %add3A_193 = arith.addi %add3A_175, %add3A_192 : i32
        %lt3A_194 = arith.constant 152 : i32
        %lt3A_195 = arith.cmpi slt, %add3A_193, %lt3A_194 : i32
        %convert_element_type3A_196 = arith.extui %lt3A_195 : i1 to i32
        %cond3A_197 = arith.constant 0 : i32
        %cond3A_198 = arith.cmpi ne, %convert_element_type3A_196, %cond3A_197 : i32
        scf.if %cond3A_198 {
          %add3A_226 = arith.constant 2 : i32
          %add3A_227 = arith.addi %add3A_175, %add3A_226 : i32
          %add3A_228 = arith.addi %mul3A_14, %add3A_227 : i32
          %dma_wait3A_229 = arith.constant 0 : i32
          %dma_wait3A_230 = tpu.memref_slice %arg2[%add3A_228, %dma_wait3A_229] : memref<2560x128xi32, #tpu.memory_space<hbm>> -> memref<1x128xi32, #tpu.memory_space<hbm>>
          %dma_wait3A_231 = tpu.memref_squeeze %dma_wait3A_230 : memref<1x128xi32, #tpu.memory_space<hbm>> -> memref<128xi32, #tpu.memory_space<hbm>>
          %dma_wait3A_232 = arith.constant 0 : i32
          %dma_wait3A_233 = tpu.memref_slice %arg2[%add3A_228, %dma_wait3A_232] : memref<2560x128xi32, #tpu.memory_space<hbm>> -> memref<1x128xi32, #tpu.memory_space<hbm>>
          %dma_wait3A_234 = tpu.memref_squeeze %dma_wait3A_233 : memref<1x128xi32, #tpu.memory_space<hbm>> -> memref<128xi32, #tpu.memory_space<hbm>>
          tpu.wait_dma2 semaphore(%arg20 : memref<!tpu.dma_semaphore, #tpu.memory_space<semaphore_mem>>) src(%dma_wait3A_234 : memref<128xi32, #tpu.memory_space<hbm>>) dst(%arg7 : memref<128xi32, #tpu.memory_space<vmem>>)
          %add3A_235 = arith.addi %mul3A_14, %add3A_227 : i32
          %dma_wait3A_236 = arith.constant 0 : i32
          %dma_wait3A_237 = tpu.memref_slice %arg3[%add3A_235, %dma_wait3A_236] : memref<2560x128xi32, #tpu.memory_space<hbm>> -> memref<1x128xi32, #tpu.memory_space<hbm>>
          %dma_wait3A_238 = tpu.memref_squeeze %dma_wait3A_237 : memref<1x128xi32, #tpu.memory_space<hbm>> -> memref<128xi32, #tpu.memory_space<hbm>>
          %dma_wait3A_239 = arith.constant 0 : i32
          %dma_wait3A_240 = tpu.memref_slice %arg3[%add3A_235, %dma_wait3A_239] : memref<2560x128xi32, #tpu.memory_space<hbm>> -> memref<1x128xi32, #tpu.memory_space<hbm>>
          %dma_wait3A_241 = tpu.memref_squeeze %dma_wait3A_240 : memref<1x128xi32, #tpu.memory_space<hbm>> -> memref<128xi32, #tpu.memory_space<hbm>>
          tpu.wait_dma2 semaphore(%arg20 : memref<!tpu.dma_semaphore, #tpu.memory_space<semaphore_mem>>) src(%dma_wait3A_241 : memref<128xi32, #tpu.memory_space<hbm>>) dst(%arg11 : memref<128xi32, #tpu.memory_space<vmem>>)
          %dma_start3A_242 = arith.constant 0 : i32
          %dma_start3A_243 = arith.constant 0 : i32
          %dma_start3A_244 = tpu.memref_slice %arg4[%dma_start3A_242, %dma_start3A_243] : memref<10240x128xf32, #tpu.memory_space<hbm>> -> memref<10240x128xf32, #tpu.memory_space<hbm>>
          tpu.enqueue_indirect_dma source(%dma_start3A_244 : memref<10240x128xf32, #tpu.memory_space<hbm>>) target(%arg15 : memref<128x128xf32, #tpu.memory_space<vmem>>) offsets(%arg7 : memref<128xi32, #tpu.memory_space<vmem>>) semaphore(%arg18 : memref<!tpu.dma_semaphore, #tpu.memory_space<semaphore_mem>>)
        } else {
        }
        %mul3A_199 = arith.constant 4 : i32
        %mul3A_200 = arith.muli %scan3A_118, %mul3A_199 : i32
        %add3A_201 = arith.constant 3 : i32
        %add3A_202 = arith.addi %mul3A_200, %add3A_201 : i32
        %dma_wait3A_203 = arith.constant 0 : i32
        %dma_wait3A_204 = arith.constant 0 : i32
        %dma_wait3A_205 = tpu.memref_slice %arg4[%dma_wait3A_203, %dma_wait3A_204] : memref<10240x128xf32, #tpu.memory_space<hbm>> -> memref<10240x128xf32, #tpu.memory_space<hbm>>
        tpu.wait_indirect_dma semaphore(%arg19 : memref<!tpu.dma_semaphore, #tpu.memory_space<semaphore_mem>>) src(%dma_wait3A_205 : memref<10240x128xf32, #tpu.memory_space<hbm>>) dst(%arg16 : memref<128x128xf32, #tpu.memory_space<vmem>>)
        %dma_start3A_206 = arith.constant 0 : i32
        %dma_start3A_207 = arith.constant 0 : i32
        %dma_start3A_208 = tpu.memref_slice %arg17[%dma_start3A_206, %dma_start3A_207] : memref<10240x128xf32, #tpu.memory_space<vmem_shared>> -> memref<10240x128xf32, #tpu.memory_space<vmem_shared>>
        tpu.enqueue_indirect_dma source(%arg16 : memref<128x128xf32, #tpu.memory_space<vmem>>) target(%dma_start3A_208 : memref<10240x128xf32, #tpu.memory_space<vmem_shared>>) offsets(%arg14 : memref<128xi32, #tpu.memory_space<vmem>>) semaphore(%arg24 : memref<!tpu.dma_semaphore, #tpu.memory_space<semaphore_mem>>) {add = true}
        %dma_wait3A_209 = arith.constant 0 : i32
        %dma_wait3A_210 = arith.constant 0 : i32
        %dma_wait3A_211 = tpu.memref_slice %arg17[%dma_wait3A_209, %dma_wait3A_210] : memref<10240x128xf32, #tpu.memory_space<vmem_shared>> -> memref<10240x128xf32, #tpu.memory_space<vmem_shared>>
        tpu.wait_indirect_dma semaphore(%arg24 : memref<!tpu.dma_semaphore, #tpu.memory_space<semaphore_mem>>) src(%arg16 : memref<128x128xf32, #tpu.memory_space<vmem>>) dst(%dma_wait3A_211 : memref<10240x128xf32, #tpu.memory_space<vmem_shared>>)
        %add3A_212 = arith.constant 4 : i32
        %add3A_213 = arith.addi %add3A_202, %add3A_212 : i32
        %lt3A_214 = arith.constant 152 : i32
        %lt3A_215 = arith.cmpi slt, %add3A_213, %lt3A_214 : i32
        %convert_element_type3A_216 = arith.extui %lt3A_215 : i1 to i32
        %cond3A_217 = arith.constant 0 : i32
        %cond3A_218 = arith.cmpi ne, %convert_element_type3A_216, %cond3A_217 : i32
        scf.if %cond3A_218 {
          %add3A_226 = arith.addi %mul3A_14, %add3A_202 : i32
          %add3A_227 = arith.constant 4 : i32
          %add3A_228 = arith.addi %add3A_226, %add3A_227 : i32
          %dma_start3A_229 = arith.constant 0 : i32
          %dma_start3A_230 = tpu.memref_slice %arg2[%add3A_228, %dma_start3A_229] : memref<2560x128xi32, #tpu.memory_space<hbm>> -> memref<1x128xi32, #tpu.memory_space<hbm>>
          %dma_start3A_231 = tpu.memref_squeeze %dma_start3A_230 : memref<1x128xi32, #tpu.memory_space<hbm>> -> memref<128xi32, #tpu.memory_space<hbm>>
          %dma_start3A_232 = arith.constant 0 : i32
          %dma_start3A_233 = tpu.memref_slice %arg2[%add3A_228, %dma_start3A_232] : memref<2560x128xi32, #tpu.memory_space<hbm>> -> memref<1x128xi32, #tpu.memory_space<hbm>>
          %dma_start3A_234 = tpu.memref_squeeze %dma_start3A_233 : memref<1x128xi32, #tpu.memory_space<hbm>> -> memref<128xi32, #tpu.memory_space<hbm>>
          tpu.enqueue_dma source(%dma_start3A_234 : memref<128xi32, #tpu.memory_space<hbm>>) target(%arg10 : memref<128xi32, #tpu.memory_space<vmem>>) target_semaphore(%arg23 : memref<!tpu.dma_semaphore, #tpu.memory_space<semaphore_mem>>)
          %add3A_235 = arith.addi %mul3A_14, %add3A_202 : i32
          %add3A_236 = arith.constant 4 : i32
          %add3A_237 = arith.addi %add3A_235, %add3A_236 : i32
          %dma_start3A_238 = arith.constant 0 : i32
          %dma_start3A_239 = tpu.memref_slice %arg3[%add3A_237, %dma_start3A_238] : memref<2560x128xi32, #tpu.memory_space<hbm>> -> memref<1x128xi32, #tpu.memory_space<hbm>>
          %dma_start3A_240 = tpu.memref_squeeze %dma_start3A_239 : memref<1x128xi32, #tpu.memory_space<hbm>> -> memref<128xi32, #tpu.memory_space<hbm>>
          %dma_start3A_241 = arith.constant 0 : i32
          %dma_start3A_242 = tpu.memref_slice %arg3[%add3A_237, %dma_start3A_241] : memref<2560x128xi32, #tpu.memory_space<hbm>> -> memref<1x128xi32, #tpu.memory_space<hbm>>
          %dma_start3A_243 = tpu.memref_squeeze %dma_start3A_242 : memref<1x128xi32, #tpu.memory_space<hbm>> -> memref<128xi32, #tpu.memory_space<hbm>>
          tpu.enqueue_dma source(%dma_start3A_243 : memref<128xi32, #tpu.memory_space<hbm>>) target(%arg14 : memref<128xi32, #tpu.memory_space<vmem>>) target_semaphore(%arg23 : memref<!tpu.dma_semaphore, #tpu.memory_space<semaphore_mem>>)
        } else {
        }
        %add3A_219 = arith.constant 2 : i32
        %add3A_220 = arith.addi %add3A_202, %add3A_219 : i32
        %lt3A_221 = arith.constant 152 : i32
        %lt3A_222 = arith.cmpi slt, %add3A_220, %lt3A_221 : i32
        %convert_element_type3A_223 = arith.extui %lt3A_222 : i1 to i32
        %cond3A_224 = arith.constant 0 : i32
        %cond3A_225 = arith.cmpi ne, %convert_element_type3A_223, %cond3A_224 : i32
        scf.if %cond3A_225 {
          %add3A_226 = arith.constant 2 : i32
          %add3A_227 = arith.addi %add3A_202, %add3A_226 : i32
          %add3A_228 = arith.addi %mul3A_14, %add3A_227 : i32
          %dma_wait3A_229 = arith.constant 0 : i32
          %dma_wait3A_230 = tpu.memref_slice %arg2[%add3A_228, %dma_wait3A_229] : memref<2560x128xi32, #tpu.memory_space<hbm>> -> memref<1x128xi32, #tpu.memory_space<hbm>>
          %dma_wait3A_231 = tpu.memref_squeeze %dma_wait3A_230 : memref<1x128xi32, #tpu.memory_space<hbm>> -> memref<128xi32, #tpu.memory_space<hbm>>
          %dma_wait3A_232 = arith.constant 0 : i32
          %dma_wait3A_233 = tpu.memref_slice %arg2[%add3A_228, %dma_wait3A_232] : memref<2560x128xi32, #tpu.memory_space<hbm>> -> memref<1x128xi32, #tpu.memory_space<hbm>>
          %dma_wait3A_234 = tpu.memref_squeeze %dma_wait3A_233 : memref<1x128xi32, #tpu.memory_space<hbm>> -> memref<128xi32, #tpu.memory_space<hbm>>
          tpu.wait_dma2 semaphore(%arg21 : memref<!tpu.dma_semaphore, #tpu.memory_space<semaphore_mem>>) src(%dma_wait3A_234 : memref<128xi32, #tpu.memory_space<hbm>>) dst(%arg8 : memref<128xi32, #tpu.memory_space<vmem>>)
          %add3A_235 = arith.addi %mul3A_14, %add3A_227 : i32
          %dma_wait3A_236 = arith.constant 0 : i32
          %dma_wait3A_237 = tpu.memref_slice %arg3[%add3A_235, %dma_wait3A_236] : memref<2560x128xi32, #tpu.memory_space<hbm>> -> memref<1x128xi32, #tpu.memory_space<hbm>>
          %dma_wait3A_238 = tpu.memref_squeeze %dma_wait3A_237 : memref<1x128xi32, #tpu.memory_space<hbm>> -> memref<128xi32, #tpu.memory_space<hbm>>
          %dma_wait3A_239 = arith.constant 0 : i32
          %dma_wait3A_240 = tpu.memref_slice %arg3[%add3A_235, %dma_wait3A_239] : memref<2560x128xi32, #tpu.memory_space<hbm>> -> memref<1x128xi32, #tpu.memory_space<hbm>>
          %dma_wait3A_241 = tpu.memref_squeeze %dma_wait3A_240 : memref<1x128xi32, #tpu.memory_space<hbm>> -> memref<128xi32, #tpu.memory_space<hbm>>
          tpu.wait_dma2 semaphore(%arg21 : memref<!tpu.dma_semaphore, #tpu.memory_space<semaphore_mem>>) src(%dma_wait3A_241 : memref<128xi32, #tpu.memory_space<hbm>>) dst(%arg12 : memref<128xi32, #tpu.memory_space<vmem>>)
          %dma_start3A_242 = arith.constant 0 : i32
          %dma_start3A_243 = arith.constant 0 : i32
          %dma_start3A_244 = tpu.memref_slice %arg4[%dma_start3A_242, %dma_start3A_243] : memref<10240x128xf32, #tpu.memory_space<hbm>> -> memref<10240x128xf32, #tpu.memory_space<hbm>>
          tpu.enqueue_indirect_dma source(%dma_start3A_244 : memref<10240x128xf32, #tpu.memory_space<hbm>>) target(%arg16 : memref<128x128xf32, #tpu.memory_space<vmem>>) offsets(%arg8 : memref<128xi32, #tpu.memory_space<vmem>>) semaphore(%arg19 : memref<!tpu.dma_semaphore, #tpu.memory_space<semaphore_mem>>)
        } else {
        }
      }
      %scan3A_117 = arith.constant 38 : i32
    } else {
    }
    %eq3A_3 = arith.constant 1 : i32
    %eq3A_4 = arith.cmpi eq, %arg0, %eq3A_3 : i32
    %convert_element_type3A_5 = arith.extui %eq3A_4 : i1 to i32
    %cond3A_6 = arith.constant 0 : i32
    %cond3A_7 = arith.cmpi ne, %convert_element_type3A_5, %cond3A_6 : i32
    scf.if %cond3A_7 {
      %mul3A_13 = arith.constant 8 : i32
      %mul3A_14 = arith.muli %arg1, %mul3A_13 : i32
      %add3A = arith.constant 2432 : i32
      %add3A_15 = arith.addi %add3A, %mul3A_14 : i32
      %add3A_16 = arith.constant 0 : i32
      %add3A_17 = arith.addi %add3A_15, %add3A_16 : i32
      %dma_start3A = arith.constant 0 : i32
      %dma_start3A_18 = tpu.memref_slice %arg2[%add3A_17, %dma_start3A] : memref<2560x128xi32, #tpu.memory_space<hbm>> -> memref<1x128xi32, #tpu.memory_space<hbm>>
      %dma_start3A_19 = tpu.memref_squeeze %dma_start3A_18 : memref<1x128xi32, #tpu.memory_space<hbm>> -> memref<128xi32, #tpu.memory_space<hbm>>
      %dma_start3A_20 = arith.constant 0 : i32
      %dma_start3A_21 = tpu.memref_slice %arg2[%add3A_17, %dma_start3A_20] : memref<2560x128xi32, #tpu.memory_space<hbm>> -> memref<1x128xi32, #tpu.memory_space<hbm>>
      %dma_start3A_22 = tpu.memref_squeeze %dma_start3A_21 : memref<1x128xi32, #tpu.memory_space<hbm>> -> memref<128xi32, #tpu.memory_space<hbm>>
      tpu.enqueue_dma source(%dma_start3A_22 : memref<128xi32, #tpu.memory_space<hbm>>) target(%arg7 : memref<128xi32, #tpu.memory_space<vmem>>) target_semaphore(%arg20 : memref<!tpu.dma_semaphore, #tpu.memory_space<semaphore_mem>>)
      %add3A_23 = arith.constant 0 : i32
      %add3A_24 = arith.addi %add3A_15, %add3A_23 : i32
      %dma_start3A_25 = arith.constant 0 : i32
      %dma_start3A_26 = tpu.memref_slice %arg3[%add3A_24, %dma_start3A_25] : memref<2560x128xi32, #tpu.memory_space<hbm>> -> memref<1x128xi32, #tpu.memory_space<hbm>>
      %dma_start3A_27 = tpu.memref_squeeze %dma_start3A_26 : memref<1x128xi32, #tpu.memory_space<hbm>> -> memref<128xi32, #tpu.memory_space<hbm>>
      %dma_start3A_28 = arith.constant 0 : i32
      %dma_start3A_29 = tpu.memref_slice %arg3[%add3A_24, %dma_start3A_28] : memref<2560x128xi32, #tpu.memory_space<hbm>> -> memref<1x128xi32, #tpu.memory_space<hbm>>
      %dma_start3A_30 = tpu.memref_squeeze %dma_start3A_29 : memref<1x128xi32, #tpu.memory_space<hbm>> -> memref<128xi32, #tpu.memory_space<hbm>>
      tpu.enqueue_dma source(%dma_start3A_30 : memref<128xi32, #tpu.memory_space<hbm>>) target(%arg11 : memref<128xi32, #tpu.memory_space<vmem>>) target_semaphore(%arg20 : memref<!tpu.dma_semaphore, #tpu.memory_space<semaphore_mem>>)
      %add3A_31 = arith.constant 1 : i32
      %add3A_32 = arith.addi %add3A_15, %add3A_31 : i32
      %dma_start3A_33 = arith.constant 0 : i32
      %dma_start3A_34 = tpu.memref_slice %arg2[%add3A_32, %dma_start3A_33] : memref<2560x128xi32, #tpu.memory_space<hbm>> -> memref<1x128xi32, #tpu.memory_space<hbm>>
      %dma_start3A_35 = tpu.memref_squeeze %dma_start3A_34 : memref<1x128xi32, #tpu.memory_space<hbm>> -> memref<128xi32, #tpu.memory_space<hbm>>
      %dma_start3A_36 = arith.constant 0 : i32
      %dma_start3A_37 = tpu.memref_slice %arg2[%add3A_32, %dma_start3A_36] : memref<2560x128xi32, #tpu.memory_space<hbm>> -> memref<1x128xi32, #tpu.memory_space<hbm>>
      %dma_start3A_38 = tpu.memref_squeeze %dma_start3A_37 : memref<1x128xi32, #tpu.memory_space<hbm>> -> memref<128xi32, #tpu.memory_space<hbm>>
      tpu.enqueue_dma source(%dma_start3A_38 : memref<128xi32, #tpu.memory_space<hbm>>) target(%arg8 : memref<128xi32, #tpu.memory_space<vmem>>) target_semaphore(%arg21 : memref<!tpu.dma_semaphore, #tpu.memory_space<semaphore_mem>>)
      %add3A_39 = arith.constant 1 : i32
      %add3A_40 = arith.addi %add3A_15, %add3A_39 : i32
      %dma_start3A_41 = arith.constant 0 : i32
      %dma_start3A_42 = tpu.memref_slice %arg3[%add3A_40, %dma_start3A_41] : memref<2560x128xi32, #tpu.memory_space<hbm>> -> memref<1x128xi32, #tpu.memory_space<hbm>>
      %dma_start3A_43 = tpu.memref_squeeze %dma_start3A_42 : memref<1x128xi32, #tpu.memory_space<hbm>> -> memref<128xi32, #tpu.memory_space<hbm>>
      %dma_start3A_44 = arith.constant 0 : i32
      %dma_start3A_45 = tpu.memref_slice %arg3[%add3A_40, %dma_start3A_44] : memref<2560x128xi32, #tpu.memory_space<hbm>> -> memref<1x128xi32, #tpu.memory_space<hbm>>
      %dma_start3A_46 = tpu.memref_squeeze %dma_start3A_45 : memref<1x128xi32, #tpu.memory_space<hbm>> -> memref<128xi32, #tpu.memory_space<hbm>>
      tpu.enqueue_dma source(%dma_start3A_46 : memref<128xi32, #tpu.memory_space<hbm>>) target(%arg12 : memref<128xi32, #tpu.memory_space<vmem>>) target_semaphore(%arg21 : memref<!tpu.dma_semaphore, #tpu.memory_space<semaphore_mem>>)
      %add3A_47 = arith.constant 2 : i32
      %add3A_48 = arith.addi %add3A_15, %add3A_47 : i32
      %dma_start3A_49 = arith.constant 0 : i32
      %dma_start3A_50 = tpu.memref_slice %arg2[%add3A_48, %dma_start3A_49] : memref<2560x128xi32, #tpu.memory_space<hbm>> -> memref<1x128xi32, #tpu.memory_space<hbm>>
      %dma_start3A_51 = tpu.memref_squeeze %dma_start3A_50 : memref<1x128xi32, #tpu.memory_space<hbm>> -> memref<128xi32, #tpu.memory_space<hbm>>
      %dma_start3A_52 = arith.constant 0 : i32
      %dma_start3A_53 = tpu.memref_slice %arg2[%add3A_48, %dma_start3A_52] : memref<2560x128xi32, #tpu.memory_space<hbm>> -> memref<1x128xi32, #tpu.memory_space<hbm>>
      %dma_start3A_54 = tpu.memref_squeeze %dma_start3A_53 : memref<1x128xi32, #tpu.memory_space<hbm>> -> memref<128xi32, #tpu.memory_space<hbm>>
      tpu.enqueue_dma source(%dma_start3A_54 : memref<128xi32, #tpu.memory_space<hbm>>) target(%arg9 : memref<128xi32, #tpu.memory_space<vmem>>) target_semaphore(%arg22 : memref<!tpu.dma_semaphore, #tpu.memory_space<semaphore_mem>>)
      %add3A_55 = arith.constant 2 : i32
      %add3A_56 = arith.addi %add3A_15, %add3A_55 : i32
      %dma_start3A_57 = arith.constant 0 : i32
      %dma_start3A_58 = tpu.memref_slice %arg3[%add3A_56, %dma_start3A_57] : memref<2560x128xi32, #tpu.memory_space<hbm>> -> memref<1x128xi32, #tpu.memory_space<hbm>>
      %dma_start3A_59 = tpu.memref_squeeze %dma_start3A_58 : memref<1x128xi32, #tpu.memory_space<hbm>> -> memref<128xi32, #tpu.memory_space<hbm>>
      %dma_start3A_60 = arith.constant 0 : i32
      %dma_start3A_61 = tpu.memref_slice %arg3[%add3A_56, %dma_start3A_60] : memref<2560x128xi32, #tpu.memory_space<hbm>> -> memref<1x128xi32, #tpu.memory_space<hbm>>
      %dma_start3A_62 = tpu.memref_squeeze %dma_start3A_61 : memref<1x128xi32, #tpu.memory_space<hbm>> -> memref<128xi32, #tpu.memory_space<hbm>>
      tpu.enqueue_dma source(%dma_start3A_62 : memref<128xi32, #tpu.memory_space<hbm>>) target(%arg13 : memref<128xi32, #tpu.memory_space<vmem>>) target_semaphore(%arg22 : memref<!tpu.dma_semaphore, #tpu.memory_space<semaphore_mem>>)
      %add3A_63 = arith.constant 3 : i32
      %add3A_64 = arith.addi %add3A_15, %add3A_63 : i32
      %dma_start3A_65 = arith.constant 0 : i32
      %dma_start3A_66 = tpu.memref_slice %arg2[%add3A_64, %dma_start3A_65] : memref<2560x128xi32, #tpu.memory_space<hbm>> -> memref<1x128xi32, #tpu.memory_space<hbm>>
      %dma_start3A_67 = tpu.memref_squeeze %dma_start3A_66 : memref<1x128xi32, #tpu.memory_space<hbm>> -> memref<128xi32, #tpu.memory_space<hbm>>
      %dma_start3A_68 = arith.constant 0 : i32
      %dma_start3A_69 = tpu.memref_slice %arg2[%add3A_64, %dma_start3A_68] : memref<2560x128xi32, #tpu.memory_space<hbm>> -> memref<1x128xi32, #tpu.memory_space<hbm>>
      %dma_start3A_70 = tpu.memref_squeeze %dma_start3A_69 : memref<1x128xi32, #tpu.memory_space<hbm>> -> memref<128xi32, #tpu.memory_space<hbm>>
      tpu.enqueue_dma source(%dma_start3A_70 : memref<128xi32, #tpu.memory_space<hbm>>) target(%arg10 : memref<128xi32, #tpu.memory_space<vmem>>) target_semaphore(%arg23 : memref<!tpu.dma_semaphore, #tpu.memory_space<semaphore_mem>>)
      %add3A_71 = arith.constant 3 : i32
      %add3A_72 = arith.addi %add3A_15, %add3A_71 : i32
      %dma_start3A_73 = arith.constant 0 : i32
      %dma_start3A_74 = tpu.memref_slice %arg3[%add3A_72, %dma_start3A_73] : memref<2560x128xi32, #tpu.memory_space<hbm>> -> memref<1x128xi32, #tpu.memory_space<hbm>>
      %dma_start3A_75 = tpu.memref_squeeze %dma_start3A_74 : memref<1x128xi32, #tpu.memory_space<hbm>> -> memref<128xi32, #tpu.memory_space<hbm>>
      %dma_start3A_76 = arith.constant 0 : i32
      %dma_start3A_77 = tpu.memref_slice %arg3[%add3A_72, %dma_start3A_76] : memref<2560x128xi32, #tpu.memory_space<hbm>> -> memref<1x128xi32, #tpu.memory_space<hbm>>
      %dma_start3A_78 = tpu.memref_squeeze %dma_start3A_77 : memref<1x128xi32, #tpu.memory_space<hbm>> -> memref<128xi32, #tpu.memory_space<hbm>>
      tpu.enqueue_dma source(%dma_start3A_78 : memref<128xi32, #tpu.memory_space<hbm>>) target(%arg14 : memref<128xi32, #tpu.memory_space<vmem>>) target_semaphore(%arg23 : memref<!tpu.dma_semaphore, #tpu.memory_space<semaphore_mem>>)
      %add3A_79 = arith.constant 0 : i32
      %add3A_80 = arith.addi %add3A_15, %add3A_79 : i32
      %dma_wait3A = arith.constant 0 : i32
      %dma_wait3A_81 = tpu.memref_slice %arg2[%add3A_80, %dma_wait3A] : memref<2560x128xi32, #tpu.memory_space<hbm>> -> memref<1x128xi32, #tpu.memory_space<hbm>>
      %dma_wait3A_82 = tpu.memref_squeeze %dma_wait3A_81 : memref<1x128xi32, #tpu.memory_space<hbm>> -> memref<128xi32, #tpu.memory_space<hbm>>
      %dma_wait3A_83 = arith.constant 0 : i32
      %dma_wait3A_84 = tpu.memref_slice %arg2[%add3A_80, %dma_wait3A_83] : memref<2560x128xi32, #tpu.memory_space<hbm>> -> memref<1x128xi32, #tpu.memory_space<hbm>>
      %dma_wait3A_85 = tpu.memref_squeeze %dma_wait3A_84 : memref<1x128xi32, #tpu.memory_space<hbm>> -> memref<128xi32, #tpu.memory_space<hbm>>
      tpu.wait_dma2 semaphore(%arg20 : memref<!tpu.dma_semaphore, #tpu.memory_space<semaphore_mem>>) src(%dma_wait3A_85 : memref<128xi32, #tpu.memory_space<hbm>>) dst(%arg7 : memref<128xi32, #tpu.memory_space<vmem>>)
      %add3A_86 = arith.constant 0 : i32
      %add3A_87 = arith.addi %add3A_15, %add3A_86 : i32
      %dma_wait3A_88 = arith.constant 0 : i32
      %dma_wait3A_89 = tpu.memref_slice %arg3[%add3A_87, %dma_wait3A_88] : memref<2560x128xi32, #tpu.memory_space<hbm>> -> memref<1x128xi32, #tpu.memory_space<hbm>>
      %dma_wait3A_90 = tpu.memref_squeeze %dma_wait3A_89 : memref<1x128xi32, #tpu.memory_space<hbm>> -> memref<128xi32, #tpu.memory_space<hbm>>
      %dma_wait3A_91 = arith.constant 0 : i32
      %dma_wait3A_92 = tpu.memref_slice %arg3[%add3A_87, %dma_wait3A_91] : memref<2560x128xi32, #tpu.memory_space<hbm>> -> memref<1x128xi32, #tpu.memory_space<hbm>>
      %dma_wait3A_93 = tpu.memref_squeeze %dma_wait3A_92 : memref<1x128xi32, #tpu.memory_space<hbm>> -> memref<128xi32, #tpu.memory_space<hbm>>
      tpu.wait_dma2 semaphore(%arg20 : memref<!tpu.dma_semaphore, #tpu.memory_space<semaphore_mem>>) src(%dma_wait3A_93 : memref<128xi32, #tpu.memory_space<hbm>>) dst(%arg11 : memref<128xi32, #tpu.memory_space<vmem>>)
      %dma_start3A_94 = arith.constant 0 : i32
      %dma_start3A_95 = arith.constant 0 : i32
      %dma_start3A_96 = tpu.memref_slice %arg4[%dma_start3A_94, %dma_start3A_95] : memref<10240x128xf32, #tpu.memory_space<hbm>> -> memref<10240x128xf32, #tpu.memory_space<hbm>>
      tpu.enqueue_indirect_dma source(%dma_start3A_96 : memref<10240x128xf32, #tpu.memory_space<hbm>>) target(%arg15 : memref<128x128xf32, #tpu.memory_space<vmem>>) offsets(%arg7 : memref<128xi32, #tpu.memory_space<vmem>>) semaphore(%arg18 : memref<!tpu.dma_semaphore, #tpu.memory_space<semaphore_mem>>)
      %add3A_97 = arith.constant 1 : i32
      %add3A_98 = arith.addi %add3A_15, %add3A_97 : i32
      %dma_wait3A_99 = arith.constant 0 : i32
      %dma_wait3A_100 = tpu.memref_slice %arg2[%add3A_98, %dma_wait3A_99] : memref<2560x128xi32, #tpu.memory_space<hbm>> -> memref<1x128xi32, #tpu.memory_space<hbm>>
      %dma_wait3A_101 = tpu.memref_squeeze %dma_wait3A_100 : memref<1x128xi32, #tpu.memory_space<hbm>> -> memref<128xi32, #tpu.memory_space<hbm>>
      %dma_wait3A_102 = arith.constant 0 : i32
      %dma_wait3A_103 = tpu.memref_slice %arg2[%add3A_98, %dma_wait3A_102] : memref<2560x128xi32, #tpu.memory_space<hbm>> -> memref<1x128xi32, #tpu.memory_space<hbm>>
      %dma_wait3A_104 = tpu.memref_squeeze %dma_wait3A_103 : memref<1x128xi32, #tpu.memory_space<hbm>> -> memref<128xi32, #tpu.memory_space<hbm>>
      tpu.wait_dma2 semaphore(%arg21 : memref<!tpu.dma_semaphore, #tpu.memory_space<semaphore_mem>>) src(%dma_wait3A_104 : memref<128xi32, #tpu.memory_space<hbm>>) dst(%arg8 : memref<128xi32, #tpu.memory_space<vmem>>)
      %add3A_105 = arith.constant 1 : i32
      %add3A_106 = arith.addi %add3A_15, %add3A_105 : i32
      %dma_wait3A_107 = arith.constant 0 : i32
      %dma_wait3A_108 = tpu.memref_slice %arg3[%add3A_106, %dma_wait3A_107] : memref<2560x128xi32, #tpu.memory_space<hbm>> -> memref<1x128xi32, #tpu.memory_space<hbm>>
      %dma_wait3A_109 = tpu.memref_squeeze %dma_wait3A_108 : memref<1x128xi32, #tpu.memory_space<hbm>> -> memref<128xi32, #tpu.memory_space<hbm>>
      %dma_wait3A_110 = arith.constant 0 : i32
      %dma_wait3A_111 = tpu.memref_slice %arg3[%add3A_106, %dma_wait3A_110] : memref<2560x128xi32, #tpu.memory_space<hbm>> -> memref<1x128xi32, #tpu.memory_space<hbm>>
      %dma_wait3A_112 = tpu.memref_squeeze %dma_wait3A_111 : memref<1x128xi32, #tpu.memory_space<hbm>> -> memref<128xi32, #tpu.memory_space<hbm>>
      tpu.wait_dma2 semaphore(%arg21 : memref<!tpu.dma_semaphore, #tpu.memory_space<semaphore_mem>>) src(%dma_wait3A_112 : memref<128xi32, #tpu.memory_space<hbm>>) dst(%arg12 : memref<128xi32, #tpu.memory_space<vmem>>)
      %dma_start3A_113 = arith.constant 0 : i32
      %dma_start3A_114 = arith.constant 0 : i32
      %dma_start3A_115 = tpu.memref_slice %arg4[%dma_start3A_113, %dma_start3A_114] : memref<10240x128xf32, #tpu.memory_space<hbm>> -> memref<10240x128xf32, #tpu.memory_space<hbm>>
      tpu.enqueue_indirect_dma source(%dma_start3A_115 : memref<10240x128xf32, #tpu.memory_space<hbm>>) target(%arg16 : memref<128x128xf32, #tpu.memory_space<vmem>>) offsets(%arg8 : memref<128xi32, #tpu.memory_space<vmem>>) semaphore(%arg19 : memref<!tpu.dma_semaphore, #tpu.memory_space<semaphore_mem>>)
      %scan3A = arith.constant 0 : i32
      %scan3A_116 = arith.constant 2 : i32
      %scan3A_117 = arith.addi %scan3A, %scan3A_116 : i32
      %scan3A_118 = arith.constant 1 : i32
      scf.for %scan3A_120 = %scan3A to %scan3A_117 step %scan3A_118  : i32 {
        %mul3A_121 = arith.constant 4 : i32
        %mul3A_122 = arith.muli %scan3A_120, %mul3A_121 : i32
        %add3A_123 = arith.constant 0 : i32
        %add3A_124 = arith.addi %mul3A_122, %add3A_123 : i32
        %dma_wait3A_125 = arith.constant 0 : i32
        %dma_wait3A_126 = arith.constant 0 : i32
        %dma_wait3A_127 = tpu.memref_slice %arg4[%dma_wait3A_125, %dma_wait3A_126] : memref<10240x128xf32, #tpu.memory_space<hbm>> -> memref<10240x128xf32, #tpu.memory_space<hbm>>
        tpu.wait_indirect_dma semaphore(%arg18 : memref<!tpu.dma_semaphore, #tpu.memory_space<semaphore_mem>>) src(%dma_wait3A_127 : memref<10240x128xf32, #tpu.memory_space<hbm>>) dst(%arg15 : memref<128x128xf32, #tpu.memory_space<vmem>>)
        %dma_start3A_128 = arith.constant 0 : i32
        %dma_start3A_129 = arith.constant 0 : i32
        %dma_start3A_130 = tpu.memref_slice %arg17[%dma_start3A_128, %dma_start3A_129] : memref<10240x128xf32, #tpu.memory_space<vmem_shared>> -> memref<10240x128xf32, #tpu.memory_space<vmem_shared>>
        tpu.enqueue_indirect_dma source(%arg15 : memref<128x128xf32, #tpu.memory_space<vmem>>) target(%dma_start3A_130 : memref<10240x128xf32, #tpu.memory_space<vmem_shared>>) offsets(%arg11 : memref<128xi32, #tpu.memory_space<vmem>>) semaphore(%arg24 : memref<!tpu.dma_semaphore, #tpu.memory_space<semaphore_mem>>) {add = true}
        %dma_wait3A_131 = arith.constant 0 : i32
        %dma_wait3A_132 = arith.constant 0 : i32
        %dma_wait3A_133 = tpu.memref_slice %arg17[%dma_wait3A_131, %dma_wait3A_132] : memref<10240x128xf32, #tpu.memory_space<vmem_shared>> -> memref<10240x128xf32, #tpu.memory_space<vmem_shared>>
        tpu.wait_indirect_dma semaphore(%arg24 : memref<!tpu.dma_semaphore, #tpu.memory_space<semaphore_mem>>) src(%arg15 : memref<128x128xf32, #tpu.memory_space<vmem>>) dst(%dma_wait3A_133 : memref<10240x128xf32, #tpu.memory_space<vmem_shared>>)
        %add3A_134 = arith.constant 4 : i32
        %add3A_135 = arith.addi %add3A_124, %add3A_134 : i32
        %lt3A = arith.constant 8 : i32
        %lt3A_136 = arith.cmpi slt, %add3A_135, %lt3A : i32
        %convert_element_type3A_137 = arith.extui %lt3A_136 : i1 to i32
        %cond3A_138 = arith.constant 0 : i32
        %cond3A_139 = arith.cmpi ne, %convert_element_type3A_137, %cond3A_138 : i32
        scf.if %cond3A_139 {
          %add3A_228 = arith.addi %add3A_15, %add3A_124 : i32
          %add3A_229 = arith.constant 4 : i32
          %add3A_230 = arith.addi %add3A_228, %add3A_229 : i32
          %dma_start3A_231 = arith.constant 0 : i32
          %dma_start3A_232 = tpu.memref_slice %arg2[%add3A_230, %dma_start3A_231] : memref<2560x128xi32, #tpu.memory_space<hbm>> -> memref<1x128xi32, #tpu.memory_space<hbm>>
          %dma_start3A_233 = tpu.memref_squeeze %dma_start3A_232 : memref<1x128xi32, #tpu.memory_space<hbm>> -> memref<128xi32, #tpu.memory_space<hbm>>
          %dma_start3A_234 = arith.constant 0 : i32
          %dma_start3A_235 = tpu.memref_slice %arg2[%add3A_230, %dma_start3A_234] : memref<2560x128xi32, #tpu.memory_space<hbm>> -> memref<1x128xi32, #tpu.memory_space<hbm>>
          %dma_start3A_236 = tpu.memref_squeeze %dma_start3A_235 : memref<1x128xi32, #tpu.memory_space<hbm>> -> memref<128xi32, #tpu.memory_space<hbm>>
          tpu.enqueue_dma source(%dma_start3A_236 : memref<128xi32, #tpu.memory_space<hbm>>) target(%arg7 : memref<128xi32, #tpu.memory_space<vmem>>) target_semaphore(%arg20 : memref<!tpu.dma_semaphore, #tpu.memory_space<semaphore_mem>>)
          %add3A_237 = arith.addi %add3A_15, %add3A_124 : i32
          %add3A_238 = arith.constant 4 : i32
          %add3A_239 = arith.addi %add3A_237, %add3A_238 : i32
          %dma_start3A_240 = arith.constant 0 : i32
          %dma_start3A_241 = tpu.memref_slice %arg3[%add3A_239, %dma_start3A_240] : memref<2560x128xi32, #tpu.memory_space<hbm>> -> memref<1x128xi32, #tpu.memory_space<hbm>>
          %dma_start3A_242 = tpu.memref_squeeze %dma_start3A_241 : memref<1x128xi32, #tpu.memory_space<hbm>> -> memref<128xi32, #tpu.memory_space<hbm>>
          %dma_start3A_243 = arith.constant 0 : i32
          %dma_start3A_244 = tpu.memref_slice %arg3[%add3A_239, %dma_start3A_243] : memref<2560x128xi32, #tpu.memory_space<hbm>> -> memref<1x128xi32, #tpu.memory_space<hbm>>
          %dma_start3A_245 = tpu.memref_squeeze %dma_start3A_244 : memref<1x128xi32, #tpu.memory_space<hbm>> -> memref<128xi32, #tpu.memory_space<hbm>>
          tpu.enqueue_dma source(%dma_start3A_245 : memref<128xi32, #tpu.memory_space<hbm>>) target(%arg11 : memref<128xi32, #tpu.memory_space<vmem>>) target_semaphore(%arg20 : memref<!tpu.dma_semaphore, #tpu.memory_space<semaphore_mem>>)
        } else {
        }
        %add3A_140 = arith.constant 2 : i32
        %add3A_141 = arith.addi %add3A_124, %add3A_140 : i32
        %lt3A_142 = arith.constant 8 : i32
        %lt3A_143 = arith.cmpi slt, %add3A_141, %lt3A_142 : i32
        %convert_element_type3A_144 = arith.extui %lt3A_143 : i1 to i32
        %cond3A_145 = arith.constant 0 : i32
        %cond3A_146 = arith.cmpi ne, %convert_element_type3A_144, %cond3A_145 : i32
        scf.if %cond3A_146 {
          %add3A_228 = arith.constant 2 : i32
          %add3A_229 = arith.addi %add3A_124, %add3A_228 : i32
          %add3A_230 = arith.addi %add3A_15, %add3A_229 : i32
          %dma_wait3A_231 = arith.constant 0 : i32
          %dma_wait3A_232 = tpu.memref_slice %arg2[%add3A_230, %dma_wait3A_231] : memref<2560x128xi32, #tpu.memory_space<hbm>> -> memref<1x128xi32, #tpu.memory_space<hbm>>
          %dma_wait3A_233 = tpu.memref_squeeze %dma_wait3A_232 : memref<1x128xi32, #tpu.memory_space<hbm>> -> memref<128xi32, #tpu.memory_space<hbm>>
          %dma_wait3A_234 = arith.constant 0 : i32
          %dma_wait3A_235 = tpu.memref_slice %arg2[%add3A_230, %dma_wait3A_234] : memref<2560x128xi32, #tpu.memory_space<hbm>> -> memref<1x128xi32, #tpu.memory_space<hbm>>
          %dma_wait3A_236 = tpu.memref_squeeze %dma_wait3A_235 : memref<1x128xi32, #tpu.memory_space<hbm>> -> memref<128xi32, #tpu.memory_space<hbm>>
          tpu.wait_dma2 semaphore(%arg22 : memref<!tpu.dma_semaphore, #tpu.memory_space<semaphore_mem>>) src(%dma_wait3A_236 : memref<128xi32, #tpu.memory_space<hbm>>) dst(%arg9 : memref<128xi32, #tpu.memory_space<vmem>>)
          %add3A_237 = arith.addi %add3A_15, %add3A_229 : i32
          %dma_wait3A_238 = arith.constant 0 : i32
          %dma_wait3A_239 = tpu.memref_slice %arg3[%add3A_237, %dma_wait3A_238] : memref<2560x128xi32, #tpu.memory_space<hbm>> -> memref<1x128xi32, #tpu.memory_space<hbm>>
          %dma_wait3A_240 = tpu.memref_squeeze %dma_wait3A_239 : memref<1x128xi32, #tpu.memory_space<hbm>> -> memref<128xi32, #tpu.memory_space<hbm>>
          %dma_wait3A_241 = arith.constant 0 : i32
          %dma_wait3A_242 = tpu.memref_slice %arg3[%add3A_237, %dma_wait3A_241] : memref<2560x128xi32, #tpu.memory_space<hbm>> -> memref<1x128xi32, #tpu.memory_space<hbm>>
          %dma_wait3A_243 = tpu.memref_squeeze %dma_wait3A_242 : memref<1x128xi32, #tpu.memory_space<hbm>> -> memref<128xi32, #tpu.memory_space<hbm>>
          tpu.wait_dma2 semaphore(%arg22 : memref<!tpu.dma_semaphore, #tpu.memory_space<semaphore_mem>>) src(%dma_wait3A_243 : memref<128xi32, #tpu.memory_space<hbm>>) dst(%arg13 : memref<128xi32, #tpu.memory_space<vmem>>)
          %dma_start3A_244 = arith.constant 0 : i32
          %dma_start3A_245 = arith.constant 0 : i32
          %dma_start3A_246 = tpu.memref_slice %arg4[%dma_start3A_244, %dma_start3A_245] : memref<10240x128xf32, #tpu.memory_space<hbm>> -> memref<10240x128xf32, #tpu.memory_space<hbm>>
          tpu.enqueue_indirect_dma source(%dma_start3A_246 : memref<10240x128xf32, #tpu.memory_space<hbm>>) target(%arg15 : memref<128x128xf32, #tpu.memory_space<vmem>>) offsets(%arg9 : memref<128xi32, #tpu.memory_space<vmem>>) semaphore(%arg18 : memref<!tpu.dma_semaphore, #tpu.memory_space<semaphore_mem>>)
        } else {
        }
        %mul3A_147 = arith.constant 4 : i32
        %mul3A_148 = arith.muli %scan3A_120, %mul3A_147 : i32
        %add3A_149 = arith.constant 1 : i32
        %add3A_150 = arith.addi %mul3A_148, %add3A_149 : i32
        %dma_wait3A_151 = arith.constant 0 : i32
        %dma_wait3A_152 = arith.constant 0 : i32
        %dma_wait3A_153 = tpu.memref_slice %arg4[%dma_wait3A_151, %dma_wait3A_152] : memref<10240x128xf32, #tpu.memory_space<hbm>> -> memref<10240x128xf32, #tpu.memory_space<hbm>>
        tpu.wait_indirect_dma semaphore(%arg19 : memref<!tpu.dma_semaphore, #tpu.memory_space<semaphore_mem>>) src(%dma_wait3A_153 : memref<10240x128xf32, #tpu.memory_space<hbm>>) dst(%arg16 : memref<128x128xf32, #tpu.memory_space<vmem>>)
        %dma_start3A_154 = arith.constant 0 : i32
        %dma_start3A_155 = arith.constant 0 : i32
        %dma_start3A_156 = tpu.memref_slice %arg17[%dma_start3A_154, %dma_start3A_155] : memref<10240x128xf32, #tpu.memory_space<vmem_shared>> -> memref<10240x128xf32, #tpu.memory_space<vmem_shared>>
        tpu.enqueue_indirect_dma source(%arg16 : memref<128x128xf32, #tpu.memory_space<vmem>>) target(%dma_start3A_156 : memref<10240x128xf32, #tpu.memory_space<vmem_shared>>) offsets(%arg12 : memref<128xi32, #tpu.memory_space<vmem>>) semaphore(%arg24 : memref<!tpu.dma_semaphore, #tpu.memory_space<semaphore_mem>>) {add = true}
        %dma_wait3A_157 = arith.constant 0 : i32
        %dma_wait3A_158 = arith.constant 0 : i32
        %dma_wait3A_159 = tpu.memref_slice %arg17[%dma_wait3A_157, %dma_wait3A_158] : memref<10240x128xf32, #tpu.memory_space<vmem_shared>> -> memref<10240x128xf32, #tpu.memory_space<vmem_shared>>
        tpu.wait_indirect_dma semaphore(%arg24 : memref<!tpu.dma_semaphore, #tpu.memory_space<semaphore_mem>>) src(%arg16 : memref<128x128xf32, #tpu.memory_space<vmem>>) dst(%dma_wait3A_159 : memref<10240x128xf32, #tpu.memory_space<vmem_shared>>)
        %add3A_160 = arith.constant 4 : i32
        %add3A_161 = arith.addi %add3A_150, %add3A_160 : i32
        %lt3A_162 = arith.constant 8 : i32
        %lt3A_163 = arith.cmpi slt, %add3A_161, %lt3A_162 : i32
        %convert_element_type3A_164 = arith.extui %lt3A_163 : i1 to i32
        %cond3A_165 = arith.constant 0 : i32
        %cond3A_166 = arith.cmpi ne, %convert_element_type3A_164, %cond3A_165 : i32
        scf.if %cond3A_166 {
          %add3A_228 = arith.addi %add3A_15, %add3A_150 : i32
          %add3A_229 = arith.constant 4 : i32
          %add3A_230 = arith.addi %add3A_228, %add3A_229 : i32
          %dma_start3A_231 = arith.constant 0 : i32
          %dma_start3A_232 = tpu.memref_slice %arg2[%add3A_230, %dma_start3A_231] : memref<2560x128xi32, #tpu.memory_space<hbm>> -> memref<1x128xi32, #tpu.memory_space<hbm>>
          %dma_start3A_233 = tpu.memref_squeeze %dma_start3A_232 : memref<1x128xi32, #tpu.memory_space<hbm>> -> memref<128xi32, #tpu.memory_space<hbm>>
          %dma_start3A_234 = arith.constant 0 : i32
          %dma_start3A_235 = tpu.memref_slice %arg2[%add3A_230, %dma_start3A_234] : memref<2560x128xi32, #tpu.memory_space<hbm>> -> memref<1x128xi32, #tpu.memory_space<hbm>>
          %dma_start3A_236 = tpu.memref_squeeze %dma_start3A_235 : memref<1x128xi32, #tpu.memory_space<hbm>> -> memref<128xi32, #tpu.memory_space<hbm>>
          tpu.enqueue_dma source(%dma_start3A_236 : memref<128xi32, #tpu.memory_space<hbm>>) target(%arg8 : memref<128xi32, #tpu.memory_space<vmem>>) target_semaphore(%arg21 : memref<!tpu.dma_semaphore, #tpu.memory_space<semaphore_mem>>)
          %add3A_237 = arith.addi %add3A_15, %add3A_150 : i32
          %add3A_238 = arith.constant 4 : i32
          %add3A_239 = arith.addi %add3A_237, %add3A_238 : i32
          %dma_start3A_240 = arith.constant 0 : i32
          %dma_start3A_241 = tpu.memref_slice %arg3[%add3A_239, %dma_start3A_240] : memref<2560x128xi32, #tpu.memory_space<hbm>> -> memref<1x128xi32, #tpu.memory_space<hbm>>
          %dma_start3A_242 = tpu.memref_squeeze %dma_start3A_241 : memref<1x128xi32, #tpu.memory_space<hbm>> -> memref<128xi32, #tpu.memory_space<hbm>>
          %dma_start3A_243 = arith.constant 0 : i32
          %dma_start3A_244 = tpu.memref_slice %arg3[%add3A_239, %dma_start3A_243] : memref<2560x128xi32, #tpu.memory_space<hbm>> -> memref<1x128xi32, #tpu.memory_space<hbm>>
          %dma_start3A_245 = tpu.memref_squeeze %dma_start3A_244 : memref<1x128xi32, #tpu.memory_space<hbm>> -> memref<128xi32, #tpu.memory_space<hbm>>
          tpu.enqueue_dma source(%dma_start3A_245 : memref<128xi32, #tpu.memory_space<hbm>>) target(%arg12 : memref<128xi32, #tpu.memory_space<vmem>>) target_semaphore(%arg21 : memref<!tpu.dma_semaphore, #tpu.memory_space<semaphore_mem>>)
        } else {
        }
        %add3A_167 = arith.constant 2 : i32
        %add3A_168 = arith.addi %add3A_150, %add3A_167 : i32
        %lt3A_169 = arith.constant 8 : i32
        %lt3A_170 = arith.cmpi slt, %add3A_168, %lt3A_169 : i32
        %convert_element_type3A_171 = arith.extui %lt3A_170 : i1 to i32
        %cond3A_172 = arith.constant 0 : i32
        %cond3A_173 = arith.cmpi ne, %convert_element_type3A_171, %cond3A_172 : i32
        scf.if %cond3A_173 {
          %add3A_228 = arith.constant 2 : i32
          %add3A_229 = arith.addi %add3A_150, %add3A_228 : i32
          %add3A_230 = arith.addi %add3A_15, %add3A_229 : i32
          %dma_wait3A_231 = arith.constant 0 : i32
          %dma_wait3A_232 = tpu.memref_slice %arg2[%add3A_230, %dma_wait3A_231] : memref<2560x128xi32, #tpu.memory_space<hbm>> -> memref<1x128xi32, #tpu.memory_space<hbm>>
          %dma_wait3A_233 = tpu.memref_squeeze %dma_wait3A_232 : memref<1x128xi32, #tpu.memory_space<hbm>> -> memref<128xi32, #tpu.memory_space<hbm>>
          %dma_wait3A_234 = arith.constant 0 : i32
          %dma_wait3A_235 = tpu.memref_slice %arg2[%add3A_230, %dma_wait3A_234] : memref<2560x128xi32, #tpu.memory_space<hbm>> -> memref<1x128xi32, #tpu.memory_space<hbm>>
          %dma_wait3A_236 = tpu.memref_squeeze %dma_wait3A_235 : memref<1x128xi32, #tpu.memory_space<hbm>> -> memref<128xi32, #tpu.memory_space<hbm>>
          tpu.wait_dma2 semaphore(%arg23 : memref<!tpu.dma_semaphore, #tpu.memory_space<semaphore_mem>>) src(%dma_wait3A_236 : memref<128xi32, #tpu.memory_space<hbm>>) dst(%arg10 : memref<128xi32, #tpu.memory_space<vmem>>)
          %add3A_237 = arith.addi %add3A_15, %add3A_229 : i32
          %dma_wait3A_238 = arith.constant 0 : i32
          %dma_wait3A_239 = tpu.memref_slice %arg3[%add3A_237, %dma_wait3A_238] : memref<2560x128xi32, #tpu.memory_space<hbm>> -> memref<1x128xi32, #tpu.memory_space<hbm>>
          %dma_wait3A_240 = tpu.memref_squeeze %dma_wait3A_239 : memref<1x128xi32, #tpu.memory_space<hbm>> -> memref<128xi32, #tpu.memory_space<hbm>>
          %dma_wait3A_241 = arith.constant 0 : i32
          %dma_wait3A_242 = tpu.memref_slice %arg3[%add3A_237, %dma_wait3A_241] : memref<2560x128xi32, #tpu.memory_space<hbm>> -> memref<1x128xi32, #tpu.memory_space<hbm>>
          %dma_wait3A_243 = tpu.memref_squeeze %dma_wait3A_242 : memref<1x128xi32, #tpu.memory_space<hbm>> -> memref<128xi32, #tpu.memory_space<hbm>>
          tpu.wait_dma2 semaphore(%arg23 : memref<!tpu.dma_semaphore, #tpu.memory_space<semaphore_mem>>) src(%dma_wait3A_243 : memref<128xi32, #tpu.memory_space<hbm>>) dst(%arg14 : memref<128xi32, #tpu.memory_space<vmem>>)
          %dma_start3A_244 = arith.constant 0 : i32
          %dma_start3A_245 = arith.constant 0 : i32
          %dma_start3A_246 = tpu.memref_slice %arg4[%dma_start3A_244, %dma_start3A_245] : memref<10240x128xf32, #tpu.memory_space<hbm>> -> memref<10240x128xf32, #tpu.memory_space<hbm>>
          tpu.enqueue_indirect_dma source(%dma_start3A_246 : memref<10240x128xf32, #tpu.memory_space<hbm>>) target(%arg16 : memref<128x128xf32, #tpu.memory_space<vmem>>) offsets(%arg10 : memref<128xi32, #tpu.memory_space<vmem>>) semaphore(%arg19 : memref<!tpu.dma_semaphore, #tpu.memory_space<semaphore_mem>>)
        } else {
        }
        %mul3A_174 = arith.constant 4 : i32
        %mul3A_175 = arith.muli %scan3A_120, %mul3A_174 : i32
        %add3A_176 = arith.constant 2 : i32
        %add3A_177 = arith.addi %mul3A_175, %add3A_176 : i32
        %dma_wait3A_178 = arith.constant 0 : i32
        %dma_wait3A_179 = arith.constant 0 : i32
        %dma_wait3A_180 = tpu.memref_slice %arg4[%dma_wait3A_178, %dma_wait3A_179] : memref<10240x128xf32, #tpu.memory_space<hbm>> -> memref<10240x128xf32, #tpu.memory_space<hbm>>
        tpu.wait_indirect_dma semaphore(%arg18 : memref<!tpu.dma_semaphore, #tpu.memory_space<semaphore_mem>>) src(%dma_wait3A_180 : memref<10240x128xf32, #tpu.memory_space<hbm>>) dst(%arg15 : memref<128x128xf32, #tpu.memory_space<vmem>>)
        %dma_start3A_181 = arith.constant 0 : i32
        %dma_start3A_182 = arith.constant 0 : i32
        %dma_start3A_183 = tpu.memref_slice %arg17[%dma_start3A_181, %dma_start3A_182] : memref<10240x128xf32, #tpu.memory_space<vmem_shared>> -> memref<10240x128xf32, #tpu.memory_space<vmem_shared>>
        tpu.enqueue_indirect_dma source(%arg15 : memref<128x128xf32, #tpu.memory_space<vmem>>) target(%dma_start3A_183 : memref<10240x128xf32, #tpu.memory_space<vmem_shared>>) offsets(%arg13 : memref<128xi32, #tpu.memory_space<vmem>>) semaphore(%arg24 : memref<!tpu.dma_semaphore, #tpu.memory_space<semaphore_mem>>) {add = true}
        %dma_wait3A_184 = arith.constant 0 : i32
        %dma_wait3A_185 = arith.constant 0 : i32
        %dma_wait3A_186 = tpu.memref_slice %arg17[%dma_wait3A_184, %dma_wait3A_185] : memref<10240x128xf32, #tpu.memory_space<vmem_shared>> -> memref<10240x128xf32, #tpu.memory_space<vmem_shared>>
        tpu.wait_indirect_dma semaphore(%arg24 : memref<!tpu.dma_semaphore, #tpu.memory_space<semaphore_mem>>) src(%arg15 : memref<128x128xf32, #tpu.memory_space<vmem>>) dst(%dma_wait3A_186 : memref<10240x128xf32, #tpu.memory_space<vmem_shared>>)
        %add3A_187 = arith.constant 4 : i32
        %add3A_188 = arith.addi %add3A_177, %add3A_187 : i32
        %lt3A_189 = arith.constant 8 : i32
        %lt3A_190 = arith.cmpi slt, %add3A_188, %lt3A_189 : i32
        %convert_element_type3A_191 = arith.extui %lt3A_190 : i1 to i32
        %cond3A_192 = arith.constant 0 : i32
        %cond3A_193 = arith.cmpi ne, %convert_element_type3A_191, %cond3A_192 : i32
        scf.if %cond3A_193 {
          %add3A_228 = arith.addi %add3A_15, %add3A_177 : i32
          %add3A_229 = arith.constant 4 : i32
          %add3A_230 = arith.addi %add3A_228, %add3A_229 : i32
          %dma_start3A_231 = arith.constant 0 : i32
          %dma_start3A_232 = tpu.memref_slice %arg2[%add3A_230, %dma_start3A_231] : memref<2560x128xi32, #tpu.memory_space<hbm>> -> memref<1x128xi32, #tpu.memory_space<hbm>>
          %dma_start3A_233 = tpu.memref_squeeze %dma_start3A_232 : memref<1x128xi32, #tpu.memory_space<hbm>> -> memref<128xi32, #tpu.memory_space<hbm>>
          %dma_start3A_234 = arith.constant 0 : i32
          %dma_start3A_235 = tpu.memref_slice %arg2[%add3A_230, %dma_start3A_234] : memref<2560x128xi32, #tpu.memory_space<hbm>> -> memref<1x128xi32, #tpu.memory_space<hbm>>
          %dma_start3A_236 = tpu.memref_squeeze %dma_start3A_235 : memref<1x128xi32, #tpu.memory_space<hbm>> -> memref<128xi32, #tpu.memory_space<hbm>>
          tpu.enqueue_dma source(%dma_start3A_236 : memref<128xi32, #tpu.memory_space<hbm>>) target(%arg9 : memref<128xi32, #tpu.memory_space<vmem>>) target_semaphore(%arg22 : memref<!tpu.dma_semaphore, #tpu.memory_space<semaphore_mem>>)
          %add3A_237 = arith.addi %add3A_15, %add3A_177 : i32
          %add3A_238 = arith.constant 4 : i32
          %add3A_239 = arith.addi %add3A_237, %add3A_238 : i32
          %dma_start3A_240 = arith.constant 0 : i32
          %dma_start3A_241 = tpu.memref_slice %arg3[%add3A_239, %dma_start3A_240] : memref<2560x128xi32, #tpu.memory_space<hbm>> -> memref<1x128xi32, #tpu.memory_space<hbm>>
          %dma_start3A_242 = tpu.memref_squeeze %dma_start3A_241 : memref<1x128xi32, #tpu.memory_space<hbm>> -> memref<128xi32, #tpu.memory_space<hbm>>
          %dma_start3A_243 = arith.constant 0 : i32
          %dma_start3A_244 = tpu.memref_slice %arg3[%add3A_239, %dma_start3A_243] : memref<2560x128xi32, #tpu.memory_space<hbm>> -> memref<1x128xi32, #tpu.memory_space<hbm>>
          %dma_start3A_245 = tpu.memref_squeeze %dma_start3A_244 : memref<1x128xi32, #tpu.memory_space<hbm>> -> memref<128xi32, #tpu.memory_space<hbm>>
          tpu.enqueue_dma source(%dma_start3A_245 : memref<128xi32, #tpu.memory_space<hbm>>) target(%arg13 : memref<128xi32, #tpu.memory_space<vmem>>) target_semaphore(%arg22 : memref<!tpu.dma_semaphore, #tpu.memory_space<semaphore_mem>>)
        } else {
        }
        %add3A_194 = arith.constant 2 : i32
        %add3A_195 = arith.addi %add3A_177, %add3A_194 : i32
        %lt3A_196 = arith.constant 8 : i32
        %lt3A_197 = arith.cmpi slt, %add3A_195, %lt3A_196 : i32
        %convert_element_type3A_198 = arith.extui %lt3A_197 : i1 to i32
        %cond3A_199 = arith.constant 0 : i32
        %cond3A_200 = arith.cmpi ne, %convert_element_type3A_198, %cond3A_199 : i32
        scf.if %cond3A_200 {
          %add3A_228 = arith.constant 2 : i32
          %add3A_229 = arith.addi %add3A_177, %add3A_228 : i32
          %add3A_230 = arith.addi %add3A_15, %add3A_229 : i32
          %dma_wait3A_231 = arith.constant 0 : i32
          %dma_wait3A_232 = tpu.memref_slice %arg2[%add3A_230, %dma_wait3A_231] : memref<2560x128xi32, #tpu.memory_space<hbm>> -> memref<1x128xi32, #tpu.memory_space<hbm>>
          %dma_wait3A_233 = tpu.memref_squeeze %dma_wait3A_232 : memref<1x128xi32, #tpu.memory_space<hbm>> -> memref<128xi32, #tpu.memory_space<hbm>>
          %dma_wait3A_234 = arith.constant 0 : i32
          %dma_wait3A_235 = tpu.memref_slice %arg2[%add3A_230, %dma_wait3A_234] : memref<2560x128xi32, #tpu.memory_space<hbm>> -> memref<1x128xi32, #tpu.memory_space<hbm>>
          %dma_wait3A_236 = tpu.memref_squeeze %dma_wait3A_235 : memref<1x128xi32, #tpu.memory_space<hbm>> -> memref<128xi32, #tpu.memory_space<hbm>>
          tpu.wait_dma2 semaphore(%arg20 : memref<!tpu.dma_semaphore, #tpu.memory_space<semaphore_mem>>) src(%dma_wait3A_236 : memref<128xi32, #tpu.memory_space<hbm>>) dst(%arg7 : memref<128xi32, #tpu.memory_space<vmem>>)
          %add3A_237 = arith.addi %add3A_15, %add3A_229 : i32
          %dma_wait3A_238 = arith.constant 0 : i32
          %dma_wait3A_239 = tpu.memref_slice %arg3[%add3A_237, %dma_wait3A_238] : memref<2560x128xi32, #tpu.memory_space<hbm>> -> memref<1x128xi32, #tpu.memory_space<hbm>>
          %dma_wait3A_240 = tpu.memref_squeeze %dma_wait3A_239 : memref<1x128xi32, #tpu.memory_space<hbm>> -> memref<128xi32, #tpu.memory_space<hbm>>
          %dma_wait3A_241 = arith.constant 0 : i32
          %dma_wait3A_242 = tpu.memref_slice %arg3[%add3A_237, %dma_wait3A_241] : memref<2560x128xi32, #tpu.memory_space<hbm>> -> memref<1x128xi32, #tpu.memory_space<hbm>>
          %dma_wait3A_243 = tpu.memref_squeeze %dma_wait3A_242 : memref<1x128xi32, #tpu.memory_space<hbm>> -> memref<128xi32, #tpu.memory_space<hbm>>
          tpu.wait_dma2 semaphore(%arg20 : memref<!tpu.dma_semaphore, #tpu.memory_space<semaphore_mem>>) src(%dma_wait3A_243 : memref<128xi32, #tpu.memory_space<hbm>>) dst(%arg11 : memref<128xi32, #tpu.memory_space<vmem>>)
          %dma_start3A_244 = arith.constant 0 : i32
          %dma_start3A_245 = arith.constant 0 : i32
          %dma_start3A_246 = tpu.memref_slice %arg4[%dma_start3A_244, %dma_start3A_245] : memref<10240x128xf32, #tpu.memory_space<hbm>> -> memref<10240x128xf32, #tpu.memory_space<hbm>>
          tpu.enqueue_indirect_dma source(%dma_start3A_246 : memref<10240x128xf32, #tpu.memory_space<hbm>>) target(%arg15 : memref<128x128xf32, #tpu.memory_space<vmem>>) offsets(%arg7 : memref<128xi32, #tpu.memory_space<vmem>>) semaphore(%arg18 : memref<!tpu.dma_semaphore, #tpu.memory_space<semaphore_mem>>)
        } else {
        }
        %mul3A_201 = arith.constant 4 : i32
        %mul3A_202 = arith.muli %scan3A_120, %mul3A_201 : i32
        %add3A_203 = arith.constant 3 : i32
        %add3A_204 = arith.addi %mul3A_202, %add3A_203 : i32
        %dma_wait3A_205 = arith.constant 0 : i32
        %dma_wait3A_206 = arith.constant 0 : i32
        %dma_wait3A_207 = tpu.memref_slice %arg4[%dma_wait3A_205, %dma_wait3A_206] : memref<10240x128xf32, #tpu.memory_space<hbm>> -> memref<10240x128xf32, #tpu.memory_space<hbm>>
        tpu.wait_indirect_dma semaphore(%arg19 : memref<!tpu.dma_semaphore, #tpu.memory_space<semaphore_mem>>) src(%dma_wait3A_207 : memref<10240x128xf32, #tpu.memory_space<hbm>>) dst(%arg16 : memref<128x128xf32, #tpu.memory_space<vmem>>)
        %dma_start3A_208 = arith.constant 0 : i32
        %dma_start3A_209 = arith.constant 0 : i32
        %dma_start3A_210 = tpu.memref_slice %arg17[%dma_start3A_208, %dma_start3A_209] : memref<10240x128xf32, #tpu.memory_space<vmem_shared>> -> memref<10240x128xf32, #tpu.memory_space<vmem_shared>>
        tpu.enqueue_indirect_dma source(%arg16 : memref<128x128xf32, #tpu.memory_space<vmem>>) target(%dma_start3A_210 : memref<10240x128xf32, #tpu.memory_space<vmem_shared>>) offsets(%arg14 : memref<128xi32, #tpu.memory_space<vmem>>) semaphore(%arg24 : memref<!tpu.dma_semaphore, #tpu.memory_space<semaphore_mem>>) {add = true}
        %dma_wait3A_211 = arith.constant 0 : i32
        %dma_wait3A_212 = arith.constant 0 : i32
        %dma_wait3A_213 = tpu.memref_slice %arg17[%dma_wait3A_211, %dma_wait3A_212] : memref<10240x128xf32, #tpu.memory_space<vmem_shared>> -> memref<10240x128xf32, #tpu.memory_space<vmem_shared>>
        tpu.wait_indirect_dma semaphore(%arg24 : memref<!tpu.dma_semaphore, #tpu.memory_space<semaphore_mem>>) src(%arg16 : memref<128x128xf32, #tpu.memory_space<vmem>>) dst(%dma_wait3A_213 : memref<10240x128xf32, #tpu.memory_space<vmem_shared>>)
        %add3A_214 = arith.constant 4 : i32
        %add3A_215 = arith.addi %add3A_204, %add3A_214 : i32
        %lt3A_216 = arith.constant 8 : i32
        %lt3A_217 = arith.cmpi slt, %add3A_215, %lt3A_216 : i32
        %convert_element_type3A_218 = arith.extui %lt3A_217 : i1 to i32
        %cond3A_219 = arith.constant 0 : i32
        %cond3A_220 = arith.cmpi ne, %convert_element_type3A_218, %cond3A_219 : i32
        scf.if %cond3A_220 {
          %add3A_228 = arith.addi %add3A_15, %add3A_204 : i32
          %add3A_229 = arith.constant 4 : i32
          %add3A_230 = arith.addi %add3A_228, %add3A_229 : i32
          %dma_start3A_231 = arith.constant 0 : i32
          %dma_start3A_232 = tpu.memref_slice %arg2[%add3A_230, %dma_start3A_231] : memref<2560x128xi32, #tpu.memory_space<hbm>> -> memref<1x128xi32, #tpu.memory_space<hbm>>
          %dma_start3A_233 = tpu.memref_squeeze %dma_start3A_232 : memref<1x128xi32, #tpu.memory_space<hbm>> -> memref<128xi32, #tpu.memory_space<hbm>>
          %dma_start3A_234 = arith.constant 0 : i32
          %dma_start3A_235 = tpu.memref_slice %arg2[%add3A_230, %dma_start3A_234] : memref<2560x128xi32, #tpu.memory_space<hbm>> -> memref<1x128xi32, #tpu.memory_space<hbm>>
          %dma_start3A_236 = tpu.memref_squeeze %dma_start3A_235 : memref<1x128xi32, #tpu.memory_space<hbm>> -> memref<128xi32, #tpu.memory_space<hbm>>
          tpu.enqueue_dma source(%dma_start3A_236 : memref<128xi32, #tpu.memory_space<hbm>>) target(%arg10 : memref<128xi32, #tpu.memory_space<vmem>>) target_semaphore(%arg23 : memref<!tpu.dma_semaphore, #tpu.memory_space<semaphore_mem>>)
          %add3A_237 = arith.addi %add3A_15, %add3A_204 : i32
          %add3A_238 = arith.constant 4 : i32
          %add3A_239 = arith.addi %add3A_237, %add3A_238 : i32
          %dma_start3A_240 = arith.constant 0 : i32
          %dma_start3A_241 = tpu.memref_slice %arg3[%add3A_239, %dma_start3A_240] : memref<2560x128xi32, #tpu.memory_space<hbm>> -> memref<1x128xi32, #tpu.memory_space<hbm>>
          %dma_start3A_242 = tpu.memref_squeeze %dma_start3A_241 : memref<1x128xi32, #tpu.memory_space<hbm>> -> memref<128xi32, #tpu.memory_space<hbm>>
          %dma_start3A_243 = arith.constant 0 : i32
          %dma_start3A_244 = tpu.memref_slice %arg3[%add3A_239, %dma_start3A_243] : memref<2560x128xi32, #tpu.memory_space<hbm>> -> memref<1x128xi32, #tpu.memory_space<hbm>>
          %dma_start3A_245 = tpu.memref_squeeze %dma_start3A_244 : memref<1x128xi32, #tpu.memory_space<hbm>> -> memref<128xi32, #tpu.memory_space<hbm>>
          tpu.enqueue_dma source(%dma_start3A_245 : memref<128xi32, #tpu.memory_space<hbm>>) target(%arg14 : memref<128xi32, #tpu.memory_space<vmem>>) target_semaphore(%arg23 : memref<!tpu.dma_semaphore, #tpu.memory_space<semaphore_mem>>)
        } else {
        }
        %add3A_221 = arith.constant 2 : i32
        %add3A_222 = arith.addi %add3A_204, %add3A_221 : i32
        %lt3A_223 = arith.constant 8 : i32
        %lt3A_224 = arith.cmpi slt, %add3A_222, %lt3A_223 : i32
        %convert_element_type3A_225 = arith.extui %lt3A_224 : i1 to i32
        %cond3A_226 = arith.constant 0 : i32
        %cond3A_227 = arith.cmpi ne, %convert_element_type3A_225, %cond3A_226 : i32
        scf.if %cond3A_227 {
          %add3A_228 = arith.constant 2 : i32
          %add3A_229 = arith.addi %add3A_204, %add3A_228 : i32
          %add3A_230 = arith.addi %add3A_15, %add3A_229 : i32
          %dma_wait3A_231 = arith.constant 0 : i32
          %dma_wait3A_232 = tpu.memref_slice %arg2[%add3A_230, %dma_wait3A_231] : memref<2560x128xi32, #tpu.memory_space<hbm>> -> memref<1x128xi32, #tpu.memory_space<hbm>>
          %dma_wait3A_233 = tpu.memref_squeeze %dma_wait3A_232 : memref<1x128xi32, #tpu.memory_space<hbm>> -> memref<128xi32, #tpu.memory_space<hbm>>
          %dma_wait3A_234 = arith.constant 0 : i32
          %dma_wait3A_235 = tpu.memref_slice %arg2[%add3A_230, %dma_wait3A_234] : memref<2560x128xi32, #tpu.memory_space<hbm>> -> memref<1x128xi32, #tpu.memory_space<hbm>>
          %dma_wait3A_236 = tpu.memref_squeeze %dma_wait3A_235 : memref<1x128xi32, #tpu.memory_space<hbm>> -> memref<128xi32, #tpu.memory_space<hbm>>
          tpu.wait_dma2 semaphore(%arg21 : memref<!tpu.dma_semaphore, #tpu.memory_space<semaphore_mem>>) src(%dma_wait3A_236 : memref<128xi32, #tpu.memory_space<hbm>>) dst(%arg8 : memref<128xi32, #tpu.memory_space<vmem>>)
          %add3A_237 = arith.addi %add3A_15, %add3A_229 : i32
          %dma_wait3A_238 = arith.constant 0 : i32
          %dma_wait3A_239 = tpu.memref_slice %arg3[%add3A_237, %dma_wait3A_238] : memref<2560x128xi32, #tpu.memory_space<hbm>> -> memref<1x128xi32, #tpu.memory_space<hbm>>
          %dma_wait3A_240 = tpu.memref_squeeze %dma_wait3A_239 : memref<1x128xi32, #tpu.memory_space<hbm>> -> memref<128xi32, #tpu.memory_space<hbm>>
          %dma_wait3A_241 = arith.constant 0 : i32
          %dma_wait3A_242 = tpu.memref_slice %arg3[%add3A_237, %dma_wait3A_241] : memref<2560x128xi32, #tpu.memory_space<hbm>> -> memref<1x128xi32, #tpu.memory_space<hbm>>
          %dma_wait3A_243 = tpu.memref_squeeze %dma_wait3A_242 : memref<1x128xi32, #tpu.memory_space<hbm>> -> memref<128xi32, #tpu.memory_space<hbm>>
          tpu.wait_dma2 semaphore(%arg21 : memref<!tpu.dma_semaphore, #tpu.memory_space<semaphore_mem>>) src(%dma_wait3A_243 : memref<128xi32, #tpu.memory_space<hbm>>) dst(%arg12 : memref<128xi32, #tpu.memory_space<vmem>>)
          %dma_start3A_244 = arith.constant 0 : i32
          %dma_start3A_245 = arith.constant 0 : i32
          %dma_start3A_246 = tpu.memref_slice %arg4[%dma_start3A_244, %dma_start3A_245] : memref<10240x128xf32, #tpu.memory_space<hbm>> -> memref<10240x128xf32, #tpu.memory_space<hbm>>
          tpu.enqueue_indirect_dma source(%dma_start3A_246 : memref<10240x128xf32, #tpu.memory_space<hbm>>) target(%arg16 : memref<128x128xf32, #tpu.memory_space<vmem>>) offsets(%arg8 : memref<128xi32, #tpu.memory_space<vmem>>) semaphore(%arg19 : memref<!tpu.dma_semaphore, #tpu.memory_space<semaphore_mem>>)
        } else {
        }
      }
      %scan3A_119 = arith.constant 2 : i32
    } else {
    }
    %barrier3A_8 = arith.constant 0 : index
    tpu.barrier barrier_id(%barrier3A_8)
    %mul3A_9 = arith.constant 640 : i32
    %mul3A_10 = arith.muli %arg1, %mul3A_9 : i32
    %mul3A_11 = arith.constant 640 : i32
    %mul3A_12 = arith.muli %arg1, %mul3A_11 : i32
    "tpu.region"() ({
      %run_scoped3A = tpu.sem_alloc : memref<!tpu.dma_semaphore, #tpu.memory_space<semaphore_mem>>
      %dma_start3A = arith.constant 0 : i32
      %dma_start3A_13 = tpu.memref_slice %arg6[%arg0, %mul3A_12, %dma_start3A] : memref<2x10240x128xf32, #tpu.memory_space<hbm>> -> memref<1x640x128xf32, #tpu.memory_space<hbm>>
      %dma_start3A_14 = tpu.memref_squeeze %dma_start3A_13 : memref<1x640x128xf32, #tpu.memory_space<hbm>> -> memref<640x128xf32, #tpu.memory_space<hbm>>
      %dma_start3A_15 = arith.constant 0 : i32
      %dma_start3A_16 = tpu.memref_slice %arg17[%mul3A_10, %dma_start3A_15] : memref<10240x128xf32, #tpu.memory_space<vmem_shared>> -> memref<640x128xf32, #tpu.memory_space<vmem_shared>>
      tpu.enqueue_dma source(%dma_start3A_16 : memref<640x128xf32, #tpu.memory_space<vmem_shared>>) target(%dma_start3A_14 : memref<640x128xf32, #tpu.memory_space<hbm>>) target_semaphore(%run_scoped3A : memref<!tpu.dma_semaphore, #tpu.memory_space<semaphore_mem>>)
      %dma_wait3A = arith.constant 0 : i32
      %dma_wait3A_17 = tpu.memref_slice %arg6[%arg0, %mul3A_12, %dma_wait3A] : memref<2x10240x128xf32, #tpu.memory_space<hbm>> -> memref<1x640x128xf32, #tpu.memory_space<hbm>>
      %dma_wait3A_18 = tpu.memref_squeeze %dma_wait3A_17 : memref<1x640x128xf32, #tpu.memory_space<hbm>> -> memref<640x128xf32, #tpu.memory_space<hbm>>
      %dma_wait3A_19 = arith.constant 0 : i32
      %dma_wait3A_20 = tpu.memref_slice %arg17[%mul3A_10, %dma_wait3A_19] : memref<10240x128xf32, #tpu.memory_space<vmem_shared>> -> memref<640x128xf32, #tpu.memory_space<vmem_shared>>
      tpu.wait_dma2 semaphore(%run_scoped3A : memref<!tpu.dma_semaphore, #tpu.memory_space<semaphore_mem>>) src(%dma_wait3A_20 : memref<640x128xf32, #tpu.memory_space<vmem_shared>>) dst(%dma_wait3A_18 : memref<640x128xf32, #tpu.memory_space<hbm>>)
      tpu.yield
    }) : () -> ()
    return
  }
}

#map = affine_map<(d0, d1) -> (0, 0)>
#map1 = affine_map<(d0, d1) -> (0, 0, 0)>
module attributes {stable_mosaic.version = 14 : i64} {
  func.func @_scatter_sc(%arg0: i32, %arg1: i32, %arg2: memref<2560x128xi32, #tpu.memory_space<hbm>>, %arg3: memref<2560x128xi32, #tpu.memory_space<hbm>>, %arg4: memref<10240x128xf32, #tpu.memory_space<hbm>>, %arg5: memref<640x128xf32, #tpu.memory_space<hbm>>, %arg6: memref<2x10240x128xf32, #tpu.memory_space<hbm>>, %arg7: memref<128xi32, #tpu.memory_space<vmem>>, %arg8: memref<128xi32, #tpu.memory_space<vmem>>, %arg9: memref<128xi32, #tpu.memory_space<vmem>>, %arg10: memref<128xi32, #tpu.memory_space<vmem>>, %arg11: memref<128xi32, #tpu.memory_space<vmem>>, %arg12: memref<128xi32, #tpu.memory_space<vmem>>, %arg13: memref<128xi32, #tpu.memory_space<vmem>>, %arg14: memref<128xi32, #tpu.memory_space<vmem>>, %arg15: memref<128x128xf32, #tpu.memory_space<vmem>>, %arg16: memref<128x128xf32, #tpu.memory_space<vmem>>, %arg17: memref<10240x128xf32, #tpu.memory_space<vmem_shared>>, %arg18: memref<!tpu.dma_semaphore, #tpu.memory_space<semaphore_mem>>, %arg19: memref<!tpu.dma_semaphore, #tpu.memory_space<semaphore_mem>>, %arg20: memref<!tpu.dma_semaphore, #tpu.memory_space<semaphore_mem>>, %arg21: memref<!tpu.dma_semaphore, #tpu.memory_space<semaphore_mem>>, %arg22: memref<!tpu.dma_semaphore, #tpu.memory_space<semaphore_mem>>, %arg23: memref<!tpu.dma_semaphore, #tpu.memory_space<semaphore_mem>>, %arg24: memref<!tpu.dma_semaphore, #tpu.memory_space<semaphore_mem>>) attributes {dimension_semantics = [#tpu.dimension_semantics<core_parallel>, #tpu.dimension_semantics<subcore_parallel>], iteration_bounds = array<i64: 2, 16>, scalar_prefetch = 0 : i64, scratch_operands = 18 : i64, tpu.core_type = #tpu.core_type<sc_vector_subcore>, window_params = [{transform_indices = #map}, {transform_indices = #map}, {transform_indices = #map}, {transform_indices = #map}, {transform_indices = #map1}]} {
    %mul3A = arith.constant 640 : i32
    %mul3A_0 = arith.muli %arg1, %mul3A : i32
    "tpu.region"() ({
      %run_scoped3A = tpu.sem_alloc : memref<!tpu.dma_semaphore, #tpu.memory_space<semaphore_mem>>
      %dma_start3A = arith.constant 0 : i32
      %dma_start3A_13 = tpu.memref_slice %arg17[%mul3A_0, %dma_start3A] : memref<10240x128xf32, #tpu.memory_space<vmem_shared>> -> memref<640x128xf32, #tpu.memory_space<vmem_shared>>
      tpu.enqueue_dma source(%arg5 : memref<640x128xf32, #tpu.memory_space<hbm>>) target(%dma_start3A_13 : memref<640x128xf32, #tpu.memory_space<vmem_shared>>) target_semaphore(%run_scoped3A : memref<!tpu.dma_semaphore, #tpu.memory_space<semaphore_mem>>)
      %dma_wait3A = arith.constant 0 : i32
      %dma_wait3A_14 = tpu.memref_slice %arg17[%mul3A_0, %dma_wait3A] : memref<10240x128xf32, #tpu.memory_space<vmem_shared>> -> memref<640x128xf32, #tpu.memory_space<vmem_shared>>
      tpu.wait_dma2 semaphore(%run_scoped3A : memref<!tpu.dma_semaphore, #tpu.memory_space<semaphore_mem>>) src(%arg5 : memref<640x128xf32, #tpu.memory_space<hbm>>) dst(%dma_wait3A_14 : memref<640x128xf32, #tpu.memory_space<vmem_shared>>)
      tpu.yield
    }) : () -> ()
    %barrier3A = arith.constant 0 : index
    tpu.barrier barrier_id(%barrier3A)
    %eq3A = arith.constant 0 : i32
    %eq3A_1 = arith.cmpi eq, %arg0, %eq3A : i32
    %convert_element_type3A = arith.extui %eq3A_1 : i1 to i32
    %cond3A = arith.constant 0 : i32
    %cond3A_2 = arith.cmpi ne, %convert_element_type3A, %cond3A : i32
    scf.if %cond3A_2 {
      %mul3A_13 = arith.constant 152 : i32
      %mul3A_14 = arith.muli %arg1, %mul3A_13 : i32
      %add3A = arith.constant 0 : i32
      %add3A_15 = arith.addi %mul3A_14, %add3A : i32
      %dma_start3A = arith.constant 0 : i32
      %dma_start3A_16 = tpu.memref_slice %arg2[%add3A_15, %dma_start3A] : memref<2560x128xi32, #tpu.memory_space<hbm>> -> memref<1x128xi32, #tpu.memory_space<hbm>>
      %dma_start3A_17 = tpu.memref_squeeze %dma_start3A_16 : memref<1x128xi32, #tpu.memory_space<hbm>> -> memref<128xi32, #tpu.memory_space<hbm>>
      %dma_start3A_18 = arith.constant 0 : i32
      %dma_start3A_19 = tpu.memref_slice %arg2[%add3A_15, %dma_start3A_18] : memref<2560x128xi32, #tpu.memory_space<hbm>> -> memref<1x128xi32, #tpu.memory_space<hbm>>
      %dma_start3A_20 = tpu.memref_squeeze %dma_start3A_19 : memref<1x128xi32, #tpu.memory_space<hbm>> -> memref<128xi32, #tpu.memory_space<hbm>>
      tpu.enqueue_dma source(%dma_start3A_20 : memref<128xi32, #tpu.memory_space<hbm>>) target(%arg7 : memref<128xi32, #tpu.memory_space<vmem>>) target_semaphore(%arg20 : memref<!tpu.dma_semaphore, #tpu.memory_space<semaphore_mem>>)
      %add3A_21 = arith.constant 0 : i32
      %add3A_22 = arith.addi %mul3A_14, %add3A_21 : i32
      %dma_start3A_23 = arith.constant 0 : i32
      %dma_start3A_24 = tpu.memref_slice %arg3[%add3A_22, %dma_start3A_23] : memref<2560x128xi32, #tpu.memory_space<hbm>> -> memref<1x128xi32, #tpu.memory_space<hbm>>
      %dma_start3A_25 = tpu.memref_squeeze %dma_start3A_24 : memref<1x128xi32, #tpu.memory_space<hbm>> -> memref<128xi32, #tpu.memory_space<hbm>>
      %dma_start3A_26 = arith.constant 0 : i32
      %dma_start3A_27 = tpu.memref_slice %arg3[%add3A_22, %dma_start3A_26] : memref<2560x128xi32, #tpu.memory_space<hbm>> -> memref<1x128xi32, #tpu.memory_space<hbm>>
      %dma_start3A_28 = tpu.memref_squeeze %dma_start3A_27 : memref<1x128xi32, #tpu.memory_space<hbm>> -> memref<128xi32, #tpu.memory_space<hbm>>
      tpu.enqueue_dma source(%dma_start3A_28 : memref<128xi32, #tpu.memory_space<hbm>>) target(%arg11 : memref<128xi32, #tpu.memory_space<vmem>>) target_semaphore(%arg20 : memref<!tpu.dma_semaphore, #tpu.memory_space<semaphore_mem>>)
      %add3A_29 = arith.constant 1 : i32
      %add3A_30 = arith.addi %mul3A_14, %add3A_29 : i32
      %dma_start3A_31 = arith.constant 0 : i32
      %dma_start3A_32 = tpu.memref_slice %arg2[%add3A_30, %dma_start3A_31] : memref<2560x128xi32, #tpu.memory_space<hbm>> -> memref<1x128xi32, #tpu.memory_space<hbm>>
      %dma_start3A_33 = tpu.memref_squeeze %dma_start3A_32 : memref<1x128xi32, #tpu.memory_space<hbm>> -> memref<128xi32, #tpu.memory_space<hbm>>
      %dma_start3A_34 = arith.constant 0 : i32
      %dma_start3A_35 = tpu.memref_slice %arg2[%add3A_30, %dma_start3A_34] : memref<2560x128xi32, #tpu.memory_space<hbm>> -> memref<1x128xi32, #tpu.memory_space<hbm>>
      %dma_start3A_36 = tpu.memref_squeeze %dma_start3A_35 : memref<1x128xi32, #tpu.memory_space<hbm>> -> memref<128xi32, #tpu.memory_space<hbm>>
      tpu.enqueue_dma source(%dma_start3A_36 : memref<128xi32, #tpu.memory_space<hbm>>) target(%arg8 : memref<128xi32, #tpu.memory_space<vmem>>) target_semaphore(%arg21 : memref<!tpu.dma_semaphore, #tpu.memory_space<semaphore_mem>>)
      %add3A_37 = arith.constant 1 : i32
      %add3A_38 = arith.addi %mul3A_14, %add3A_37 : i32
      %dma_start3A_39 = arith.constant 0 : i32
      %dma_start3A_40 = tpu.memref_slice %arg3[%add3A_38, %dma_start3A_39] : memref<2560x128xi32, #tpu.memory_space<hbm>> -> memref<1x128xi32, #tpu.memory_space<hbm>>
      %dma_start3A_41 = tpu.memref_squeeze %dma_start3A_40 : memref<1x128xi32, #tpu.memory_space<hbm>> -> memref<128xi32, #tpu.memory_space<hbm>>
      %dma_start3A_42 = arith.constant 0 : i32
      %dma_start3A_43 = tpu.memref_slice %arg3[%add3A_38, %dma_start3A_42] : memref<2560x128xi32, #tpu.memory_space<hbm>> -> memref<1x128xi32, #tpu.memory_space<hbm>>
      %dma_start3A_44 = tpu.memref_squeeze %dma_start3A_43 : memref<1x128xi32, #tpu.memory_space<hbm>> -> memref<128xi32, #tpu.memory_space<hbm>>
      tpu.enqueue_dma source(%dma_start3A_44 : memref<128xi32, #tpu.memory_space<hbm>>) target(%arg12 : memref<128xi32, #tpu.memory_space<vmem>>) target_semaphore(%arg21 : memref<!tpu.dma_semaphore, #tpu.memory_space<semaphore_mem>>)
      %add3A_45 = arith.constant 2 : i32
      %add3A_46 = arith.addi %mul3A_14, %add3A_45 : i32
      %dma_start3A_47 = arith.constant 0 : i32
      %dma_start3A_48 = tpu.memref_slice %arg2[%add3A_46, %dma_start3A_47] : memref<2560x128xi32, #tpu.memory_space<hbm>> -> memref<1x128xi32, #tpu.memory_space<hbm>>
      %dma_start3A_49 = tpu.memref_squeeze %dma_start3A_48 : memref<1x128xi32, #tpu.memory_space<hbm>> -> memref<128xi32, #tpu.memory_space<hbm>>
      %dma_start3A_50 = arith.constant 0 : i32
      %dma_start3A_51 = tpu.memref_slice %arg2[%add3A_46, %dma_start3A_50] : memref<2560x128xi32, #tpu.memory_space<hbm>> -> memref<1x128xi32, #tpu.memory_space<hbm>>
      %dma_start3A_52 = tpu.memref_squeeze %dma_start3A_51 : memref<1x128xi32, #tpu.memory_space<hbm>> -> memref<128xi32, #tpu.memory_space<hbm>>
      tpu.enqueue_dma source(%dma_start3A_52 : memref<128xi32, #tpu.memory_space<hbm>>) target(%arg9 : memref<128xi32, #tpu.memory_space<vmem>>) target_semaphore(%arg22 : memref<!tpu.dma_semaphore, #tpu.memory_space<semaphore_mem>>)
      %add3A_53 = arith.constant 2 : i32
      %add3A_54 = arith.addi %mul3A_14, %add3A_53 : i32
      %dma_start3A_55 = arith.constant 0 : i32
      %dma_start3A_56 = tpu.memref_slice %arg3[%add3A_54, %dma_start3A_55] : memref<2560x128xi32, #tpu.memory_space<hbm>> -> memref<1x128xi32, #tpu.memory_space<hbm>>
      %dma_start3A_57 = tpu.memref_squeeze %dma_start3A_56 : memref<1x128xi32, #tpu.memory_space<hbm>> -> memref<128xi32, #tpu.memory_space<hbm>>
      %dma_start3A_58 = arith.constant 0 : i32
      %dma_start3A_59 = tpu.memref_slice %arg3[%add3A_54, %dma_start3A_58] : memref<2560x128xi32, #tpu.memory_space<hbm>> -> memref<1x128xi32, #tpu.memory_space<hbm>>
      %dma_start3A_60 = tpu.memref_squeeze %dma_start3A_59 : memref<1x128xi32, #tpu.memory_space<hbm>> -> memref<128xi32, #tpu.memory_space<hbm>>
      tpu.enqueue_dma source(%dma_start3A_60 : memref<128xi32, #tpu.memory_space<hbm>>) target(%arg13 : memref<128xi32, #tpu.memory_space<vmem>>) target_semaphore(%arg22 : memref<!tpu.dma_semaphore, #tpu.memory_space<semaphore_mem>>)
      %add3A_61 = arith.constant 3 : i32
      %add3A_62 = arith.addi %mul3A_14, %add3A_61 : i32
      %dma_start3A_63 = arith.constant 0 : i32
      %dma_start3A_64 = tpu.memref_slice %arg2[%add3A_62, %dma_start3A_63] : memref<2560x128xi32, #tpu.memory_space<hbm>> -> memref<1x128xi32, #tpu.memory_space<hbm>>
      %dma_start3A_65 = tpu.memref_squeeze %dma_start3A_64 : memref<1x128xi32, #tpu.memory_space<hbm>> -> memref<128xi32, #tpu.memory_space<hbm>>
      %dma_start3A_66 = arith.constant 0 : i32
      %dma_start3A_67 = tpu.memref_slice %arg2[%add3A_62, %dma_start3A_66] : memref<2560x128xi32, #tpu.memory_space<hbm>> -> memref<1x128xi32, #tpu.memory_space<hbm>>
      %dma_start3A_68 = tpu.memref_squeeze %dma_start3A_67 : memref<1x128xi32, #tpu.memory_space<hbm>> -> memref<128xi32, #tpu.memory_space<hbm>>
      tpu.enqueue_dma source(%dma_start3A_68 : memref<128xi32, #tpu.memory_space<hbm>>) target(%arg10 : memref<128xi32, #tpu.memory_space<vmem>>) target_semaphore(%arg23 : memref<!tpu.dma_semaphore, #tpu.memory_space<semaphore_mem>>)
      %add3A_69 = arith.constant 3 : i32
      %add3A_70 = arith.addi %mul3A_14, %add3A_69 : i32
      %dma_start3A_71 = arith.constant 0 : i32
      %dma_start3A_72 = tpu.memref_slice %arg3[%add3A_70, %dma_start3A_71] : memref<2560x128xi32, #tpu.memory_space<hbm>> -> memref<1x128xi32, #tpu.memory_space<hbm>>
      %dma_start3A_73 = tpu.memref_squeeze %dma_start3A_72 : memref<1x128xi32, #tpu.memory_space<hbm>> -> memref<128xi32, #tpu.memory_space<hbm>>
      %dma_start3A_74 = arith.constant 0 : i32
      %dma_start3A_75 = tpu.memref_slice %arg3[%add3A_70, %dma_start3A_74] : memref<2560x128xi32, #tpu.memory_space<hbm>> -> memref<1x128xi32, #tpu.memory_space<hbm>>
      %dma_start3A_76 = tpu.memref_squeeze %dma_start3A_75 : memref<1x128xi32, #tpu.memory_space<hbm>> -> memref<128xi32, #tpu.memory_space<hbm>>
      tpu.enqueue_dma source(%dma_start3A_76 : memref<128xi32, #tpu.memory_space<hbm>>) target(%arg14 : memref<128xi32, #tpu.memory_space<vmem>>) target_semaphore(%arg23 : memref<!tpu.dma_semaphore, #tpu.memory_space<semaphore_mem>>)
      %add3A_77 = arith.constant 0 : i32
      %add3A_78 = arith.addi %mul3A_14, %add3A_77 : i32
      %dma_wait3A = arith.constant 0 : i32
      %dma_wait3A_79 = tpu.memref_slice %arg2[%add3A_78, %dma_wait3A] : memref<2560x128xi32, #tpu.memory_space<hbm>> -> memref<1x128xi32, #tpu.memory_space<hbm>>
      %dma_wait3A_80 = tpu.memref_squeeze %dma_wait3A_79 : memref<1x128xi32, #tpu.memory_space<hbm>> -> memref<128xi32, #tpu.memory_space<hbm>>
      %dma_wait3A_81 = arith.constant 0 : i32
      %dma_wait3A_82 = tpu.memref_slice %arg2[%add3A_78, %dma_wait3A_81] : memref<2560x128xi32, #tpu.memory_space<hbm>> -> memref<1x128xi32, #tpu.memory_space<hbm>>
      %dma_wait3A_83 = tpu.memref_squeeze %dma_wait3A_82 : memref<1x128xi32, #tpu.memory_space<hbm>> -> memref<128xi32, #tpu.memory_space<hbm>>
      tpu.wait_dma2 semaphore(%arg20 : memref<!tpu.dma_semaphore, #tpu.memory_space<semaphore_mem>>) src(%dma_wait3A_83 : memref<128xi32, #tpu.memory_space<hbm>>) dst(%arg7 : memref<128xi32, #tpu.memory_space<vmem>>)
      %add3A_84 = arith.constant 0 : i32
      %add3A_85 = arith.addi %mul3A_14, %add3A_84 : i32
      %dma_wait3A_86 = arith.constant 0 : i32
      %dma_wait3A_87 = tpu.memref_slice %arg3[%add3A_85, %dma_wait3A_86] : memref<2560x128xi32, #tpu.memory_space<hbm>> -> memref<1x128xi32, #tpu.memory_space<hbm>>
      %dma_wait3A_88 = tpu.memref_squeeze %dma_wait3A_87 : memref<1x128xi32, #tpu.memory_space<hbm>> -> memref<128xi32, #tpu.memory_space<hbm>>
      %dma_wait3A_89 = arith.constant 0 : i32
      %dma_wait3A_90 = tpu.memref_slice %arg3[%add3A_85, %dma_wait3A_89] : memref<2560x128xi32, #tpu.memory_space<hbm>> -> memref<1x128xi32, #tpu.memory_space<hbm>>
      %dma_wait3A_91 = tpu.memref_squeeze %dma_wait3A_90 : memref<1x128xi32, #tpu.memory_space<hbm>> -> memref<128xi32, #tpu.memory_space<hbm>>
      tpu.wait_dma2 semaphore(%arg20 : memref<!tpu.dma_semaphore, #tpu.memory_space<semaphore_mem>>) src(%dma_wait3A_91 : memref<128xi32, #tpu.memory_space<hbm>>) dst(%arg11 : memref<128xi32, #tpu.memory_space<vmem>>)
      %dma_start3A_92 = arith.constant 0 : i32
      %dma_start3A_93 = arith.constant 0 : i32
      %dma_start3A_94 = tpu.memref_slice %arg4[%dma_start3A_92, %dma_start3A_93] : memref<10240x128xf32, #tpu.memory_space<hbm>> -> memref<10240x128xf32, #tpu.memory_space<hbm>>
      tpu.enqueue_indirect_dma source(%dma_start3A_94 : memref<10240x128xf32, #tpu.memory_space<hbm>>) target(%arg15 : memref<128x128xf32, #tpu.memory_space<vmem>>) offsets(%arg7 : memref<128xi32, #tpu.memory_space<vmem>>) semaphore(%arg18 : memref<!tpu.dma_semaphore, #tpu.memory_space<semaphore_mem>>)
      %add3A_95 = arith.constant 1 : i32
      %add3A_96 = arith.addi %mul3A_14, %add3A_95 : i32
      %dma_wait3A_97 = arith.constant 0 : i32
      %dma_wait3A_98 = tpu.memref_slice %arg2[%add3A_96, %dma_wait3A_97] : memref<2560x128xi32, #tpu.memory_space<hbm>> -> memref<1x128xi32, #tpu.memory_space<hbm>>
      %dma_wait3A_99 = tpu.memref_squeeze %dma_wait3A_98 : memref<1x128xi32, #tpu.memory_space<hbm>> -> memref<128xi32, #tpu.memory_space<hbm>>
      %dma_wait3A_100 = arith.constant 0 : i32
      %dma_wait3A_101 = tpu.memref_slice %arg2[%add3A_96, %dma_wait3A_100] : memref<2560x128xi32, #tpu.memory_space<hbm>> -> memref<1x128xi32, #tpu.memory_space<hbm>>
      %dma_wait3A_102 = tpu.memref_squeeze %dma_wait3A_101 : memref<1x128xi32, #tpu.memory_space<hbm>> -> memref<128xi32, #tpu.memory_space<hbm>>
      tpu.wait_dma2 semaphore(%arg21 : memref<!tpu.dma_semaphore, #tpu.memory_space<semaphore_mem>>) src(%dma_wait3A_102 : memref<128xi32, #tpu.memory_space<hbm>>) dst(%arg8 : memref<128xi32, #tpu.memory_space<vmem>>)
      %add3A_103 = arith.constant 1 : i32
      %add3A_104 = arith.addi %mul3A_14, %add3A_103 : i32
      %dma_wait3A_105 = arith.constant 0 : i32
      %dma_wait3A_106 = tpu.memref_slice %arg3[%add3A_104, %dma_wait3A_105] : memref<2560x128xi32, #tpu.memory_space<hbm>> -> memref<1x128xi32, #tpu.memory_space<hbm>>
      %dma_wait3A_107 = tpu.memref_squeeze %dma_wait3A_106 : memref<1x128xi32, #tpu.memory_space<hbm>> -> memref<128xi32, #tpu.memory_space<hbm>>
      %dma_wait3A_108 = arith.constant 0 : i32
      %dma_wait3A_109 = tpu.memref_slice %arg3[%add3A_104, %dma_wait3A_108] : memref<2560x128xi32, #tpu.memory_space<hbm>> -> memref<1x128xi32, #tpu.memory_space<hbm>>
      %dma_wait3A_110 = tpu.memref_squeeze %dma_wait3A_109 : memref<1x128xi32, #tpu.memory_space<hbm>> -> memref<128xi32, #tpu.memory_space<hbm>>
      tpu.wait_dma2 semaphore(%arg21 : memref<!tpu.dma_semaphore, #tpu.memory_space<semaphore_mem>>) src(%dma_wait3A_110 : memref<128xi32, #tpu.memory_space<hbm>>) dst(%arg12 : memref<128xi32, #tpu.memory_space<vmem>>)
      %dma_start3A_111 = arith.constant 0 : i32
      %dma_start3A_112 = arith.constant 0 : i32
      %dma_start3A_113 = tpu.memref_slice %arg4[%dma_start3A_111, %dma_start3A_112] : memref<10240x128xf32, #tpu.memory_space<hbm>> -> memref<10240x128xf32, #tpu.memory_space<hbm>>
      tpu.enqueue_indirect_dma source(%dma_start3A_113 : memref<10240x128xf32, #tpu.memory_space<hbm>>) target(%arg16 : memref<128x128xf32, #tpu.memory_space<vmem>>) offsets(%arg8 : memref<128xi32, #tpu.memory_space<vmem>>) semaphore(%arg19 : memref<!tpu.dma_semaphore, #tpu.memory_space<semaphore_mem>>)
      %scan3A = arith.constant 0 : i32
      %scan3A_114 = arith.constant 38 : i32
      %scan3A_115 = arith.addi %scan3A, %scan3A_114 : i32
      %scan3A_116 = arith.constant 1 : i32
      scf.for %scan3A_118 = %scan3A to %scan3A_115 step %scan3A_116  : i32 {
        %mul3A_119 = arith.constant 4 : i32
        %mul3A_120 = arith.muli %scan3A_118, %mul3A_119 : i32
        %add3A_121 = arith.constant 0 : i32
        %add3A_122 = arith.addi %mul3A_120, %add3A_121 : i32
        %dma_wait3A_123 = arith.constant 0 : i32
        %dma_wait3A_124 = arith.constant 0 : i32
        %dma_wait3A_125 = tpu.memref_slice %arg4[%dma_wait3A_123, %dma_wait3A_124] : memref<10240x128xf32, #tpu.memory_space<hbm>> -> memref<10240x128xf32, #tpu.memory_space<hbm>>
        tpu.wait_indirect_dma semaphore(%arg18 : memref<!tpu.dma_semaphore, #tpu.memory_space<semaphore_mem>>) src(%dma_wait3A_125 : memref<10240x128xf32, #tpu.memory_space<hbm>>) dst(%arg15 : memref<128x128xf32, #tpu.memory_space<vmem>>)
        %dma_start3A_126 = arith.constant 0 : i32
        %dma_start3A_127 = arith.constant 0 : i32
        %dma_start3A_128 = tpu.memref_slice %arg17[%dma_start3A_126, %dma_start3A_127] : memref<10240x128xf32, #tpu.memory_space<vmem_shared>> -> memref<10240x128xf32, #tpu.memory_space<vmem_shared>>
        tpu.enqueue_indirect_dma source(%arg15 : memref<128x128xf32, #tpu.memory_space<vmem>>) target(%dma_start3A_128 : memref<10240x128xf32, #tpu.memory_space<vmem_shared>>) offsets(%arg11 : memref<128xi32, #tpu.memory_space<vmem>>) semaphore(%arg24 : memref<!tpu.dma_semaphore, #tpu.memory_space<semaphore_mem>>) {add = true}
        %dma_wait3A_129 = arith.constant 0 : i32
        %dma_wait3A_130 = arith.constant 0 : i32
        %dma_wait3A_131 = tpu.memref_slice %arg17[%dma_wait3A_129, %dma_wait3A_130] : memref<10240x128xf32, #tpu.memory_space<vmem_shared>> -> memref<10240x128xf32, #tpu.memory_space<vmem_shared>>
        tpu.wait_indirect_dma semaphore(%arg24 : memref<!tpu.dma_semaphore, #tpu.memory_space<semaphore_mem>>) src(%arg15 : memref<128x128xf32, #tpu.memory_space<vmem>>) dst(%dma_wait3A_131 : memref<10240x128xf32, #tpu.memory_space<vmem_shared>>)
        %add3A_132 = arith.constant 4 : i32
        %add3A_133 = arith.addi %add3A_122, %add3A_132 : i32
        %lt3A = arith.constant 152 : i32
        %lt3A_134 = arith.cmpi slt, %add3A_133, %lt3A : i32
        %convert_element_type3A_135 = arith.extui %lt3A_134 : i1 to i32
        %cond3A_136 = arith.constant 0 : i32
        %cond3A_137 = arith.cmpi ne, %convert_element_type3A_135, %cond3A_136 : i32
        scf.if %cond3A_137 {
          %add3A_226 = arith.addi %mul3A_14, %add3A_122 : i32
          %add3A_227 = arith.constant 4 : i32
          %add3A_228 = arith.addi %add3A_226, %add3A_227 : i32
          %dma_start3A_229 = arith.constant 0 : i32
          %dma_start3A_230 = tpu.memref_slice %arg2[%add3A_228, %dma_start3A_229] : memref<2560x128xi32, #tpu.memory_space<hbm>> -> memref<1x128xi32, #tpu.memory_space<hbm>>
          %dma_start3A_231 = tpu.memref_squeeze %dma_start3A_230 : memref<1x128xi32, #tpu.memory_space<hbm>> -> memref<128xi32, #tpu.memory_space<hbm>>
          %dma_start3A_232 = arith.constant 0 : i32
          %dma_start3A_233 = tpu.memref_slice %arg2[%add3A_228, %dma_start3A_232] : memref<2560x128xi32, #tpu.memory_space<hbm>> -> memref<1x128xi32, #tpu.memory_space<hbm>>
          %dma_start3A_234 = tpu.memref_squeeze %dma_start3A_233 : memref<1x128xi32, #tpu.memory_space<hbm>> -> memref<128xi32, #tpu.memory_space<hbm>>
          tpu.enqueue_dma source(%dma_start3A_234 : memref<128xi32, #tpu.memory_space<hbm>>) target(%arg7 : memref<128xi32, #tpu.memory_space<vmem>>) target_semaphore(%arg20 : memref<!tpu.dma_semaphore, #tpu.memory_space<semaphore_mem>>)
          %add3A_235 = arith.addi %mul3A_14, %add3A_122 : i32
          %add3A_236 = arith.constant 4 : i32
          %add3A_237 = arith.addi %add3A_235, %add3A_236 : i32
          %dma_start3A_238 = arith.constant 0 : i32
          %dma_start3A_239 = tpu.memref_slice %arg3[%add3A_237, %dma_start3A_238] : memref<2560x128xi32, #tpu.memory_space<hbm>> -> memref<1x128xi32, #tpu.memory_space<hbm>>
          %dma_start3A_240 = tpu.memref_squeeze %dma_start3A_239 : memref<1x128xi32, #tpu.memory_space<hbm>> -> memref<128xi32, #tpu.memory_space<hbm>>
          %dma_start3A_241 = arith.constant 0 : i32
          %dma_start3A_242 = tpu.memref_slice %arg3[%add3A_237, %dma_start3A_241] : memref<2560x128xi32, #tpu.memory_space<hbm>> -> memref<1x128xi32, #tpu.memory_space<hbm>>
          %dma_start3A_243 = tpu.memref_squeeze %dma_start3A_242 : memref<1x128xi32, #tpu.memory_space<hbm>> -> memref<128xi32, #tpu.memory_space<hbm>>
          tpu.enqueue_dma source(%dma_start3A_243 : memref<128xi32, #tpu.memory_space<hbm>>) target(%arg11 : memref<128xi32, #tpu.memory_space<vmem>>) target_semaphore(%arg20 : memref<!tpu.dma_semaphore, #tpu.memory_space<semaphore_mem>>)
        } else {
        }
        %add3A_138 = arith.constant 2 : i32
        %add3A_139 = arith.addi %add3A_122, %add3A_138 : i32
        %lt3A_140 = arith.constant 152 : i32
        %lt3A_141 = arith.cmpi slt, %add3A_139, %lt3A_140 : i32
        %convert_element_type3A_142 = arith.extui %lt3A_141 : i1 to i32
        %cond3A_143 = arith.constant 0 : i32
        %cond3A_144 = arith.cmpi ne, %convert_element_type3A_142, %cond3A_143 : i32
        scf.if %cond3A_144 {
          %add3A_226 = arith.constant 2 : i32
          %add3A_227 = arith.addi %add3A_122, %add3A_226 : i32
          %add3A_228 = arith.addi %mul3A_14, %add3A_227 : i32
          %dma_wait3A_229 = arith.constant 0 : i32
          %dma_wait3A_230 = tpu.memref_slice %arg2[%add3A_228, %dma_wait3A_229] : memref<2560x128xi32, #tpu.memory_space<hbm>> -> memref<1x128xi32, #tpu.memory_space<hbm>>
          %dma_wait3A_231 = tpu.memref_squeeze %dma_wait3A_230 : memref<1x128xi32, #tpu.memory_space<hbm>> -> memref<128xi32, #tpu.memory_space<hbm>>
          %dma_wait3A_232 = arith.constant 0 : i32
          %dma_wait3A_233 = tpu.memref_slice %arg2[%add3A_228, %dma_wait3A_232] : memref<2560x128xi32, #tpu.memory_space<hbm>> -> memref<1x128xi32, #tpu.memory_space<hbm>>
          %dma_wait3A_234 = tpu.memref_squeeze %dma_wait3A_233 : memref<1x128xi32, #tpu.memory_space<hbm>> -> memref<128xi32, #tpu.memory_space<hbm>>
          tpu.wait_dma2 semaphore(%arg22 : memref<!tpu.dma_semaphore, #tpu.memory_space<semaphore_mem>>) src(%dma_wait3A_234 : memref<128xi32, #tpu.memory_space<hbm>>) dst(%arg9 : memref<128xi32, #tpu.memory_space<vmem>>)
          %add3A_235 = arith.addi %mul3A_14, %add3A_227 : i32
          %dma_wait3A_236 = arith.constant 0 : i32
          %dma_wait3A_237 = tpu.memref_slice %arg3[%add3A_235, %dma_wait3A_236] : memref<2560x128xi32, #tpu.memory_space<hbm>> -> memref<1x128xi32, #tpu.memory_space<hbm>>
          %dma_wait3A_238 = tpu.memref_squeeze %dma_wait3A_237 : memref<1x128xi32, #tpu.memory_space<hbm>> -> memref<128xi32, #tpu.memory_space<hbm>>
          %dma_wait3A_239 = arith.constant 0 : i32
          %dma_wait3A_240 = tpu.memref_slice %arg3[%add3A_235, %dma_wait3A_239] : memref<2560x128xi32, #tpu.memory_space<hbm>> -> memref<1x128xi32, #tpu.memory_space<hbm>>
          %dma_wait3A_241 = tpu.memref_squeeze %dma_wait3A_240 : memref<1x128xi32, #tpu.memory_space<hbm>> -> memref<128xi32, #tpu.memory_space<hbm>>
          tpu.wait_dma2 semaphore(%arg22 : memref<!tpu.dma_semaphore, #tpu.memory_space<semaphore_mem>>) src(%dma_wait3A_241 : memref<128xi32, #tpu.memory_space<hbm>>) dst(%arg13 : memref<128xi32, #tpu.memory_space<vmem>>)
          %dma_start3A_242 = arith.constant 0 : i32
          %dma_start3A_243 = arith.constant 0 : i32
          %dma_start3A_244 = tpu.memref_slice %arg4[%dma_start3A_242, %dma_start3A_243] : memref<10240x128xf32, #tpu.memory_space<hbm>> -> memref<10240x128xf32, #tpu.memory_space<hbm>>
          tpu.enqueue_indirect_dma source(%dma_start3A_244 : memref<10240x128xf32, #tpu.memory_space<hbm>>) target(%arg15 : memref<128x128xf32, #tpu.memory_space<vmem>>) offsets(%arg9 : memref<128xi32, #tpu.memory_space<vmem>>) semaphore(%arg18 : memref<!tpu.dma_semaphore, #tpu.memory_space<semaphore_mem>>)
        } else {
        }
        %mul3A_145 = arith.constant 4 : i32
        %mul3A_146 = arith.muli %scan3A_118, %mul3A_145 : i32
        %add3A_147 = arith.constant 1 : i32
        %add3A_148 = arith.addi %mul3A_146, %add3A_147 : i32
        %dma_wait3A_149 = arith.constant 0 : i32
        %dma_wait3A_150 = arith.constant 0 : i32
        %dma_wait3A_151 = tpu.memref_slice %arg4[%dma_wait3A_149, %dma_wait3A_150] : memref<10240x128xf32, #tpu.memory_space<hbm>> -> memref<10240x128xf32, #tpu.memory_space<hbm>>
        tpu.wait_indirect_dma semaphore(%arg19 : memref<!tpu.dma_semaphore, #tpu.memory_space<semaphore_mem>>) src(%dma_wait3A_151 : memref<10240x128xf32, #tpu.memory_space<hbm>>) dst(%arg16 : memref<128x128xf32, #tpu.memory_space<vmem>>)
        %dma_start3A_152 = arith.constant 0 : i32
        %dma_start3A_153 = arith.constant 0 : i32
        %dma_start3A_154 = tpu.memref_slice %arg17[%dma_start3A_152, %dma_start3A_153] : memref<10240x128xf32, #tpu.memory_space<vmem_shared>> -> memref<10240x128xf32, #tpu.memory_space<vmem_shared>>
        tpu.enqueue_indirect_dma source(%arg16 : memref<128x128xf32, #tpu.memory_space<vmem>>) target(%dma_start3A_154 : memref<10240x128xf32, #tpu.memory_space<vmem_shared>>) offsets(%arg12 : memref<128xi32, #tpu.memory_space<vmem>>) semaphore(%arg24 : memref<!tpu.dma_semaphore, #tpu.memory_space<semaphore_mem>>) {add = true}
        %dma_wait3A_155 = arith.constant 0 : i32
        %dma_wait3A_156 = arith.constant 0 : i32
        %dma_wait3A_157 = tpu.memref_slice %arg17[%dma_wait3A_155, %dma_wait3A_156] : memref<10240x128xf32, #tpu.memory_space<vmem_shared>> -> memref<10240x128xf32, #tpu.memory_space<vmem_shared>>
        tpu.wait_indirect_dma semaphore(%arg24 : memref<!tpu.dma_semaphore, #tpu.memory_space<semaphore_mem>>) src(%arg16 : memref<128x128xf32, #tpu.memory_space<vmem>>) dst(%dma_wait3A_157 : memref<10240x128xf32, #tpu.memory_space<vmem_shared>>)
        %add3A_158 = arith.constant 4 : i32
        %add3A_159 = arith.addi %add3A_148, %add3A_158 : i32
        %lt3A_160 = arith.constant 152 : i32
        %lt3A_161 = arith.cmpi slt, %add3A_159, %lt3A_160 : i32
        %convert_element_type3A_162 = arith.extui %lt3A_161 : i1 to i32
        %cond3A_163 = arith.constant 0 : i32
        %cond3A_164 = arith.cmpi ne, %convert_element_type3A_162, %cond3A_163 : i32
        scf.if %cond3A_164 {
          %add3A_226 = arith.addi %mul3A_14, %add3A_148 : i32
          %add3A_227 = arith.constant 4 : i32
          %add3A_228 = arith.addi %add3A_226, %add3A_227 : i32
          %dma_start3A_229 = arith.constant 0 : i32
          %dma_start3A_230 = tpu.memref_slice %arg2[%add3A_228, %dma_start3A_229] : memref<2560x128xi32, #tpu.memory_space<hbm>> -> memref<1x128xi32, #tpu.memory_space<hbm>>
          %dma_start3A_231 = tpu.memref_squeeze %dma_start3A_230 : memref<1x128xi32, #tpu.memory_space<hbm>> -> memref<128xi32, #tpu.memory_space<hbm>>
          %dma_start3A_232 = arith.constant 0 : i32
          %dma_start3A_233 = tpu.memref_slice %arg2[%add3A_228, %dma_start3A_232] : memref<2560x128xi32, #tpu.memory_space<hbm>> -> memref<1x128xi32, #tpu.memory_space<hbm>>
          %dma_start3A_234 = tpu.memref_squeeze %dma_start3A_233 : memref<1x128xi32, #tpu.memory_space<hbm>> -> memref<128xi32, #tpu.memory_space<hbm>>
          tpu.enqueue_dma source(%dma_start3A_234 : memref<128xi32, #tpu.memory_space<hbm>>) target(%arg8 : memref<128xi32, #tpu.memory_space<vmem>>) target_semaphore(%arg21 : memref<!tpu.dma_semaphore, #tpu.memory_space<semaphore_mem>>)
          %add3A_235 = arith.addi %mul3A_14, %add3A_148 : i32
          %add3A_236 = arith.constant 4 : i32
          %add3A_237 = arith.addi %add3A_235, %add3A_236 : i32
          %dma_start3A_238 = arith.constant 0 : i32
          %dma_start3A_239 = tpu.memref_slice %arg3[%add3A_237, %dma_start3A_238] : memref<2560x128xi32, #tpu.memory_space<hbm>> -> memref<1x128xi32, #tpu.memory_space<hbm>>
          %dma_start3A_240 = tpu.memref_squeeze %dma_start3A_239 : memref<1x128xi32, #tpu.memory_space<hbm>> -> memref<128xi32, #tpu.memory_space<hbm>>
          %dma_start3A_241 = arith.constant 0 : i32
          %dma_start3A_242 = tpu.memref_slice %arg3[%add3A_237, %dma_start3A_241] : memref<2560x128xi32, #tpu.memory_space<hbm>> -> memref<1x128xi32, #tpu.memory_space<hbm>>
          %dma_start3A_243 = tpu.memref_squeeze %dma_start3A_242 : memref<1x128xi32, #tpu.memory_space<hbm>> -> memref<128xi32, #tpu.memory_space<hbm>>
          tpu.enqueue_dma source(%dma_start3A_243 : memref<128xi32, #tpu.memory_space<hbm>>) target(%arg12 : memref<128xi32, #tpu.memory_space<vmem>>) target_semaphore(%arg21 : memref<!tpu.dma_semaphore, #tpu.memory_space<semaphore_mem>>)
        } else {
        }
        %add3A_165 = arith.constant 2 : i32
        %add3A_166 = arith.addi %add3A_148, %add3A_165 : i32
        %lt3A_167 = arith.constant 152 : i32
        %lt3A_168 = arith.cmpi slt, %add3A_166, %lt3A_167 : i32
        %convert_element_type3A_169 = arith.extui %lt3A_168 : i1 to i32
        %cond3A_170 = arith.constant 0 : i32
        %cond3A_171 = arith.cmpi ne, %convert_element_type3A_169, %cond3A_170 : i32
        scf.if %cond3A_171 {
          %add3A_226 = arith.constant 2 : i32
          %add3A_227 = arith.addi %add3A_148, %add3A_226 : i32
          %add3A_228 = arith.addi %mul3A_14, %add3A_227 : i32
          %dma_wait3A_229 = arith.constant 0 : i32
          %dma_wait3A_230 = tpu.memref_slice %arg2[%add3A_228, %dma_wait3A_229] : memref<2560x128xi32, #tpu.memory_space<hbm>> -> memref<1x128xi32, #tpu.memory_space<hbm>>
          %dma_wait3A_231 = tpu.memref_squeeze %dma_wait3A_230 : memref<1x128xi32, #tpu.memory_space<hbm>> -> memref<128xi32, #tpu.memory_space<hbm>>
          %dma_wait3A_232 = arith.constant 0 : i32
          %dma_wait3A_233 = tpu.memref_slice %arg2[%add3A_228, %dma_wait3A_232] : memref<2560x128xi32, #tpu.memory_space<hbm>> -> memref<1x128xi32, #tpu.memory_space<hbm>>
          %dma_wait3A_234 = tpu.memref_squeeze %dma_wait3A_233 : memref<1x128xi32, #tpu.memory_space<hbm>> -> memref<128xi32, #tpu.memory_space<hbm>>
          tpu.wait_dma2 semaphore(%arg23 : memref<!tpu.dma_semaphore, #tpu.memory_space<semaphore_mem>>) src(%dma_wait3A_234 : memref<128xi32, #tpu.memory_space<hbm>>) dst(%arg10 : memref<128xi32, #tpu.memory_space<vmem>>)
          %add3A_235 = arith.addi %mul3A_14, %add3A_227 : i32
          %dma_wait3A_236 = arith.constant 0 : i32
          %dma_wait3A_237 = tpu.memref_slice %arg3[%add3A_235, %dma_wait3A_236] : memref<2560x128xi32, #tpu.memory_space<hbm>> -> memref<1x128xi32, #tpu.memory_space<hbm>>
          %dma_wait3A_238 = tpu.memref_squeeze %dma_wait3A_237 : memref<1x128xi32, #tpu.memory_space<hbm>> -> memref<128xi32, #tpu.memory_space<hbm>>
          %dma_wait3A_239 = arith.constant 0 : i32
          %dma_wait3A_240 = tpu.memref_slice %arg3[%add3A_235, %dma_wait3A_239] : memref<2560x128xi32, #tpu.memory_space<hbm>> -> memref<1x128xi32, #tpu.memory_space<hbm>>
          %dma_wait3A_241 = tpu.memref_squeeze %dma_wait3A_240 : memref<1x128xi32, #tpu.memory_space<hbm>> -> memref<128xi32, #tpu.memory_space<hbm>>
          tpu.wait_dma2 semaphore(%arg23 : memref<!tpu.dma_semaphore, #tpu.memory_space<semaphore_mem>>) src(%dma_wait3A_241 : memref<128xi32, #tpu.memory_space<hbm>>) dst(%arg14 : memref<128xi32, #tpu.memory_space<vmem>>)
          %dma_start3A_242 = arith.constant 0 : i32
          %dma_start3A_243 = arith.constant 0 : i32
          %dma_start3A_244 = tpu.memref_slice %arg4[%dma_start3A_242, %dma_start3A_243] : memref<10240x128xf32, #tpu.memory_space<hbm>> -> memref<10240x128xf32, #tpu.memory_space<hbm>>
          tpu.enqueue_indirect_dma source(%dma_start3A_244 : memref<10240x128xf32, #tpu.memory_space<hbm>>) target(%arg16 : memref<128x128xf32, #tpu.memory_space<vmem>>) offsets(%arg10 : memref<128xi32, #tpu.memory_space<vmem>>) semaphore(%arg19 : memref<!tpu.dma_semaphore, #tpu.memory_space<semaphore_mem>>)
        } else {
        }
        %mul3A_172 = arith.constant 4 : i32
        %mul3A_173 = arith.muli %scan3A_118, %mul3A_172 : i32
        %add3A_174 = arith.constant 2 : i32
        %add3A_175 = arith.addi %mul3A_173, %add3A_174 : i32
        %dma_wait3A_176 = arith.constant 0 : i32
        %dma_wait3A_177 = arith.constant 0 : i32
        %dma_wait3A_178 = tpu.memref_slice %arg4[%dma_wait3A_176, %dma_wait3A_177] : memref<10240x128xf32, #tpu.memory_space<hbm>> -> memref<10240x128xf32, #tpu.memory_space<hbm>>
        tpu.wait_indirect_dma semaphore(%arg18 : memref<!tpu.dma_semaphore, #tpu.memory_space<semaphore_mem>>) src(%dma_wait3A_178 : memref<10240x128xf32, #tpu.memory_space<hbm>>) dst(%arg15 : memref<128x128xf32, #tpu.memory_space<vmem>>)
        %dma_start3A_179 = arith.constant 0 : i32
        %dma_start3A_180 = arith.constant 0 : i32
        %dma_start3A_181 = tpu.memref_slice %arg17[%dma_start3A_179, %dma_start3A_180] : memref<10240x128xf32, #tpu.memory_space<vmem_shared>> -> memref<10240x128xf32, #tpu.memory_space<vmem_shared>>
        tpu.enqueue_indirect_dma source(%arg15 : memref<128x128xf32, #tpu.memory_space<vmem>>) target(%dma_start3A_181 : memref<10240x128xf32, #tpu.memory_space<vmem_shared>>) offsets(%arg13 : memref<128xi32, #tpu.memory_space<vmem>>) semaphore(%arg24 : memref<!tpu.dma_semaphore, #tpu.memory_space<semaphore_mem>>) {add = true}
        %dma_wait3A_182 = arith.constant 0 : i32
        %dma_wait3A_183 = arith.constant 0 : i32
        %dma_wait3A_184 = tpu.memref_slice %arg17[%dma_wait3A_182, %dma_wait3A_183] : memref<10240x128xf32, #tpu.memory_space<vmem_shared>> -> memref<10240x128xf32, #tpu.memory_space<vmem_shared>>
        tpu.wait_indirect_dma semaphore(%arg24 : memref<!tpu.dma_semaphore, #tpu.memory_space<semaphore_mem>>) src(%arg15 : memref<128x128xf32, #tpu.memory_space<vmem>>) dst(%dma_wait3A_184 : memref<10240x128xf32, #tpu.memory_space<vmem_shared>>)
        %add3A_185 = arith.constant 4 : i32
        %add3A_186 = arith.addi %add3A_175, %add3A_185 : i32
        %lt3A_187 = arith.constant 152 : i32
        %lt3A_188 = arith.cmpi slt, %add3A_186, %lt3A_187 : i32
        %convert_element_type3A_189 = arith.extui %lt3A_188 : i1 to i32
        %cond3A_190 = arith.constant 0 : i32
        %cond3A_191 = arith.cmpi ne, %convert_element_type3A_189, %cond3A_190 : i32
        scf.if %cond3A_191 {
          %add3A_226 = arith.addi %mul3A_14, %add3A_175 : i32
          %add3A_227 = arith.constant 4 : i32
          %add3A_228 = arith.addi %add3A_226, %add3A_227 : i32
          %dma_start3A_229 = arith.constant 0 : i32
          %dma_start3A_230 = tpu.memref_slice %arg2[%add3A_228, %dma_start3A_229] : memref<2560x128xi32, #tpu.memory_space<hbm>> -> memref<1x128xi32, #tpu.memory_space<hbm>>
          %dma_start3A_231 = tpu.memref_squeeze %dma_start3A_230 : memref<1x128xi32, #tpu.memory_space<hbm>> -> memref<128xi32, #tpu.memory_space<hbm>>
          %dma_start3A_232 = arith.constant 0 : i32
          %dma_start3A_233 = tpu.memref_slice %arg2[%add3A_228, %dma_start3A_232] : memref<2560x128xi32, #tpu.memory_space<hbm>> -> memref<1x128xi32, #tpu.memory_space<hbm>>
          %dma_start3A_234 = tpu.memref_squeeze %dma_start3A_233 : memref<1x128xi32, #tpu.memory_space<hbm>> -> memref<128xi32, #tpu.memory_space<hbm>>
          tpu.enqueue_dma source(%dma_start3A_234 : memref<128xi32, #tpu.memory_space<hbm>>) target(%arg9 : memref<128xi32, #tpu.memory_space<vmem>>) target_semaphore(%arg22 : memref<!tpu.dma_semaphore, #tpu.memory_space<semaphore_mem>>)
          %add3A_235 = arith.addi %mul3A_14, %add3A_175 : i32
          %add3A_236 = arith.constant 4 : i32
          %add3A_237 = arith.addi %add3A_235, %add3A_236 : i32
          %dma_start3A_238 = arith.constant 0 : i32
          %dma_start3A_239 = tpu.memref_slice %arg3[%add3A_237, %dma_start3A_238] : memref<2560x128xi32, #tpu.memory_space<hbm>> -> memref<1x128xi32, #tpu.memory_space<hbm>>
          %dma_start3A_240 = tpu.memref_squeeze %dma_start3A_239 : memref<1x128xi32, #tpu.memory_space<hbm>> -> memref<128xi32, #tpu.memory_space<hbm>>
          %dma_start3A_241 = arith.constant 0 : i32
          %dma_start3A_242 = tpu.memref_slice %arg3[%add3A_237, %dma_start3A_241] : memref<2560x128xi32, #tpu.memory_space<hbm>> -> memref<1x128xi32, #tpu.memory_space<hbm>>
          %dma_start3A_243 = tpu.memref_squeeze %dma_start3A_242 : memref<1x128xi32, #tpu.memory_space<hbm>> -> memref<128xi32, #tpu.memory_space<hbm>>
          tpu.enqueue_dma source(%dma_start3A_243 : memref<128xi32, #tpu.memory_space<hbm>>) target(%arg13 : memref<128xi32, #tpu.memory_space<vmem>>) target_semaphore(%arg22 : memref<!tpu.dma_semaphore, #tpu.memory_space<semaphore_mem>>)
        } else {
        }
        %add3A_192 = arith.constant 2 : i32
        %add3A_193 = arith.addi %add3A_175, %add3A_192 : i32
        %lt3A_194 = arith.constant 152 : i32
        %lt3A_195 = arith.cmpi slt, %add3A_193, %lt3A_194 : i32
        %convert_element_type3A_196 = arith.extui %lt3A_195 : i1 to i32
        %cond3A_197 = arith.constant 0 : i32
        %cond3A_198 = arith.cmpi ne, %convert_element_type3A_196, %cond3A_197 : i32
        scf.if %cond3A_198 {
          %add3A_226 = arith.constant 2 : i32
          %add3A_227 = arith.addi %add3A_175, %add3A_226 : i32
          %add3A_228 = arith.addi %mul3A_14, %add3A_227 : i32
          %dma_wait3A_229 = arith.constant 0 : i32
          %dma_wait3A_230 = tpu.memref_slice %arg2[%add3A_228, %dma_wait3A_229] : memref<2560x128xi32, #tpu.memory_space<hbm>> -> memref<1x128xi32, #tpu.memory_space<hbm>>
          %dma_wait3A_231 = tpu.memref_squeeze %dma_wait3A_230 : memref<1x128xi32, #tpu.memory_space<hbm>> -> memref<128xi32, #tpu.memory_space<hbm>>
          %dma_wait3A_232 = arith.constant 0 : i32
          %dma_wait3A_233 = tpu.memref_slice %arg2[%add3A_228, %dma_wait3A_232] : memref<2560x128xi32, #tpu.memory_space<hbm>> -> memref<1x128xi32, #tpu.memory_space<hbm>>
          %dma_wait3A_234 = tpu.memref_squeeze %dma_wait3A_233 : memref<1x128xi32, #tpu.memory_space<hbm>> -> memref<128xi32, #tpu.memory_space<hbm>>
          tpu.wait_dma2 semaphore(%arg20 : memref<!tpu.dma_semaphore, #tpu.memory_space<semaphore_mem>>) src(%dma_wait3A_234 : memref<128xi32, #tpu.memory_space<hbm>>) dst(%arg7 : memref<128xi32, #tpu.memory_space<vmem>>)
          %add3A_235 = arith.addi %mul3A_14, %add3A_227 : i32
          %dma_wait3A_236 = arith.constant 0 : i32
          %dma_wait3A_237 = tpu.memref_slice %arg3[%add3A_235, %dma_wait3A_236] : memref<2560x128xi32, #tpu.memory_space<hbm>> -> memref<1x128xi32, #tpu.memory_space<hbm>>
          %dma_wait3A_238 = tpu.memref_squeeze %dma_wait3A_237 : memref<1x128xi32, #tpu.memory_space<hbm>> -> memref<128xi32, #tpu.memory_space<hbm>>
          %dma_wait3A_239 = arith.constant 0 : i32
          %dma_wait3A_240 = tpu.memref_slice %arg3[%add3A_235, %dma_wait3A_239] : memref<2560x128xi32, #tpu.memory_space<hbm>> -> memref<1x128xi32, #tpu.memory_space<hbm>>
          %dma_wait3A_241 = tpu.memref_squeeze %dma_wait3A_240 : memref<1x128xi32, #tpu.memory_space<hbm>> -> memref<128xi32, #tpu.memory_space<hbm>>
          tpu.wait_dma2 semaphore(%arg20 : memref<!tpu.dma_semaphore, #tpu.memory_space<semaphore_mem>>) src(%dma_wait3A_241 : memref<128xi32, #tpu.memory_space<hbm>>) dst(%arg11 : memref<128xi32, #tpu.memory_space<vmem>>)
          %dma_start3A_242 = arith.constant 0 : i32
          %dma_start3A_243 = arith.constant 0 : i32
          %dma_start3A_244 = tpu.memref_slice %arg4[%dma_start3A_242, %dma_start3A_243] : memref<10240x128xf32, #tpu.memory_space<hbm>> -> memref<10240x128xf32, #tpu.memory_space<hbm>>
          tpu.enqueue_indirect_dma source(%dma_start3A_244 : memref<10240x128xf32, #tpu.memory_space<hbm>>) target(%arg15 : memref<128x128xf32, #tpu.memory_space<vmem>>) offsets(%arg7 : memref<128xi32, #tpu.memory_space<vmem>>) semaphore(%arg18 : memref<!tpu.dma_semaphore, #tpu.memory_space<semaphore_mem>>)
        } else {
        }
        %mul3A_199 = arith.constant 4 : i32
        %mul3A_200 = arith.muli %scan3A_118, %mul3A_199 : i32
        %add3A_201 = arith.constant 3 : i32
        %add3A_202 = arith.addi %mul3A_200, %add3A_201 : i32
        %dma_wait3A_203 = arith.constant 0 : i32
        %dma_wait3A_204 = arith.constant 0 : i32
        %dma_wait3A_205 = tpu.memref_slice %arg4[%dma_wait3A_203, %dma_wait3A_204] : memref<10240x128xf32, #tpu.memory_space<hbm>> -> memref<10240x128xf32, #tpu.memory_space<hbm>>
        tpu.wait_indirect_dma semaphore(%arg19 : memref<!tpu.dma_semaphore, #tpu.memory_space<semaphore_mem>>) src(%dma_wait3A_205 : memref<10240x128xf32, #tpu.memory_space<hbm>>) dst(%arg16 : memref<128x128xf32, #tpu.memory_space<vmem>>)
        %dma_start3A_206 = arith.constant 0 : i32
        %dma_start3A_207 = arith.constant 0 : i32
        %dma_start3A_208 = tpu.memref_slice %arg17[%dma_start3A_206, %dma_start3A_207] : memref<10240x128xf32, #tpu.memory_space<vmem_shared>> -> memref<10240x128xf32, #tpu.memory_space<vmem_shared>>
        tpu.enqueue_indirect_dma source(%arg16 : memref<128x128xf32, #tpu.memory_space<vmem>>) target(%dma_start3A_208 : memref<10240x128xf32, #tpu.memory_space<vmem_shared>>) offsets(%arg14 : memref<128xi32, #tpu.memory_space<vmem>>) semaphore(%arg24 : memref<!tpu.dma_semaphore, #tpu.memory_space<semaphore_mem>>) {add = true}
        %dma_wait3A_209 = arith.constant 0 : i32
        %dma_wait3A_210 = arith.constant 0 : i32
        %dma_wait3A_211 = tpu.memref_slice %arg17[%dma_wait3A_209, %dma_wait3A_210] : memref<10240x128xf32, #tpu.memory_space<vmem_shared>> -> memref<10240x128xf32, #tpu.memory_space<vmem_shared>>
        tpu.wait_indirect_dma semaphore(%arg24 : memref<!tpu.dma_semaphore, #tpu.memory_space<semaphore_mem>>) src(%arg16 : memref<128x128xf32, #tpu.memory_space<vmem>>) dst(%dma_wait3A_211 : memref<10240x128xf32, #tpu.memory_space<vmem_shared>>)
        %add3A_212 = arith.constant 4 : i32
        %add3A_213 = arith.addi %add3A_202, %add3A_212 : i32
        %lt3A_214 = arith.constant 152 : i32
        %lt3A_215 = arith.cmpi slt, %add3A_213, %lt3A_214 : i32
        %convert_element_type3A_216 = arith.extui %lt3A_215 : i1 to i32
        %cond3A_217 = arith.constant 0 : i32
        %cond3A_218 = arith.cmpi ne, %convert_element_type3A_216, %cond3A_217 : i32
        scf.if %cond3A_218 {
          %add3A_226 = arith.addi %mul3A_14, %add3A_202 : i32
          %add3A_227 = arith.constant 4 : i32
          %add3A_228 = arith.addi %add3A_226, %add3A_227 : i32
          %dma_start3A_229 = arith.constant 0 : i32
          %dma_start3A_230 = tpu.memref_slice %arg2[%add3A_228, %dma_start3A_229] : memref<2560x128xi32, #tpu.memory_space<hbm>> -> memref<1x128xi32, #tpu.memory_space<hbm>>
          %dma_start3A_231 = tpu.memref_squeeze %dma_start3A_230 : memref<1x128xi32, #tpu.memory_space<hbm>> -> memref<128xi32, #tpu.memory_space<hbm>>
          %dma_start3A_232 = arith.constant 0 : i32
          %dma_start3A_233 = tpu.memref_slice %arg2[%add3A_228, %dma_start3A_232] : memref<2560x128xi32, #tpu.memory_space<hbm>> -> memref<1x128xi32, #tpu.memory_space<hbm>>
          %dma_start3A_234 = tpu.memref_squeeze %dma_start3A_233 : memref<1x128xi32, #tpu.memory_space<hbm>> -> memref<128xi32, #tpu.memory_space<hbm>>
          tpu.enqueue_dma source(%dma_start3A_234 : memref<128xi32, #tpu.memory_space<hbm>>) target(%arg10 : memref<128xi32, #tpu.memory_space<vmem>>) target_semaphore(%arg23 : memref<!tpu.dma_semaphore, #tpu.memory_space<semaphore_mem>>)
          %add3A_235 = arith.addi %mul3A_14, %add3A_202 : i32
          %add3A_236 = arith.constant 4 : i32
          %add3A_237 = arith.addi %add3A_235, %add3A_236 : i32
          %dma_start3A_238 = arith.constant 0 : i32
          %dma_start3A_239 = tpu.memref_slice %arg3[%add3A_237, %dma_start3A_238] : memref<2560x128xi32, #tpu.memory_space<hbm>> -> memref<1x128xi32, #tpu.memory_space<hbm>>
          %dma_start3A_240 = tpu.memref_squeeze %dma_start3A_239 : memref<1x128xi32, #tpu.memory_space<hbm>> -> memref<128xi32, #tpu.memory_space<hbm>>
          %dma_start3A_241 = arith.constant 0 : i32
          %dma_start3A_242 = tpu.memref_slice %arg3[%add3A_237, %dma_start3A_241] : memref<2560x128xi32, #tpu.memory_space<hbm>> -> memref<1x128xi32, #tpu.memory_space<hbm>>
          %dma_start3A_243 = tpu.memref_squeeze %dma_start3A_242 : memref<1x128xi32, #tpu.memory_space<hbm>> -> memref<128xi32, #tpu.memory_space<hbm>>
          tpu.enqueue_dma source(%dma_start3A_243 : memref<128xi32, #tpu.memory_space<hbm>>) target(%arg14 : memref<128xi32, #tpu.memory_space<vmem>>) target_semaphore(%arg23 : memref<!tpu.dma_semaphore, #tpu.memory_space<semaphore_mem>>)
        } else {
        }
        %add3A_219 = arith.constant 2 : i32
        %add3A_220 = arith.addi %add3A_202, %add3A_219 : i32
        %lt3A_221 = arith.constant 152 : i32
        %lt3A_222 = arith.cmpi slt, %add3A_220, %lt3A_221 : i32
        %convert_element_type3A_223 = arith.extui %lt3A_222 : i1 to i32
        %cond3A_224 = arith.constant 0 : i32
        %cond3A_225 = arith.cmpi ne, %convert_element_type3A_223, %cond3A_224 : i32
        scf.if %cond3A_225 {
          %add3A_226 = arith.constant 2 : i32
          %add3A_227 = arith.addi %add3A_202, %add3A_226 : i32
          %add3A_228 = arith.addi %mul3A_14, %add3A_227 : i32
          %dma_wait3A_229 = arith.constant 0 : i32
          %dma_wait3A_230 = tpu.memref_slice %arg2[%add3A_228, %dma_wait3A_229] : memref<2560x128xi32, #tpu.memory_space<hbm>> -> memref<1x128xi32, #tpu.memory_space<hbm>>
          %dma_wait3A_231 = tpu.memref_squeeze %dma_wait3A_230 : memref<1x128xi32, #tpu.memory_space<hbm>> -> memref<128xi32, #tpu.memory_space<hbm>>
          %dma_wait3A_232 = arith.constant 0 : i32
          %dma_wait3A_233 = tpu.memref_slice %arg2[%add3A_228, %dma_wait3A_232] : memref<2560x128xi32, #tpu.memory_space<hbm>> -> memref<1x128xi32, #tpu.memory_space<hbm>>
          %dma_wait3A_234 = tpu.memref_squeeze %dma_wait3A_233 : memref<1x128xi32, #tpu.memory_space<hbm>> -> memref<128xi32, #tpu.memory_space<hbm>>
          tpu.wait_dma2 semaphore(%arg21 : memref<!tpu.dma_semaphore, #tpu.memory_space<semaphore_mem>>) src(%dma_wait3A_234 : memref<128xi32, #tpu.memory_space<hbm>>) dst(%arg8 : memref<128xi32, #tpu.memory_space<vmem>>)
          %add3A_235 = arith.addi %mul3A_14, %add3A_227 : i32
          %dma_wait3A_236 = arith.constant 0 : i32
          %dma_wait3A_237 = tpu.memref_slice %arg3[%add3A_235, %dma_wait3A_236] : memref<2560x128xi32, #tpu.memory_space<hbm>> -> memref<1x128xi32, #tpu.memory_space<hbm>>
          %dma_wait3A_238 = tpu.memref_squeeze %dma_wait3A_237 : memref<1x128xi32, #tpu.memory_space<hbm>> -> memref<128xi32, #tpu.memory_space<hbm>>
          %dma_wait3A_239 = arith.constant 0 : i32
          %dma_wait3A_240 = tpu.memref_slice %arg3[%add3A_235, %dma_wait3A_239] : memref<2560x128xi32, #tpu.memory_space<hbm>> -> memref<1x128xi32, #tpu.memory_space<hbm>>
          %dma_wait3A_241 = tpu.memref_squeeze %dma_wait3A_240 : memref<1x128xi32, #tpu.memory_space<hbm>> -> memref<128xi32, #tpu.memory_space<hbm>>
          tpu.wait_dma2 semaphore(%arg21 : memref<!tpu.dma_semaphore, #tpu.memory_space<semaphore_mem>>) src(%dma_wait3A_241 : memref<128xi32, #tpu.memory_space<hbm>>) dst(%arg12 : memref<128xi32, #tpu.memory_space<vmem>>)
          %dma_start3A_242 = arith.constant 0 : i32
          %dma_start3A_243 = arith.constant 0 : i32
          %dma_start3A_244 = tpu.memref_slice %arg4[%dma_start3A_242, %dma_start3A_243] : memref<10240x128xf32, #tpu.memory_space<hbm>> -> memref<10240x128xf32, #tpu.memory_space<hbm>>
          tpu.enqueue_indirect_dma source(%dma_start3A_244 : memref<10240x128xf32, #tpu.memory_space<hbm>>) target(%arg16 : memref<128x128xf32, #tpu.memory_space<vmem>>) offsets(%arg8 : memref<128xi32, #tpu.memory_space<vmem>>) semaphore(%arg19 : memref<!tpu.dma_semaphore, #tpu.memory_space<semaphore_mem>>)
        } else {
        }
      }
      %scan3A_117 = arith.constant 38 : i32
    } else {
    }
    %eq3A_3 = arith.constant 1 : i32
    %eq3A_4 = arith.cmpi eq, %arg0, %eq3A_3 : i32
    %convert_element_type3A_5 = arith.extui %eq3A_4 : i1 to i32
    %cond3A_6 = arith.constant 0 : i32
    %cond3A_7 = arith.cmpi ne, %convert_element_type3A_5, %cond3A_6 : i32
    scf.if %cond3A_7 {
      %mul3A_13 = arith.constant 8 : i32
      %mul3A_14 = arith.muli %arg1, %mul3A_13 : i32
      %add3A = arith.constant 2432 : i32
      %add3A_15 = arith.addi %add3A, %mul3A_14 : i32
      %add3A_16 = arith.constant 0 : i32
      %add3A_17 = arith.addi %add3A_15, %add3A_16 : i32
      %dma_start3A = arith.constant 0 : i32
      %dma_start3A_18 = tpu.memref_slice %arg2[%add3A_17, %dma_start3A] : memref<2560x128xi32, #tpu.memory_space<hbm>> -> memref<1x128xi32, #tpu.memory_space<hbm>>
      %dma_start3A_19 = tpu.memref_squeeze %dma_start3A_18 : memref<1x128xi32, #tpu.memory_space<hbm>> -> memref<128xi32, #tpu.memory_space<hbm>>
      %dma_start3A_20 = arith.constant 0 : i32
      %dma_start3A_21 = tpu.memref_slice %arg2[%add3A_17, %dma_start3A_20] : memref<2560x128xi32, #tpu.memory_space<hbm>> -> memref<1x128xi32, #tpu.memory_space<hbm>>
      %dma_start3A_22 = tpu.memref_squeeze %dma_start3A_21 : memref<1x128xi32, #tpu.memory_space<hbm>> -> memref<128xi32, #tpu.memory_space<hbm>>
      tpu.enqueue_dma source(%dma_start3A_22 : memref<128xi32, #tpu.memory_space<hbm>>) target(%arg7 : memref<128xi32, #tpu.memory_space<vmem>>) target_semaphore(%arg20 : memref<!tpu.dma_semaphore, #tpu.memory_space<semaphore_mem>>)
      %add3A_23 = arith.constant 0 : i32
      %add3A_24 = arith.addi %add3A_15, %add3A_23 : i32
      %dma_start3A_25 = arith.constant 0 : i32
      %dma_start3A_26 = tpu.memref_slice %arg3[%add3A_24, %dma_start3A_25] : memref<2560x128xi32, #tpu.memory_space<hbm>> -> memref<1x128xi32, #tpu.memory_space<hbm>>
      %dma_start3A_27 = tpu.memref_squeeze %dma_start3A_26 : memref<1x128xi32, #tpu.memory_space<hbm>> -> memref<128xi32, #tpu.memory_space<hbm>>
      %dma_start3A_28 = arith.constant 0 : i32
      %dma_start3A_29 = tpu.memref_slice %arg3[%add3A_24, %dma_start3A_28] : memref<2560x128xi32, #tpu.memory_space<hbm>> -> memref<1x128xi32, #tpu.memory_space<hbm>>
      %dma_start3A_30 = tpu.memref_squeeze %dma_start3A_29 : memref<1x128xi32, #tpu.memory_space<hbm>> -> memref<128xi32, #tpu.memory_space<hbm>>
      tpu.enqueue_dma source(%dma_start3A_30 : memref<128xi32, #tpu.memory_space<hbm>>) target(%arg11 : memref<128xi32, #tpu.memory_space<vmem>>) target_semaphore(%arg20 : memref<!tpu.dma_semaphore, #tpu.memory_space<semaphore_mem>>)
      %add3A_31 = arith.constant 1 : i32
      %add3A_32 = arith.addi %add3A_15, %add3A_31 : i32
      %dma_start3A_33 = arith.constant 0 : i32
      %dma_start3A_34 = tpu.memref_slice %arg2[%add3A_32, %dma_start3A_33] : memref<2560x128xi32, #tpu.memory_space<hbm>> -> memref<1x128xi32, #tpu.memory_space<hbm>>
      %dma_start3A_35 = tpu.memref_squeeze %dma_start3A_34 : memref<1x128xi32, #tpu.memory_space<hbm>> -> memref<128xi32, #tpu.memory_space<hbm>>
      %dma_start3A_36 = arith.constant 0 : i32
      %dma_start3A_37 = tpu.memref_slice %arg2[%add3A_32, %dma_start3A_36] : memref<2560x128xi32, #tpu.memory_space<hbm>> -> memref<1x128xi32, #tpu.memory_space<hbm>>
      %dma_start3A_38 = tpu.memref_squeeze %dma_start3A_37 : memref<1x128xi32, #tpu.memory_space<hbm>> -> memref<128xi32, #tpu.memory_space<hbm>>
      tpu.enqueue_dma source(%dma_start3A_38 : memref<128xi32, #tpu.memory_space<hbm>>) target(%arg8 : memref<128xi32, #tpu.memory_space<vmem>>) target_semaphore(%arg21 : memref<!tpu.dma_semaphore, #tpu.memory_space<semaphore_mem>>)
      %add3A_39 = arith.constant 1 : i32
      %add3A_40 = arith.addi %add3A_15, %add3A_39 : i32
      %dma_start3A_41 = arith.constant 0 : i32
      %dma_start3A_42 = tpu.memref_slice %arg3[%add3A_40, %dma_start3A_41] : memref<2560x128xi32, #tpu.memory_space<hbm>> -> memref<1x128xi32, #tpu.memory_space<hbm>>
      %dma_start3A_43 = tpu.memref_squeeze %dma_start3A_42 : memref<1x128xi32, #tpu.memory_space<hbm>> -> memref<128xi32, #tpu.memory_space<hbm>>
      %dma_start3A_44 = arith.constant 0 : i32
      %dma_start3A_45 = tpu.memref_slice %arg3[%add3A_40, %dma_start3A_44] : memref<2560x128xi32, #tpu.memory_space<hbm>> -> memref<1x128xi32, #tpu.memory_space<hbm>>
      %dma_start3A_46 = tpu.memref_squeeze %dma_start3A_45 : memref<1x128xi32, #tpu.memory_space<hbm>> -> memref<128xi32, #tpu.memory_space<hbm>>
      tpu.enqueue_dma source(%dma_start3A_46 : memref<128xi32, #tpu.memory_space<hbm>>) target(%arg12 : memref<128xi32, #tpu.memory_space<vmem>>) target_semaphore(%arg21 : memref<!tpu.dma_semaphore, #tpu.memory_space<semaphore_mem>>)
      %add3A_47 = arith.constant 2 : i32
      %add3A_48 = arith.addi %add3A_15, %add3A_47 : i32
      %dma_start3A_49 = arith.constant 0 : i32
      %dma_start3A_50 = tpu.memref_slice %arg2[%add3A_48, %dma_start3A_49] : memref<2560x128xi32, #tpu.memory_space<hbm>> -> memref<1x128xi32, #tpu.memory_space<hbm>>
      %dma_start3A_51 = tpu.memref_squeeze %dma_start3A_50 : memref<1x128xi32, #tpu.memory_space<hbm>> -> memref<128xi32, #tpu.memory_space<hbm>>
      %dma_start3A_52 = arith.constant 0 : i32
      %dma_start3A_53 = tpu.memref_slice %arg2[%add3A_48, %dma_start3A_52] : memref<2560x128xi32, #tpu.memory_space<hbm>> -> memref<1x128xi32, #tpu.memory_space<hbm>>
      %dma_start3A_54 = tpu.memref_squeeze %dma_start3A_53 : memref<1x128xi32, #tpu.memory_space<hbm>> -> memref<128xi32, #tpu.memory_space<hbm>>
      tpu.enqueue_dma source(%dma_start3A_54 : memref<128xi32, #tpu.memory_space<hbm>>) target(%arg9 : memref<128xi32, #tpu.memory_space<vmem>>) target_semaphore(%arg22 : memref<!tpu.dma_semaphore, #tpu.memory_space<semaphore_mem>>)
      %add3A_55 = arith.constant 2 : i32
      %add3A_56 = arith.addi %add3A_15, %add3A_55 : i32
      %dma_start3A_57 = arith.constant 0 : i32
      %dma_start3A_58 = tpu.memref_slice %arg3[%add3A_56, %dma_start3A_57] : memref<2560x128xi32, #tpu.memory_space<hbm>> -> memref<1x128xi32, #tpu.memory_space<hbm>>
      %dma_start3A_59 = tpu.memref_squeeze %dma_start3A_58 : memref<1x128xi32, #tpu.memory_space<hbm>> -> memref<128xi32, #tpu.memory_space<hbm>>
      %dma_start3A_60 = arith.constant 0 : i32
      %dma_start3A_61 = tpu.memref_slice %arg3[%add3A_56, %dma_start3A_60] : memref<2560x128xi32, #tpu.memory_space<hbm>> -> memref<1x128xi32, #tpu.memory_space<hbm>>
      %dma_start3A_62 = tpu.memref_squeeze %dma_start3A_61 : memref<1x128xi32, #tpu.memory_space<hbm>> -> memref<128xi32, #tpu.memory_space<hbm>>
      tpu.enqueue_dma source(%dma_start3A_62 : memref<128xi32, #tpu.memory_space<hbm>>) target(%arg13 : memref<128xi32, #tpu.memory_space<vmem>>) target_semaphore(%arg22 : memref<!tpu.dma_semaphore, #tpu.memory_space<semaphore_mem>>)
      %add3A_63 = arith.constant 3 : i32
      %add3A_64 = arith.addi %add3A_15, %add3A_63 : i32
      %dma_start3A_65 = arith.constant 0 : i32
      %dma_start3A_66 = tpu.memref_slice %arg2[%add3A_64, %dma_start3A_65] : memref<2560x128xi32, #tpu.memory_space<hbm>> -> memref<1x128xi32, #tpu.memory_space<hbm>>
      %dma_start3A_67 = tpu.memref_squeeze %dma_start3A_66 : memref<1x128xi32, #tpu.memory_space<hbm>> -> memref<128xi32, #tpu.memory_space<hbm>>
      %dma_start3A_68 = arith.constant 0 : i32
      %dma_start3A_69 = tpu.memref_slice %arg2[%add3A_64, %dma_start3A_68] : memref<2560x128xi32, #tpu.memory_space<hbm>> -> memref<1x128xi32, #tpu.memory_space<hbm>>
      %dma_start3A_70 = tpu.memref_squeeze %dma_start3A_69 : memref<1x128xi32, #tpu.memory_space<hbm>> -> memref<128xi32, #tpu.memory_space<hbm>>
      tpu.enqueue_dma source(%dma_start3A_70 : memref<128xi32, #tpu.memory_space<hbm>>) target(%arg10 : memref<128xi32, #tpu.memory_space<vmem>>) target_semaphore(%arg23 : memref<!tpu.dma_semaphore, #tpu.memory_space<semaphore_mem>>)
      %add3A_71 = arith.constant 3 : i32
      %add3A_72 = arith.addi %add3A_15, %add3A_71 : i32
      %dma_start3A_73 = arith.constant 0 : i32
      %dma_start3A_74 = tpu.memref_slice %arg3[%add3A_72, %dma_start3A_73] : memref<2560x128xi32, #tpu.memory_space<hbm>> -> memref<1x128xi32, #tpu.memory_space<hbm>>
      %dma_start3A_75 = tpu.memref_squeeze %dma_start3A_74 : memref<1x128xi32, #tpu.memory_space<hbm>> -> memref<128xi32, #tpu.memory_space<hbm>>
      %dma_start3A_76 = arith.constant 0 : i32
      %dma_start3A_77 = tpu.memref_slice %arg3[%add3A_72, %dma_start3A_76] : memref<2560x128xi32, #tpu.memory_space<hbm>> -> memref<1x128xi32, #tpu.memory_space<hbm>>
      %dma_start3A_78 = tpu.memref_squeeze %dma_start3A_77 : memref<1x128xi32, #tpu.memory_space<hbm>> -> memref<128xi32, #tpu.memory_space<hbm>>
      tpu.enqueue_dma source(%dma_start3A_78 : memref<128xi32, #tpu.memory_space<hbm>>) target(%arg14 : memref<128xi32, #tpu.memory_space<vmem>>) target_semaphore(%arg23 : memref<!tpu.dma_semaphore, #tpu.memory_space<semaphore_mem>>)
      %add3A_79 = arith.constant 0 : i32
      %add3A_80 = arith.addi %add3A_15, %add3A_79 : i32
      %dma_wait3A = arith.constant 0 : i32
      %dma_wait3A_81 = tpu.memref_slice %arg2[%add3A_80, %dma_wait3A] : memref<2560x128xi32, #tpu.memory_space<hbm>> -> memref<1x128xi32, #tpu.memory_space<hbm>>
      %dma_wait3A_82 = tpu.memref_squeeze %dma_wait3A_81 : memref<1x128xi32, #tpu.memory_space<hbm>> -> memref<128xi32, #tpu.memory_space<hbm>>
      %dma_wait3A_83 = arith.constant 0 : i32
      %dma_wait3A_84 = tpu.memref_slice %arg2[%add3A_80, %dma_wait3A_83] : memref<2560x128xi32, #tpu.memory_space<hbm>> -> memref<1x128xi32, #tpu.memory_space<hbm>>
      %dma_wait3A_85 = tpu.memref_squeeze %dma_wait3A_84 : memref<1x128xi32, #tpu.memory_space<hbm>> -> memref<128xi32, #tpu.memory_space<hbm>>
      tpu.wait_dma2 semaphore(%arg20 : memref<!tpu.dma_semaphore, #tpu.memory_space<semaphore_mem>>) src(%dma_wait3A_85 : memref<128xi32, #tpu.memory_space<hbm>>) dst(%arg7 : memref<128xi32, #tpu.memory_space<vmem>>)
      %add3A_86 = arith.constant 0 : i32
      %add3A_87 = arith.addi %add3A_15, %add3A_86 : i32
      %dma_wait3A_88 = arith.constant 0 : i32
      %dma_wait3A_89 = tpu.memref_slice %arg3[%add3A_87, %dma_wait3A_88] : memref<2560x128xi32, #tpu.memory_space<hbm>> -> memref<1x128xi32, #tpu.memory_space<hbm>>
      %dma_wait3A_90 = tpu.memref_squeeze %dma_wait3A_89 : memref<1x128xi32, #tpu.memory_space<hbm>> -> memref<128xi32, #tpu.memory_space<hbm>>
      %dma_wait3A_91 = arith.constant 0 : i32
      %dma_wait3A_92 = tpu.memref_slice %arg3[%add3A_87, %dma_wait3A_91] : memref<2560x128xi32, #tpu.memory_space<hbm>> -> memref<1x128xi32, #tpu.memory_space<hbm>>
      %dma_wait3A_93 = tpu.memref_squeeze %dma_wait3A_92 : memref<1x128xi32, #tpu.memory_space<hbm>> -> memref<128xi32, #tpu.memory_space<hbm>>
      tpu.wait_dma2 semaphore(%arg20 : memref<!tpu.dma_semaphore, #tpu.memory_space<semaphore_mem>>) src(%dma_wait3A_93 : memref<128xi32, #tpu.memory_space<hbm>>) dst(%arg11 : memref<128xi32, #tpu.memory_space<vmem>>)
      %dma_start3A_94 = arith.constant 0 : i32
      %dma_start3A_95 = arith.constant 0 : i32
      %dma_start3A_96 = tpu.memref_slice %arg4[%dma_start3A_94, %dma_start3A_95] : memref<10240x128xf32, #tpu.memory_space<hbm>> -> memref<10240x128xf32, #tpu.memory_space<hbm>>
      tpu.enqueue_indirect_dma source(%dma_start3A_96 : memref<10240x128xf32, #tpu.memory_space<hbm>>) target(%arg15 : memref<128x128xf32, #tpu.memory_space<vmem>>) offsets(%arg7 : memref<128xi32, #tpu.memory_space<vmem>>) semaphore(%arg18 : memref<!tpu.dma_semaphore, #tpu.memory_space<semaphore_mem>>)
      %add3A_97 = arith.constant 1 : i32
      %add3A_98 = arith.addi %add3A_15, %add3A_97 : i32
      %dma_wait3A_99 = arith.constant 0 : i32
      %dma_wait3A_100 = tpu.memref_slice %arg2[%add3A_98, %dma_wait3A_99] : memref<2560x128xi32, #tpu.memory_space<hbm>> -> memref<1x128xi32, #tpu.memory_space<hbm>>
      %dma_wait3A_101 = tpu.memref_squeeze %dma_wait3A_100 : memref<1x128xi32, #tpu.memory_space<hbm>> -> memref<128xi32, #tpu.memory_space<hbm>>
      %dma_wait3A_102 = arith.constant 0 : i32
      %dma_wait3A_103 = tpu.memref_slice %arg2[%add3A_98, %dma_wait3A_102] : memref<2560x128xi32, #tpu.memory_space<hbm>> -> memref<1x128xi32, #tpu.memory_space<hbm>>
      %dma_wait3A_104 = tpu.memref_squeeze %dma_wait3A_103 : memref<1x128xi32, #tpu.memory_space<hbm>> -> memref<128xi32, #tpu.memory_space<hbm>>
      tpu.wait_dma2 semaphore(%arg21 : memref<!tpu.dma_semaphore, #tpu.memory_space<semaphore_mem>>) src(%dma_wait3A_104 : memref<128xi32, #tpu.memory_space<hbm>>) dst(%arg8 : memref<128xi32, #tpu.memory_space<vmem>>)
      %add3A_105 = arith.constant 1 : i32
      %add3A_106 = arith.addi %add3A_15, %add3A_105 : i32
      %dma_wait3A_107 = arith.constant 0 : i32
      %dma_wait3A_108 = tpu.memref_slice %arg3[%add3A_106, %dma_wait3A_107] : memref<2560x128xi32, #tpu.memory_space<hbm>> -> memref<1x128xi32, #tpu.memory_space<hbm>>
      %dma_wait3A_109 = tpu.memref_squeeze %dma_wait3A_108 : memref<1x128xi32, #tpu.memory_space<hbm>> -> memref<128xi32, #tpu.memory_space<hbm>>
      %dma_wait3A_110 = arith.constant 0 : i32
      %dma_wait3A_111 = tpu.memref_slice %arg3[%add3A_106, %dma_wait3A_110] : memref<2560x128xi32, #tpu.memory_space<hbm>> -> memref<1x128xi32, #tpu.memory_space<hbm>>
      %dma_wait3A_112 = tpu.memref_squeeze %dma_wait3A_111 : memref<1x128xi32, #tpu.memory_space<hbm>> -> memref<128xi32, #tpu.memory_space<hbm>>
      tpu.wait_dma2 semaphore(%arg21 : memref<!tpu.dma_semaphore, #tpu.memory_space<semaphore_mem>>) src(%dma_wait3A_112 : memref<128xi32, #tpu.memory_space<hbm>>) dst(%arg12 : memref<128xi32, #tpu.memory_space<vmem>>)
      %dma_start3A_113 = arith.constant 0 : i32
      %dma_start3A_114 = arith.constant 0 : i32
      %dma_start3A_115 = tpu.memref_slice %arg4[%dma_start3A_113, %dma_start3A_114] : memref<10240x128xf32, #tpu.memory_space<hbm>> -> memref<10240x128xf32, #tpu.memory_space<hbm>>
      tpu.enqueue_indirect_dma source(%dma_start3A_115 : memref<10240x128xf32, #tpu.memory_space<hbm>>) target(%arg16 : memref<128x128xf32, #tpu.memory_space<vmem>>) offsets(%arg8 : memref<128xi32, #tpu.memory_space<vmem>>) semaphore(%arg19 : memref<!tpu.dma_semaphore, #tpu.memory_space<semaphore_mem>>)
      %scan3A = arith.constant 0 : i32
      %scan3A_116 = arith.constant 2 : i32
      %scan3A_117 = arith.addi %scan3A, %scan3A_116 : i32
      %scan3A_118 = arith.constant 1 : i32
      scf.for %scan3A_120 = %scan3A to %scan3A_117 step %scan3A_118  : i32 {
        %mul3A_121 = arith.constant 4 : i32
        %mul3A_122 = arith.muli %scan3A_120, %mul3A_121 : i32
        %add3A_123 = arith.constant 0 : i32
        %add3A_124 = arith.addi %mul3A_122, %add3A_123 : i32
        %dma_wait3A_125 = arith.constant 0 : i32
        %dma_wait3A_126 = arith.constant 0 : i32
        %dma_wait3A_127 = tpu.memref_slice %arg4[%dma_wait3A_125, %dma_wait3A_126] : memref<10240x128xf32, #tpu.memory_space<hbm>> -> memref<10240x128xf32, #tpu.memory_space<hbm>>
        tpu.wait_indirect_dma semaphore(%arg18 : memref<!tpu.dma_semaphore, #tpu.memory_space<semaphore_mem>>) src(%dma_wait3A_127 : memref<10240x128xf32, #tpu.memory_space<hbm>>) dst(%arg15 : memref<128x128xf32, #tpu.memory_space<vmem>>)
        %dma_start3A_128 = arith.constant 0 : i32
        %dma_start3A_129 = arith.constant 0 : i32
        %dma_start3A_130 = tpu.memref_slice %arg17[%dma_start3A_128, %dma_start3A_129] : memref<10240x128xf32, #tpu.memory_space<vmem_shared>> -> memref<10240x128xf32, #tpu.memory_space<vmem_shared>>
        tpu.enqueue_indirect_dma source(%arg15 : memref<128x128xf32, #tpu.memory_space<vmem>>) target(%dma_start3A_130 : memref<10240x128xf32, #tpu.memory_space<vmem_shared>>) offsets(%arg11 : memref<128xi32, #tpu.memory_space<vmem>>) semaphore(%arg24 : memref<!tpu.dma_semaphore, #tpu.memory_space<semaphore_mem>>) {add = true}
        %dma_wait3A_131 = arith.constant 0 : i32
        %dma_wait3A_132 = arith.constant 0 : i32
        %dma_wait3A_133 = tpu.memref_slice %arg17[%dma_wait3A_131, %dma_wait3A_132] : memref<10240x128xf32, #tpu.memory_space<vmem_shared>> -> memref<10240x128xf32, #tpu.memory_space<vmem_shared>>
        tpu.wait_indirect_dma semaphore(%arg24 : memref<!tpu.dma_semaphore, #tpu.memory_space<semaphore_mem>>) src(%arg15 : memref<128x128xf32, #tpu.memory_space<vmem>>) dst(%dma_wait3A_133 : memref<10240x128xf32, #tpu.memory_space<vmem_shared>>)
        %add3A_134 = arith.constant 4 : i32
        %add3A_135 = arith.addi %add3A_124, %add3A_134 : i32
        %lt3A = arith.constant 8 : i32
        %lt3A_136 = arith.cmpi slt, %add3A_135, %lt3A : i32
        %convert_element_type3A_137 = arith.extui %lt3A_136 : i1 to i32
        %cond3A_138 = arith.constant 0 : i32
        %cond3A_139 = arith.cmpi ne, %convert_element_type3A_137, %cond3A_138 : i32
        scf.if %cond3A_139 {
          %add3A_228 = arith.addi %add3A_15, %add3A_124 : i32
          %add3A_229 = arith.constant 4 : i32
          %add3A_230 = arith.addi %add3A_228, %add3A_229 : i32
          %dma_start3A_231 = arith.constant 0 : i32
          %dma_start3A_232 = tpu.memref_slice %arg2[%add3A_230, %dma_start3A_231] : memref<2560x128xi32, #tpu.memory_space<hbm>> -> memref<1x128xi32, #tpu.memory_space<hbm>>
          %dma_start3A_233 = tpu.memref_squeeze %dma_start3A_232 : memref<1x128xi32, #tpu.memory_space<hbm>> -> memref<128xi32, #tpu.memory_space<hbm>>
          %dma_start3A_234 = arith.constant 0 : i32
          %dma_start3A_235 = tpu.memref_slice %arg2[%add3A_230, %dma_start3A_234] : memref<2560x128xi32, #tpu.memory_space<hbm>> -> memref<1x128xi32, #tpu.memory_space<hbm>>
          %dma_start3A_236 = tpu.memref_squeeze %dma_start3A_235 : memref<1x128xi32, #tpu.memory_space<hbm>> -> memref<128xi32, #tpu.memory_space<hbm>>
          tpu.enqueue_dma source(%dma_start3A_236 : memref<128xi32, #tpu.memory_space<hbm>>) target(%arg7 : memref<128xi32, #tpu.memory_space<vmem>>) target_semaphore(%arg20 : memref<!tpu.dma_semaphore, #tpu.memory_space<semaphore_mem>>)
          %add3A_237 = arith.addi %add3A_15, %add3A_124 : i32
          %add3A_238 = arith.constant 4 : i32
          %add3A_239 = arith.addi %add3A_237, %add3A_238 : i32
          %dma_start3A_240 = arith.constant 0 : i32
          %dma_start3A_241 = tpu.memref_slice %arg3[%add3A_239, %dma_start3A_240] : memref<2560x128xi32, #tpu.memory_space<hbm>> -> memref<1x128xi32, #tpu.memory_space<hbm>>
          %dma_start3A_242 = tpu.memref_squeeze %dma_start3A_241 : memref<1x128xi32, #tpu.memory_space<hbm>> -> memref<128xi32, #tpu.memory_space<hbm>>
          %dma_start3A_243 = arith.constant 0 : i32
          %dma_start3A_244 = tpu.memref_slice %arg3[%add3A_239, %dma_start3A_243] : memref<2560x128xi32, #tpu.memory_space<hbm>> -> memref<1x128xi32, #tpu.memory_space<hbm>>
          %dma_start3A_245 = tpu.memref_squeeze %dma_start3A_244 : memref<1x128xi32, #tpu.memory_space<hbm>> -> memref<128xi32, #tpu.memory_space<hbm>>
          tpu.enqueue_dma source(%dma_start3A_245 : memref<128xi32, #tpu.memory_space<hbm>>) target(%arg11 : memref<128xi32, #tpu.memory_space<vmem>>) target_semaphore(%arg20 : memref<!tpu.dma_semaphore, #tpu.memory_space<semaphore_mem>>)
        } else {
        }
        %add3A_140 = arith.constant 2 : i32
        %add3A_141 = arith.addi %add3A_124, %add3A_140 : i32
        %lt3A_142 = arith.constant 8 : i32
        %lt3A_143 = arith.cmpi slt, %add3A_141, %lt3A_142 : i32
        %convert_element_type3A_144 = arith.extui %lt3A_143 : i1 to i32
        %cond3A_145 = arith.constant 0 : i32
        %cond3A_146 = arith.cmpi ne, %convert_element_type3A_144, %cond3A_145 : i32
        scf.if %cond3A_146 {
          %add3A_228 = arith.constant 2 : i32
          %add3A_229 = arith.addi %add3A_124, %add3A_228 : i32
          %add3A_230 = arith.addi %add3A_15, %add3A_229 : i32
          %dma_wait3A_231 = arith.constant 0 : i32
          %dma_wait3A_232 = tpu.memref_slice %arg2[%add3A_230, %dma_wait3A_231] : memref<2560x128xi32, #tpu.memory_space<hbm>> -> memref<1x128xi32, #tpu.memory_space<hbm>>
          %dma_wait3A_233 = tpu.memref_squeeze %dma_wait3A_232 : memref<1x128xi32, #tpu.memory_space<hbm>> -> memref<128xi32, #tpu.memory_space<hbm>>
          %dma_wait3A_234 = arith.constant 0 : i32
          %dma_wait3A_235 = tpu.memref_slice %arg2[%add3A_230, %dma_wait3A_234] : memref<2560x128xi32, #tpu.memory_space<hbm>> -> memref<1x128xi32, #tpu.memory_space<hbm>>
          %dma_wait3A_236 = tpu.memref_squeeze %dma_wait3A_235 : memref<1x128xi32, #tpu.memory_space<hbm>> -> memref<128xi32, #tpu.memory_space<hbm>>
          tpu.wait_dma2 semaphore(%arg22 : memref<!tpu.dma_semaphore, #tpu.memory_space<semaphore_mem>>) src(%dma_wait3A_236 : memref<128xi32, #tpu.memory_space<hbm>>) dst(%arg9 : memref<128xi32, #tpu.memory_space<vmem>>)
          %add3A_237 = arith.addi %add3A_15, %add3A_229 : i32
          %dma_wait3A_238 = arith.constant 0 : i32
          %dma_wait3A_239 = tpu.memref_slice %arg3[%add3A_237, %dma_wait3A_238] : memref<2560x128xi32, #tpu.memory_space<hbm>> -> memref<1x128xi32, #tpu.memory_space<hbm>>
          %dma_wait3A_240 = tpu.memref_squeeze %dma_wait3A_239 : memref<1x128xi32, #tpu.memory_space<hbm>> -> memref<128xi32, #tpu.memory_space<hbm>>
          %dma_wait3A_241 = arith.constant 0 : i32
          %dma_wait3A_242 = tpu.memref_slice %arg3[%add3A_237, %dma_wait3A_241] : memref<2560x128xi32, #tpu.memory_space<hbm>> -> memref<1x128xi32, #tpu.memory_space<hbm>>
          %dma_wait3A_243 = tpu.memref_squeeze %dma_wait3A_242 : memref<1x128xi32, #tpu.memory_space<hbm>> -> memref<128xi32, #tpu.memory_space<hbm>>
          tpu.wait_dma2 semaphore(%arg22 : memref<!tpu.dma_semaphore, #tpu.memory_space<semaphore_mem>>) src(%dma_wait3A_243 : memref<128xi32, #tpu.memory_space<hbm>>) dst(%arg13 : memref<128xi32, #tpu.memory_space<vmem>>)
          %dma_start3A_244 = arith.constant 0 : i32
          %dma_start3A_245 = arith.constant 0 : i32
          %dma_start3A_246 = tpu.memref_slice %arg4[%dma_start3A_244, %dma_start3A_245] : memref<10240x128xf32, #tpu.memory_space<hbm>> -> memref<10240x128xf32, #tpu.memory_space<hbm>>
          tpu.enqueue_indirect_dma source(%dma_start3A_246 : memref<10240x128xf32, #tpu.memory_space<hbm>>) target(%arg15 : memref<128x128xf32, #tpu.memory_space<vmem>>) offsets(%arg9 : memref<128xi32, #tpu.memory_space<vmem>>) semaphore(%arg18 : memref<!tpu.dma_semaphore, #tpu.memory_space<semaphore_mem>>)
        } else {
        }
        %mul3A_147 = arith.constant 4 : i32
        %mul3A_148 = arith.muli %scan3A_120, %mul3A_147 : i32
        %add3A_149 = arith.constant 1 : i32
        %add3A_150 = arith.addi %mul3A_148, %add3A_149 : i32
        %dma_wait3A_151 = arith.constant 0 : i32
        %dma_wait3A_152 = arith.constant 0 : i32
        %dma_wait3A_153 = tpu.memref_slice %arg4[%dma_wait3A_151, %dma_wait3A_152] : memref<10240x128xf32, #tpu.memory_space<hbm>> -> memref<10240x128xf32, #tpu.memory_space<hbm>>
        tpu.wait_indirect_dma semaphore(%arg19 : memref<!tpu.dma_semaphore, #tpu.memory_space<semaphore_mem>>) src(%dma_wait3A_153 : memref<10240x128xf32, #tpu.memory_space<hbm>>) dst(%arg16 : memref<128x128xf32, #tpu.memory_space<vmem>>)
        %dma_start3A_154 = arith.constant 0 : i32
        %dma_start3A_155 = arith.constant 0 : i32
        %dma_start3A_156 = tpu.memref_slice %arg17[%dma_start3A_154, %dma_start3A_155] : memref<10240x128xf32, #tpu.memory_space<vmem_shared>> -> memref<10240x128xf32, #tpu.memory_space<vmem_shared>>
        tpu.enqueue_indirect_dma source(%arg16 : memref<128x128xf32, #tpu.memory_space<vmem>>) target(%dma_start3A_156 : memref<10240x128xf32, #tpu.memory_space<vmem_shared>>) offsets(%arg12 : memref<128xi32, #tpu.memory_space<vmem>>) semaphore(%arg24 : memref<!tpu.dma_semaphore, #tpu.memory_space<semaphore_mem>>) {add = true}
        %dma_wait3A_157 = arith.constant 0 : i32
        %dma_wait3A_158 = arith.constant 0 : i32
        %dma_wait3A_159 = tpu.memref_slice %arg17[%dma_wait3A_157, %dma_wait3A_158] : memref<10240x128xf32, #tpu.memory_space<vmem_shared>> -> memref<10240x128xf32, #tpu.memory_space<vmem_shared>>
        tpu.wait_indirect_dma semaphore(%arg24 : memref<!tpu.dma_semaphore, #tpu.memory_space<semaphore_mem>>) src(%arg16 : memref<128x128xf32, #tpu.memory_space<vmem>>) dst(%dma_wait3A_159 : memref<10240x128xf32, #tpu.memory_space<vmem_shared>>)
        %add3A_160 = arith.constant 4 : i32
        %add3A_161 = arith.addi %add3A_150, %add3A_160 : i32
        %lt3A_162 = arith.constant 8 : i32
        %lt3A_163 = arith.cmpi slt, %add3A_161, %lt3A_162 : i32
        %convert_element_type3A_164 = arith.extui %lt3A_163 : i1 to i32
        %cond3A_165 = arith.constant 0 : i32
        %cond3A_166 = arith.cmpi ne, %convert_element_type3A_164, %cond3A_165 : i32
        scf.if %cond3A_166 {
          %add3A_228 = arith.addi %add3A_15, %add3A_150 : i32
          %add3A_229 = arith.constant 4 : i32
          %add3A_230 = arith.addi %add3A_228, %add3A_229 : i32
          %dma_start3A_231 = arith.constant 0 : i32
          %dma_start3A_232 = tpu.memref_slice %arg2[%add3A_230, %dma_start3A_231] : memref<2560x128xi32, #tpu.memory_space<hbm>> -> memref<1x128xi32, #tpu.memory_space<hbm>>
          %dma_start3A_233 = tpu.memref_squeeze %dma_start3A_232 : memref<1x128xi32, #tpu.memory_space<hbm>> -> memref<128xi32, #tpu.memory_space<hbm>>
          %dma_start3A_234 = arith.constant 0 : i32
          %dma_start3A_235 = tpu.memref_slice %arg2[%add3A_230, %dma_start3A_234] : memref<2560x128xi32, #tpu.memory_space<hbm>> -> memref<1x128xi32, #tpu.memory_space<hbm>>
          %dma_start3A_236 = tpu.memref_squeeze %dma_start3A_235 : memref<1x128xi32, #tpu.memory_space<hbm>> -> memref<128xi32, #tpu.memory_space<hbm>>
          tpu.enqueue_dma source(%dma_start3A_236 : memref<128xi32, #tpu.memory_space<hbm>>) target(%arg8 : memref<128xi32, #tpu.memory_space<vmem>>) target_semaphore(%arg21 : memref<!tpu.dma_semaphore, #tpu.memory_space<semaphore_mem>>)
          %add3A_237 = arith.addi %add3A_15, %add3A_150 : i32
          %add3A_238 = arith.constant 4 : i32
          %add3A_239 = arith.addi %add3A_237, %add3A_238 : i32
          %dma_start3A_240 = arith.constant 0 : i32
          %dma_start3A_241 = tpu.memref_slice %arg3[%add3A_239, %dma_start3A_240] : memref<2560x128xi32, #tpu.memory_space<hbm>> -> memref<1x128xi32, #tpu.memory_space<hbm>>
          %dma_start3A_242 = tpu.memref_squeeze %dma_start3A_241 : memref<1x128xi32, #tpu.memory_space<hbm>> -> memref<128xi32, #tpu.memory_space<hbm>>
          %dma_start3A_243 = arith.constant 0 : i32
          %dma_start3A_244 = tpu.memref_slice %arg3[%add3A_239, %dma_start3A_243] : memref<2560x128xi32, #tpu.memory_space<hbm>> -> memref<1x128xi32, #tpu.memory_space<hbm>>
          %dma_start3A_245 = tpu.memref_squeeze %dma_start3A_244 : memref<1x128xi32, #tpu.memory_space<hbm>> -> memref<128xi32, #tpu.memory_space<hbm>>
          tpu.enqueue_dma source(%dma_start3A_245 : memref<128xi32, #tpu.memory_space<hbm>>) target(%arg12 : memref<128xi32, #tpu.memory_space<vmem>>) target_semaphore(%arg21 : memref<!tpu.dma_semaphore, #tpu.memory_space<semaphore_mem>>)
        } else {
        }
        %add3A_167 = arith.constant 2 : i32
        %add3A_168 = arith.addi %add3A_150, %add3A_167 : i32
        %lt3A_169 = arith.constant 8 : i32
        %lt3A_170 = arith.cmpi slt, %add3A_168, %lt3A_169 : i32
        %convert_element_type3A_171 = arith.extui %lt3A_170 : i1 to i32
        %cond3A_172 = arith.constant 0 : i32
        %cond3A_173 = arith.cmpi ne, %convert_element_type3A_171, %cond3A_172 : i32
        scf.if %cond3A_173 {
          %add3A_228 = arith.constant 2 : i32
          %add3A_229 = arith.addi %add3A_150, %add3A_228 : i32
          %add3A_230 = arith.addi %add3A_15, %add3A_229 : i32
          %dma_wait3A_231 = arith.constant 0 : i32
          %dma_wait3A_232 = tpu.memref_slice %arg2[%add3A_230, %dma_wait3A_231] : memref<2560x128xi32, #tpu.memory_space<hbm>> -> memref<1x128xi32, #tpu.memory_space<hbm>>
          %dma_wait3A_233 = tpu.memref_squeeze %dma_wait3A_232 : memref<1x128xi32, #tpu.memory_space<hbm>> -> memref<128xi32, #tpu.memory_space<hbm>>
          %dma_wait3A_234 = arith.constant 0 : i32
          %dma_wait3A_235 = tpu.memref_slice %arg2[%add3A_230, %dma_wait3A_234] : memref<2560x128xi32, #tpu.memory_space<hbm>> -> memref<1x128xi32, #tpu.memory_space<hbm>>
          %dma_wait3A_236 = tpu.memref_squeeze %dma_wait3A_235 : memref<1x128xi32, #tpu.memory_space<hbm>> -> memref<128xi32, #tpu.memory_space<hbm>>
          tpu.wait_dma2 semaphore(%arg23 : memref<!tpu.dma_semaphore, #tpu.memory_space<semaphore_mem>>) src(%dma_wait3A_236 : memref<128xi32, #tpu.memory_space<hbm>>) dst(%arg10 : memref<128xi32, #tpu.memory_space<vmem>>)
          %add3A_237 = arith.addi %add3A_15, %add3A_229 : i32
          %dma_wait3A_238 = arith.constant 0 : i32
          %dma_wait3A_239 = tpu.memref_slice %arg3[%add3A_237, %dma_wait3A_238] : memref<2560x128xi32, #tpu.memory_space<hbm>> -> memref<1x128xi32, #tpu.memory_space<hbm>>
          %dma_wait3A_240 = tpu.memref_squeeze %dma_wait3A_239 : memref<1x128xi32, #tpu.memory_space<hbm>> -> memref<128xi32, #tpu.memory_space<hbm>>
          %dma_wait3A_241 = arith.constant 0 : i32
          %dma_wait3A_242 = tpu.memref_slice %arg3[%add3A_237, %dma_wait3A_241] : memref<2560x128xi32, #tpu.memory_space<hbm>> -> memref<1x128xi32, #tpu.memory_space<hbm>>
          %dma_wait3A_243 = tpu.memref_squeeze %dma_wait3A_242 : memref<1x128xi32, #tpu.memory_space<hbm>> -> memref<128xi32, #tpu.memory_space<hbm>>
          tpu.wait_dma2 semaphore(%arg23 : memref<!tpu.dma_semaphore, #tpu.memory_space<semaphore_mem>>) src(%dma_wait3A_243 : memref<128xi32, #tpu.memory_space<hbm>>) dst(%arg14 : memref<128xi32, #tpu.memory_space<vmem>>)
          %dma_start3A_244 = arith.constant 0 : i32
          %dma_start3A_245 = arith.constant 0 : i32
          %dma_start3A_246 = tpu.memref_slice %arg4[%dma_start3A_244, %dma_start3A_245] : memref<10240x128xf32, #tpu.memory_space<hbm>> -> memref<10240x128xf32, #tpu.memory_space<hbm>>
          tpu.enqueue_indirect_dma source(%dma_start3A_246 : memref<10240x128xf32, #tpu.memory_space<hbm>>) target(%arg16 : memref<128x128xf32, #tpu.memory_space<vmem>>) offsets(%arg10 : memref<128xi32, #tpu.memory_space<vmem>>) semaphore(%arg19 : memref<!tpu.dma_semaphore, #tpu.memory_space<semaphore_mem>>)
        } else {
        }
        %mul3A_174 = arith.constant 4 : i32
        %mul3A_175 = arith.muli %scan3A_120, %mul3A_174 : i32
        %add3A_176 = arith.constant 2 : i32
        %add3A_177 = arith.addi %mul3A_175, %add3A_176 : i32
        %dma_wait3A_178 = arith.constant 0 : i32
        %dma_wait3A_179 = arith.constant 0 : i32
        %dma_wait3A_180 = tpu.memref_slice %arg4[%dma_wait3A_178, %dma_wait3A_179] : memref<10240x128xf32, #tpu.memory_space<hbm>> -> memref<10240x128xf32, #tpu.memory_space<hbm>>
        tpu.wait_indirect_dma semaphore(%arg18 : memref<!tpu.dma_semaphore, #tpu.memory_space<semaphore_mem>>) src(%dma_wait3A_180 : memref<10240x128xf32, #tpu.memory_space<hbm>>) dst(%arg15 : memref<128x128xf32, #tpu.memory_space<vmem>>)
        %dma_start3A_181 = arith.constant 0 : i32
        %dma_start3A_182 = arith.constant 0 : i32
        %dma_start3A_183 = tpu.memref_slice %arg17[%dma_start3A_181, %dma_start3A_182] : memref<10240x128xf32, #tpu.memory_space<vmem_shared>> -> memref<10240x128xf32, #tpu.memory_space<vmem_shared>>
        tpu.enqueue_indirect_dma source(%arg15 : memref<128x128xf32, #tpu.memory_space<vmem>>) target(%dma_start3A_183 : memref<10240x128xf32, #tpu.memory_space<vmem_shared>>) offsets(%arg13 : memref<128xi32, #tpu.memory_space<vmem>>) semaphore(%arg24 : memref<!tpu.dma_semaphore, #tpu.memory_space<semaphore_mem>>) {add = true}
        %dma_wait3A_184 = arith.constant 0 : i32
        %dma_wait3A_185 = arith.constant 0 : i32
        %dma_wait3A_186 = tpu.memref_slice %arg17[%dma_wait3A_184, %dma_wait3A_185] : memref<10240x128xf32, #tpu.memory_space<vmem_shared>> -> memref<10240x128xf32, #tpu.memory_space<vmem_shared>>
        tpu.wait_indirect_dma semaphore(%arg24 : memref<!tpu.dma_semaphore, #tpu.memory_space<semaphore_mem>>) src(%arg15 : memref<128x128xf32, #tpu.memory_space<vmem>>) dst(%dma_wait3A_186 : memref<10240x128xf32, #tpu.memory_space<vmem_shared>>)
        %add3A_187 = arith.constant 4 : i32
        %add3A_188 = arith.addi %add3A_177, %add3A_187 : i32
        %lt3A_189 = arith.constant 8 : i32
        %lt3A_190 = arith.cmpi slt, %add3A_188, %lt3A_189 : i32
        %convert_element_type3A_191 = arith.extui %lt3A_190 : i1 to i32
        %cond3A_192 = arith.constant 0 : i32
        %cond3A_193 = arith.cmpi ne, %convert_element_type3A_191, %cond3A_192 : i32
        scf.if %cond3A_193 {
          %add3A_228 = arith.addi %add3A_15, %add3A_177 : i32
          %add3A_229 = arith.constant 4 : i32
          %add3A_230 = arith.addi %add3A_228, %add3A_229 : i32
          %dma_start3A_231 = arith.constant 0 : i32
          %dma_start3A_232 = tpu.memref_slice %arg2[%add3A_230, %dma_start3A_231] : memref<2560x128xi32, #tpu.memory_space<hbm>> -> memref<1x128xi32, #tpu.memory_space<hbm>>
          %dma_start3A_233 = tpu.memref_squeeze %dma_start3A_232 : memref<1x128xi32, #tpu.memory_space<hbm>> -> memref<128xi32, #tpu.memory_space<hbm>>
          %dma_start3A_234 = arith.constant 0 : i32
          %dma_start3A_235 = tpu.memref_slice %arg2[%add3A_230, %dma_start3A_234] : memref<2560x128xi32, #tpu.memory_space<hbm>> -> memref<1x128xi32, #tpu.memory_space<hbm>>
          %dma_start3A_236 = tpu.memref_squeeze %dma_start3A_235 : memref<1x128xi32, #tpu.memory_space<hbm>> -> memref<128xi32, #tpu.memory_space<hbm>>
          tpu.enqueue_dma source(%dma_start3A_236 : memref<128xi32, #tpu.memory_space<hbm>>) target(%arg9 : memref<128xi32, #tpu.memory_space<vmem>>) target_semaphore(%arg22 : memref<!tpu.dma_semaphore, #tpu.memory_space<semaphore_mem>>)
          %add3A_237 = arith.addi %add3A_15, %add3A_177 : i32
          %add3A_238 = arith.constant 4 : i32
          %add3A_239 = arith.addi %add3A_237, %add3A_238 : i32
          %dma_start3A_240 = arith.constant 0 : i32
          %dma_start3A_241 = tpu.memref_slice %arg3[%add3A_239, %dma_start3A_240] : memref<2560x128xi32, #tpu.memory_space<hbm>> -> memref<1x128xi32, #tpu.memory_space<hbm>>
          %dma_start3A_242 = tpu.memref_squeeze %dma_start3A_241 : memref<1x128xi32, #tpu.memory_space<hbm>> -> memref<128xi32, #tpu.memory_space<hbm>>
          %dma_start3A_243 = arith.constant 0 : i32
          %dma_start3A_244 = tpu.memref_slice %arg3[%add3A_239, %dma_start3A_243] : memref<2560x128xi32, #tpu.memory_space<hbm>> -> memref<1x128xi32, #tpu.memory_space<hbm>>
          %dma_start3A_245 = tpu.memref_squeeze %dma_start3A_244 : memref<1x128xi32, #tpu.memory_space<hbm>> -> memref<128xi32, #tpu.memory_space<hbm>>
          tpu.enqueue_dma source(%dma_start3A_245 : memref<128xi32, #tpu.memory_space<hbm>>) target(%arg13 : memref<128xi32, #tpu.memory_space<vmem>>) target_semaphore(%arg22 : memref<!tpu.dma_semaphore, #tpu.memory_space<semaphore_mem>>)
        } else {
        }
        %add3A_194 = arith.constant 2 : i32
        %add3A_195 = arith.addi %add3A_177, %add3A_194 : i32
        %lt3A_196 = arith.constant 8 : i32
        %lt3A_197 = arith.cmpi slt, %add3A_195, %lt3A_196 : i32
        %convert_element_type3A_198 = arith.extui %lt3A_197 : i1 to i32
        %cond3A_199 = arith.constant 0 : i32
        %cond3A_200 = arith.cmpi ne, %convert_element_type3A_198, %cond3A_199 : i32
        scf.if %cond3A_200 {
          %add3A_228 = arith.constant 2 : i32
          %add3A_229 = arith.addi %add3A_177, %add3A_228 : i32
          %add3A_230 = arith.addi %add3A_15, %add3A_229 : i32
          %dma_wait3A_231 = arith.constant 0 : i32
          %dma_wait3A_232 = tpu.memref_slice %arg2[%add3A_230, %dma_wait3A_231] : memref<2560x128xi32, #tpu.memory_space<hbm>> -> memref<1x128xi32, #tpu.memory_space<hbm>>
          %dma_wait3A_233 = tpu.memref_squeeze %dma_wait3A_232 : memref<1x128xi32, #tpu.memory_space<hbm>> -> memref<128xi32, #tpu.memory_space<hbm>>
          %dma_wait3A_234 = arith.constant 0 : i32
          %dma_wait3A_235 = tpu.memref_slice %arg2[%add3A_230, %dma_wait3A_234] : memref<2560x128xi32, #tpu.memory_space<hbm>> -> memref<1x128xi32, #tpu.memory_space<hbm>>
          %dma_wait3A_236 = tpu.memref_squeeze %dma_wait3A_235 : memref<1x128xi32, #tpu.memory_space<hbm>> -> memref<128xi32, #tpu.memory_space<hbm>>
          tpu.wait_dma2 semaphore(%arg20 : memref<!tpu.dma_semaphore, #tpu.memory_space<semaphore_mem>>) src(%dma_wait3A_236 : memref<128xi32, #tpu.memory_space<hbm>>) dst(%arg7 : memref<128xi32, #tpu.memory_space<vmem>>)
          %add3A_237 = arith.addi %add3A_15, %add3A_229 : i32
          %dma_wait3A_238 = arith.constant 0 : i32
          %dma_wait3A_239 = tpu.memref_slice %arg3[%add3A_237, %dma_wait3A_238] : memref<2560x128xi32, #tpu.memory_space<hbm>> -> memref<1x128xi32, #tpu.memory_space<hbm>>
          %dma_wait3A_240 = tpu.memref_squeeze %dma_wait3A_239 : memref<1x128xi32, #tpu.memory_space<hbm>> -> memref<128xi32, #tpu.memory_space<hbm>>
          %dma_wait3A_241 = arith.constant 0 : i32
          %dma_wait3A_242 = tpu.memref_slice %arg3[%add3A_237, %dma_wait3A_241] : memref<2560x128xi32, #tpu.memory_space<hbm>> -> memref<1x128xi32, #tpu.memory_space<hbm>>
          %dma_wait3A_243 = tpu.memref_squeeze %dma_wait3A_242 : memref<1x128xi32, #tpu.memory_space<hbm>> -> memref<128xi32, #tpu.memory_space<hbm>>
          tpu.wait_dma2 semaphore(%arg20 : memref<!tpu.dma_semaphore, #tpu.memory_space<semaphore_mem>>) src(%dma_wait3A_243 : memref<128xi32, #tpu.memory_space<hbm>>) dst(%arg11 : memref<128xi32, #tpu.memory_space<vmem>>)
          %dma_start3A_244 = arith.constant 0 : i32
          %dma_start3A_245 = arith.constant 0 : i32
          %dma_start3A_246 = tpu.memref_slice %arg4[%dma_start3A_244, %dma_start3A_245] : memref<10240x128xf32, #tpu.memory_space<hbm>> -> memref<10240x128xf32, #tpu.memory_space<hbm>>
          tpu.enqueue_indirect_dma source(%dma_start3A_246 : memref<10240x128xf32, #tpu.memory_space<hbm>>) target(%arg15 : memref<128x128xf32, #tpu.memory_space<vmem>>) offsets(%arg7 : memref<128xi32, #tpu.memory_space<vmem>>) semaphore(%arg18 : memref<!tpu.dma_semaphore, #tpu.memory_space<semaphore_mem>>)
        } else {
        }
        %mul3A_201 = arith.constant 4 : i32
        %mul3A_202 = arith.muli %scan3A_120, %mul3A_201 : i32
        %add3A_203 = arith.constant 3 : i32
        %add3A_204 = arith.addi %mul3A_202, %add3A_203 : i32
        %dma_wait3A_205 = arith.constant 0 : i32
        %dma_wait3A_206 = arith.constant 0 : i32
        %dma_wait3A_207 = tpu.memref_slice %arg4[%dma_wait3A_205, %dma_wait3A_206] : memref<10240x128xf32, #tpu.memory_space<hbm>> -> memref<10240x128xf32, #tpu.memory_space<hbm>>
        tpu.wait_indirect_dma semaphore(%arg19 : memref<!tpu.dma_semaphore, #tpu.memory_space<semaphore_mem>>) src(%dma_wait3A_207 : memref<10240x128xf32, #tpu.memory_space<hbm>>) dst(%arg16 : memref<128x128xf32, #tpu.memory_space<vmem>>)
        %dma_start3A_208 = arith.constant 0 : i32
        %dma_start3A_209 = arith.constant 0 : i32
        %dma_start3A_210 = tpu.memref_slice %arg17[%dma_start3A_208, %dma_start3A_209] : memref<10240x128xf32, #tpu.memory_space<vmem_shared>> -> memref<10240x128xf32, #tpu.memory_space<vmem_shared>>
        tpu.enqueue_indirect_dma source(%arg16 : memref<128x128xf32, #tpu.memory_space<vmem>>) target(%dma_start3A_210 : memref<10240x128xf32, #tpu.memory_space<vmem_shared>>) offsets(%arg14 : memref<128xi32, #tpu.memory_space<vmem>>) semaphore(%arg24 : memref<!tpu.dma_semaphore, #tpu.memory_space<semaphore_mem>>) {add = true}
        %dma_wait3A_211 = arith.constant 0 : i32
        %dma_wait3A_212 = arith.constant 0 : i32
        %dma_wait3A_213 = tpu.memref_slice %arg17[%dma_wait3A_211, %dma_wait3A_212] : memref<10240x128xf32, #tpu.memory_space<vmem_shared>> -> memref<10240x128xf32, #tpu.memory_space<vmem_shared>>
        tpu.wait_indirect_dma semaphore(%arg24 : memref<!tpu.dma_semaphore, #tpu.memory_space<semaphore_mem>>) src(%arg16 : memref<128x128xf32, #tpu.memory_space<vmem>>) dst(%dma_wait3A_213 : memref<10240x128xf32, #tpu.memory_space<vmem_shared>>)
        %add3A_214 = arith.constant 4 : i32
        %add3A_215 = arith.addi %add3A_204, %add3A_214 : i32
        %lt3A_216 = arith.constant 8 : i32
        %lt3A_217 = arith.cmpi slt, %add3A_215, %lt3A_216 : i32
        %convert_element_type3A_218 = arith.extui %lt3A_217 : i1 to i32
        %cond3A_219 = arith.constant 0 : i32
        %cond3A_220 = arith.cmpi ne, %convert_element_type3A_218, %cond3A_219 : i32
        scf.if %cond3A_220 {
          %add3A_228 = arith.addi %add3A_15, %add3A_204 : i32
          %add3A_229 = arith.constant 4 : i32
          %add3A_230 = arith.addi %add3A_228, %add3A_229 : i32
          %dma_start3A_231 = arith.constant 0 : i32
          %dma_start3A_232 = tpu.memref_slice %arg2[%add3A_230, %dma_start3A_231] : memref<2560x128xi32, #tpu.memory_space<hbm>> -> memref<1x128xi32, #tpu.memory_space<hbm>>
          %dma_start3A_233 = tpu.memref_squeeze %dma_start3A_232 : memref<1x128xi32, #tpu.memory_space<hbm>> -> memref<128xi32, #tpu.memory_space<hbm>>
          %dma_start3A_234 = arith.constant 0 : i32
          %dma_start3A_235 = tpu.memref_slice %arg2[%add3A_230, %dma_start3A_234] : memref<2560x128xi32, #tpu.memory_space<hbm>> -> memref<1x128xi32, #tpu.memory_space<hbm>>
          %dma_start3A_236 = tpu.memref_squeeze %dma_start3A_235 : memref<1x128xi32, #tpu.memory_space<hbm>> -> memref<128xi32, #tpu.memory_space<hbm>>
          tpu.enqueue_dma source(%dma_start3A_236 : memref<128xi32, #tpu.memory_space<hbm>>) target(%arg10 : memref<128xi32, #tpu.memory_space<vmem>>) target_semaphore(%arg23 : memref<!tpu.dma_semaphore, #tpu.memory_space<semaphore_mem>>)
          %add3A_237 = arith.addi %add3A_15, %add3A_204 : i32
          %add3A_238 = arith.constant 4 : i32
          %add3A_239 = arith.addi %add3A_237, %add3A_238 : i32
          %dma_start3A_240 = arith.constant 0 : i32
          %dma_start3A_241 = tpu.memref_slice %arg3[%add3A_239, %dma_start3A_240] : memref<2560x128xi32, #tpu.memory_space<hbm>> -> memref<1x128xi32, #tpu.memory_space<hbm>>
          %dma_start3A_242 = tpu.memref_squeeze %dma_start3A_241 : memref<1x128xi32, #tpu.memory_space<hbm>> -> memref<128xi32, #tpu.memory_space<hbm>>
          %dma_start3A_243 = arith.constant 0 : i32
          %dma_start3A_244 = tpu.memref_slice %arg3[%add3A_239, %dma_start3A_243] : memref<2560x128xi32, #tpu.memory_space<hbm>> -> memref<1x128xi32, #tpu.memory_space<hbm>>
          %dma_start3A_245 = tpu.memref_squeeze %dma_start3A_244 : memref<1x128xi32, #tpu.memory_space<hbm>> -> memref<128xi32, #tpu.memory_space<hbm>>
          tpu.enqueue_dma source(%dma_start3A_245 : memref<128xi32, #tpu.memory_space<hbm>>) target(%arg14 : memref<128xi32, #tpu.memory_space<vmem>>) target_semaphore(%arg23 : memref<!tpu.dma_semaphore, #tpu.memory_space<semaphore_mem>>)
        } else {
        }
        %add3A_221 = arith.constant 2 : i32
        %add3A_222 = arith.addi %add3A_204, %add3A_221 : i32
        %lt3A_223 = arith.constant 8 : i32
        %lt3A_224 = arith.cmpi slt, %add3A_222, %lt3A_223 : i32
        %convert_element_type3A_225 = arith.extui %lt3A_224 : i1 to i32
        %cond3A_226 = arith.constant 0 : i32
        %cond3A_227 = arith.cmpi ne, %convert_element_type3A_225, %cond3A_226 : i32
        scf.if %cond3A_227 {
          %add3A_228 = arith.constant 2 : i32
          %add3A_229 = arith.addi %add3A_204, %add3A_228 : i32
          %add3A_230 = arith.addi %add3A_15, %add3A_229 : i32
          %dma_wait3A_231 = arith.constant 0 : i32
          %dma_wait3A_232 = tpu.memref_slice %arg2[%add3A_230, %dma_wait3A_231] : memref<2560x128xi32, #tpu.memory_space<hbm>> -> memref<1x128xi32, #tpu.memory_space<hbm>>
          %dma_wait3A_233 = tpu.memref_squeeze %dma_wait3A_232 : memref<1x128xi32, #tpu.memory_space<hbm>> -> memref<128xi32, #tpu.memory_space<hbm>>
          %dma_wait3A_234 = arith.constant 0 : i32
          %dma_wait3A_235 = tpu.memref_slice %arg2[%add3A_230, %dma_wait3A_234] : memref<2560x128xi32, #tpu.memory_space<hbm>> -> memref<1x128xi32, #tpu.memory_space<hbm>>
          %dma_wait3A_236 = tpu.memref_squeeze %dma_wait3A_235 : memref<1x128xi32, #tpu.memory_space<hbm>> -> memref<128xi32, #tpu.memory_space<hbm>>
          tpu.wait_dma2 semaphore(%arg21 : memref<!tpu.dma_semaphore, #tpu.memory_space<semaphore_mem>>) src(%dma_wait3A_236 : memref<128xi32, #tpu.memory_space<hbm>>) dst(%arg8 : memref<128xi32, #tpu.memory_space<vmem>>)
          %add3A_237 = arith.addi %add3A_15, %add3A_229 : i32
          %dma_wait3A_238 = arith.constant 0 : i32
          %dma_wait3A_239 = tpu.memref_slice %arg3[%add3A_237, %dma_wait3A_238] : memref<2560x128xi32, #tpu.memory_space<hbm>> -> memref<1x128xi32, #tpu.memory_space<hbm>>
          %dma_wait3A_240 = tpu.memref_squeeze %dma_wait3A_239 : memref<1x128xi32, #tpu.memory_space<hbm>> -> memref<128xi32, #tpu.memory_space<hbm>>
          %dma_wait3A_241 = arith.constant 0 : i32
          %dma_wait3A_242 = tpu.memref_slice %arg3[%add3A_237, %dma_wait3A_241] : memref<2560x128xi32, #tpu.memory_space<hbm>> -> memref<1x128xi32, #tpu.memory_space<hbm>>
          %dma_wait3A_243 = tpu.memref_squeeze %dma_wait3A_242 : memref<1x128xi32, #tpu.memory_space<hbm>> -> memref<128xi32, #tpu.memory_space<hbm>>
          tpu.wait_dma2 semaphore(%arg21 : memref<!tpu.dma_semaphore, #tpu.memory_space<semaphore_mem>>) src(%dma_wait3A_243 : memref<128xi32, #tpu.memory_space<hbm>>) dst(%arg12 : memref<128xi32, #tpu.memory_space<vmem>>)
          %dma_start3A_244 = arith.constant 0 : i32
          %dma_start3A_245 = arith.constant 0 : i32
          %dma_start3A_246 = tpu.memref_slice %arg4[%dma_start3A_244, %dma_start3A_245] : memref<10240x128xf32, #tpu.memory_space<hbm>> -> memref<10240x128xf32, #tpu.memory_space<hbm>>
          tpu.enqueue_indirect_dma source(%dma_start3A_246 : memref<10240x128xf32, #tpu.memory_space<hbm>>) target(%arg16 : memref<128x128xf32, #tpu.memory_space<vmem>>) offsets(%arg8 : memref<128xi32, #tpu.memory_space<vmem>>) semaphore(%arg19 : memref<!tpu.dma_semaphore, #tpu.memory_space<semaphore_mem>>)
        } else {
        }
      }
      %scan3A_119 = arith.constant 2 : i32
    } else {
    }
    %barrier3A_8 = arith.constant 0 : index
    tpu.barrier barrier_id(%barrier3A_8)
    %mul3A_9 = arith.constant 640 : i32
    %mul3A_10 = arith.muli %arg1, %mul3A_9 : i32
    %mul3A_11 = arith.constant 640 : i32
    %mul3A_12 = arith.muli %arg1, %mul3A_11 : i32
    "tpu.region"() ({
      %run_scoped3A = tpu.sem_alloc : memref<!tpu.dma_semaphore, #tpu.memory_space<semaphore_mem>>
      %dma_start3A = arith.constant 0 : i32
      %dma_start3A_13 = tpu.memref_slice %arg6[%arg0, %mul3A_12, %dma_start3A] : memref<2x10240x128xf32, #tpu.memory_space<hbm>> -> memref<1x640x128xf32, #tpu.memory_space<hbm>>
      %dma_start3A_14 = tpu.memref_squeeze %dma_start3A_13 : memref<1x640x128xf32, #tpu.memory_space<hbm>> -> memref<640x128xf32, #tpu.memory_space<hbm>>
      %dma_start3A_15 = arith.constant 0 : i32
      %dma_start3A_16 = tpu.memref_slice %arg17[%mul3A_10, %dma_start3A_15] : memref<10240x128xf32, #tpu.memory_space<vmem_shared>> -> memref<640x128xf32, #tpu.memory_space<vmem_shared>>
      tpu.enqueue_dma source(%dma_start3A_16 : memref<640x128xf32, #tpu.memory_space<vmem_shared>>) target(%dma_start3A_14 : memref<640x128xf32, #tpu.memory_space<hbm>>) target_semaphore(%run_scoped3A : memref<!tpu.dma_semaphore, #tpu.memory_space<semaphore_mem>>)
      %dma_wait3A = arith.constant 0 : i32
      %dma_wait3A_17 = tpu.memref_slice %arg6[%arg0, %mul3A_12, %dma_wait3A] : memref<2x10240x128xf32, #tpu.memory_space<hbm>> -> memref<1x640x128xf32, #tpu.memory_space<hbm>>
      %dma_wait3A_18 = tpu.memref_squeeze %dma_wait3A_17 : memref<1x640x128xf32, #tpu.memory_space<hbm>> -> memref<640x128xf32, #tpu.memory_space<hbm>>
      %dma_wait3A_19 = arith.constant 0 : i32
      %dma_wait3A_20 = tpu.memref_slice %arg17[%mul3A_10, %dma_wait3A_19] : memref<10240x128xf32, #tpu.memory_space<vmem_shared>> -> memref<640x128xf32, #tpu.memory_space<vmem_shared>>
      tpu.wait_dma2 semaphore(%run_scoped3A : memref<!tpu.dma_semaphore, #tpu.memory_space<semaphore_mem>>) src(%dma_wait3A_20 : memref<640x128xf32, #tpu.memory_space<vmem_shared>>) dst(%dma_wait3A_18 : memref<640x128xf32, #tpu.memory_space<hbm>>)
      tpu.yield
    }) : () -> ()
    return
  }
}

#map = affine_map<(d0, d1) -> (0, 0)>
#map1 = affine_map<(d0, d1) -> (0, 0, 0)>
module attributes {stable_mosaic.version = 14 : i64} {
  func.func @_scatter_sc(%arg0: i32, %arg1: i32, %arg2: memref<2560x128xi32, #tpu.memory_space<hbm>>, %arg3: memref<2560x128xi32, #tpu.memory_space<hbm>>, %arg4: memref<10240x128xf32, #tpu.memory_space<hbm>>, %arg5: memref<640x128xf32, #tpu.memory_space<hbm>>, %arg6: memref<2x10240x128xf32, #tpu.memory_space<hbm>>, %arg7: memref<128xi32, #tpu.memory_space<vmem>>, %arg8: memref<128xi32, #tpu.memory_space<vmem>>, %arg9: memref<128xi32, #tpu.memory_space<vmem>>, %arg10: memref<128xi32, #tpu.memory_space<vmem>>, %arg11: memref<128xi32, #tpu.memory_space<vmem>>, %arg12: memref<128xi32, #tpu.memory_space<vmem>>, %arg13: memref<128xi32, #tpu.memory_space<vmem>>, %arg14: memref<128xi32, #tpu.memory_space<vmem>>, %arg15: memref<128x128xf32, #tpu.memory_space<vmem>>, %arg16: memref<128x128xf32, #tpu.memory_space<vmem>>, %arg17: memref<10240x128xf32, #tpu.memory_space<vmem_shared>>, %arg18: memref<!tpu.dma_semaphore, #tpu.memory_space<semaphore_mem>>, %arg19: memref<!tpu.dma_semaphore, #tpu.memory_space<semaphore_mem>>, %arg20: memref<!tpu.dma_semaphore, #tpu.memory_space<semaphore_mem>>, %arg21: memref<!tpu.dma_semaphore, #tpu.memory_space<semaphore_mem>>, %arg22: memref<!tpu.dma_semaphore, #tpu.memory_space<semaphore_mem>>, %arg23: memref<!tpu.dma_semaphore, #tpu.memory_space<semaphore_mem>>, %arg24: memref<!tpu.dma_semaphore, #tpu.memory_space<semaphore_mem>>) attributes {dimension_semantics = [#tpu.dimension_semantics<core_parallel>, #tpu.dimension_semantics<subcore_parallel>], iteration_bounds = array<i64: 2, 16>, scalar_prefetch = 0 : i64, scratch_operands = 18 : i64, tpu.core_type = #tpu.core_type<sc_vector_subcore>, window_params = [{transform_indices = #map}, {transform_indices = #map}, {transform_indices = #map}, {transform_indices = #map}, {transform_indices = #map1}]} {
    %mul3A = arith.constant 640 : i32
    %mul3A_0 = arith.muli %arg1, %mul3A : i32
    "tpu.region"() ({
      %run_scoped3A = tpu.sem_alloc : memref<!tpu.dma_semaphore, #tpu.memory_space<semaphore_mem>>
      %dma_start3A = arith.constant 0 : i32
      %dma_start3A_13 = tpu.memref_slice %arg17[%mul3A_0, %dma_start3A] : memref<10240x128xf32, #tpu.memory_space<vmem_shared>> -> memref<640x128xf32, #tpu.memory_space<vmem_shared>>
      tpu.enqueue_dma source(%arg5 : memref<640x128xf32, #tpu.memory_space<hbm>>) target(%dma_start3A_13 : memref<640x128xf32, #tpu.memory_space<vmem_shared>>) target_semaphore(%run_scoped3A : memref<!tpu.dma_semaphore, #tpu.memory_space<semaphore_mem>>)
      %dma_wait3A = arith.constant 0 : i32
      %dma_wait3A_14 = tpu.memref_slice %arg17[%mul3A_0, %dma_wait3A] : memref<10240x128xf32, #tpu.memory_space<vmem_shared>> -> memref<640x128xf32, #tpu.memory_space<vmem_shared>>
      tpu.wait_dma2 semaphore(%run_scoped3A : memref<!tpu.dma_semaphore, #tpu.memory_space<semaphore_mem>>) src(%arg5 : memref<640x128xf32, #tpu.memory_space<hbm>>) dst(%dma_wait3A_14 : memref<640x128xf32, #tpu.memory_space<vmem_shared>>)
      tpu.yield
    }) : () -> ()
    %barrier3A = arith.constant 0 : index
    tpu.barrier barrier_id(%barrier3A)
    %eq3A = arith.constant 0 : i32
    %eq3A_1 = arith.cmpi eq, %arg0, %eq3A : i32
    %convert_element_type3A = arith.extui %eq3A_1 : i1 to i32
    %cond3A = arith.constant 0 : i32
    %cond3A_2 = arith.cmpi ne, %convert_element_type3A, %cond3A : i32
    scf.if %cond3A_2 {
      %mul3A_13 = arith.constant 152 : i32
      %mul3A_14 = arith.muli %arg1, %mul3A_13 : i32
      %add3A = arith.constant 0 : i32
      %add3A_15 = arith.addi %mul3A_14, %add3A : i32
      %dma_start3A = arith.constant 0 : i32
      %dma_start3A_16 = tpu.memref_slice %arg2[%add3A_15, %dma_start3A] : memref<2560x128xi32, #tpu.memory_space<hbm>> -> memref<1x128xi32, #tpu.memory_space<hbm>>
      %dma_start3A_17 = tpu.memref_squeeze %dma_start3A_16 : memref<1x128xi32, #tpu.memory_space<hbm>> -> memref<128xi32, #tpu.memory_space<hbm>>
      %dma_start3A_18 = arith.constant 0 : i32
      %dma_start3A_19 = tpu.memref_slice %arg2[%add3A_15, %dma_start3A_18] : memref<2560x128xi32, #tpu.memory_space<hbm>> -> memref<1x128xi32, #tpu.memory_space<hbm>>
      %dma_start3A_20 = tpu.memref_squeeze %dma_start3A_19 : memref<1x128xi32, #tpu.memory_space<hbm>> -> memref<128xi32, #tpu.memory_space<hbm>>
      tpu.enqueue_dma source(%dma_start3A_20 : memref<128xi32, #tpu.memory_space<hbm>>) target(%arg7 : memref<128xi32, #tpu.memory_space<vmem>>) target_semaphore(%arg20 : memref<!tpu.dma_semaphore, #tpu.memory_space<semaphore_mem>>)
      %add3A_21 = arith.constant 0 : i32
      %add3A_22 = arith.addi %mul3A_14, %add3A_21 : i32
      %dma_start3A_23 = arith.constant 0 : i32
      %dma_start3A_24 = tpu.memref_slice %arg3[%add3A_22, %dma_start3A_23] : memref<2560x128xi32, #tpu.memory_space<hbm>> -> memref<1x128xi32, #tpu.memory_space<hbm>>
      %dma_start3A_25 = tpu.memref_squeeze %dma_start3A_24 : memref<1x128xi32, #tpu.memory_space<hbm>> -> memref<128xi32, #tpu.memory_space<hbm>>
      %dma_start3A_26 = arith.constant 0 : i32
      %dma_start3A_27 = tpu.memref_slice %arg3[%add3A_22, %dma_start3A_26] : memref<2560x128xi32, #tpu.memory_space<hbm>> -> memref<1x128xi32, #tpu.memory_space<hbm>>
      %dma_start3A_28 = tpu.memref_squeeze %dma_start3A_27 : memref<1x128xi32, #tpu.memory_space<hbm>> -> memref<128xi32, #tpu.memory_space<hbm>>
      tpu.enqueue_dma source(%dma_start3A_28 : memref<128xi32, #tpu.memory_space<hbm>>) target(%arg11 : memref<128xi32, #tpu.memory_space<vmem>>) target_semaphore(%arg20 : memref<!tpu.dma_semaphore, #tpu.memory_space<semaphore_mem>>)
      %add3A_29 = arith.constant 1 : i32
      %add3A_30 = arith.addi %mul3A_14, %add3A_29 : i32
      %dma_start3A_31 = arith.constant 0 : i32
      %dma_start3A_32 = tpu.memref_slice %arg2[%add3A_30, %dma_start3A_31] : memref<2560x128xi32, #tpu.memory_space<hbm>> -> memref<1x128xi32, #tpu.memory_space<hbm>>
      %dma_start3A_33 = tpu.memref_squeeze %dma_start3A_32 : memref<1x128xi32, #tpu.memory_space<hbm>> -> memref<128xi32, #tpu.memory_space<hbm>>
      %dma_start3A_34 = arith.constant 0 : i32
      %dma_start3A_35 = tpu.memref_slice %arg2[%add3A_30, %dma_start3A_34] : memref<2560x128xi32, #tpu.memory_space<hbm>> -> memref<1x128xi32, #tpu.memory_space<hbm>>
      %dma_start3A_36 = tpu.memref_squeeze %dma_start3A_35 : memref<1x128xi32, #tpu.memory_space<hbm>> -> memref<128xi32, #tpu.memory_space<hbm>>
      tpu.enqueue_dma source(%dma_start3A_36 : memref<128xi32, #tpu.memory_space<hbm>>) target(%arg8 : memref<128xi32, #tpu.memory_space<vmem>>) target_semaphore(%arg21 : memref<!tpu.dma_semaphore, #tpu.memory_space<semaphore_mem>>)
      %add3A_37 = arith.constant 1 : i32
      %add3A_38 = arith.addi %mul3A_14, %add3A_37 : i32
      %dma_start3A_39 = arith.constant 0 : i32
      %dma_start3A_40 = tpu.memref_slice %arg3[%add3A_38, %dma_start3A_39] : memref<2560x128xi32, #tpu.memory_space<hbm>> -> memref<1x128xi32, #tpu.memory_space<hbm>>
      %dma_start3A_41 = tpu.memref_squeeze %dma_start3A_40 : memref<1x128xi32, #tpu.memory_space<hbm>> -> memref<128xi32, #tpu.memory_space<hbm>>
      %dma_start3A_42 = arith.constant 0 : i32
      %dma_start3A_43 = tpu.memref_slice %arg3[%add3A_38, %dma_start3A_42] : memref<2560x128xi32, #tpu.memory_space<hbm>> -> memref<1x128xi32, #tpu.memory_space<hbm>>
      %dma_start3A_44 = tpu.memref_squeeze %dma_start3A_43 : memref<1x128xi32, #tpu.memory_space<hbm>> -> memref<128xi32, #tpu.memory_space<hbm>>
      tpu.enqueue_dma source(%dma_start3A_44 : memref<128xi32, #tpu.memory_space<hbm>>) target(%arg12 : memref<128xi32, #tpu.memory_space<vmem>>) target_semaphore(%arg21 : memref<!tpu.dma_semaphore, #tpu.memory_space<semaphore_mem>>)
      %add3A_45 = arith.constant 2 : i32
      %add3A_46 = arith.addi %mul3A_14, %add3A_45 : i32
      %dma_start3A_47 = arith.constant 0 : i32
      %dma_start3A_48 = tpu.memref_slice %arg2[%add3A_46, %dma_start3A_47] : memref<2560x128xi32, #tpu.memory_space<hbm>> -> memref<1x128xi32, #tpu.memory_space<hbm>>
      %dma_start3A_49 = tpu.memref_squeeze %dma_start3A_48 : memref<1x128xi32, #tpu.memory_space<hbm>> -> memref<128xi32, #tpu.memory_space<hbm>>
      %dma_start3A_50 = arith.constant 0 : i32
      %dma_start3A_51 = tpu.memref_slice %arg2[%add3A_46, %dma_start3A_50] : memref<2560x128xi32, #tpu.memory_space<hbm>> -> memref<1x128xi32, #tpu.memory_space<hbm>>
      %dma_start3A_52 = tpu.memref_squeeze %dma_start3A_51 : memref<1x128xi32, #tpu.memory_space<hbm>> -> memref<128xi32, #tpu.memory_space<hbm>>
      tpu.enqueue_dma source(%dma_start3A_52 : memref<128xi32, #tpu.memory_space<hbm>>) target(%arg9 : memref<128xi32, #tpu.memory_space<vmem>>) target_semaphore(%arg22 : memref<!tpu.dma_semaphore, #tpu.memory_space<semaphore_mem>>)
      %add3A_53 = arith.constant 2 : i32
      %add3A_54 = arith.addi %mul3A_14, %add3A_53 : i32
      %dma_start3A_55 = arith.constant 0 : i32
      %dma_start3A_56 = tpu.memref_slice %arg3[%add3A_54, %dma_start3A_55] : memref<2560x128xi32, #tpu.memory_space<hbm>> -> memref<1x128xi32, #tpu.memory_space<hbm>>
      %dma_start3A_57 = tpu.memref_squeeze %dma_start3A_56 : memref<1x128xi32, #tpu.memory_space<hbm>> -> memref<128xi32, #tpu.memory_space<hbm>>
      %dma_start3A_58 = arith.constant 0 : i32
      %dma_start3A_59 = tpu.memref_slice %arg3[%add3A_54, %dma_start3A_58] : memref<2560x128xi32, #tpu.memory_space<hbm>> -> memref<1x128xi32, #tpu.memory_space<hbm>>
      %dma_start3A_60 = tpu.memref_squeeze %dma_start3A_59 : memref<1x128xi32, #tpu.memory_space<hbm>> -> memref<128xi32, #tpu.memory_space<hbm>>
      tpu.enqueue_dma source(%dma_start3A_60 : memref<128xi32, #tpu.memory_space<hbm>>) target(%arg13 : memref<128xi32, #tpu.memory_space<vmem>>) target_semaphore(%arg22 : memref<!tpu.dma_semaphore, #tpu.memory_space<semaphore_mem>>)
      %add3A_61 = arith.constant 3 : i32
      %add3A_62 = arith.addi %mul3A_14, %add3A_61 : i32
      %dma_start3A_63 = arith.constant 0 : i32
      %dma_start3A_64 = tpu.memref_slice %arg2[%add3A_62, %dma_start3A_63] : memref<2560x128xi32, #tpu.memory_space<hbm>> -> memref<1x128xi32, #tpu.memory_space<hbm>>
      %dma_start3A_65 = tpu.memref_squeeze %dma_start3A_64 : memref<1x128xi32, #tpu.memory_space<hbm>> -> memref<128xi32, #tpu.memory_space<hbm>>
      %dma_start3A_66 = arith.constant 0 : i32
      %dma_start3A_67 = tpu.memref_slice %arg2[%add3A_62, %dma_start3A_66] : memref<2560x128xi32, #tpu.memory_space<hbm>> -> memref<1x128xi32, #tpu.memory_space<hbm>>
      %dma_start3A_68 = tpu.memref_squeeze %dma_start3A_67 : memref<1x128xi32, #tpu.memory_space<hbm>> -> memref<128xi32, #tpu.memory_space<hbm>>
      tpu.enqueue_dma source(%dma_start3A_68 : memref<128xi32, #tpu.memory_space<hbm>>) target(%arg10 : memref<128xi32, #tpu.memory_space<vmem>>) target_semaphore(%arg23 : memref<!tpu.dma_semaphore, #tpu.memory_space<semaphore_mem>>)
      %add3A_69 = arith.constant 3 : i32
      %add3A_70 = arith.addi %mul3A_14, %add3A_69 : i32
      %dma_start3A_71 = arith.constant 0 : i32
      %dma_start3A_72 = tpu.memref_slice %arg3[%add3A_70, %dma_start3A_71] : memref<2560x128xi32, #tpu.memory_space<hbm>> -> memref<1x128xi32, #tpu.memory_space<hbm>>
      %dma_start3A_73 = tpu.memref_squeeze %dma_start3A_72 : memref<1x128xi32, #tpu.memory_space<hbm>> -> memref<128xi32, #tpu.memory_space<hbm>>
      %dma_start3A_74 = arith.constant 0 : i32
      %dma_start3A_75 = tpu.memref_slice %arg3[%add3A_70, %dma_start3A_74] : memref<2560x128xi32, #tpu.memory_space<hbm>> -> memref<1x128xi32, #tpu.memory_space<hbm>>
      %dma_start3A_76 = tpu.memref_squeeze %dma_start3A_75 : memref<1x128xi32, #tpu.memory_space<hbm>> -> memref<128xi32, #tpu.memory_space<hbm>>
      tpu.enqueue_dma source(%dma_start3A_76 : memref<128xi32, #tpu.memory_space<hbm>>) target(%arg14 : memref<128xi32, #tpu.memory_space<vmem>>) target_semaphore(%arg23 : memref<!tpu.dma_semaphore, #tpu.memory_space<semaphore_mem>>)
      %add3A_77 = arith.constant 0 : i32
      %add3A_78 = arith.addi %mul3A_14, %add3A_77 : i32
      %dma_wait3A = arith.constant 0 : i32
      %dma_wait3A_79 = tpu.memref_slice %arg2[%add3A_78, %dma_wait3A] : memref<2560x128xi32, #tpu.memory_space<hbm>> -> memref<1x128xi32, #tpu.memory_space<hbm>>
      %dma_wait3A_80 = tpu.memref_squeeze %dma_wait3A_79 : memref<1x128xi32, #tpu.memory_space<hbm>> -> memref<128xi32, #tpu.memory_space<hbm>>
      %dma_wait3A_81 = arith.constant 0 : i32
      %dma_wait3A_82 = tpu.memref_slice %arg2[%add3A_78, %dma_wait3A_81] : memref<2560x128xi32, #tpu.memory_space<hbm>> -> memref<1x128xi32, #tpu.memory_space<hbm>>
      %dma_wait3A_83 = tpu.memref_squeeze %dma_wait3A_82 : memref<1x128xi32, #tpu.memory_space<hbm>> -> memref<128xi32, #tpu.memory_space<hbm>>
      tpu.wait_dma2 semaphore(%arg20 : memref<!tpu.dma_semaphore, #tpu.memory_space<semaphore_mem>>) src(%dma_wait3A_83 : memref<128xi32, #tpu.memory_space<hbm>>) dst(%arg7 : memref<128xi32, #tpu.memory_space<vmem>>)
      %add3A_84 = arith.constant 0 : i32
      %add3A_85 = arith.addi %mul3A_14, %add3A_84 : i32
      %dma_wait3A_86 = arith.constant 0 : i32
      %dma_wait3A_87 = tpu.memref_slice %arg3[%add3A_85, %dma_wait3A_86] : memref<2560x128xi32, #tpu.memory_space<hbm>> -> memref<1x128xi32, #tpu.memory_space<hbm>>
      %dma_wait3A_88 = tpu.memref_squeeze %dma_wait3A_87 : memref<1x128xi32, #tpu.memory_space<hbm>> -> memref<128xi32, #tpu.memory_space<hbm>>
      %dma_wait3A_89 = arith.constant 0 : i32
      %dma_wait3A_90 = tpu.memref_slice %arg3[%add3A_85, %dma_wait3A_89] : memref<2560x128xi32, #tpu.memory_space<hbm>> -> memref<1x128xi32, #tpu.memory_space<hbm>>
      %dma_wait3A_91 = tpu.memref_squeeze %dma_wait3A_90 : memref<1x128xi32, #tpu.memory_space<hbm>> -> memref<128xi32, #tpu.memory_space<hbm>>
      tpu.wait_dma2 semaphore(%arg20 : memref<!tpu.dma_semaphore, #tpu.memory_space<semaphore_mem>>) src(%dma_wait3A_91 : memref<128xi32, #tpu.memory_space<hbm>>) dst(%arg11 : memref<128xi32, #tpu.memory_space<vmem>>)
      %dma_start3A_92 = arith.constant 0 : i32
      %dma_start3A_93 = arith.constant 0 : i32
      %dma_start3A_94 = tpu.memref_slice %arg4[%dma_start3A_92, %dma_start3A_93] : memref<10240x128xf32, #tpu.memory_space<hbm>> -> memref<10240x128xf32, #tpu.memory_space<hbm>>
      tpu.enqueue_indirect_dma source(%dma_start3A_94 : memref<10240x128xf32, #tpu.memory_space<hbm>>) target(%arg15 : memref<128x128xf32, #tpu.memory_space<vmem>>) offsets(%arg7 : memref<128xi32, #tpu.memory_space<vmem>>) semaphore(%arg18 : memref<!tpu.dma_semaphore, #tpu.memory_space<semaphore_mem>>)
      %add3A_95 = arith.constant 1 : i32
      %add3A_96 = arith.addi %mul3A_14, %add3A_95 : i32
      %dma_wait3A_97 = arith.constant 0 : i32
      %dma_wait3A_98 = tpu.memref_slice %arg2[%add3A_96, %dma_wait3A_97] : memref<2560x128xi32, #tpu.memory_space<hbm>> -> memref<1x128xi32, #tpu.memory_space<hbm>>
      %dma_wait3A_99 = tpu.memref_squeeze %dma_wait3A_98 : memref<1x128xi32, #tpu.memory_space<hbm>> -> memref<128xi32, #tpu.memory_space<hbm>>
      %dma_wait3A_100 = arith.constant 0 : i32
      %dma_wait3A_101 = tpu.memref_slice %arg2[%add3A_96, %dma_wait3A_100] : memref<2560x128xi32, #tpu.memory_space<hbm>> -> memref<1x128xi32, #tpu.memory_space<hbm>>
      %dma_wait3A_102 = tpu.memref_squeeze %dma_wait3A_101 : memref<1x128xi32, #tpu.memory_space<hbm>> -> memref<128xi32, #tpu.memory_space<hbm>>
      tpu.wait_dma2 semaphore(%arg21 : memref<!tpu.dma_semaphore, #tpu.memory_space<semaphore_mem>>) src(%dma_wait3A_102 : memref<128xi32, #tpu.memory_space<hbm>>) dst(%arg8 : memref<128xi32, #tpu.memory_space<vmem>>)
      %add3A_103 = arith.constant 1 : i32
      %add3A_104 = arith.addi %mul3A_14, %add3A_103 : i32
      %dma_wait3A_105 = arith.constant 0 : i32
      %dma_wait3A_106 = tpu.memref_slice %arg3[%add3A_104, %dma_wait3A_105] : memref<2560x128xi32, #tpu.memory_space<hbm>> -> memref<1x128xi32, #tpu.memory_space<hbm>>
      %dma_wait3A_107 = tpu.memref_squeeze %dma_wait3A_106 : memref<1x128xi32, #tpu.memory_space<hbm>> -> memref<128xi32, #tpu.memory_space<hbm>>
      %dma_wait3A_108 = arith.constant 0 : i32
      %dma_wait3A_109 = tpu.memref_slice %arg3[%add3A_104, %dma_wait3A_108] : memref<2560x128xi32, #tpu.memory_space<hbm>> -> memref<1x128xi32, #tpu.memory_space<hbm>>
      %dma_wait3A_110 = tpu.memref_squeeze %dma_wait3A_109 : memref<1x128xi32, #tpu.memory_space<hbm>> -> memref<128xi32, #tpu.memory_space<hbm>>
      tpu.wait_dma2 semaphore(%arg21 : memref<!tpu.dma_semaphore, #tpu.memory_space<semaphore_mem>>) src(%dma_wait3A_110 : memref<128xi32, #tpu.memory_space<hbm>>) dst(%arg12 : memref<128xi32, #tpu.memory_space<vmem>>)
      %dma_start3A_111 = arith.constant 0 : i32
      %dma_start3A_112 = arith.constant 0 : i32
      %dma_start3A_113 = tpu.memref_slice %arg4[%dma_start3A_111, %dma_start3A_112] : memref<10240x128xf32, #tpu.memory_space<hbm>> -> memref<10240x128xf32, #tpu.memory_space<hbm>>
      tpu.enqueue_indirect_dma source(%dma_start3A_113 : memref<10240x128xf32, #tpu.memory_space<hbm>>) target(%arg16 : memref<128x128xf32, #tpu.memory_space<vmem>>) offsets(%arg8 : memref<128xi32, #tpu.memory_space<vmem>>) semaphore(%arg19 : memref<!tpu.dma_semaphore, #tpu.memory_space<semaphore_mem>>)
      %scan3A = arith.constant 0 : i32
      %scan3A_114 = arith.constant 38 : i32
      %scan3A_115 = arith.addi %scan3A, %scan3A_114 : i32
      %scan3A_116 = arith.constant 1 : i32
      scf.for %scan3A_118 = %scan3A to %scan3A_115 step %scan3A_116  : i32 {
        %mul3A_119 = arith.constant 4 : i32
        %mul3A_120 = arith.muli %scan3A_118, %mul3A_119 : i32
        %add3A_121 = arith.constant 0 : i32
        %add3A_122 = arith.addi %mul3A_120, %add3A_121 : i32
        %dma_wait3A_123 = arith.constant 0 : i32
        %dma_wait3A_124 = arith.constant 0 : i32
        %dma_wait3A_125 = tpu.memref_slice %arg4[%dma_wait3A_123, %dma_wait3A_124] : memref<10240x128xf32, #tpu.memory_space<hbm>> -> memref<10240x128xf32, #tpu.memory_space<hbm>>
        tpu.wait_indirect_dma semaphore(%arg18 : memref<!tpu.dma_semaphore, #tpu.memory_space<semaphore_mem>>) src(%dma_wait3A_125 : memref<10240x128xf32, #tpu.memory_space<hbm>>) dst(%arg15 : memref<128x128xf32, #tpu.memory_space<vmem>>)
        %dma_start3A_126 = arith.constant 0 : i32
        %dma_start3A_127 = arith.constant 0 : i32
        %dma_start3A_128 = tpu.memref_slice %arg17[%dma_start3A_126, %dma_start3A_127] : memref<10240x128xf32, #tpu.memory_space<vmem_shared>> -> memref<10240x128xf32, #tpu.memory_space<vmem_shared>>
        tpu.enqueue_indirect_dma source(%arg15 : memref<128x128xf32, #tpu.memory_space<vmem>>) target(%dma_start3A_128 : memref<10240x128xf32, #tpu.memory_space<vmem_shared>>) offsets(%arg11 : memref<128xi32, #tpu.memory_space<vmem>>) semaphore(%arg24 : memref<!tpu.dma_semaphore, #tpu.memory_space<semaphore_mem>>) {add = true}
        %dma_wait3A_129 = arith.constant 0 : i32
        %dma_wait3A_130 = arith.constant 0 : i32
        %dma_wait3A_131 = tpu.memref_slice %arg17[%dma_wait3A_129, %dma_wait3A_130] : memref<10240x128xf32, #tpu.memory_space<vmem_shared>> -> memref<10240x128xf32, #tpu.memory_space<vmem_shared>>
        tpu.wait_indirect_dma semaphore(%arg24 : memref<!tpu.dma_semaphore, #tpu.memory_space<semaphore_mem>>) src(%arg15 : memref<128x128xf32, #tpu.memory_space<vmem>>) dst(%dma_wait3A_131 : memref<10240x128xf32, #tpu.memory_space<vmem_shared>>)
        %add3A_132 = arith.constant 4 : i32
        %add3A_133 = arith.addi %add3A_122, %add3A_132 : i32
        %lt3A = arith.constant 152 : i32
        %lt3A_134 = arith.cmpi slt, %add3A_133, %lt3A : i32
        %convert_element_type3A_135 = arith.extui %lt3A_134 : i1 to i32
        %cond3A_136 = arith.constant 0 : i32
        %cond3A_137 = arith.cmpi ne, %convert_element_type3A_135, %cond3A_136 : i32
        scf.if %cond3A_137 {
          %add3A_226 = arith.addi %mul3A_14, %add3A_122 : i32
          %add3A_227 = arith.constant 4 : i32
          %add3A_228 = arith.addi %add3A_226, %add3A_227 : i32
          %dma_start3A_229 = arith.constant 0 : i32
          %dma_start3A_230 = tpu.memref_slice %arg2[%add3A_228, %dma_start3A_229] : memref<2560x128xi32, #tpu.memory_space<hbm>> -> memref<1x128xi32, #tpu.memory_space<hbm>>
          %dma_start3A_231 = tpu.memref_squeeze %dma_start3A_230 : memref<1x128xi32, #tpu.memory_space<hbm>> -> memref<128xi32, #tpu.memory_space<hbm>>
          %dma_start3A_232 = arith.constant 0 : i32
          %dma_start3A_233 = tpu.memref_slice %arg2[%add3A_228, %dma_start3A_232] : memref<2560x128xi32, #tpu.memory_space<hbm>> -> memref<1x128xi32, #tpu.memory_space<hbm>>
          %dma_start3A_234 = tpu.memref_squeeze %dma_start3A_233 : memref<1x128xi32, #tpu.memory_space<hbm>> -> memref<128xi32, #tpu.memory_space<hbm>>
          tpu.enqueue_dma source(%dma_start3A_234 : memref<128xi32, #tpu.memory_space<hbm>>) target(%arg7 : memref<128xi32, #tpu.memory_space<vmem>>) target_semaphore(%arg20 : memref<!tpu.dma_semaphore, #tpu.memory_space<semaphore_mem>>)
          %add3A_235 = arith.addi %mul3A_14, %add3A_122 : i32
          %add3A_236 = arith.constant 4 : i32
          %add3A_237 = arith.addi %add3A_235, %add3A_236 : i32
          %dma_start3A_238 = arith.constant 0 : i32
          %dma_start3A_239 = tpu.memref_slice %arg3[%add3A_237, %dma_start3A_238] : memref<2560x128xi32, #tpu.memory_space<hbm>> -> memref<1x128xi32, #tpu.memory_space<hbm>>
          %dma_start3A_240 = tpu.memref_squeeze %dma_start3A_239 : memref<1x128xi32, #tpu.memory_space<hbm>> -> memref<128xi32, #tpu.memory_space<hbm>>
          %dma_start3A_241 = arith.constant 0 : i32
          %dma_start3A_242 = tpu.memref_slice %arg3[%add3A_237, %dma_start3A_241] : memref<2560x128xi32, #tpu.memory_space<hbm>> -> memref<1x128xi32, #tpu.memory_space<hbm>>
          %dma_start3A_243 = tpu.memref_squeeze %dma_start3A_242 : memref<1x128xi32, #tpu.memory_space<hbm>> -> memref<128xi32, #tpu.memory_space<hbm>>
          tpu.enqueue_dma source(%dma_start3A_243 : memref<128xi32, #tpu.memory_space<hbm>>) target(%arg11 : memref<128xi32, #tpu.memory_space<vmem>>) target_semaphore(%arg20 : memref<!tpu.dma_semaphore, #tpu.memory_space<semaphore_mem>>)
        } else {
        }
        %add3A_138 = arith.constant 2 : i32
        %add3A_139 = arith.addi %add3A_122, %add3A_138 : i32
        %lt3A_140 = arith.constant 152 : i32
        %lt3A_141 = arith.cmpi slt, %add3A_139, %lt3A_140 : i32
        %convert_element_type3A_142 = arith.extui %lt3A_141 : i1 to i32
        %cond3A_143 = arith.constant 0 : i32
        %cond3A_144 = arith.cmpi ne, %convert_element_type3A_142, %cond3A_143 : i32
        scf.if %cond3A_144 {
          %add3A_226 = arith.constant 2 : i32
          %add3A_227 = arith.addi %add3A_122, %add3A_226 : i32
          %add3A_228 = arith.addi %mul3A_14, %add3A_227 : i32
          %dma_wait3A_229 = arith.constant 0 : i32
          %dma_wait3A_230 = tpu.memref_slice %arg2[%add3A_228, %dma_wait3A_229] : memref<2560x128xi32, #tpu.memory_space<hbm>> -> memref<1x128xi32, #tpu.memory_space<hbm>>
          %dma_wait3A_231 = tpu.memref_squeeze %dma_wait3A_230 : memref<1x128xi32, #tpu.memory_space<hbm>> -> memref<128xi32, #tpu.memory_space<hbm>>
          %dma_wait3A_232 = arith.constant 0 : i32
          %dma_wait3A_233 = tpu.memref_slice %arg2[%add3A_228, %dma_wait3A_232] : memref<2560x128xi32, #tpu.memory_space<hbm>> -> memref<1x128xi32, #tpu.memory_space<hbm>>
          %dma_wait3A_234 = tpu.memref_squeeze %dma_wait3A_233 : memref<1x128xi32, #tpu.memory_space<hbm>> -> memref<128xi32, #tpu.memory_space<hbm>>
          tpu.wait_dma2 semaphore(%arg22 : memref<!tpu.dma_semaphore, #tpu.memory_space<semaphore_mem>>) src(%dma_wait3A_234 : memref<128xi32, #tpu.memory_space<hbm>>) dst(%arg9 : memref<128xi32, #tpu.memory_space<vmem>>)
          %add3A_235 = arith.addi %mul3A_14, %add3A_227 : i32
          %dma_wait3A_236 = arith.constant 0 : i32
          %dma_wait3A_237 = tpu.memref_slice %arg3[%add3A_235, %dma_wait3A_236] : memref<2560x128xi32, #tpu.memory_space<hbm>> -> memref<1x128xi32, #tpu.memory_space<hbm>>
          %dma_wait3A_238 = tpu.memref_squeeze %dma_wait3A_237 : memref<1x128xi32, #tpu.memory_space<hbm>> -> memref<128xi32, #tpu.memory_space<hbm>>
          %dma_wait3A_239 = arith.constant 0 : i32
          %dma_wait3A_240 = tpu.memref_slice %arg3[%add3A_235, %dma_wait3A_239] : memref<2560x128xi32, #tpu.memory_space<hbm>> -> memref<1x128xi32, #tpu.memory_space<hbm>>
          %dma_wait3A_241 = tpu.memref_squeeze %dma_wait3A_240 : memref<1x128xi32, #tpu.memory_space<hbm>> -> memref<128xi32, #tpu.memory_space<hbm>>
          tpu.wait_dma2 semaphore(%arg22 : memref<!tpu.dma_semaphore, #tpu.memory_space<semaphore_mem>>) src(%dma_wait3A_241 : memref<128xi32, #tpu.memory_space<hbm>>) dst(%arg13 : memref<128xi32, #tpu.memory_space<vmem>>)
          %dma_start3A_242 = arith.constant 0 : i32
          %dma_start3A_243 = arith.constant 0 : i32
          %dma_start3A_244 = tpu.memref_slice %arg4[%dma_start3A_242, %dma_start3A_243] : memref<10240x128xf32, #tpu.memory_space<hbm>> -> memref<10240x128xf32, #tpu.memory_space<hbm>>
          tpu.enqueue_indirect_dma source(%dma_start3A_244 : memref<10240x128xf32, #tpu.memory_space<hbm>>) target(%arg15 : memref<128x128xf32, #tpu.memory_space<vmem>>) offsets(%arg9 : memref<128xi32, #tpu.memory_space<vmem>>) semaphore(%arg18 : memref<!tpu.dma_semaphore, #tpu.memory_space<semaphore_mem>>)
        } else {
        }
        %mul3A_145 = arith.constant 4 : i32
        %mul3A_146 = arith.muli %scan3A_118, %mul3A_145 : i32
        %add3A_147 = arith.constant 1 : i32
        %add3A_148 = arith.addi %mul3A_146, %add3A_147 : i32
        %dma_wait3A_149 = arith.constant 0 : i32
        %dma_wait3A_150 = arith.constant 0 : i32
        %dma_wait3A_151 = tpu.memref_slice %arg4[%dma_wait3A_149, %dma_wait3A_150] : memref<10240x128xf32, #tpu.memory_space<hbm>> -> memref<10240x128xf32, #tpu.memory_space<hbm>>
        tpu.wait_indirect_dma semaphore(%arg19 : memref<!tpu.dma_semaphore, #tpu.memory_space<semaphore_mem>>) src(%dma_wait3A_151 : memref<10240x128xf32, #tpu.memory_space<hbm>>) dst(%arg16 : memref<128x128xf32, #tpu.memory_space<vmem>>)
        %dma_start3A_152 = arith.constant 0 : i32
        %dma_start3A_153 = arith.constant 0 : i32
        %dma_start3A_154 = tpu.memref_slice %arg17[%dma_start3A_152, %dma_start3A_153] : memref<10240x128xf32, #tpu.memory_space<vmem_shared>> -> memref<10240x128xf32, #tpu.memory_space<vmem_shared>>
        tpu.enqueue_indirect_dma source(%arg16 : memref<128x128xf32, #tpu.memory_space<vmem>>) target(%dma_start3A_154 : memref<10240x128xf32, #tpu.memory_space<vmem_shared>>) offsets(%arg12 : memref<128xi32, #tpu.memory_space<vmem>>) semaphore(%arg24 : memref<!tpu.dma_semaphore, #tpu.memory_space<semaphore_mem>>) {add = true}
        %dma_wait3A_155 = arith.constant 0 : i32
        %dma_wait3A_156 = arith.constant 0 : i32
        %dma_wait3A_157 = tpu.memref_slice %arg17[%dma_wait3A_155, %dma_wait3A_156] : memref<10240x128xf32, #tpu.memory_space<vmem_shared>> -> memref<10240x128xf32, #tpu.memory_space<vmem_shared>>
        tpu.wait_indirect_dma semaphore(%arg24 : memref<!tpu.dma_semaphore, #tpu.memory_space<semaphore_mem>>) src(%arg16 : memref<128x128xf32, #tpu.memory_space<vmem>>) dst(%dma_wait3A_157 : memref<10240x128xf32, #tpu.memory_space<vmem_shared>>)
        %add3A_158 = arith.constant 4 : i32
        %add3A_159 = arith.addi %add3A_148, %add3A_158 : i32
        %lt3A_160 = arith.constant 152 : i32
        %lt3A_161 = arith.cmpi slt, %add3A_159, %lt3A_160 : i32
        %convert_element_type3A_162 = arith.extui %lt3A_161 : i1 to i32
        %cond3A_163 = arith.constant 0 : i32
        %cond3A_164 = arith.cmpi ne, %convert_element_type3A_162, %cond3A_163 : i32
        scf.if %cond3A_164 {
          %add3A_226 = arith.addi %mul3A_14, %add3A_148 : i32
          %add3A_227 = arith.constant 4 : i32
          %add3A_228 = arith.addi %add3A_226, %add3A_227 : i32
          %dma_start3A_229 = arith.constant 0 : i32
          %dma_start3A_230 = tpu.memref_slice %arg2[%add3A_228, %dma_start3A_229] : memref<2560x128xi32, #tpu.memory_space<hbm>> -> memref<1x128xi32, #tpu.memory_space<hbm>>
          %dma_start3A_231 = tpu.memref_squeeze %dma_start3A_230 : memref<1x128xi32, #tpu.memory_space<hbm>> -> memref<128xi32, #tpu.memory_space<hbm>>
          %dma_start3A_232 = arith.constant 0 : i32
          %dma_start3A_233 = tpu.memref_slice %arg2[%add3A_228, %dma_start3A_232] : memref<2560x128xi32, #tpu.memory_space<hbm>> -> memref<1x128xi32, #tpu.memory_space<hbm>>
          %dma_start3A_234 = tpu.memref_squeeze %dma_start3A_233 : memref<1x128xi32, #tpu.memory_space<hbm>> -> memref<128xi32, #tpu.memory_space<hbm>>
          tpu.enqueue_dma source(%dma_start3A_234 : memref<128xi32, #tpu.memory_space<hbm>>) target(%arg8 : memref<128xi32, #tpu.memory_space<vmem>>) target_semaphore(%arg21 : memref<!tpu.dma_semaphore, #tpu.memory_space<semaphore_mem>>)
          %add3A_235 = arith.addi %mul3A_14, %add3A_148 : i32
          %add3A_236 = arith.constant 4 : i32
          %add3A_237 = arith.addi %add3A_235, %add3A_236 : i32
          %dma_start3A_238 = arith.constant 0 : i32
          %dma_start3A_239 = tpu.memref_slice %arg3[%add3A_237, %dma_start3A_238] : memref<2560x128xi32, #tpu.memory_space<hbm>> -> memref<1x128xi32, #tpu.memory_space<hbm>>
          %dma_start3A_240 = tpu.memref_squeeze %dma_start3A_239 : memref<1x128xi32, #tpu.memory_space<hbm>> -> memref<128xi32, #tpu.memory_space<hbm>>
          %dma_start3A_241 = arith.constant 0 : i32
          %dma_start3A_242 = tpu.memref_slice %arg3[%add3A_237, %dma_start3A_241] : memref<2560x128xi32, #tpu.memory_space<hbm>> -> memref<1x128xi32, #tpu.memory_space<hbm>>
          %dma_start3A_243 = tpu.memref_squeeze %dma_start3A_242 : memref<1x128xi32, #tpu.memory_space<hbm>> -> memref<128xi32, #tpu.memory_space<hbm>>
          tpu.enqueue_dma source(%dma_start3A_243 : memref<128xi32, #tpu.memory_space<hbm>>) target(%arg12 : memref<128xi32, #tpu.memory_space<vmem>>) target_semaphore(%arg21 : memref<!tpu.dma_semaphore, #tpu.memory_space<semaphore_mem>>)
        } else {
        }
        %add3A_165 = arith.constant 2 : i32
        %add3A_166 = arith.addi %add3A_148, %add3A_165 : i32
        %lt3A_167 = arith.constant 152 : i32
        %lt3A_168 = arith.cmpi slt, %add3A_166, %lt3A_167 : i32
        %convert_element_type3A_169 = arith.extui %lt3A_168 : i1 to i32
        %cond3A_170 = arith.constant 0 : i32
        %cond3A_171 = arith.cmpi ne, %convert_element_type3A_169, %cond3A_170 : i32
        scf.if %cond3A_171 {
          %add3A_226 = arith.constant 2 : i32
          %add3A_227 = arith.addi %add3A_148, %add3A_226 : i32
          %add3A_228 = arith.addi %mul3A_14, %add3A_227 : i32
          %dma_wait3A_229 = arith.constant 0 : i32
          %dma_wait3A_230 = tpu.memref_slice %arg2[%add3A_228, %dma_wait3A_229] : memref<2560x128xi32, #tpu.memory_space<hbm>> -> memref<1x128xi32, #tpu.memory_space<hbm>>
          %dma_wait3A_231 = tpu.memref_squeeze %dma_wait3A_230 : memref<1x128xi32, #tpu.memory_space<hbm>> -> memref<128xi32, #tpu.memory_space<hbm>>
          %dma_wait3A_232 = arith.constant 0 : i32
          %dma_wait3A_233 = tpu.memref_slice %arg2[%add3A_228, %dma_wait3A_232] : memref<2560x128xi32, #tpu.memory_space<hbm>> -> memref<1x128xi32, #tpu.memory_space<hbm>>
          %dma_wait3A_234 = tpu.memref_squeeze %dma_wait3A_233 : memref<1x128xi32, #tpu.memory_space<hbm>> -> memref<128xi32, #tpu.memory_space<hbm>>
          tpu.wait_dma2 semaphore(%arg23 : memref<!tpu.dma_semaphore, #tpu.memory_space<semaphore_mem>>) src(%dma_wait3A_234 : memref<128xi32, #tpu.memory_space<hbm>>) dst(%arg10 : memref<128xi32, #tpu.memory_space<vmem>>)
          %add3A_235 = arith.addi %mul3A_14, %add3A_227 : i32
          %dma_wait3A_236 = arith.constant 0 : i32
          %dma_wait3A_237 = tpu.memref_slice %arg3[%add3A_235, %dma_wait3A_236] : memref<2560x128xi32, #tpu.memory_space<hbm>> -> memref<1x128xi32, #tpu.memory_space<hbm>>
          %dma_wait3A_238 = tpu.memref_squeeze %dma_wait3A_237 : memref<1x128xi32, #tpu.memory_space<hbm>> -> memref<128xi32, #tpu.memory_space<hbm>>
          %dma_wait3A_239 = arith.constant 0 : i32
          %dma_wait3A_240 = tpu.memref_slice %arg3[%add3A_235, %dma_wait3A_239] : memref<2560x128xi32, #tpu.memory_space<hbm>> -> memref<1x128xi32, #tpu.memory_space<hbm>>
          %dma_wait3A_241 = tpu.memref_squeeze %dma_wait3A_240 : memref<1x128xi32, #tpu.memory_space<hbm>> -> memref<128xi32, #tpu.memory_space<hbm>>
          tpu.wait_dma2 semaphore(%arg23 : memref<!tpu.dma_semaphore, #tpu.memory_space<semaphore_mem>>) src(%dma_wait3A_241 : memref<128xi32, #tpu.memory_space<hbm>>) dst(%arg14 : memref<128xi32, #tpu.memory_space<vmem>>)
          %dma_start3A_242 = arith.constant 0 : i32
          %dma_start3A_243 = arith.constant 0 : i32
          %dma_start3A_244 = tpu.memref_slice %arg4[%dma_start3A_242, %dma_start3A_243] : memref<10240x128xf32, #tpu.memory_space<hbm>> -> memref<10240x128xf32, #tpu.memory_space<hbm>>
          tpu.enqueue_indirect_dma source(%dma_start3A_244 : memref<10240x128xf32, #tpu.memory_space<hbm>>) target(%arg16 : memref<128x128xf32, #tpu.memory_space<vmem>>) offsets(%arg10 : memref<128xi32, #tpu.memory_space<vmem>>) semaphore(%arg19 : memref<!tpu.dma_semaphore, #tpu.memory_space<semaphore_mem>>)
        } else {
        }
        %mul3A_172 = arith.constant 4 : i32
        %mul3A_173 = arith.muli %scan3A_118, %mul3A_172 : i32
        %add3A_174 = arith.constant 2 : i32
        %add3A_175 = arith.addi %mul3A_173, %add3A_174 : i32
        %dma_wait3A_176 = arith.constant 0 : i32
        %dma_wait3A_177 = arith.constant 0 : i32
        %dma_wait3A_178 = tpu.memref_slice %arg4[%dma_wait3A_176, %dma_wait3A_177] : memref<10240x128xf32, #tpu.memory_space<hbm>> -> memref<10240x128xf32, #tpu.memory_space<hbm>>
        tpu.wait_indirect_dma semaphore(%arg18 : memref<!tpu.dma_semaphore, #tpu.memory_space<semaphore_mem>>) src(%dma_wait3A_178 : memref<10240x128xf32, #tpu.memory_space<hbm>>) dst(%arg15 : memref<128x128xf32, #tpu.memory_space<vmem>>)
        %dma_start3A_179 = arith.constant 0 : i32
        %dma_start3A_180 = arith.constant 0 : i32
        %dma_start3A_181 = tpu.memref_slice %arg17[%dma_start3A_179, %dma_start3A_180] : memref<10240x128xf32, #tpu.memory_space<vmem_shared>> -> memref<10240x128xf32, #tpu.memory_space<vmem_shared>>
        tpu.enqueue_indirect_dma source(%arg15 : memref<128x128xf32, #tpu.memory_space<vmem>>) target(%dma_start3A_181 : memref<10240x128xf32, #tpu.memory_space<vmem_shared>>) offsets(%arg13 : memref<128xi32, #tpu.memory_space<vmem>>) semaphore(%arg24 : memref<!tpu.dma_semaphore, #tpu.memory_space<semaphore_mem>>) {add = true}
        %dma_wait3A_182 = arith.constant 0 : i32
        %dma_wait3A_183 = arith.constant 0 : i32
        %dma_wait3A_184 = tpu.memref_slice %arg17[%dma_wait3A_182, %dma_wait3A_183] : memref<10240x128xf32, #tpu.memory_space<vmem_shared>> -> memref<10240x128xf32, #tpu.memory_space<vmem_shared>>
        tpu.wait_indirect_dma semaphore(%arg24 : memref<!tpu.dma_semaphore, #tpu.memory_space<semaphore_mem>>) src(%arg15 : memref<128x128xf32, #tpu.memory_space<vmem>>) dst(%dma_wait3A_184 : memref<10240x128xf32, #tpu.memory_space<vmem_shared>>)
        %add3A_185 = arith.constant 4 : i32
        %add3A_186 = arith.addi %add3A_175, %add3A_185 : i32
        %lt3A_187 = arith.constant 152 : i32
        %lt3A_188 = arith.cmpi slt, %add3A_186, %lt3A_187 : i32
        %convert_element_type3A_189 = arith.extui %lt3A_188 : i1 to i32
        %cond3A_190 = arith.constant 0 : i32
        %cond3A_191 = arith.cmpi ne, %convert_element_type3A_189, %cond3A_190 : i32
        scf.if %cond3A_191 {
          %add3A_226 = arith.addi %mul3A_14, %add3A_175 : i32
          %add3A_227 = arith.constant 4 : i32
          %add3A_228 = arith.addi %add3A_226, %add3A_227 : i32
          %dma_start3A_229 = arith.constant 0 : i32
          %dma_start3A_230 = tpu.memref_slice %arg2[%add3A_228, %dma_start3A_229] : memref<2560x128xi32, #tpu.memory_space<hbm>> -> memref<1x128xi32, #tpu.memory_space<hbm>>
          %dma_start3A_231 = tpu.memref_squeeze %dma_start3A_230 : memref<1x128xi32, #tpu.memory_space<hbm>> -> memref<128xi32, #tpu.memory_space<hbm>>
          %dma_start3A_232 = arith.constant 0 : i32
          %dma_start3A_233 = tpu.memref_slice %arg2[%add3A_228, %dma_start3A_232] : memref<2560x128xi32, #tpu.memory_space<hbm>> -> memref<1x128xi32, #tpu.memory_space<hbm>>
          %dma_start3A_234 = tpu.memref_squeeze %dma_start3A_233 : memref<1x128xi32, #tpu.memory_space<hbm>> -> memref<128xi32, #tpu.memory_space<hbm>>
          tpu.enqueue_dma source(%dma_start3A_234 : memref<128xi32, #tpu.memory_space<hbm>>) target(%arg9 : memref<128xi32, #tpu.memory_space<vmem>>) target_semaphore(%arg22 : memref<!tpu.dma_semaphore, #tpu.memory_space<semaphore_mem>>)
          %add3A_235 = arith.addi %mul3A_14, %add3A_175 : i32
          %add3A_236 = arith.constant 4 : i32
          %add3A_237 = arith.addi %add3A_235, %add3A_236 : i32
          %dma_start3A_238 = arith.constant 0 : i32
          %dma_start3A_239 = tpu.memref_slice %arg3[%add3A_237, %dma_start3A_238] : memref<2560x128xi32, #tpu.memory_space<hbm>> -> memref<1x128xi32, #tpu.memory_space<hbm>>
          %dma_start3A_240 = tpu.memref_squeeze %dma_start3A_239 : memref<1x128xi32, #tpu.memory_space<hbm>> -> memref<128xi32, #tpu.memory_space<hbm>>
          %dma_start3A_241 = arith.constant 0 : i32
          %dma_start3A_242 = tpu.memref_slice %arg3[%add3A_237, %dma_start3A_241] : memref<2560x128xi32, #tpu.memory_space<hbm>> -> memref<1x128xi32, #tpu.memory_space<hbm>>
          %dma_start3A_243 = tpu.memref_squeeze %dma_start3A_242 : memref<1x128xi32, #tpu.memory_space<hbm>> -> memref<128xi32, #tpu.memory_space<hbm>>
          tpu.enqueue_dma source(%dma_start3A_243 : memref<128xi32, #tpu.memory_space<hbm>>) target(%arg13 : memref<128xi32, #tpu.memory_space<vmem>>) target_semaphore(%arg22 : memref<!tpu.dma_semaphore, #tpu.memory_space<semaphore_mem>>)
        } else {
        }
        %add3A_192 = arith.constant 2 : i32
        %add3A_193 = arith.addi %add3A_175, %add3A_192 : i32
        %lt3A_194 = arith.constant 152 : i32
        %lt3A_195 = arith.cmpi slt, %add3A_193, %lt3A_194 : i32
        %convert_element_type3A_196 = arith.extui %lt3A_195 : i1 to i32
        %cond3A_197 = arith.constant 0 : i32
        %cond3A_198 = arith.cmpi ne, %convert_element_type3A_196, %cond3A_197 : i32
        scf.if %cond3A_198 {
          %add3A_226 = arith.constant 2 : i32
          %add3A_227 = arith.addi %add3A_175, %add3A_226 : i32
          %add3A_228 = arith.addi %mul3A_14, %add3A_227 : i32
          %dma_wait3A_229 = arith.constant 0 : i32
          %dma_wait3A_230 = tpu.memref_slice %arg2[%add3A_228, %dma_wait3A_229] : memref<2560x128xi32, #tpu.memory_space<hbm>> -> memref<1x128xi32, #tpu.memory_space<hbm>>
          %dma_wait3A_231 = tpu.memref_squeeze %dma_wait3A_230 : memref<1x128xi32, #tpu.memory_space<hbm>> -> memref<128xi32, #tpu.memory_space<hbm>>
          %dma_wait3A_232 = arith.constant 0 : i32
          %dma_wait3A_233 = tpu.memref_slice %arg2[%add3A_228, %dma_wait3A_232] : memref<2560x128xi32, #tpu.memory_space<hbm>> -> memref<1x128xi32, #tpu.memory_space<hbm>>
          %dma_wait3A_234 = tpu.memref_squeeze %dma_wait3A_233 : memref<1x128xi32, #tpu.memory_space<hbm>> -> memref<128xi32, #tpu.memory_space<hbm>>
          tpu.wait_dma2 semaphore(%arg20 : memref<!tpu.dma_semaphore, #tpu.memory_space<semaphore_mem>>) src(%dma_wait3A_234 : memref<128xi32, #tpu.memory_space<hbm>>) dst(%arg7 : memref<128xi32, #tpu.memory_space<vmem>>)
          %add3A_235 = arith.addi %mul3A_14, %add3A_227 : i32
          %dma_wait3A_236 = arith.constant 0 : i32
          %dma_wait3A_237 = tpu.memref_slice %arg3[%add3A_235, %dma_wait3A_236] : memref<2560x128xi32, #tpu.memory_space<hbm>> -> memref<1x128xi32, #tpu.memory_space<hbm>>
          %dma_wait3A_238 = tpu.memref_squeeze %dma_wait3A_237 : memref<1x128xi32, #tpu.memory_space<hbm>> -> memref<128xi32, #tpu.memory_space<hbm>>
          %dma_wait3A_239 = arith.constant 0 : i32
          %dma_wait3A_240 = tpu.memref_slice %arg3[%add3A_235, %dma_wait3A_239] : memref<2560x128xi32, #tpu.memory_space<hbm>> -> memref<1x128xi32, #tpu.memory_space<hbm>>
          %dma_wait3A_241 = tpu.memref_squeeze %dma_wait3A_240 : memref<1x128xi32, #tpu.memory_space<hbm>> -> memref<128xi32, #tpu.memory_space<hbm>>
          tpu.wait_dma2 semaphore(%arg20 : memref<!tpu.dma_semaphore, #tpu.memory_space<semaphore_mem>>) src(%dma_wait3A_241 : memref<128xi32, #tpu.memory_space<hbm>>) dst(%arg11 : memref<128xi32, #tpu.memory_space<vmem>>)
          %dma_start3A_242 = arith.constant 0 : i32
          %dma_start3A_243 = arith.constant 0 : i32
          %dma_start3A_244 = tpu.memref_slice %arg4[%dma_start3A_242, %dma_start3A_243] : memref<10240x128xf32, #tpu.memory_space<hbm>> -> memref<10240x128xf32, #tpu.memory_space<hbm>>
          tpu.enqueue_indirect_dma source(%dma_start3A_244 : memref<10240x128xf32, #tpu.memory_space<hbm>>) target(%arg15 : memref<128x128xf32, #tpu.memory_space<vmem>>) offsets(%arg7 : memref<128xi32, #tpu.memory_space<vmem>>) semaphore(%arg18 : memref<!tpu.dma_semaphore, #tpu.memory_space<semaphore_mem>>)
        } else {
        }
        %mul3A_199 = arith.constant 4 : i32
        %mul3A_200 = arith.muli %scan3A_118, %mul3A_199 : i32
        %add3A_201 = arith.constant 3 : i32
        %add3A_202 = arith.addi %mul3A_200, %add3A_201 : i32
        %dma_wait3A_203 = arith.constant 0 : i32
        %dma_wait3A_204 = arith.constant 0 : i32
        %dma_wait3A_205 = tpu.memref_slice %arg4[%dma_wait3A_203, %dma_wait3A_204] : memref<10240x128xf32, #tpu.memory_space<hbm>> -> memref<10240x128xf32, #tpu.memory_space<hbm>>
        tpu.wait_indirect_dma semaphore(%arg19 : memref<!tpu.dma_semaphore, #tpu.memory_space<semaphore_mem>>) src(%dma_wait3A_205 : memref<10240x128xf32, #tpu.memory_space<hbm>>) dst(%arg16 : memref<128x128xf32, #tpu.memory_space<vmem>>)
        %dma_start3A_206 = arith.constant 0 : i32
        %dma_start3A_207 = arith.constant 0 : i32
        %dma_start3A_208 = tpu.memref_slice %arg17[%dma_start3A_206, %dma_start3A_207] : memref<10240x128xf32, #tpu.memory_space<vmem_shared>> -> memref<10240x128xf32, #tpu.memory_space<vmem_shared>>
        tpu.enqueue_indirect_dma source(%arg16 : memref<128x128xf32, #tpu.memory_space<vmem>>) target(%dma_start3A_208 : memref<10240x128xf32, #tpu.memory_space<vmem_shared>>) offsets(%arg14 : memref<128xi32, #tpu.memory_space<vmem>>) semaphore(%arg24 : memref<!tpu.dma_semaphore, #tpu.memory_space<semaphore_mem>>) {add = true}
        %dma_wait3A_209 = arith.constant 0 : i32
        %dma_wait3A_210 = arith.constant 0 : i32
        %dma_wait3A_211 = tpu.memref_slice %arg17[%dma_wait3A_209, %dma_wait3A_210] : memref<10240x128xf32, #tpu.memory_space<vmem_shared>> -> memref<10240x128xf32, #tpu.memory_space<vmem_shared>>
        tpu.wait_indirect_dma semaphore(%arg24 : memref<!tpu.dma_semaphore, #tpu.memory_space<semaphore_mem>>) src(%arg16 : memref<128x128xf32, #tpu.memory_space<vmem>>) dst(%dma_wait3A_211 : memref<10240x128xf32, #tpu.memory_space<vmem_shared>>)
        %add3A_212 = arith.constant 4 : i32
        %add3A_213 = arith.addi %add3A_202, %add3A_212 : i32
        %lt3A_214 = arith.constant 152 : i32
        %lt3A_215 = arith.cmpi slt, %add3A_213, %lt3A_214 : i32
        %convert_element_type3A_216 = arith.extui %lt3A_215 : i1 to i32
        %cond3A_217 = arith.constant 0 : i32
        %cond3A_218 = arith.cmpi ne, %convert_element_type3A_216, %cond3A_217 : i32
        scf.if %cond3A_218 {
          %add3A_226 = arith.addi %mul3A_14, %add3A_202 : i32
          %add3A_227 = arith.constant 4 : i32
          %add3A_228 = arith.addi %add3A_226, %add3A_227 : i32
          %dma_start3A_229 = arith.constant 0 : i32
          %dma_start3A_230 = tpu.memref_slice %arg2[%add3A_228, %dma_start3A_229] : memref<2560x128xi32, #tpu.memory_space<hbm>> -> memref<1x128xi32, #tpu.memory_space<hbm>>
          %dma_start3A_231 = tpu.memref_squeeze %dma_start3A_230 : memref<1x128xi32, #tpu.memory_space<hbm>> -> memref<128xi32, #tpu.memory_space<hbm>>
          %dma_start3A_232 = arith.constant 0 : i32
          %dma_start3A_233 = tpu.memref_slice %arg2[%add3A_228, %dma_start3A_232] : memref<2560x128xi32, #tpu.memory_space<hbm>> -> memref<1x128xi32, #tpu.memory_space<hbm>>
          %dma_start3A_234 = tpu.memref_squeeze %dma_start3A_233 : memref<1x128xi32, #tpu.memory_space<hbm>> -> memref<128xi32, #tpu.memory_space<hbm>>
          tpu.enqueue_dma source(%dma_start3A_234 : memref<128xi32, #tpu.memory_space<hbm>>) target(%arg10 : memref<128xi32, #tpu.memory_space<vmem>>) target_semaphore(%arg23 : memref<!tpu.dma_semaphore, #tpu.memory_space<semaphore_mem>>)
          %add3A_235 = arith.addi %mul3A_14, %add3A_202 : i32
          %add3A_236 = arith.constant 4 : i32
          %add3A_237 = arith.addi %add3A_235, %add3A_236 : i32
          %dma_start3A_238 = arith.constant 0 : i32
          %dma_start3A_239 = tpu.memref_slice %arg3[%add3A_237, %dma_start3A_238] : memref<2560x128xi32, #tpu.memory_space<hbm>> -> memref<1x128xi32, #tpu.memory_space<hbm>>
          %dma_start3A_240 = tpu.memref_squeeze %dma_start3A_239 : memref<1x128xi32, #tpu.memory_space<hbm>> -> memref<128xi32, #tpu.memory_space<hbm>>
          %dma_start3A_241 = arith.constant 0 : i32
          %dma_start3A_242 = tpu.memref_slice %arg3[%add3A_237, %dma_start3A_241] : memref<2560x128xi32, #tpu.memory_space<hbm>> -> memref<1x128xi32, #tpu.memory_space<hbm>>
          %dma_start3A_243 = tpu.memref_squeeze %dma_start3A_242 : memref<1x128xi32, #tpu.memory_space<hbm>> -> memref<128xi32, #tpu.memory_space<hbm>>
          tpu.enqueue_dma source(%dma_start3A_243 : memref<128xi32, #tpu.memory_space<hbm>>) target(%arg14 : memref<128xi32, #tpu.memory_space<vmem>>) target_semaphore(%arg23 : memref<!tpu.dma_semaphore, #tpu.memory_space<semaphore_mem>>)
        } else {
        }
        %add3A_219 = arith.constant 2 : i32
        %add3A_220 = arith.addi %add3A_202, %add3A_219 : i32
        %lt3A_221 = arith.constant 152 : i32
        %lt3A_222 = arith.cmpi slt, %add3A_220, %lt3A_221 : i32
        %convert_element_type3A_223 = arith.extui %lt3A_222 : i1 to i32
        %cond3A_224 = arith.constant 0 : i32
        %cond3A_225 = arith.cmpi ne, %convert_element_type3A_223, %cond3A_224 : i32
        scf.if %cond3A_225 {
          %add3A_226 = arith.constant 2 : i32
          %add3A_227 = arith.addi %add3A_202, %add3A_226 : i32
          %add3A_228 = arith.addi %mul3A_14, %add3A_227 : i32
          %dma_wait3A_229 = arith.constant 0 : i32
          %dma_wait3A_230 = tpu.memref_slice %arg2[%add3A_228, %dma_wait3A_229] : memref<2560x128xi32, #tpu.memory_space<hbm>> -> memref<1x128xi32, #tpu.memory_space<hbm>>
          %dma_wait3A_231 = tpu.memref_squeeze %dma_wait3A_230 : memref<1x128xi32, #tpu.memory_space<hbm>> -> memref<128xi32, #tpu.memory_space<hbm>>
          %dma_wait3A_232 = arith.constant 0 : i32
          %dma_wait3A_233 = tpu.memref_slice %arg2[%add3A_228, %dma_wait3A_232] : memref<2560x128xi32, #tpu.memory_space<hbm>> -> memref<1x128xi32, #tpu.memory_space<hbm>>
          %dma_wait3A_234 = tpu.memref_squeeze %dma_wait3A_233 : memref<1x128xi32, #tpu.memory_space<hbm>> -> memref<128xi32, #tpu.memory_space<hbm>>
          tpu.wait_dma2 semaphore(%arg21 : memref<!tpu.dma_semaphore, #tpu.memory_space<semaphore_mem>>) src(%dma_wait3A_234 : memref<128xi32, #tpu.memory_space<hbm>>) dst(%arg8 : memref<128xi32, #tpu.memory_space<vmem>>)
          %add3A_235 = arith.addi %mul3A_14, %add3A_227 : i32
          %dma_wait3A_236 = arith.constant 0 : i32
          %dma_wait3A_237 = tpu.memref_slice %arg3[%add3A_235, %dma_wait3A_236] : memref<2560x128xi32, #tpu.memory_space<hbm>> -> memref<1x128xi32, #tpu.memory_space<hbm>>
          %dma_wait3A_238 = tpu.memref_squeeze %dma_wait3A_237 : memref<1x128xi32, #tpu.memory_space<hbm>> -> memref<128xi32, #tpu.memory_space<hbm>>
          %dma_wait3A_239 = arith.constant 0 : i32
          %dma_wait3A_240 = tpu.memref_slice %arg3[%add3A_235, %dma_wait3A_239] : memref<2560x128xi32, #tpu.memory_space<hbm>> -> memref<1x128xi32, #tpu.memory_space<hbm>>
          %dma_wait3A_241 = tpu.memref_squeeze %dma_wait3A_240 : memref<1x128xi32, #tpu.memory_space<hbm>> -> memref<128xi32, #tpu.memory_space<hbm>>
          tpu.wait_dma2 semaphore(%arg21 : memref<!tpu.dma_semaphore, #tpu.memory_space<semaphore_mem>>) src(%dma_wait3A_241 : memref<128xi32, #tpu.memory_space<hbm>>) dst(%arg12 : memref<128xi32, #tpu.memory_space<vmem>>)
          %dma_start3A_242 = arith.constant 0 : i32
          %dma_start3A_243 = arith.constant 0 : i32
          %dma_start3A_244 = tpu.memref_slice %arg4[%dma_start3A_242, %dma_start3A_243] : memref<10240x128xf32, #tpu.memory_space<hbm>> -> memref<10240x128xf32, #tpu.memory_space<hbm>>
          tpu.enqueue_indirect_dma source(%dma_start3A_244 : memref<10240x128xf32, #tpu.memory_space<hbm>>) target(%arg16 : memref<128x128xf32, #tpu.memory_space<vmem>>) offsets(%arg8 : memref<128xi32, #tpu.memory_space<vmem>>) semaphore(%arg19 : memref<!tpu.dma_semaphore, #tpu.memory_space<semaphore_mem>>)
        } else {
        }
      }
      %scan3A_117 = arith.constant 38 : i32
    } else {
    }
    %eq3A_3 = arith.constant 1 : i32
    %eq3A_4 = arith.cmpi eq, %arg0, %eq3A_3 : i32
    %convert_element_type3A_5 = arith.extui %eq3A_4 : i1 to i32
    %cond3A_6 = arith.constant 0 : i32
    %cond3A_7 = arith.cmpi ne, %convert_element_type3A_5, %cond3A_6 : i32
    scf.if %cond3A_7 {
      %mul3A_13 = arith.constant 8 : i32
      %mul3A_14 = arith.muli %arg1, %mul3A_13 : i32
      %add3A = arith.constant 2432 : i32
      %add3A_15 = arith.addi %add3A, %mul3A_14 : i32
      %add3A_16 = arith.constant 0 : i32
      %add3A_17 = arith.addi %add3A_15, %add3A_16 : i32
      %dma_start3A = arith.constant 0 : i32
      %dma_start3A_18 = tpu.memref_slice %arg2[%add3A_17, %dma_start3A] : memref<2560x128xi32, #tpu.memory_space<hbm>> -> memref<1x128xi32, #tpu.memory_space<hbm>>
      %dma_start3A_19 = tpu.memref_squeeze %dma_start3A_18 : memref<1x128xi32, #tpu.memory_space<hbm>> -> memref<128xi32, #tpu.memory_space<hbm>>
      %dma_start3A_20 = arith.constant 0 : i32
      %dma_start3A_21 = tpu.memref_slice %arg2[%add3A_17, %dma_start3A_20] : memref<2560x128xi32, #tpu.memory_space<hbm>> -> memref<1x128xi32, #tpu.memory_space<hbm>>
      %dma_start3A_22 = tpu.memref_squeeze %dma_start3A_21 : memref<1x128xi32, #tpu.memory_space<hbm>> -> memref<128xi32, #tpu.memory_space<hbm>>
      tpu.enqueue_dma source(%dma_start3A_22 : memref<128xi32, #tpu.memory_space<hbm>>) target(%arg7 : memref<128xi32, #tpu.memory_space<vmem>>) target_semaphore(%arg20 : memref<!tpu.dma_semaphore, #tpu.memory_space<semaphore_mem>>)
      %add3A_23 = arith.constant 0 : i32
      %add3A_24 = arith.addi %add3A_15, %add3A_23 : i32
      %dma_start3A_25 = arith.constant 0 : i32
      %dma_start3A_26 = tpu.memref_slice %arg3[%add3A_24, %dma_start3A_25] : memref<2560x128xi32, #tpu.memory_space<hbm>> -> memref<1x128xi32, #tpu.memory_space<hbm>>
      %dma_start3A_27 = tpu.memref_squeeze %dma_start3A_26 : memref<1x128xi32, #tpu.memory_space<hbm>> -> memref<128xi32, #tpu.memory_space<hbm>>
      %dma_start3A_28 = arith.constant 0 : i32
      %dma_start3A_29 = tpu.memref_slice %arg3[%add3A_24, %dma_start3A_28] : memref<2560x128xi32, #tpu.memory_space<hbm>> -> memref<1x128xi32, #tpu.memory_space<hbm>>
      %dma_start3A_30 = tpu.memref_squeeze %dma_start3A_29 : memref<1x128xi32, #tpu.memory_space<hbm>> -> memref<128xi32, #tpu.memory_space<hbm>>
      tpu.enqueue_dma source(%dma_start3A_30 : memref<128xi32, #tpu.memory_space<hbm>>) target(%arg11 : memref<128xi32, #tpu.memory_space<vmem>>) target_semaphore(%arg20 : memref<!tpu.dma_semaphore, #tpu.memory_space<semaphore_mem>>)
      %add3A_31 = arith.constant 1 : i32
      %add3A_32 = arith.addi %add3A_15, %add3A_31 : i32
      %dma_start3A_33 = arith.constant 0 : i32
      %dma_start3A_34 = tpu.memref_slice %arg2[%add3A_32, %dma_start3A_33] : memref<2560x128xi32, #tpu.memory_space<hbm>> -> memref<1x128xi32, #tpu.memory_space<hbm>>
      %dma_start3A_35 = tpu.memref_squeeze %dma_start3A_34 : memref<1x128xi32, #tpu.memory_space<hbm>> -> memref<128xi32, #tpu.memory_space<hbm>>
      %dma_start3A_36 = arith.constant 0 : i32
      %dma_start3A_37 = tpu.memref_slice %arg2[%add3A_32, %dma_start3A_36] : memref<2560x128xi32, #tpu.memory_space<hbm>> -> memref<1x128xi32, #tpu.memory_space<hbm>>
      %dma_start3A_38 = tpu.memref_squeeze %dma_start3A_37 : memref<1x128xi32, #tpu.memory_space<hbm>> -> memref<128xi32, #tpu.memory_space<hbm>>
      tpu.enqueue_dma source(%dma_start3A_38 : memref<128xi32, #tpu.memory_space<hbm>>) target(%arg8 : memref<128xi32, #tpu.memory_space<vmem>>) target_semaphore(%arg21 : memref<!tpu.dma_semaphore, #tpu.memory_space<semaphore_mem>>)
      %add3A_39 = arith.constant 1 : i32
      %add3A_40 = arith.addi %add3A_15, %add3A_39 : i32
      %dma_start3A_41 = arith.constant 0 : i32
      %dma_start3A_42 = tpu.memref_slice %arg3[%add3A_40, %dma_start3A_41] : memref<2560x128xi32, #tpu.memory_space<hbm>> -> memref<1x128xi32, #tpu.memory_space<hbm>>
      %dma_start3A_43 = tpu.memref_squeeze %dma_start3A_42 : memref<1x128xi32, #tpu.memory_space<hbm>> -> memref<128xi32, #tpu.memory_space<hbm>>
      %dma_start3A_44 = arith.constant 0 : i32
      %dma_start3A_45 = tpu.memref_slice %arg3[%add3A_40, %dma_start3A_44] : memref<2560x128xi32, #tpu.memory_space<hbm>> -> memref<1x128xi32, #tpu.memory_space<hbm>>
      %dma_start3A_46 = tpu.memref_squeeze %dma_start3A_45 : memref<1x128xi32, #tpu.memory_space<hbm>> -> memref<128xi32, #tpu.memory_space<hbm>>
      tpu.enqueue_dma source(%dma_start3A_46 : memref<128xi32, #tpu.memory_space<hbm>>) target(%arg12 : memref<128xi32, #tpu.memory_space<vmem>>) target_semaphore(%arg21 : memref<!tpu.dma_semaphore, #tpu.memory_space<semaphore_mem>>)
      %add3A_47 = arith.constant 2 : i32
      %add3A_48 = arith.addi %add3A_15, %add3A_47 : i32
      %dma_start3A_49 = arith.constant 0 : i32
      %dma_start3A_50 = tpu.memref_slice %arg2[%add3A_48, %dma_start3A_49] : memref<2560x128xi32, #tpu.memory_space<hbm>> -> memref<1x128xi32, #tpu.memory_space<hbm>>
      %dma_start3A_51 = tpu.memref_squeeze %dma_start3A_50 : memref<1x128xi32, #tpu.memory_space<hbm>> -> memref<128xi32, #tpu.memory_space<hbm>>
      %dma_start3A_52 = arith.constant 0 : i32
      %dma_start3A_53 = tpu.memref_slice %arg2[%add3A_48, %dma_start3A_52] : memref<2560x128xi32, #tpu.memory_space<hbm>> -> memref<1x128xi32, #tpu.memory_space<hbm>>
      %dma_start3A_54 = tpu.memref_squeeze %dma_start3A_53 : memref<1x128xi32, #tpu.memory_space<hbm>> -> memref<128xi32, #tpu.memory_space<hbm>>
      tpu.enqueue_dma source(%dma_start3A_54 : memref<128xi32, #tpu.memory_space<hbm>>) target(%arg9 : memref<128xi32, #tpu.memory_space<vmem>>) target_semaphore(%arg22 : memref<!tpu.dma_semaphore, #tpu.memory_space<semaphore_mem>>)
      %add3A_55 = arith.constant 2 : i32
      %add3A_56 = arith.addi %add3A_15, %add3A_55 : i32
      %dma_start3A_57 = arith.constant 0 : i32
      %dma_start3A_58 = tpu.memref_slice %arg3[%add3A_56, %dma_start3A_57] : memref<2560x128xi32, #tpu.memory_space<hbm>> -> memref<1x128xi32, #tpu.memory_space<hbm>>
      %dma_start3A_59 = tpu.memref_squeeze %dma_start3A_58 : memref<1x128xi32, #tpu.memory_space<hbm>> -> memref<128xi32, #tpu.memory_space<hbm>>
      %dma_start3A_60 = arith.constant 0 : i32
      %dma_start3A_61 = tpu.memref_slice %arg3[%add3A_56, %dma_start3A_60] : memref<2560x128xi32, #tpu.memory_space<hbm>> -> memref<1x128xi32, #tpu.memory_space<hbm>>
      %dma_start3A_62 = tpu.memref_squeeze %dma_start3A_61 : memref<1x128xi32, #tpu.memory_space<hbm>> -> memref<128xi32, #tpu.memory_space<hbm>>
      tpu.enqueue_dma source(%dma_start3A_62 : memref<128xi32, #tpu.memory_space<hbm>>) target(%arg13 : memref<128xi32, #tpu.memory_space<vmem>>) target_semaphore(%arg22 : memref<!tpu.dma_semaphore, #tpu.memory_space<semaphore_mem>>)
      %add3A_63 = arith.constant 3 : i32
      %add3A_64 = arith.addi %add3A_15, %add3A_63 : i32
      %dma_start3A_65 = arith.constant 0 : i32
      %dma_start3A_66 = tpu.memref_slice %arg2[%add3A_64, %dma_start3A_65] : memref<2560x128xi32, #tpu.memory_space<hbm>> -> memref<1x128xi32, #tpu.memory_space<hbm>>
      %dma_start3A_67 = tpu.memref_squeeze %dma_start3A_66 : memref<1x128xi32, #tpu.memory_space<hbm>> -> memref<128xi32, #tpu.memory_space<hbm>>
      %dma_start3A_68 = arith.constant 0 : i32
      %dma_start3A_69 = tpu.memref_slice %arg2[%add3A_64, %dma_start3A_68] : memref<2560x128xi32, #tpu.memory_space<hbm>> -> memref<1x128xi32, #tpu.memory_space<hbm>>
      %dma_start3A_70 = tpu.memref_squeeze %dma_start3A_69 : memref<1x128xi32, #tpu.memory_space<hbm>> -> memref<128xi32, #tpu.memory_space<hbm>>
      tpu.enqueue_dma source(%dma_start3A_70 : memref<128xi32, #tpu.memory_space<hbm>>) target(%arg10 : memref<128xi32, #tpu.memory_space<vmem>>) target_semaphore(%arg23 : memref<!tpu.dma_semaphore, #tpu.memory_space<semaphore_mem>>)
      %add3A_71 = arith.constant 3 : i32
      %add3A_72 = arith.addi %add3A_15, %add3A_71 : i32
      %dma_start3A_73 = arith.constant 0 : i32
      %dma_start3A_74 = tpu.memref_slice %arg3[%add3A_72, %dma_start3A_73] : memref<2560x128xi32, #tpu.memory_space<hbm>> -> memref<1x128xi32, #tpu.memory_space<hbm>>
      %dma_start3A_75 = tpu.memref_squeeze %dma_start3A_74 : memref<1x128xi32, #tpu.memory_space<hbm>> -> memref<128xi32, #tpu.memory_space<hbm>>
      %dma_start3A_76 = arith.constant 0 : i32
      %dma_start3A_77 = tpu.memref_slice %arg3[%add3A_72, %dma_start3A_76] : memref<2560x128xi32, #tpu.memory_space<hbm>> -> memref<1x128xi32, #tpu.memory_space<hbm>>
      %dma_start3A_78 = tpu.memref_squeeze %dma_start3A_77 : memref<1x128xi32, #tpu.memory_space<hbm>> -> memref<128xi32, #tpu.memory_space<hbm>>
      tpu.enqueue_dma source(%dma_start3A_78 : memref<128xi32, #tpu.memory_space<hbm>>) target(%arg14 : memref<128xi32, #tpu.memory_space<vmem>>) target_semaphore(%arg23 : memref<!tpu.dma_semaphore, #tpu.memory_space<semaphore_mem>>)
      %add3A_79 = arith.constant 0 : i32
      %add3A_80 = arith.addi %add3A_15, %add3A_79 : i32
      %dma_wait3A = arith.constant 0 : i32
      %dma_wait3A_81 = tpu.memref_slice %arg2[%add3A_80, %dma_wait3A] : memref<2560x128xi32, #tpu.memory_space<hbm>> -> memref<1x128xi32, #tpu.memory_space<hbm>>
      %dma_wait3A_82 = tpu.memref_squeeze %dma_wait3A_81 : memref<1x128xi32, #tpu.memory_space<hbm>> -> memref<128xi32, #tpu.memory_space<hbm>>
      %dma_wait3A_83 = arith.constant 0 : i32
      %dma_wait3A_84 = tpu.memref_slice %arg2[%add3A_80, %dma_wait3A_83] : memref<2560x128xi32, #tpu.memory_space<hbm>> -> memref<1x128xi32, #tpu.memory_space<hbm>>
      %dma_wait3A_85 = tpu.memref_squeeze %dma_wait3A_84 : memref<1x128xi32, #tpu.memory_space<hbm>> -> memref<128xi32, #tpu.memory_space<hbm>>
      tpu.wait_dma2 semaphore(%arg20 : memref<!tpu.dma_semaphore, #tpu.memory_space<semaphore_mem>>) src(%dma_wait3A_85 : memref<128xi32, #tpu.memory_space<hbm>>) dst(%arg7 : memref<128xi32, #tpu.memory_space<vmem>>)
      %add3A_86 = arith.constant 0 : i32
      %add3A_87 = arith.addi %add3A_15, %add3A_86 : i32
      %dma_wait3A_88 = arith.constant 0 : i32
      %dma_wait3A_89 = tpu.memref_slice %arg3[%add3A_87, %dma_wait3A_88] : memref<2560x128xi32, #tpu.memory_space<hbm>> -> memref<1x128xi32, #tpu.memory_space<hbm>>
      %dma_wait3A_90 = tpu.memref_squeeze %dma_wait3A_89 : memref<1x128xi32, #tpu.memory_space<hbm>> -> memref<128xi32, #tpu.memory_space<hbm>>
      %dma_wait3A_91 = arith.constant 0 : i32
      %dma_wait3A_92 = tpu.memref_slice %arg3[%add3A_87, %dma_wait3A_91] : memref<2560x128xi32, #tpu.memory_space<hbm>> -> memref<1x128xi32, #tpu.memory_space<hbm>>
      %dma_wait3A_93 = tpu.memref_squeeze %dma_wait3A_92 : memref<1x128xi32, #tpu.memory_space<hbm>> -> memref<128xi32, #tpu.memory_space<hbm>>
      tpu.wait_dma2 semaphore(%arg20 : memref<!tpu.dma_semaphore, #tpu.memory_space<semaphore_mem>>) src(%dma_wait3A_93 : memref<128xi32, #tpu.memory_space<hbm>>) dst(%arg11 : memref<128xi32, #tpu.memory_space<vmem>>)
      %dma_start3A_94 = arith.constant 0 : i32
      %dma_start3A_95 = arith.constant 0 : i32
      %dma_start3A_96 = tpu.memref_slice %arg4[%dma_start3A_94, %dma_start3A_95] : memref<10240x128xf32, #tpu.memory_space<hbm>> -> memref<10240x128xf32, #tpu.memory_space<hbm>>
      tpu.enqueue_indirect_dma source(%dma_start3A_96 : memref<10240x128xf32, #tpu.memory_space<hbm>>) target(%arg15 : memref<128x128xf32, #tpu.memory_space<vmem>>) offsets(%arg7 : memref<128xi32, #tpu.memory_space<vmem>>) semaphore(%arg18 : memref<!tpu.dma_semaphore, #tpu.memory_space<semaphore_mem>>)
      %add3A_97 = arith.constant 1 : i32
      %add3A_98 = arith.addi %add3A_15, %add3A_97 : i32
      %dma_wait3A_99 = arith.constant 0 : i32
      %dma_wait3A_100 = tpu.memref_slice %arg2[%add3A_98, %dma_wait3A_99] : memref<2560x128xi32, #tpu.memory_space<hbm>> -> memref<1x128xi32, #tpu.memory_space<hbm>>
      %dma_wait3A_101 = tpu.memref_squeeze %dma_wait3A_100 : memref<1x128xi32, #tpu.memory_space<hbm>> -> memref<128xi32, #tpu.memory_space<hbm>>
      %dma_wait3A_102 = arith.constant 0 : i32
      %dma_wait3A_103 = tpu.memref_slice %arg2[%add3A_98, %dma_wait3A_102] : memref<2560x128xi32, #tpu.memory_space<hbm>> -> memref<1x128xi32, #tpu.memory_space<hbm>>
      %dma_wait3A_104 = tpu.memref_squeeze %dma_wait3A_103 : memref<1x128xi32, #tpu.memory_space<hbm>> -> memref<128xi32, #tpu.memory_space<hbm>>
      tpu.wait_dma2 semaphore(%arg21 : memref<!tpu.dma_semaphore, #tpu.memory_space<semaphore_mem>>) src(%dma_wait3A_104 : memref<128xi32, #tpu.memory_space<hbm>>) dst(%arg8 : memref<128xi32, #tpu.memory_space<vmem>>)
      %add3A_105 = arith.constant 1 : i32
      %add3A_106 = arith.addi %add3A_15, %add3A_105 : i32
      %dma_wait3A_107 = arith.constant 0 : i32
      %dma_wait3A_108 = tpu.memref_slice %arg3[%add3A_106, %dma_wait3A_107] : memref<2560x128xi32, #tpu.memory_space<hbm>> -> memref<1x128xi32, #tpu.memory_space<hbm>>
      %dma_wait3A_109 = tpu.memref_squeeze %dma_wait3A_108 : memref<1x128xi32, #tpu.memory_space<hbm>> -> memref<128xi32, #tpu.memory_space<hbm>>
      %dma_wait3A_110 = arith.constant 0 : i32
      %dma_wait3A_111 = tpu.memref_slice %arg3[%add3A_106, %dma_wait3A_110] : memref<2560x128xi32, #tpu.memory_space<hbm>> -> memref<1x128xi32, #tpu.memory_space<hbm>>
      %dma_wait3A_112 = tpu.memref_squeeze %dma_wait3A_111 : memref<1x128xi32, #tpu.memory_space<hbm>> -> memref<128xi32, #tpu.memory_space<hbm>>
      tpu.wait_dma2 semaphore(%arg21 : memref<!tpu.dma_semaphore, #tpu.memory_space<semaphore_mem>>) src(%dma_wait3A_112 : memref<128xi32, #tpu.memory_space<hbm>>) dst(%arg12 : memref<128xi32, #tpu.memory_space<vmem>>)
      %dma_start3A_113 = arith.constant 0 : i32
      %dma_start3A_114 = arith.constant 0 : i32
      %dma_start3A_115 = tpu.memref_slice %arg4[%dma_start3A_113, %dma_start3A_114] : memref<10240x128xf32, #tpu.memory_space<hbm>> -> memref<10240x128xf32, #tpu.memory_space<hbm>>
      tpu.enqueue_indirect_dma source(%dma_start3A_115 : memref<10240x128xf32, #tpu.memory_space<hbm>>) target(%arg16 : memref<128x128xf32, #tpu.memory_space<vmem>>) offsets(%arg8 : memref<128xi32, #tpu.memory_space<vmem>>) semaphore(%arg19 : memref<!tpu.dma_semaphore, #tpu.memory_space<semaphore_mem>>)
      %scan3A = arith.constant 0 : i32
      %scan3A_116 = arith.constant 2 : i32
      %scan3A_117 = arith.addi %scan3A, %scan3A_116 : i32
      %scan3A_118 = arith.constant 1 : i32
      scf.for %scan3A_120 = %scan3A to %scan3A_117 step %scan3A_118  : i32 {
        %mul3A_121 = arith.constant 4 : i32
        %mul3A_122 = arith.muli %scan3A_120, %mul3A_121 : i32
        %add3A_123 = arith.constant 0 : i32
        %add3A_124 = arith.addi %mul3A_122, %add3A_123 : i32
        %dma_wait3A_125 = arith.constant 0 : i32
        %dma_wait3A_126 = arith.constant 0 : i32
        %dma_wait3A_127 = tpu.memref_slice %arg4[%dma_wait3A_125, %dma_wait3A_126] : memref<10240x128xf32, #tpu.memory_space<hbm>> -> memref<10240x128xf32, #tpu.memory_space<hbm>>
        tpu.wait_indirect_dma semaphore(%arg18 : memref<!tpu.dma_semaphore, #tpu.memory_space<semaphore_mem>>) src(%dma_wait3A_127 : memref<10240x128xf32, #tpu.memory_space<hbm>>) dst(%arg15 : memref<128x128xf32, #tpu.memory_space<vmem>>)
        %dma_start3A_128 = arith.constant 0 : i32
        %dma_start3A_129 = arith.constant 0 : i32
        %dma_start3A_130 = tpu.memref_slice %arg17[%dma_start3A_128, %dma_start3A_129] : memref<10240x128xf32, #tpu.memory_space<vmem_shared>> -> memref<10240x128xf32, #tpu.memory_space<vmem_shared>>
        tpu.enqueue_indirect_dma source(%arg15 : memref<128x128xf32, #tpu.memory_space<vmem>>) target(%dma_start3A_130 : memref<10240x128xf32, #tpu.memory_space<vmem_shared>>) offsets(%arg11 : memref<128xi32, #tpu.memory_space<vmem>>) semaphore(%arg24 : memref<!tpu.dma_semaphore, #tpu.memory_space<semaphore_mem>>) {add = true}
        %dma_wait3A_131 = arith.constant 0 : i32
        %dma_wait3A_132 = arith.constant 0 : i32
        %dma_wait3A_133 = tpu.memref_slice %arg17[%dma_wait3A_131, %dma_wait3A_132] : memref<10240x128xf32, #tpu.memory_space<vmem_shared>> -> memref<10240x128xf32, #tpu.memory_space<vmem_shared>>
        tpu.wait_indirect_dma semaphore(%arg24 : memref<!tpu.dma_semaphore, #tpu.memory_space<semaphore_mem>>) src(%arg15 : memref<128x128xf32, #tpu.memory_space<vmem>>) dst(%dma_wait3A_133 : memref<10240x128xf32, #tpu.memory_space<vmem_shared>>)
        %add3A_134 = arith.constant 4 : i32
        %add3A_135 = arith.addi %add3A_124, %add3A_134 : i32
        %lt3A = arith.constant 8 : i32
        %lt3A_136 = arith.cmpi slt, %add3A_135, %lt3A : i32
        %convert_element_type3A_137 = arith.extui %lt3A_136 : i1 to i32
        %cond3A_138 = arith.constant 0 : i32
        %cond3A_139 = arith.cmpi ne, %convert_element_type3A_137, %cond3A_138 : i32
        scf.if %cond3A_139 {
          %add3A_228 = arith.addi %add3A_15, %add3A_124 : i32
          %add3A_229 = arith.constant 4 : i32
          %add3A_230 = arith.addi %add3A_228, %add3A_229 : i32
          %dma_start3A_231 = arith.constant 0 : i32
          %dma_start3A_232 = tpu.memref_slice %arg2[%add3A_230, %dma_start3A_231] : memref<2560x128xi32, #tpu.memory_space<hbm>> -> memref<1x128xi32, #tpu.memory_space<hbm>>
          %dma_start3A_233 = tpu.memref_squeeze %dma_start3A_232 : memref<1x128xi32, #tpu.memory_space<hbm>> -> memref<128xi32, #tpu.memory_space<hbm>>
          %dma_start3A_234 = arith.constant 0 : i32
          %dma_start3A_235 = tpu.memref_slice %arg2[%add3A_230, %dma_start3A_234] : memref<2560x128xi32, #tpu.memory_space<hbm>> -> memref<1x128xi32, #tpu.memory_space<hbm>>
          %dma_start3A_236 = tpu.memref_squeeze %dma_start3A_235 : memref<1x128xi32, #tpu.memory_space<hbm>> -> memref<128xi32, #tpu.memory_space<hbm>>
          tpu.enqueue_dma source(%dma_start3A_236 : memref<128xi32, #tpu.memory_space<hbm>>) target(%arg7 : memref<128xi32, #tpu.memory_space<vmem>>) target_semaphore(%arg20 : memref<!tpu.dma_semaphore, #tpu.memory_space<semaphore_mem>>)
          %add3A_237 = arith.addi %add3A_15, %add3A_124 : i32
          %add3A_238 = arith.constant 4 : i32
          %add3A_239 = arith.addi %add3A_237, %add3A_238 : i32
          %dma_start3A_240 = arith.constant 0 : i32
          %dma_start3A_241 = tpu.memref_slice %arg3[%add3A_239, %dma_start3A_240] : memref<2560x128xi32, #tpu.memory_space<hbm>> -> memref<1x128xi32, #tpu.memory_space<hbm>>
          %dma_start3A_242 = tpu.memref_squeeze %dma_start3A_241 : memref<1x128xi32, #tpu.memory_space<hbm>> -> memref<128xi32, #tpu.memory_space<hbm>>
          %dma_start3A_243 = arith.constant 0 : i32
          %dma_start3A_244 = tpu.memref_slice %arg3[%add3A_239, %dma_start3A_243] : memref<2560x128xi32, #tpu.memory_space<hbm>> -> memref<1x128xi32, #tpu.memory_space<hbm>>
          %dma_start3A_245 = tpu.memref_squeeze %dma_start3A_244 : memref<1x128xi32, #tpu.memory_space<hbm>> -> memref<128xi32, #tpu.memory_space<hbm>>
          tpu.enqueue_dma source(%dma_start3A_245 : memref<128xi32, #tpu.memory_space<hbm>>) target(%arg11 : memref<128xi32, #tpu.memory_space<vmem>>) target_semaphore(%arg20 : memref<!tpu.dma_semaphore, #tpu.memory_space<semaphore_mem>>)
        } else {
        }
        %add3A_140 = arith.constant 2 : i32
        %add3A_141 = arith.addi %add3A_124, %add3A_140 : i32
        %lt3A_142 = arith.constant 8 : i32
        %lt3A_143 = arith.cmpi slt, %add3A_141, %lt3A_142 : i32
        %convert_element_type3A_144 = arith.extui %lt3A_143 : i1 to i32
        %cond3A_145 = arith.constant 0 : i32
        %cond3A_146 = arith.cmpi ne, %convert_element_type3A_144, %cond3A_145 : i32
        scf.if %cond3A_146 {
          %add3A_228 = arith.constant 2 : i32
          %add3A_229 = arith.addi %add3A_124, %add3A_228 : i32
          %add3A_230 = arith.addi %add3A_15, %add3A_229 : i32
          %dma_wait3A_231 = arith.constant 0 : i32
          %dma_wait3A_232 = tpu.memref_slice %arg2[%add3A_230, %dma_wait3A_231] : memref<2560x128xi32, #tpu.memory_space<hbm>> -> memref<1x128xi32, #tpu.memory_space<hbm>>
          %dma_wait3A_233 = tpu.memref_squeeze %dma_wait3A_232 : memref<1x128xi32, #tpu.memory_space<hbm>> -> memref<128xi32, #tpu.memory_space<hbm>>
          %dma_wait3A_234 = arith.constant 0 : i32
          %dma_wait3A_235 = tpu.memref_slice %arg2[%add3A_230, %dma_wait3A_234] : memref<2560x128xi32, #tpu.memory_space<hbm>> -> memref<1x128xi32, #tpu.memory_space<hbm>>
          %dma_wait3A_236 = tpu.memref_squeeze %dma_wait3A_235 : memref<1x128xi32, #tpu.memory_space<hbm>> -> memref<128xi32, #tpu.memory_space<hbm>>
          tpu.wait_dma2 semaphore(%arg22 : memref<!tpu.dma_semaphore, #tpu.memory_space<semaphore_mem>>) src(%dma_wait3A_236 : memref<128xi32, #tpu.memory_space<hbm>>) dst(%arg9 : memref<128xi32, #tpu.memory_space<vmem>>)
          %add3A_237 = arith.addi %add3A_15, %add3A_229 : i32
          %dma_wait3A_238 = arith.constant 0 : i32
          %dma_wait3A_239 = tpu.memref_slice %arg3[%add3A_237, %dma_wait3A_238] : memref<2560x128xi32, #tpu.memory_space<hbm>> -> memref<1x128xi32, #tpu.memory_space<hbm>>
          %dma_wait3A_240 = tpu.memref_squeeze %dma_wait3A_239 : memref<1x128xi32, #tpu.memory_space<hbm>> -> memref<128xi32, #tpu.memory_space<hbm>>
          %dma_wait3A_241 = arith.constant 0 : i32
          %dma_wait3A_242 = tpu.memref_slice %arg3[%add3A_237, %dma_wait3A_241] : memref<2560x128xi32, #tpu.memory_space<hbm>> -> memref<1x128xi32, #tpu.memory_space<hbm>>
          %dma_wait3A_243 = tpu.memref_squeeze %dma_wait3A_242 : memref<1x128xi32, #tpu.memory_space<hbm>> -> memref<128xi32, #tpu.memory_space<hbm>>
          tpu.wait_dma2 semaphore(%arg22 : memref<!tpu.dma_semaphore, #tpu.memory_space<semaphore_mem>>) src(%dma_wait3A_243 : memref<128xi32, #tpu.memory_space<hbm>>) dst(%arg13 : memref<128xi32, #tpu.memory_space<vmem>>)
          %dma_start3A_244 = arith.constant 0 : i32
          %dma_start3A_245 = arith.constant 0 : i32
          %dma_start3A_246 = tpu.memref_slice %arg4[%dma_start3A_244, %dma_start3A_245] : memref<10240x128xf32, #tpu.memory_space<hbm>> -> memref<10240x128xf32, #tpu.memory_space<hbm>>
          tpu.enqueue_indirect_dma source(%dma_start3A_246 : memref<10240x128xf32, #tpu.memory_space<hbm>>) target(%arg15 : memref<128x128xf32, #tpu.memory_space<vmem>>) offsets(%arg9 : memref<128xi32, #tpu.memory_space<vmem>>) semaphore(%arg18 : memref<!tpu.dma_semaphore, #tpu.memory_space<semaphore_mem>>)
        } else {
        }
        %mul3A_147 = arith.constant 4 : i32
        %mul3A_148 = arith.muli %scan3A_120, %mul3A_147 : i32
        %add3A_149 = arith.constant 1 : i32
        %add3A_150 = arith.addi %mul3A_148, %add3A_149 : i32
        %dma_wait3A_151 = arith.constant 0 : i32
        %dma_wait3A_152 = arith.constant 0 : i32
        %dma_wait3A_153 = tpu.memref_slice %arg4[%dma_wait3A_151, %dma_wait3A_152] : memref<10240x128xf32, #tpu.memory_space<hbm>> -> memref<10240x128xf32, #tpu.memory_space<hbm>>
        tpu.wait_indirect_dma semaphore(%arg19 : memref<!tpu.dma_semaphore, #tpu.memory_space<semaphore_mem>>) src(%dma_wait3A_153 : memref<10240x128xf32, #tpu.memory_space<hbm>>) dst(%arg16 : memref<128x128xf32, #tpu.memory_space<vmem>>)
        %dma_start3A_154 = arith.constant 0 : i32
        %dma_start3A_155 = arith.constant 0 : i32
        %dma_start3A_156 = tpu.memref_slice %arg17[%dma_start3A_154, %dma_start3A_155] : memref<10240x128xf32, #tpu.memory_space<vmem_shared>> -> memref<10240x128xf32, #tpu.memory_space<vmem_shared>>
        tpu.enqueue_indirect_dma source(%arg16 : memref<128x128xf32, #tpu.memory_space<vmem>>) target(%dma_start3A_156 : memref<10240x128xf32, #tpu.memory_space<vmem_shared>>) offsets(%arg12 : memref<128xi32, #tpu.memory_space<vmem>>) semaphore(%arg24 : memref<!tpu.dma_semaphore, #tpu.memory_space<semaphore_mem>>) {add = true}
        %dma_wait3A_157 = arith.constant 0 : i32
        %dma_wait3A_158 = arith.constant 0 : i32
        %dma_wait3A_159 = tpu.memref_slice %arg17[%dma_wait3A_157, %dma_wait3A_158] : memref<10240x128xf32, #tpu.memory_space<vmem_shared>> -> memref<10240x128xf32, #tpu.memory_space<vmem_shared>>
        tpu.wait_indirect_dma semaphore(%arg24 : memref<!tpu.dma_semaphore, #tpu.memory_space<semaphore_mem>>) src(%arg16 : memref<128x128xf32, #tpu.memory_space<vmem>>) dst(%dma_wait3A_159 : memref<10240x128xf32, #tpu.memory_space<vmem_shared>>)
        %add3A_160 = arith.constant 4 : i32
        %add3A_161 = arith.addi %add3A_150, %add3A_160 : i32
        %lt3A_162 = arith.constant 8 : i32
        %lt3A_163 = arith.cmpi slt, %add3A_161, %lt3A_162 : i32
        %convert_element_type3A_164 = arith.extui %lt3A_163 : i1 to i32
        %cond3A_165 = arith.constant 0 : i32
        %cond3A_166 = arith.cmpi ne, %convert_element_type3A_164, %cond3A_165 : i32
        scf.if %cond3A_166 {
          %add3A_228 = arith.addi %add3A_15, %add3A_150 : i32
          %add3A_229 = arith.constant 4 : i32
          %add3A_230 = arith.addi %add3A_228, %add3A_229 : i32
          %dma_start3A_231 = arith.constant 0 : i32
          %dma_start3A_232 = tpu.memref_slice %arg2[%add3A_230, %dma_start3A_231] : memref<2560x128xi32, #tpu.memory_space<hbm>> -> memref<1x128xi32, #tpu.memory_space<hbm>>
          %dma_start3A_233 = tpu.memref_squeeze %dma_start3A_232 : memref<1x128xi32, #tpu.memory_space<hbm>> -> memref<128xi32, #tpu.memory_space<hbm>>
          %dma_start3A_234 = arith.constant 0 : i32
          %dma_start3A_235 = tpu.memref_slice %arg2[%add3A_230, %dma_start3A_234] : memref<2560x128xi32, #tpu.memory_space<hbm>> -> memref<1x128xi32, #tpu.memory_space<hbm>>
          %dma_start3A_236 = tpu.memref_squeeze %dma_start3A_235 : memref<1x128xi32, #tpu.memory_space<hbm>> -> memref<128xi32, #tpu.memory_space<hbm>>
          tpu.enqueue_dma source(%dma_start3A_236 : memref<128xi32, #tpu.memory_space<hbm>>) target(%arg8 : memref<128xi32, #tpu.memory_space<vmem>>) target_semaphore(%arg21 : memref<!tpu.dma_semaphore, #tpu.memory_space<semaphore_mem>>)
          %add3A_237 = arith.addi %add3A_15, %add3A_150 : i32
          %add3A_238 = arith.constant 4 : i32
          %add3A_239 = arith.addi %add3A_237, %add3A_238 : i32
          %dma_start3A_240 = arith.constant 0 : i32
          %dma_start3A_241 = tpu.memref_slice %arg3[%add3A_239, %dma_start3A_240] : memref<2560x128xi32, #tpu.memory_space<hbm>> -> memref<1x128xi32, #tpu.memory_space<hbm>>
          %dma_start3A_242 = tpu.memref_squeeze %dma_start3A_241 : memref<1x128xi32, #tpu.memory_space<hbm>> -> memref<128xi32, #tpu.memory_space<hbm>>
          %dma_start3A_243 = arith.constant 0 : i32
          %dma_start3A_244 = tpu.memref_slice %arg3[%add3A_239, %dma_start3A_243] : memref<2560x128xi32, #tpu.memory_space<hbm>> -> memref<1x128xi32, #tpu.memory_space<hbm>>
          %dma_start3A_245 = tpu.memref_squeeze %dma_start3A_244 : memref<1x128xi32, #tpu.memory_space<hbm>> -> memref<128xi32, #tpu.memory_space<hbm>>
          tpu.enqueue_dma source(%dma_start3A_245 : memref<128xi32, #tpu.memory_space<hbm>>) target(%arg12 : memref<128xi32, #tpu.memory_space<vmem>>) target_semaphore(%arg21 : memref<!tpu.dma_semaphore, #tpu.memory_space<semaphore_mem>>)
        } else {
        }
        %add3A_167 = arith.constant 2 : i32
        %add3A_168 = arith.addi %add3A_150, %add3A_167 : i32
        %lt3A_169 = arith.constant 8 : i32
        %lt3A_170 = arith.cmpi slt, %add3A_168, %lt3A_169 : i32
        %convert_element_type3A_171 = arith.extui %lt3A_170 : i1 to i32
        %cond3A_172 = arith.constant 0 : i32
        %cond3A_173 = arith.cmpi ne, %convert_element_type3A_171, %cond3A_172 : i32
        scf.if %cond3A_173 {
          %add3A_228 = arith.constant 2 : i32
          %add3A_229 = arith.addi %add3A_150, %add3A_228 : i32
          %add3A_230 = arith.addi %add3A_15, %add3A_229 : i32
          %dma_wait3A_231 = arith.constant 0 : i32
          %dma_wait3A_232 = tpu.memref_slice %arg2[%add3A_230, %dma_wait3A_231] : memref<2560x128xi32, #tpu.memory_space<hbm>> -> memref<1x128xi32, #tpu.memory_space<hbm>>
          %dma_wait3A_233 = tpu.memref_squeeze %dma_wait3A_232 : memref<1x128xi32, #tpu.memory_space<hbm>> -> memref<128xi32, #tpu.memory_space<hbm>>
          %dma_wait3A_234 = arith.constant 0 : i32
          %dma_wait3A_235 = tpu.memref_slice %arg2[%add3A_230, %dma_wait3A_234] : memref<2560x128xi32, #tpu.memory_space<hbm>> -> memref<1x128xi32, #tpu.memory_space<hbm>>
          %dma_wait3A_236 = tpu.memref_squeeze %dma_wait3A_235 : memref<1x128xi32, #tpu.memory_space<hbm>> -> memref<128xi32, #tpu.memory_space<hbm>>
          tpu.wait_dma2 semaphore(%arg23 : memref<!tpu.dma_semaphore, #tpu.memory_space<semaphore_mem>>) src(%dma_wait3A_236 : memref<128xi32, #tpu.memory_space<hbm>>) dst(%arg10 : memref<128xi32, #tpu.memory_space<vmem>>)
          %add3A_237 = arith.addi %add3A_15, %add3A_229 : i32
          %dma_wait3A_238 = arith.constant 0 : i32
          %dma_wait3A_239 = tpu.memref_slice %arg3[%add3A_237, %dma_wait3A_238] : memref<2560x128xi32, #tpu.memory_space<hbm>> -> memref<1x128xi32, #tpu.memory_space<hbm>>
          %dma_wait3A_240 = tpu.memref_squeeze %dma_wait3A_239 : memref<1x128xi32, #tpu.memory_space<hbm>> -> memref<128xi32, #tpu.memory_space<hbm>>
          %dma_wait3A_241 = arith.constant 0 : i32
          %dma_wait3A_242 = tpu.memref_slice %arg3[%add3A_237, %dma_wait3A_241] : memref<2560x128xi32, #tpu.memory_space<hbm>> -> memref<1x128xi32, #tpu.memory_space<hbm>>
          %dma_wait3A_243 = tpu.memref_squeeze %dma_wait3A_242 : memref<1x128xi32, #tpu.memory_space<hbm>> -> memref<128xi32, #tpu.memory_space<hbm>>
          tpu.wait_dma2 semaphore(%arg23 : memref<!tpu.dma_semaphore, #tpu.memory_space<semaphore_mem>>) src(%dma_wait3A_243 : memref<128xi32, #tpu.memory_space<hbm>>) dst(%arg14 : memref<128xi32, #tpu.memory_space<vmem>>)
          %dma_start3A_244 = arith.constant 0 : i32
          %dma_start3A_245 = arith.constant 0 : i32
          %dma_start3A_246 = tpu.memref_slice %arg4[%dma_start3A_244, %dma_start3A_245] : memref<10240x128xf32, #tpu.memory_space<hbm>> -> memref<10240x128xf32, #tpu.memory_space<hbm>>
          tpu.enqueue_indirect_dma source(%dma_start3A_246 : memref<10240x128xf32, #tpu.memory_space<hbm>>) target(%arg16 : memref<128x128xf32, #tpu.memory_space<vmem>>) offsets(%arg10 : memref<128xi32, #tpu.memory_space<vmem>>) semaphore(%arg19 : memref<!tpu.dma_semaphore, #tpu.memory_space<semaphore_mem>>)
        } else {
        }
        %mul3A_174 = arith.constant 4 : i32
        %mul3A_175 = arith.muli %scan3A_120, %mul3A_174 : i32
        %add3A_176 = arith.constant 2 : i32
        %add3A_177 = arith.addi %mul3A_175, %add3A_176 : i32
        %dma_wait3A_178 = arith.constant 0 : i32
        %dma_wait3A_179 = arith.constant 0 : i32
        %dma_wait3A_180 = tpu.memref_slice %arg4[%dma_wait3A_178, %dma_wait3A_179] : memref<10240x128xf32, #tpu.memory_space<hbm>> -> memref<10240x128xf32, #tpu.memory_space<hbm>>
        tpu.wait_indirect_dma semaphore(%arg18 : memref<!tpu.dma_semaphore, #tpu.memory_space<semaphore_mem>>) src(%dma_wait3A_180 : memref<10240x128xf32, #tpu.memory_space<hbm>>) dst(%arg15 : memref<128x128xf32, #tpu.memory_space<vmem>>)
        %dma_start3A_181 = arith.constant 0 : i32
        %dma_start3A_182 = arith.constant 0 : i32
        %dma_start3A_183 = tpu.memref_slice %arg17[%dma_start3A_181, %dma_start3A_182] : memref<10240x128xf32, #tpu.memory_space<vmem_shared>> -> memref<10240x128xf32, #tpu.memory_space<vmem_shared>>
        tpu.enqueue_indirect_dma source(%arg15 : memref<128x128xf32, #tpu.memory_space<vmem>>) target(%dma_start3A_183 : memref<10240x128xf32, #tpu.memory_space<vmem_shared>>) offsets(%arg13 : memref<128xi32, #tpu.memory_space<vmem>>) semaphore(%arg24 : memref<!tpu.dma_semaphore, #tpu.memory_space<semaphore_mem>>) {add = true}
        %dma_wait3A_184 = arith.constant 0 : i32
        %dma_wait3A_185 = arith.constant 0 : i32
        %dma_wait3A_186 = tpu.memref_slice %arg17[%dma_wait3A_184, %dma_wait3A_185] : memref<10240x128xf32, #tpu.memory_space<vmem_shared>> -> memref<10240x128xf32, #tpu.memory_space<vmem_shared>>
        tpu.wait_indirect_dma semaphore(%arg24 : memref<!tpu.dma_semaphore, #tpu.memory_space<semaphore_mem>>) src(%arg15 : memref<128x128xf32, #tpu.memory_space<vmem>>) dst(%dma_wait3A_186 : memref<10240x128xf32, #tpu.memory_space<vmem_shared>>)
        %add3A_187 = arith.constant 4 : i32
        %add3A_188 = arith.addi %add3A_177, %add3A_187 : i32
        %lt3A_189 = arith.constant 8 : i32
        %lt3A_190 = arith.cmpi slt, %add3A_188, %lt3A_189 : i32
        %convert_element_type3A_191 = arith.extui %lt3A_190 : i1 to i32
        %cond3A_192 = arith.constant 0 : i32
        %cond3A_193 = arith.cmpi ne, %convert_element_type3A_191, %cond3A_192 : i32
        scf.if %cond3A_193 {
          %add3A_228 = arith.addi %add3A_15, %add3A_177 : i32
          %add3A_229 = arith.constant 4 : i32
          %add3A_230 = arith.addi %add3A_228, %add3A_229 : i32
          %dma_start3A_231 = arith.constant 0 : i32
          %dma_start3A_232 = tpu.memref_slice %arg2[%add3A_230, %dma_start3A_231] : memref<2560x128xi32, #tpu.memory_space<hbm>> -> memref<1x128xi32, #tpu.memory_space<hbm>>
          %dma_start3A_233 = tpu.memref_squeeze %dma_start3A_232 : memref<1x128xi32, #tpu.memory_space<hbm>> -> memref<128xi32, #tpu.memory_space<hbm>>
          %dma_start3A_234 = arith.constant 0 : i32
          %dma_start3A_235 = tpu.memref_slice %arg2[%add3A_230, %dma_start3A_234] : memref<2560x128xi32, #tpu.memory_space<hbm>> -> memref<1x128xi32, #tpu.memory_space<hbm>>
          %dma_start3A_236 = tpu.memref_squeeze %dma_start3A_235 : memref<1x128xi32, #tpu.memory_space<hbm>> -> memref<128xi32, #tpu.memory_space<hbm>>
          tpu.enqueue_dma source(%dma_start3A_236 : memref<128xi32, #tpu.memory_space<hbm>>) target(%arg9 : memref<128xi32, #tpu.memory_space<vmem>>) target_semaphore(%arg22 : memref<!tpu.dma_semaphore, #tpu.memory_space<semaphore_mem>>)
          %add3A_237 = arith.addi %add3A_15, %add3A_177 : i32
          %add3A_238 = arith.constant 4 : i32
          %add3A_239 = arith.addi %add3A_237, %add3A_238 : i32
          %dma_start3A_240 = arith.constant 0 : i32
          %dma_start3A_241 = tpu.memref_slice %arg3[%add3A_239, %dma_start3A_240] : memref<2560x128xi32, #tpu.memory_space<hbm>> -> memref<1x128xi32, #tpu.memory_space<hbm>>
          %dma_start3A_242 = tpu.memref_squeeze %dma_start3A_241 : memref<1x128xi32, #tpu.memory_space<hbm>> -> memref<128xi32, #tpu.memory_space<hbm>>
          %dma_start3A_243 = arith.constant 0 : i32
          %dma_start3A_244 = tpu.memref_slice %arg3[%add3A_239, %dma_start3A_243] : memref<2560x128xi32, #tpu.memory_space<hbm>> -> memref<1x128xi32, #tpu.memory_space<hbm>>
          %dma_start3A_245 = tpu.memref_squeeze %dma_start3A_244 : memref<1x128xi32, #tpu.memory_space<hbm>> -> memref<128xi32, #tpu.memory_space<hbm>>
          tpu.enqueue_dma source(%dma_start3A_245 : memref<128xi32, #tpu.memory_space<hbm>>) target(%arg13 : memref<128xi32, #tpu.memory_space<vmem>>) target_semaphore(%arg22 : memref<!tpu.dma_semaphore, #tpu.memory_space<semaphore_mem>>)
        } else {
        }
        %add3A_194 = arith.constant 2 : i32
        %add3A_195 = arith.addi %add3A_177, %add3A_194 : i32
        %lt3A_196 = arith.constant 8 : i32
        %lt3A_197 = arith.cmpi slt, %add3A_195, %lt3A_196 : i32
        %convert_element_type3A_198 = arith.extui %lt3A_197 : i1 to i32
        %cond3A_199 = arith.constant 0 : i32
        %cond3A_200 = arith.cmpi ne, %convert_element_type3A_198, %cond3A_199 : i32
        scf.if %cond3A_200 {
          %add3A_228 = arith.constant 2 : i32
          %add3A_229 = arith.addi %add3A_177, %add3A_228 : i32
          %add3A_230 = arith.addi %add3A_15, %add3A_229 : i32
          %dma_wait3A_231 = arith.constant 0 : i32
          %dma_wait3A_232 = tpu.memref_slice %arg2[%add3A_230, %dma_wait3A_231] : memref<2560x128xi32, #tpu.memory_space<hbm>> -> memref<1x128xi32, #tpu.memory_space<hbm>>
          %dma_wait3A_233 = tpu.memref_squeeze %dma_wait3A_232 : memref<1x128xi32, #tpu.memory_space<hbm>> -> memref<128xi32, #tpu.memory_space<hbm>>
          %dma_wait3A_234 = arith.constant 0 : i32
          %dma_wait3A_235 = tpu.memref_slice %arg2[%add3A_230, %dma_wait3A_234] : memref<2560x128xi32, #tpu.memory_space<hbm>> -> memref<1x128xi32, #tpu.memory_space<hbm>>
          %dma_wait3A_236 = tpu.memref_squeeze %dma_wait3A_235 : memref<1x128xi32, #tpu.memory_space<hbm>> -> memref<128xi32, #tpu.memory_space<hbm>>
          tpu.wait_dma2 semaphore(%arg20 : memref<!tpu.dma_semaphore, #tpu.memory_space<semaphore_mem>>) src(%dma_wait3A_236 : memref<128xi32, #tpu.memory_space<hbm>>) dst(%arg7 : memref<128xi32, #tpu.memory_space<vmem>>)
          %add3A_237 = arith.addi %add3A_15, %add3A_229 : i32
          %dma_wait3A_238 = arith.constant 0 : i32
          %dma_wait3A_239 = tpu.memref_slice %arg3[%add3A_237, %dma_wait3A_238] : memref<2560x128xi32, #tpu.memory_space<hbm>> -> memref<1x128xi32, #tpu.memory_space<hbm>>
          %dma_wait3A_240 = tpu.memref_squeeze %dma_wait3A_239 : memref<1x128xi32, #tpu.memory_space<hbm>> -> memref<128xi32, #tpu.memory_space<hbm>>
          %dma_wait3A_241 = arith.constant 0 : i32
          %dma_wait3A_242 = tpu.memref_slice %arg3[%add3A_237, %dma_wait3A_241] : memref<2560x128xi32, #tpu.memory_space<hbm>> -> memref<1x128xi32, #tpu.memory_space<hbm>>
          %dma_wait3A_243 = tpu.memref_squeeze %dma_wait3A_242 : memref<1x128xi32, #tpu.memory_space<hbm>> -> memref<128xi32, #tpu.memory_space<hbm>>
          tpu.wait_dma2 semaphore(%arg20 : memref<!tpu.dma_semaphore, #tpu.memory_space<semaphore_mem>>) src(%dma_wait3A_243 : memref<128xi32, #tpu.memory_space<hbm>>) dst(%arg11 : memref<128xi32, #tpu.memory_space<vmem>>)
          %dma_start3A_244 = arith.constant 0 : i32
          %dma_start3A_245 = arith.constant 0 : i32
          %dma_start3A_246 = tpu.memref_slice %arg4[%dma_start3A_244, %dma_start3A_245] : memref<10240x128xf32, #tpu.memory_space<hbm>> -> memref<10240x128xf32, #tpu.memory_space<hbm>>
          tpu.enqueue_indirect_dma source(%dma_start3A_246 : memref<10240x128xf32, #tpu.memory_space<hbm>>) target(%arg15 : memref<128x128xf32, #tpu.memory_space<vmem>>) offsets(%arg7 : memref<128xi32, #tpu.memory_space<vmem>>) semaphore(%arg18 : memref<!tpu.dma_semaphore, #tpu.memory_space<semaphore_mem>>)
        } else {
        }
        %mul3A_201 = arith.constant 4 : i32
        %mul3A_202 = arith.muli %scan3A_120, %mul3A_201 : i32
        %add3A_203 = arith.constant 3 : i32
        %add3A_204 = arith.addi %mul3A_202, %add3A_203 : i32
        %dma_wait3A_205 = arith.constant 0 : i32
        %dma_wait3A_206 = arith.constant 0 : i32
        %dma_wait3A_207 = tpu.memref_slice %arg4[%dma_wait3A_205, %dma_wait3A_206] : memref<10240x128xf32, #tpu.memory_space<hbm>> -> memref<10240x128xf32, #tpu.memory_space<hbm>>
        tpu.wait_indirect_dma semaphore(%arg19 : memref<!tpu.dma_semaphore, #tpu.memory_space<semaphore_mem>>) src(%dma_wait3A_207 : memref<10240x128xf32, #tpu.memory_space<hbm>>) dst(%arg16 : memref<128x128xf32, #tpu.memory_space<vmem>>)
        %dma_start3A_208 = arith.constant 0 : i32
        %dma_start3A_209 = arith.constant 0 : i32
        %dma_start3A_210 = tpu.memref_slice %arg17[%dma_start3A_208, %dma_start3A_209] : memref<10240x128xf32, #tpu.memory_space<vmem_shared>> -> memref<10240x128xf32, #tpu.memory_space<vmem_shared>>
        tpu.enqueue_indirect_dma source(%arg16 : memref<128x128xf32, #tpu.memory_space<vmem>>) target(%dma_start3A_210 : memref<10240x128xf32, #tpu.memory_space<vmem_shared>>) offsets(%arg14 : memref<128xi32, #tpu.memory_space<vmem>>) semaphore(%arg24 : memref<!tpu.dma_semaphore, #tpu.memory_space<semaphore_mem>>) {add = true}
        %dma_wait3A_211 = arith.constant 0 : i32
        %dma_wait3A_212 = arith.constant 0 : i32
        %dma_wait3A_213 = tpu.memref_slice %arg17[%dma_wait3A_211, %dma_wait3A_212] : memref<10240x128xf32, #tpu.memory_space<vmem_shared>> -> memref<10240x128xf32, #tpu.memory_space<vmem_shared>>
        tpu.wait_indirect_dma semaphore(%arg24 : memref<!tpu.dma_semaphore, #tpu.memory_space<semaphore_mem>>) src(%arg16 : memref<128x128xf32, #tpu.memory_space<vmem>>) dst(%dma_wait3A_213 : memref<10240x128xf32, #tpu.memory_space<vmem_shared>>)
        %add3A_214 = arith.constant 4 : i32
        %add3A_215 = arith.addi %add3A_204, %add3A_214 : i32
        %lt3A_216 = arith.constant 8 : i32
        %lt3A_217 = arith.cmpi slt, %add3A_215, %lt3A_216 : i32
        %convert_element_type3A_218 = arith.extui %lt3A_217 : i1 to i32
        %cond3A_219 = arith.constant 0 : i32
        %cond3A_220 = arith.cmpi ne, %convert_element_type3A_218, %cond3A_219 : i32
        scf.if %cond3A_220 {
          %add3A_228 = arith.addi %add3A_15, %add3A_204 : i32
          %add3A_229 = arith.constant 4 : i32
          %add3A_230 = arith.addi %add3A_228, %add3A_229 : i32
          %dma_start3A_231 = arith.constant 0 : i32
          %dma_start3A_232 = tpu.memref_slice %arg2[%add3A_230, %dma_start3A_231] : memref<2560x128xi32, #tpu.memory_space<hbm>> -> memref<1x128xi32, #tpu.memory_space<hbm>>
          %dma_start3A_233 = tpu.memref_squeeze %dma_start3A_232 : memref<1x128xi32, #tpu.memory_space<hbm>> -> memref<128xi32, #tpu.memory_space<hbm>>
          %dma_start3A_234 = arith.constant 0 : i32
          %dma_start3A_235 = tpu.memref_slice %arg2[%add3A_230, %dma_start3A_234] : memref<2560x128xi32, #tpu.memory_space<hbm>> -> memref<1x128xi32, #tpu.memory_space<hbm>>
          %dma_start3A_236 = tpu.memref_squeeze %dma_start3A_235 : memref<1x128xi32, #tpu.memory_space<hbm>> -> memref<128xi32, #tpu.memory_space<hbm>>
          tpu.enqueue_dma source(%dma_start3A_236 : memref<128xi32, #tpu.memory_space<hbm>>) target(%arg10 : memref<128xi32, #tpu.memory_space<vmem>>) target_semaphore(%arg23 : memref<!tpu.dma_semaphore, #tpu.memory_space<semaphore_mem>>)
          %add3A_237 = arith.addi %add3A_15, %add3A_204 : i32
          %add3A_238 = arith.constant 4 : i32
          %add3A_239 = arith.addi %add3A_237, %add3A_238 : i32
          %dma_start3A_240 = arith.constant 0 : i32
          %dma_start3A_241 = tpu.memref_slice %arg3[%add3A_239, %dma_start3A_240] : memref<2560x128xi32, #tpu.memory_space<hbm>> -> memref<1x128xi32, #tpu.memory_space<hbm>>
          %dma_start3A_242 = tpu.memref_squeeze %dma_start3A_241 : memref<1x128xi32, #tpu.memory_space<hbm>> -> memref<128xi32, #tpu.memory_space<hbm>>
          %dma_start3A_243 = arith.constant 0 : i32
          %dma_start3A_244 = tpu.memref_slice %arg3[%add3A_239, %dma_start3A_243] : memref<2560x128xi32, #tpu.memory_space<hbm>> -> memref<1x128xi32, #tpu.memory_space<hbm>>
          %dma_start3A_245 = tpu.memref_squeeze %dma_start3A_244 : memref<1x128xi32, #tpu.memory_space<hbm>> -> memref<128xi32, #tpu.memory_space<hbm>>
          tpu.enqueue_dma source(%dma_start3A_245 : memref<128xi32, #tpu.memory_space<hbm>>) target(%arg14 : memref<128xi32, #tpu.memory_space<vmem>>) target_semaphore(%arg23 : memref<!tpu.dma_semaphore, #tpu.memory_space<semaphore_mem>>)
        } else {
        }
        %add3A_221 = arith.constant 2 : i32
        %add3A_222 = arith.addi %add3A_204, %add3A_221 : i32
        %lt3A_223 = arith.constant 8 : i32
        %lt3A_224 = arith.cmpi slt, %add3A_222, %lt3A_223 : i32
        %convert_element_type3A_225 = arith.extui %lt3A_224 : i1 to i32
        %cond3A_226 = arith.constant 0 : i32
        %cond3A_227 = arith.cmpi ne, %convert_element_type3A_225, %cond3A_226 : i32
        scf.if %cond3A_227 {
          %add3A_228 = arith.constant 2 : i32
          %add3A_229 = arith.addi %add3A_204, %add3A_228 : i32
          %add3A_230 = arith.addi %add3A_15, %add3A_229 : i32
          %dma_wait3A_231 = arith.constant 0 : i32
          %dma_wait3A_232 = tpu.memref_slice %arg2[%add3A_230, %dma_wait3A_231] : memref<2560x128xi32, #tpu.memory_space<hbm>> -> memref<1x128xi32, #tpu.memory_space<hbm>>
          %dma_wait3A_233 = tpu.memref_squeeze %dma_wait3A_232 : memref<1x128xi32, #tpu.memory_space<hbm>> -> memref<128xi32, #tpu.memory_space<hbm>>
          %dma_wait3A_234 = arith.constant 0 : i32
          %dma_wait3A_235 = tpu.memref_slice %arg2[%add3A_230, %dma_wait3A_234] : memref<2560x128xi32, #tpu.memory_space<hbm>> -> memref<1x128xi32, #tpu.memory_space<hbm>>
          %dma_wait3A_236 = tpu.memref_squeeze %dma_wait3A_235 : memref<1x128xi32, #tpu.memory_space<hbm>> -> memref<128xi32, #tpu.memory_space<hbm>>
          tpu.wait_dma2 semaphore(%arg21 : memref<!tpu.dma_semaphore, #tpu.memory_space<semaphore_mem>>) src(%dma_wait3A_236 : memref<128xi32, #tpu.memory_space<hbm>>) dst(%arg8 : memref<128xi32, #tpu.memory_space<vmem>>)
          %add3A_237 = arith.addi %add3A_15, %add3A_229 : i32
          %dma_wait3A_238 = arith.constant 0 : i32
          %dma_wait3A_239 = tpu.memref_slice %arg3[%add3A_237, %dma_wait3A_238] : memref<2560x128xi32, #tpu.memory_space<hbm>> -> memref<1x128xi32, #tpu.memory_space<hbm>>
          %dma_wait3A_240 = tpu.memref_squeeze %dma_wait3A_239 : memref<1x128xi32, #tpu.memory_space<hbm>> -> memref<128xi32, #tpu.memory_space<hbm>>
          %dma_wait3A_241 = arith.constant 0 : i32
          %dma_wait3A_242 = tpu.memref_slice %arg3[%add3A_237, %dma_wait3A_241] : memref<2560x128xi32, #tpu.memory_space<hbm>> -> memref<1x128xi32, #tpu.memory_space<hbm>>
          %dma_wait3A_243 = tpu.memref_squeeze %dma_wait3A_242 : memref<1x128xi32, #tpu.memory_space<hbm>> -> memref<128xi32, #tpu.memory_space<hbm>>
          tpu.wait_dma2 semaphore(%arg21 : memref<!tpu.dma_semaphore, #tpu.memory_space<semaphore_mem>>) src(%dma_wait3A_243 : memref<128xi32, #tpu.memory_space<hbm>>) dst(%arg12 : memref<128xi32, #tpu.memory_space<vmem>>)
          %dma_start3A_244 = arith.constant 0 : i32
          %dma_start3A_245 = arith.constant 0 : i32
          %dma_start3A_246 = tpu.memref_slice %arg4[%dma_start3A_244, %dma_start3A_245] : memref<10240x128xf32, #tpu.memory_space<hbm>> -> memref<10240x128xf32, #tpu.memory_space<hbm>>
          tpu.enqueue_indirect_dma source(%dma_start3A_246 : memref<10240x128xf32, #tpu.memory_space<hbm>>) target(%arg16 : memref<128x128xf32, #tpu.memory_space<vmem>>) offsets(%arg8 : memref<128xi32, #tpu.memory_space<vmem>>) semaphore(%arg19 : memref<!tpu.dma_semaphore, #tpu.memory_space<semaphore_mem>>)
        } else {
        }
      }
      %scan3A_119 = arith.constant 2 : i32
    } else {
    }
    %barrier3A_8 = arith.constant 0 : index
    tpu.barrier barrier_id(%barrier3A_8)
    %mul3A_9 = arith.constant 640 : i32
    %mul3A_10 = arith.muli %arg1, %mul3A_9 : i32
    %mul3A_11 = arith.constant 640 : i32
    %mul3A_12 = arith.muli %arg1, %mul3A_11 : i32
    "tpu.region"() ({
      %run_scoped3A = tpu.sem_alloc : memref<!tpu.dma_semaphore, #tpu.memory_space<semaphore_mem>>
      %dma_start3A = arith.constant 0 : i32
      %dma_start3A_13 = tpu.memref_slice %arg6[%arg0, %mul3A_12, %dma_start3A] : memref<2x10240x128xf32, #tpu.memory_space<hbm>> -> memref<1x640x128xf32, #tpu.memory_space<hbm>>
      %dma_start3A_14 = tpu.memref_squeeze %dma_start3A_13 : memref<1x640x128xf32, #tpu.memory_space<hbm>> -> memref<640x128xf32, #tpu.memory_space<hbm>>
      %dma_start3A_15 = arith.constant 0 : i32
      %dma_start3A_16 = tpu.memref_slice %arg17[%mul3A_10, %dma_start3A_15] : memref<10240x128xf32, #tpu.memory_space<vmem_shared>> -> memref<640x128xf32, #tpu.memory_space<vmem_shared>>
      tpu.enqueue_dma source(%dma_start3A_16 : memref<640x128xf32, #tpu.memory_space<vmem_shared>>) target(%dma_start3A_14 : memref<640x128xf32, #tpu.memory_space<hbm>>) target_semaphore(%run_scoped3A : memref<!tpu.dma_semaphore, #tpu.memory_space<semaphore_mem>>)
      %dma_wait3A = arith.constant 0 : i32
      %dma_wait3A_17 = tpu.memref_slice %arg6[%arg0, %mul3A_12, %dma_wait3A] : memref<2x10240x128xf32, #tpu.memory_space<hbm>> -> memref<1x640x128xf32, #tpu.memory_space<hbm>>
      %dma_wait3A_18 = tpu.memref_squeeze %dma_wait3A_17 : memref<1x640x128xf32, #tpu.memory_space<hbm>> -> memref<640x128xf32, #tpu.memory_space<hbm>>
      %dma_wait3A_19 = arith.constant 0 : i32
      %dma_wait3A_20 = tpu.memref_slice %arg17[%mul3A_10, %dma_wait3A_19] : memref<10240x128xf32, #tpu.memory_space<vmem_shared>> -> memref<640x128xf32, #tpu.memory_space<vmem_shared>>
      tpu.wait_dma2 semaphore(%run_scoped3A : memref<!tpu.dma_semaphore, #tpu.memory_space<semaphore_mem>>) src(%dma_wait3A_20 : memref<640x128xf32, #tpu.memory_space<vmem_shared>>) dst(%dma_wait3A_18 : memref<640x128xf32, #tpu.memory_space<hbm>>)
      tpu.yield
    }) : () -> ()
    return
  }
}

module attributes {stable_mosaic.version = 14 : i64} {
  func.func @_first_tc_body(%arg0: i32, %arg1: memref<1024x128xf32, #tpu.memory_space<vmem>>, %arg2: memref<1024x1xf32, #tpu.memory_space<vmem>>, %arg3: memref<1024x1xf32, #tpu.memory_space<vmem>>, %arg4: memref<128x128xf32, #tpu.memory_space<vmem>>, %arg5: memref<1024x128xf32, #tpu.memory_space<vmem>>) attributes {dimension_semantics = [#tpu.dimension_semantics<arbitrary>], iteration_bounds = array<i64: 10>, scalar_prefetch = 0 : i64, scratch_operands = 0 : i64, tpu.core_type = #tpu.core_type<tc>, window_params = [{transform_indices = @transform_0, window_bounds = array<i64: 1024, 128>}, {transform_indices = @transform_1, window_bounds = array<i64: 1024, 1>}, {transform_indices = @transform_2, window_bounds = array<i64: 1024, 1>}, {pipeline_mode = #tpu.pipeline_mode<synchronous>, transform_indices = @transform_3, window_bounds = array<i64: 128, 128>}, {transform_indices = @transform_4, window_bounds = array<i64: 1024, 128>}]} {
    %get3A = arith.constant 0 : index
    %get3A_0 = arith.constant 0 : index
    %get3A_1 = vector.load %arg1[%get3A, %get3A_0] : memref<1024x128xf32, #tpu.memory_space<vmem>>, vector<1024x128xf32>
    %get3A_2 = arith.constant 0 : index
    %get3A_3 = arith.constant 0 : index
    %get3A_4 = vector.load %arg4[%get3A_2, %get3A_3] : memref<128x128xf32, #tpu.memory_space<vmem>>, vector<128x128xf32>
    %dot_general3A = arith.constant dense<0.000000e+00> : vector<1024x128xf32>
    %dot_general3A_5 = tpu.matmul %get3A_1, %get3A_4, %dot_general3A {dimension_numbers = #tpu.dot_dimension_numbers<[1], [0], [0], [1], [0, 0, 1, 1], [], []>, transpose_lhs_hint = false} : vector<1024x128xf32>, vector<128x128xf32>, vector<1024x128xf32> -> vector<1024x128xf32>
    %get3A_6 = arith.constant 0 : index
    %get3A_7 = arith.constant 0 : index
    %get3A_8 = vector.load %arg2[%get3A_6, %get3A_7] : memref<1024x1xf32, #tpu.memory_space<vmem>>, vector<1024x1xf32>
    %get3A_9 = arith.constant 0 : index
    %get3A_10 = arith.constant 0 : index
    %get3A_11 = vector.load %arg3[%get3A_9, %get3A_10] : memref<1024x1xf32, #tpu.memory_space<vmem>>, vector<1024x1xf32>
    %add3A = arith.addf %get3A_8, %get3A_11 : vector<1024x1xf32>
    %add3A_12 = arith.constant 1.000000e+00 : f32
    %add3A_13 = vector.broadcast %add3A_12 : f32 to vector<1024x1xf32>
    %add3A_14 = arith.addf %add3A, %add3A_13 : vector<1024x1xf32>
    %rsqrt3A = math.rsqrt %add3A_14 : vector<1024x1xf32>
    %mul3A = vector.broadcast %rsqrt3A : vector<1024x1xf32> to vector<1024x128xf32>
    %mul3A_15 = arith.mulf %mul3A, %dot_general3A_5 : vector<1024x128xf32>
    %swap3A = arith.constant 0 : index
    %swap3A_16 = arith.constant 0 : index
    %swap3A_17 = vector.load %arg5[%swap3A, %swap3A_16] : memref<1024x128xf32, #tpu.memory_space<vmem>>, vector<1024x128xf32>
    tpu.vector_store %arg5[%swap3A, %swap3A_16], %mul3A_15 {strides = array<i32>} : memref<1024x128xf32, #tpu.memory_space<vmem>>, vector<1024x128xf32>,
    return
  }
  func.func @transform_0(%arg0: i32) -> (i32, i32) {
    %c0_i32 = arith.constant 0 : i32
    %c0_i32_0 = arith.constant 0 : i32
    return %arg0, %c0_i32 : i32, i32
  }
  func.func @transform_1(%arg0: i32) -> (i32, i32) {
    %c0_i32 = arith.constant 0 : i32
    %c0_i32_0 = arith.constant 0 : i32
    return %arg0, %c0_i32 : i32, i32
  }
  func.func @transform_2(%arg0: i32) -> (i32, i32) {
    %c0_i32 = arith.constant 0 : i32
    %c0_i32_0 = arith.constant 0 : i32
    return %arg0, %c0_i32 : i32, i32
  }
  func.func @transform_3(%arg0: i32) -> (i32, i32) {
    %c0_i32 = arith.constant 0 : i32
    %c0_i32_0 = arith.constant 0 : i32
    %c0_i32_1 = arith.constant 0 : i32
    return %c0_i32, %c0_i32_0 : i32, i32
  }
  func.func @transform_4(%arg0: i32) -> (i32, i32) {
    %c0_i32 = arith.constant 0 : i32
    %c0_i32_0 = arith.constant 0 : i32
    return %arg0, %c0_i32 : i32, i32
  }
}

module attributes {stable_mosaic.version = 14 : i64} {
  func.func @_mid_tc_body(%arg0: i32, %arg1: memref<1024x128xf32, #tpu.memory_space<vmem>>, %arg2: memref<1024x128xf32, #tpu.memory_space<vmem>>, %arg3: memref<1024x128xf32, #tpu.memory_space<vmem>>, %arg4: memref<1024x1xf32, #tpu.memory_space<vmem>>, %arg5: memref<1024x1xf32, #tpu.memory_space<vmem>>, %arg6: memref<1x128xf32, #tpu.memory_space<vmem>>, %arg7: memref<128x128xf32, #tpu.memory_space<vmem>>, %arg8: memref<1024x128xf32, #tpu.memory_space<vmem>>) attributes {dimension_semantics = [#tpu.dimension_semantics<arbitrary>], iteration_bounds = array<i64: 10>, scalar_prefetch = 0 : i64, scratch_operands = 0 : i64, tpu.core_type = #tpu.core_type<tc>, window_params = [{transform_indices = @transform_0, window_bounds = array<i64: 1024, 128>}, {transform_indices = @transform_1, window_bounds = array<i64: 1024, 128>}, {transform_indices = @transform_2, window_bounds = array<i64: 1024, 128>}, {transform_indices = @transform_3, window_bounds = array<i64: 1024, 1>}, {transform_indices = @transform_4, window_bounds = array<i64: 1024, 1>}, {pipeline_mode = #tpu.pipeline_mode<synchronous>, transform_indices = @transform_5, window_bounds = array<i64: 1, 128>}, {pipeline_mode = #tpu.pipeline_mode<synchronous>, transform_indices = @transform_6, window_bounds = array<i64: 128, 128>}, {transform_indices = @transform_7, window_bounds = array<i64: 1024, 128>}]} {
    %get3A = arith.constant 0 : index
    %get3A_0 = arith.constant 0 : index
    %get3A_1 = vector.load %arg4[%get3A, %get3A_0] : memref<1024x1xf32, #tpu.memory_space<vmem>>, vector<1024x1xf32>
    %get3A_2 = arith.constant 0 : index
    %get3A_3 = arith.constant 0 : index
    %get3A_4 = vector.load %arg5[%get3A_2, %get3A_3] : memref<1024x1xf32, #tpu.memory_space<vmem>>, vector<1024x1xf32>
    %add3A = arith.addf %get3A_1, %get3A_4 : vector<1024x1xf32>
    %add3A_5 = arith.constant 1.000000e+00 : f32
    %add3A_6 = vector.broadcast %add3A_5 : f32 to vector<1024x1xf32>
    %add3A_7 = arith.addf %add3A, %add3A_6 : vector<1024x1xf32>
    %rsqrt3A = math.rsqrt %add3A_7 : vector<1024x1xf32>
    %get3A_8 = arith.constant 0 : index
    %get3A_9 = arith.constant 0 : index
    %get3A_10 = vector.load %arg1[%get3A_8, %get3A_9] : memref<1024x128xf32, #tpu.memory_space<vmem>>, vector<1024x128xf32>
    %get3A_11 = arith.constant 0 : index
    %get3A_12 = arith.constant 0 : index
    %get3A_13 = vector.load %arg2[%get3A_11, %get3A_12] : memref<1024x128xf32, #tpu.memory_space<vmem>>, vector<1024x128xf32>
    %add3A_14 = arith.addf %get3A_10, %get3A_13 : vector<1024x128xf32>
    %get3A_15 = arith.constant 0 : index
    %get3A_16 = arith.constant 0 : index
    %get3A_17 = vector.load %arg3[%get3A_15, %get3A_16] : memref<1024x128xf32, #tpu.memory_space<vmem>>, vector<1024x128xf32>
    %add3A_18 = arith.addf %add3A_14, %get3A_17 : vector<1024x128xf32>
    %mul3A = vector.broadcast %rsqrt3A : vector<1024x1xf32> to vector<1024x128xf32>
    %mul3A_19 = arith.mulf %mul3A, %add3A_18 : vector<1024x128xf32>
    %get3A_20 = arith.constant 0 : index
    %get3A_21 = arith.constant 0 : index
    %get3A_22 = vector.load %arg6[%get3A_20, %get3A_21] : memref<1x128xf32, #tpu.memory_space<vmem>>, vector<1x128xf32>
    %add3A_23 = vector.broadcast %get3A_22 : vector<1x128xf32> to vector<1024x128xf32>
    %add3A_24 = arith.addf %mul3A_19, %add3A_23 : vector<1024x128xf32>
    %max3A = arith.constant 0.000000e+00 : f32
    %max3A_25 = vector.broadcast %max3A : f32 to vector<1024x128xf32>
    %max3A_26 = arith.maximumf %add3A_24, %max3A_25 : vector<1024x128xf32>
    %get3A_27 = arith.constant 0 : index
    %get3A_28 = arith.constant 0 : index
    %get3A_29 = vector.load %arg7[%get3A_27, %get3A_28] : memref<128x128xf32, #tpu.memory_space<vmem>>, vector<128x128xf32>
    %dot_general3A = arith.constant dense<0.000000e+00> : vector<1024x128xf32>
    %dot_general3A_30 = tpu.matmul %max3A_26, %get3A_29, %dot_general3A {dimension_numbers = #tpu.dot_dimension_numbers<[1], [0], [0], [1], [0, 0, 1, 1], [], []>, transpose_lhs_hint = false} : vector<1024x128xf32>, vector<128x128xf32>, vector<1024x128xf32> -> vector<1024x128xf32>
    %mul3A_31 = vector.broadcast %rsqrt3A : vector<1024x1xf32> to vector<1024x128xf32>
    %mul3A_32 = arith.mulf %mul3A_31, %dot_general3A_30 : vector<1024x128xf32>
    %swap3A = arith.constant 0 : index
    %swap3A_33 = arith.constant 0 : index
    %swap3A_34 = vector.load %arg8[%swap3A, %swap3A_33] : memref<1024x128xf32, #tpu.memory_space<vmem>>, vector<1024x128xf32>
    tpu.vector_store %arg8[%swap3A, %swap3A_33], %mul3A_32 {strides = array<i32>} : memref<1024x128xf32, #tpu.memory_space<vmem>>, vector<1024x128xf32>,
    return
  }
  func.func @transform_0(%arg0: i32) -> (i32, i32) {
    %c0_i32 = arith.constant 0 : i32
    %c0_i32_0 = arith.constant 0 : i32
    return %arg0, %c0_i32 : i32, i32
  }
  func.func @transform_1(%arg0: i32) -> (i32, i32) {
    %c0_i32 = arith.constant 0 : i32
    %c0_i32_0 = arith.constant 0 : i32
    return %arg0, %c0_i32 : i32, i32
  }
  func.func @transform_2(%arg0: i32) -> (i32, i32) {
    %c0_i32 = arith.constant 0 : i32
    %c0_i32_0 = arith.constant 0 : i32
    return %arg0, %c0_i32 : i32, i32
  }
  func.func @transform_3(%arg0: i32) -> (i32, i32) {
    %c0_i32 = arith.constant 0 : i32
    %c0_i32_0 = arith.constant 0 : i32
    return %arg0, %c0_i32 : i32, i32
  }
  func.func @transform_4(%arg0: i32) -> (i32, i32) {
    %c0_i32 = arith.constant 0 : i32
    %c0_i32_0 = arith.constant 0 : i32
    return %arg0, %c0_i32 : i32, i32
  }
  func.func @transform_5(%arg0: i32) -> (i32, i32) {
    %c0_i32 = arith.constant 0 : i32
    %c0_i32_0 = arith.constant 0 : i32
    %c0_i32_1 = arith.constant 0 : i32
    return %c0_i32, %c0_i32_0 : i32, i32
  }
  func.func @transform_6(%arg0: i32) -> (i32, i32) {
    %c0_i32 = arith.constant 0 : i32
    %c0_i32_0 = arith.constant 0 : i32
    %c0_i32_1 = arith.constant 0 : i32
    return %c0_i32, %c0_i32_0 : i32, i32
  }
  func.func @transform_7(%arg0: i32) -> (i32, i32) {
    %c0_i32 = arith.constant 0 : i32
    %c0_i32_0 = arith.constant 0 : i32
    return %arg0, %c0_i32 : i32, i32
  }
}

module attributes {stable_mosaic.version = 14 : i64} {
  func.func @_final_tc_body(%arg0: i32, %arg1: memref<1024x128xf32, #tpu.memory_space<vmem>>, %arg2: memref<1024x128xf32, #tpu.memory_space<vmem>>, %arg3: memref<1024x128xf32, #tpu.memory_space<vmem>>, %arg4: memref<1024x1xf32, #tpu.memory_space<vmem>>, %arg5: memref<1024x1xf32, #tpu.memory_space<vmem>>, %arg6: memref<1x128xf32, #tpu.memory_space<vmem>>, %arg7: memref<1x1x1024xi32, #tpu.memory_space<vmem>>, %arg8: memref<128x128xf32, #tpu.memory_space<vmem>>, %arg9: memref<1x128xf32, #tpu.memory_space<vmem>>, %arg10: memref<64x128xf32, #tpu.memory_space<vmem>>, %arg11: memref<64x128xf32, #tpu.memory_space<vmem>>, %arg12: memref<64x128xf32, #tpu.memory_space<vmem>>) attributes {dimension_semantics = [#tpu.dimension_semantics<arbitrary>], iteration_bounds = array<i64: 10>, scalar_prefetch = 0 : i64, scratch_operands = 2 : i64, tpu.core_type = #tpu.core_type<tc>, window_params = [{transform_indices = @transform_0, window_bounds = array<i64: 1024, 128>}, {transform_indices = @transform_1, window_bounds = array<i64: 1024, 128>}, {transform_indices = @transform_2, window_bounds = array<i64: 1024, 128>}, {transform_indices = @transform_3, window_bounds = array<i64: 1024, 1>}, {transform_indices = @transform_4, window_bounds = array<i64: 1024, 1>}, {pipeline_mode = #tpu.pipeline_mode<synchronous>, transform_indices = @transform_5, window_bounds = array<i64: 1, 128>}, {transform_indices = @transform_6, window_bounds = array<i64: 1, 1, 1024>}, {pipeline_mode = #tpu.pipeline_mode<synchronous>, transform_indices = @transform_7, window_bounds = array<i64: 128, 128>}, {pipeline_mode = #tpu.pipeline_mode<synchronous>, transform_indices = @transform_8, window_bounds = array<i64: 1, 128>}, {pipeline_mode = #tpu.pipeline_mode<synchronous>, transform_indices = @transform_9, window_bounds = array<i64: 64, 128>}]} {
    %eq3A = arith.constant 0 : i32
    %eq3A_0 = arith.cmpi eq, %arg0, %eq3A : i32
    %convert_element_type3A = arith.extui %eq3A_0 : i1 to i32
    %cond3A = arith.constant 0 : i32
    %cond3A_1 = arith.cmpi ne, %convert_element_type3A, %cond3A : i32
    scf.if %cond3A_1 {
      %broadcast_in_dim3A_60 = arith.constant 0.000000e+00 : f32
      %broadcast_in_dim3A_61 = vector.broadcast %broadcast_in_dim3A_60 : f32 to vector<64x128xf32>
      %swap3A_62 = arith.constant 0 : index
      %swap3A_63 = arith.constant 0 : index
      %swap3A_64 = vector.load %arg11[%swap3A_62, %swap3A_63] : memref<64x128xf32, #tpu.memory_space<vmem>>, vector<64x128xf32>
      tpu.vector_store %arg11[%swap3A_62, %swap3A_63], %broadcast_in_dim3A_61 {strides = array<i32>} : memref<64x128xf32, #tpu.memory_space<vmem>>, vector<64x128xf32>,
      %broadcast_in_dim3A_65 = arith.constant 0.000000e+00 : f32
      %broadcast_in_dim3A_66 = vector.broadcast %broadcast_in_dim3A_65 : f32 to vector<64x128xf32>
      %swap3A_67 = arith.constant 0 : index
      %swap3A_68 = arith.constant 0 : index
      %swap3A_69 = vector.load %arg12[%swap3A_67, %swap3A_68] : memref<64x128xf32, #tpu.memory_space<vmem>>, vector<64x128xf32>
      tpu.vector_store %arg12[%swap3A_67, %swap3A_68], %broadcast_in_dim3A_66 {strides = array<i32>} : memref<64x128xf32, #tpu.memory_space<vmem>>, vector<64x128xf32>,
    } else {
    }
    %get3A = arith.constant 0 : index
    %get3A_2 = arith.constant 0 : index
    %get3A_3 = vector.load %arg4[%get3A, %get3A_2] : memref<1024x1xf32, #tpu.memory_space<vmem>>, vector<1024x1xf32>
    %get3A_4 = arith.constant 0 : index
    %get3A_5 = arith.constant 0 : index
    %get3A_6 = vector.load %arg5[%get3A_4, %get3A_5] : memref<1024x1xf32, #tpu.memory_space<vmem>>, vector<1024x1xf32>
    %add3A = arith.addf %get3A_3, %get3A_6 : vector<1024x1xf32>
    %add3A_7 = arith.constant 1.000000e+00 : f32
    %add3A_8 = vector.broadcast %add3A_7 : f32 to vector<1024x1xf32>
    %add3A_9 = arith.addf %add3A, %add3A_8 : vector<1024x1xf32>
    %rsqrt3A = math.rsqrt %add3A_9 : vector<1024x1xf32>
    %get3A_10 = arith.constant 0 : index
    %get3A_11 = arith.constant 0 : index
    %get3A_12 = vector.load %arg1[%get3A_10, %get3A_11] : memref<1024x128xf32, #tpu.memory_space<vmem>>, vector<1024x128xf32>
    %get3A_13 = arith.constant 0 : index
    %get3A_14 = arith.constant 0 : index
    %get3A_15 = vector.load %arg2[%get3A_13, %get3A_14] : memref<1024x128xf32, #tpu.memory_space<vmem>>, vector<1024x128xf32>
    %add3A_16 = arith.addf %get3A_12, %get3A_15 : vector<1024x128xf32>
    %get3A_17 = arith.constant 0 : index
    %get3A_18 = arith.constant 0 : index
    %get3A_19 = vector.load %arg3[%get3A_17, %get3A_18] : memref<1024x128xf32, #tpu.memory_space<vmem>>, vector<1024x128xf32>
    %add3A_20 = arith.addf %add3A_16, %get3A_19 : vector<1024x128xf32>
    %mul3A = vector.broadcast %rsqrt3A : vector<1024x1xf32> to vector<1024x128xf32>
    %mul3A_21 = arith.mulf %mul3A, %add3A_20 : vector<1024x128xf32>
    %get3A_22 = arith.constant 0 : index
    %get3A_23 = arith.constant 0 : index
    %get3A_24 = vector.load %arg6[%get3A_22, %get3A_23] : memref<1x128xf32, #tpu.memory_space<vmem>>, vector<1x128xf32>
    %add3A_25 = vector.broadcast %get3A_24 : vector<1x128xf32> to vector<1024x128xf32>
    %add3A_26 = arith.addf %mul3A_21, %add3A_25 : vector<1024x128xf32>
    %max3A = arith.constant 0.000000e+00 : f32
    %max3A_27 = vector.broadcast %max3A : f32 to vector<1024x128xf32>
    %max3A_28 = arith.maximumf %add3A_26, %max3A_27 : vector<1024x128xf32>
    %get3A_29 = arith.constant 0 : index
    %get3A_30 = arith.constant 0 : index
    %get3A_31 = arith.constant 0 : index
    %get3A_32 = vector.load %arg7[%get3A_29, %get3A_30, %get3A_31] : memref<1x1x1024xi32, #tpu.memory_space<vmem>>, vector<1x1x1024xi32>
    %reshape3A = vector.shape_cast %get3A_32 : vector<1x1x1024xi32> to vector<1x1024xi32>
    %broadcast_in_dim3A = vector.shape_cast %reshape3A : vector<1x1024xi32> to vector<1x1024xi32>
    %broadcast_in_dim3A_33 = vector.broadcast %broadcast_in_dim3A : vector<1x1024xi32> to vector<64x1024xi32>
    %iota3A = tpu.iota {dimensions = array<i32: 0>} : vector<64x1024xi32>
    %eq3A_34 = arith.cmpi eq, %broadcast_in_dim3A_33, %iota3A : vector<64x1024xi32>
    %convert_element_type3A_35 = arith.extui %eq3A_34 : vector<64x1024xi1> to vector<64x1024xi32>
    %convert_element_type3A_36 = arith.sitofp %convert_element_type3A_35 : vector<64x1024xi32> to vector<64x1024xf32>
    %get3A_37 = arith.constant 0 : index
    %get3A_38 = arith.constant 0 : index
    %get3A_39 = vector.load %arg11[%get3A_37, %get3A_38] : memref<64x128xf32, #tpu.memory_space<vmem>>, vector<64x128xf32>
    %dot_general3A = arith.constant dense<0.000000e+00> : vector<64x128xf32>
    %dot_general3A_40 = tpu.matmul %convert_element_type3A_36, %max3A_28, %dot_general3A {dimension_numbers = #tpu.dot_dimension_numbers<[1], [0], [0], [1], [0, 0, 1, 1], [], []>, transpose_lhs_hint = false} : vector<64x1024xf32>, vector<1024x128xf32>, vector<64x128xf32> -> vector<64x128xf32>
    %add3A_41 = arith.addf %get3A_39, %dot_general3A_40 : vector<64x128xf32>
    %swap3A = arith.constant 0 : index
    %swap3A_42 = arith.constant 0 : index
    %swap3A_43 = vector.load %arg11[%swap3A, %swap3A_42] : memref<64x128xf32, #tpu.memory_space<vmem>>, vector<64x128xf32>
    tpu.vector_store %arg11[%swap3A, %swap3A_42], %add3A_41 {strides = array<i32>} : memref<64x128xf32, #tpu.memory_space<vmem>>, vector<64x128xf32>,
    %get3A_44 = arith.constant 0 : index
    %get3A_45 = arith.constant 0 : index
    %get3A_46 = vector.load %arg12[%get3A_44, %get3A_45] : memref<64x128xf32, #tpu.memory_space<vmem>>, vector<64x128xf32>
    %reduce_sum3A = arith.constant dense<0.000000e+00> : vector<64xf32>
    %reduce_sum3A_47 = vector.multi_reduction <add>, %convert_element_type3A_36, %reduce_sum3A [1] : vector<64x1024xf32> to vector<64xf32>
    %broadcast_in_dim3A_48 = vector.shape_cast %reduce_sum3A_47 : vector<64xf32> to vector<64x1xf32>
    %broadcast_in_dim3A_49 = vector.shape_cast %broadcast_in_dim3A_48 : vector<64x1xf32> to vector<64x1xf32>
    %broadcast_in_dim3A_50 = vector.broadcast %broadcast_in_dim3A_49 : vector<64x1xf32> to vector<64x128xf32>
    %add3A_51 = arith.addf %get3A_46, %broadcast_in_dim3A_50 : vector<64x128xf32>
    %swap3A_52 = arith.constant 0 : index
    %swap3A_53 = arith.constant 0 : index
    %swap3A_54 = vector.load %arg12[%swap3A_52, %swap3A_53] : memref<64x128xf32, #tpu.memory_space<vmem>>, vector<64x128xf32>
    tpu.vector_store %arg12[%swap3A_52, %swap3A_53], %add3A_51 {strides = array<i32>} : memref<64x128xf32, #tpu.memory_space<vmem>>, vector<64x128xf32>,
    %eq3A_55 = arith.constant 9 : i32
    %eq3A_56 = arith.cmpi eq, %arg0, %eq3A_55 : i32
    %convert_element_type3A_57 = arith.extui %eq3A_56 : i1 to i32
    %cond3A_58 = arith.constant 0 : i32
    %cond3A_59 = arith.cmpi ne, %convert_element_type3A_57, %cond3A_58 : i32
    scf.if %cond3A_59 {
      %get3A_60 = arith.constant 0 : index
      %get3A_61 = arith.constant 0 : index
      %get3A_62 = vector.load %arg11[%get3A_60, %get3A_61] : memref<64x128xf32, #tpu.memory_space<vmem>>, vector<64x128xf32>
      %get3A_63 = arith.constant 0 : index
      %get3A_64 = arith.constant 0 : index
      %get3A_65 = vector.load %arg12[%get3A_63, %get3A_64] : memref<64x128xf32, #tpu.memory_space<vmem>>, vector<64x128xf32>
      %max3A_66 = arith.constant 1.000000e+00 : f32
      %max3A_67 = vector.broadcast %max3A_66 : f32 to vector<64x128xf32>
      %max3A_68 = arith.maximumf %get3A_65, %max3A_67 : vector<64x128xf32>
      %div3A = arith.divf %get3A_62, %max3A_68 : vector<64x128xf32>
      %get3A_69 = arith.constant 0 : index
      %get3A_70 = arith.constant 0 : index
      %get3A_71 = vector.load %arg8[%get3A_69, %get3A_70] : memref<128x128xf32, #tpu.memory_space<vmem>>, vector<128x128xf32>
      %dot_general3A_72 = arith.constant dense<0.000000e+00> : vector<64x128xf32>
      %dot_general3A_73 = tpu.matmul %div3A, %get3A_71, %dot_general3A_72 {dimension_numbers = #tpu.dot_dimension_numbers<[1], [0], [0], [1], [0, 0, 1, 1], [], []>, transpose_lhs_hint = false} : vector<64x128xf32>, vector<128x128xf32>, vector<64x128xf32> -> vector<64x128xf32>
      %get3A_74 = arith.constant 0 : index
      %get3A_75 = arith.constant 0 : index
      %get3A_76 = vector.load %arg9[%get3A_74, %get3A_75] : memref<1x128xf32, #tpu.memory_space<vmem>>, vector<1x128xf32>
      %add3A_77 = vector.broadcast %get3A_76 : vector<1x128xf32> to vector<64x128xf32>
      %add3A_78 = arith.addf %dot_general3A_73, %add3A_77 : vector<64x128xf32>
      %swap3A_79 = arith.constant 0 : index
      %swap3A_80 = arith.constant 0 : index
      %swap3A_81 = vector.load %arg10[%swap3A_79, %swap3A_80] : memref<64x128xf32, #tpu.memory_space<vmem>>, vector<64x128xf32>
      tpu.vector_store %arg10[%swap3A_79, %swap3A_80], %add3A_78 {strides = array<i32>} : memref<64x128xf32, #tpu.memory_space<vmem>>, vector<64x128xf32>,
    } else {
    }
    return
  }
  func.func @transform_0(%arg0: i32) -> (i32, i32) {
    %c0_i32 = arith.constant 0 : i32
    %c0_i32_0 = arith.constant 0 : i32
    return %arg0, %c0_i32 : i32, i32
  }
  func.func @transform_1(%arg0: i32) -> (i32, i32) {
    %c0_i32 = arith.constant 0 : i32
    %c0_i32_0 = arith.constant 0 : i32
    return %arg0, %c0_i32 : i32, i32
  }
  func.func @transform_2(%arg0: i32) -> (i32, i32) {
    %c0_i32 = arith.constant 0 : i32
    %c0_i32_0 = arith.constant 0 : i32
    return %arg0, %c0_i32 : i32, i32
  }
  func.func @transform_3(%arg0: i32) -> (i32, i32) {
    %c0_i32 = arith.constant 0 : i32
    %c0_i32_0 = arith.constant 0 : i32
    return %arg0, %c0_i32 : i32, i32
  }
  func.func @transform_4(%arg0: i32) -> (i32, i32) {
    %c0_i32 = arith.constant 0 : i32
    %c0_i32_0 = arith.constant 0 : i32
    return %arg0, %c0_i32 : i32, i32
  }
  func.func @transform_5(%arg0: i32) -> (i32, i32) {
    %c0_i32 = arith.constant 0 : i32
    %c0_i32_0 = arith.constant 0 : i32
    %c0_i32_1 = arith.constant 0 : i32
    return %c0_i32, %c0_i32_0 : i32, i32
  }
  func.func @transform_6(%arg0: i32) -> (i32, i32, i32) {
    %c0_i32 = arith.constant 0 : i32
    %c0_i32_0 = arith.constant 0 : i32
    %c0_i32_1 = arith.constant 0 : i32
    return %arg0, %c0_i32, %c0_i32_0 : i32, i32, i32
  }
  func.func @transform_7(%arg0: i32) -> (i32, i32) {
    %c0_i32 = arith.constant 0 : i32
    %c0_i32_0 = arith.constant 0 : i32
    %c0_i32_1 = arith.constant 0 : i32
    return %c0_i32, %c0_i32_0 : i32, i32
  }
  func.func @transform_8(%arg0: i32) -> (i32, i32) {
    %c0_i32 = arith.constant 0 : i32
    %c0_i32_0 = arith.constant 0 : i32
    %c0_i32_1 = arith.constant 0 : i32
    return %c0_i32, %c0_i32_0 : i32, i32
  }
  func.func @transform_9(%arg0: i32) -> (i32, i32) {
    %c0_i32 = arith.constant 0 : i32
    %c0_i32_0 = arith.constant 0 : i32
    %c0_i32_1 = arith.constant 0 : i32
    return %c0_i32, %c0_i32_0 : i32, i32
  }
}

</mosaic_0001>

<sc_bundles>
// kernel: kernel.10.cloned.1.call-start
scs
__scs_entry_jumppad:
0x0: {  	(pc) =	sbr.rel $0x88, $3  }
0x1: {  	(tag) =	ssettag $0x0;
	lr =	simm.s32 $0x1  }
0x2: {  	[smem:$0x3F96] =	sst lr;
	_ =	strace $0xD0000000  }
0x3: {  	_ = 	snop  }
0x4: {  	_ = 	snop  }
0x5: {  	_ = 	snop  }
0x6: {  	_ = 	snop  }
0x7: {  	_ = 	snop  }
__scs_overlays_trampoline_lowered:
0x8: {  	[smem:$0x3FA5] =	sst s0  }
0x9: {  	[smem:$0x3FA6] =	sst s1  }
0xa: {  	[smem:$0x3FA7] =	sst s2  }
0xb: {  	[smem:$0x3FA8] =	sst s3  }
0xc: {  	[smem:$0x3FA9] =	sst s4  }
0xd: {  	[smem:$0x3FAA] =	sst s5  }
0xe: {  	[smem:$0x3FAB] =	sst s6  }
0xf: {  	[smem:$0x3FAC] =	sst s7  }
0x10: {  	[smem:$0x3FAD] =	sst s8  }
0x11: {  	[smem:$0x3FAE] =	sst s9;
	s0 =	simm.s32 @!p0 $0x0  }
0x12: {  	s1 =	sld [smem:$0x3F94];
	s0 =	simm.s32 @p0 $0x1  }
0x13: {  	[smem:$0x3FAF] =	sst s0;
	s0 =	simm.s32 @!p1 $0x0  }
0x14: {  	s2 =	sld [smem:$0x3F93];
	s0 =	simm.s32 @p1 $0x1  }
0x15: {  	[smem:$0x3FB0] =	sst s0;
	s0 =	simm.s32 @!p2 $0x0  }
0x16: {  	s3 =	sld [smem:$0x3FDB];
	s0 =	simm.s32 @p2 $0x1  }
0x17: {  	s4 =	simm.s32 $0x1BF5;
	[smem:$0x3FB2] =	sst s0  }
0x18: {  	s0 =	sld [smem:$0x3F95];
	_ =	swait.ge [sflag:s4], $0x0  }
0x19: {  	s7 =	sld [smem:$0x3F96]  }
0x1a: {  	s8 =	sadd.s32 $0xFFFFE003, lr  }
0x1b: {  	s9 =	sadd.s32 $0xFFFFFEF7, lr;
	s5 =	simm.s32 $0xFFFFFFFF;
	p2 =	slt.u32 s8, $0xFFFFF086  }
0x1c: {  	p1 =	slt.u32 s9, $0xF7A;
	s5 =	simm.s32 @!p2 $0x0  }
0x1d: {  	s5 =	simm.s32 @p1 $0x1;
	p0 =	seq.s32 s7, s2  }
0x1e: {  	s7 =	smul.u32 @!p0 $0xF7A, s2;
	p2 =	seq.s32 @!p0 s5, $0x0  }
0x1f: {  	s9 =	smul.u32 $0xF7A, s1;
	s8 =	simm.s32 @!p0 $0x1BF5;
	p2 =	por !p2, p0  }
0x20: {  	[sflag:s8] =	ssyncset.s32 @!p0 $0xFFFFF086;
	s6 =	sadd.s32 @!p0 s3, s7;
	s7 =	simm.s32 @!p0 $0x108  }
0x21: {  	s3 =	sadd.s32 s3, s9;
	s6 =	sadd.s32 @!p0 $0x88, s6;
	s7 =	simm.s32 @p2 $0x1082  }
0x22: {  	[simem:s7], [sflag:s8] =	dma.local @!p0 [hbm:s6], $0xF7A  }
0x23: {  	s9 =	sor.u32 $0xD0000000, s2;
	s6 =	simm.s32 $0x108;
	_ =	swait.ge @!p0 [sflag:s8], $0x0  }
0x24: {  	s3 =	sadd.s32 $0x88, s3;
	s6 =	simm.s32 @!p1 $0x1082;
	[sflag:s4] =	ssyncset.s32 $0xFFFFF086  }
0x25: {  	[simem:s6], [sflag:s4] =	dma.local [hbm:s3], $0xF7A  }
0x26: {  	[smem:$0x3F96] =	sst s1;
	(tag) =	ssettag s2;
	_ =	strace s9  }
0x27: {  	s1 =	sld [smem:$0x3FA6]  }
0x28: {  	s2 =	sld [smem:$0x3FA7]  }
0x29: {  	s4 =	sld [smem:$0x3FA9]  }
0x2a: {  	p0 =	seq.s32 s5, $0x0;
	s5 =	sld [smem:$0x3FAA]  }
0x2b: {  	s6 =	sld [smem:$0x3FAB]  }
0x2c: {  	s7 =	sld [smem:$0x3FAC]  }
0x2d: {  	s3 =	simm.s32 $0x108;
	s8 =	sld [smem:$0x3FAD]  }
0x2e: {  	s3 =	simm.s32 @!p0 $0x1082;
	s9 =	sld [smem:$0x3FAE]  }
0x2f: {  	lr =	sadd.s32 s0, s3;
	s0 =	sld [smem:$0x3FA5]  }
0x30: {  	s3 =	sld [smem:$0x3FA8]  }
0x31: {  	[smem:$0x3FB1] =	sst s10  }
0x32: {  	s10 =	sld [smem:$0x3FAF];
	_ =	sdelay $0x3  }
0x33: {  	p0 =	seq.s32 s10, $0x1;
	s10 =	sld [smem:$0x3FB1];
	_ =	sdelay $0x3  }
0x34: {  	[smem:$0x3FB1] =	sst s10  }
0x35: {  	s10 =	sld [smem:$0x3FB0];
	_ =	sdelay $0x3  }
0x36: {  	p1 =	seq.s32 s10, $0x1;
	s10 =	sld [smem:$0x3FB1];
	_ =	sdelay $0x3  }
0x37: {  	[smem:$0x3FB1] =	sst s10  }
0x38: {  	s10 =	sld [smem:$0x3FB2]  }
0x39: {  	_ = 	snop;
	(pc) =	sbr.ind lr, $3  }
0x3a: {  	_ = 	snop  }
0x3b: {  	_ = 	snop  }
0x3c: {  	p2 =	seq.s32 s10, $0x1;
	s10 =	sld [smem:$0x3FB1]  }
0x3d: {  	_ =	shalt  }
0x3e: {  	_ =	shalt  }
0x3f: {  	_ =	shalt  }
0x40: {  	_ =	shalt  }
0x41: {  	_ =	shalt  }
0x42: {  	_ =	shalt  }
0x43: {  	_ =	shalt  }
0x44: {  	_ =	shalt  }
0x45: {  	_ =	shalt  }
0x46: {  	_ =	shalt  }
0x47: {  	_ =	shalt  }
0x48: {  	_ =	shalt  }
0x49: {  	_ =	shalt  }
0x4a: {  	_ =	shalt  }
0x4b: {  	_ =	shalt  }
0x4c: {  	_ =	shalt  }
0x4d: {  	_ =	shalt  }
0x4e: {  	_ =	shalt  }
0x4f: {  	_ =	shalt  }
0x50: {  	_ =	shalt  }
0x51: {  	_ =	shalt  }
0x52: {  	_ =	shalt  }
0x53: {  	_ =	shalt  }
0x54: {  	_ =	shalt  }
0x55: {  	_ =	shalt  }
0x56: {  	_ =	shalt  }
0x57: {  	_ =	shalt  }
0x58: {  	_ =	shalt  }
0x59: {  	_ =	shalt  }
0x5a: {  	_ =	shalt  }
0x5b: {  	_ =	shalt  }
0x5c: {  	_ =	shalt  }
0x5d: {  	_ =	shalt  }
0x5e: {  	_ =	shalt  }
0x5f: {  	_ =	shalt  }
0x60: {  	_ =	shalt  }
0x61: {  	_ =	shalt  }
0x62: {  	_ =	shalt  }
0x63: {  	_ =	shalt  }
0x64: {  	_ =	shalt  }
0x65: {  	_ =	shalt  }
0x66: {  	_ =	shalt  }
0x67: {  	_ =	shalt  }
0x68: {  	_ =	shalt  }
0x69: {  	_ =	shalt  }
0x6a: {  	_ =	shalt  }
0x6b: {  	_ =	shalt  }
0x6c: {  	_ =	shalt  }
0x6d: {  	_ =	shalt  }
0x6e: {  	_ =	shalt  }
0x6f: {  	_ =	shalt  }
0x70: {  	_ =	shalt  }
0x71: {  	_ =	shalt  }
0x72: {  	_ =	shalt  }
0x73: {  	_ =	shalt  }
0x74: {  	_ =	shalt  }
0x75: {  	_ =	shalt  }
0x76: {  	_ =	shalt  }
0x77: {  	_ =	shalt  }
0x78: {  	_ =	shalt  }
0x79: {  	_ =	shalt  }
0x7a: {  	_ =	shalt  }
0x7b: {  	_ =	shalt  }
0x7c: {  	_ =	shalt  }
0x7d: {  	_ =	shalt  }
0x7e: {  	_ =	shalt  }
0x7f: {  	_ =	shalt  }
0x80: {  	_ =	shalt  }
0x81: {  	_ =	shalt  }
0x82: {  	_ =	shalt  }
0x83: {  	_ =	shalt  }
0x84: {  	_ =	shalt  }
0x85: {  	_ =	shalt  }
0x86: {  	_ =	shalt  }
0x87: {  	_ =	shalt  }
.Lfunc_end0:
.L_simem_size_0:
called_computation_lowered:
.L_overlay_start_0:
0x88: {  	s2 =	sld [smem:$0x3FD9]  }
0x89: {  	s3 =	sld [smem:$0x3FFE];
	_ =	sdelay $0x1  }
0x8a: {  	s1 =	srdreg.scid  }
0x8b: {  	s0 =	sand.u32 $0x1, s1  }
0x8c: {  	s17 =	sshll.u32 s0, $0xA;
	s2 =	sadd.s32 s3, s2  }
0x8d: {  	s2 =	sadd.s32 s2, s17  }
0x8e: {  	[smem:$0x3FBD] =	sst s2  }
0x8f: {  	_ = 	snop  }
0x90: {  	s2 =	sld [smem:$0x3FD0];
	(tm) =	ssettm $0x1  }
0x91: {  	s18 =	sld [smem:$0x3FFB];
	_ =	sdelay $0x3  }
0x92: {  	_ =	strace s18  }
0x93: {  	s3 =	sld [smem:$0x3FFC];
	_ =	sdelay $0x3  }
0x94: {  	_ =	strace s3  }
0x95: {  	s3 =	sld [smem:$0x3FFD];
	_ =	sdelay $0x3  }
0x96: {  	_ =	strace s3  }
0x97: {  	_ =	strace $0x8FFFFFFF  }
0x98: {  	s19 =	sld [smem:$0x3FDB];
	_ =	sdelay $0x1  }
0x99: {  	s4 =	simm.s32 $_scs_section_size  }
0x9a: {  	s5 =	simm.s32 $_size__tile_overlayer_lowered;
	s6 =	simm.s32 $_tile_overlayer_lowered  }
0x9b: {  	s22 =	simm.s32 $0x1BFF;
	s21 =	sshll.u32 s6, $0x1;
	s3 =	sadd.s32 s4, s19  }
0x9c: {  	s7 =	simm.s32 $0x0;
	s20 =	sshll.u32 s5, $0x1;
	s5 =	sadd.s32 s21, s3  }
0x9d: {  	[timem:s7], [sflag:s22] =	dma.local [hbm:s5], s20  }
0x9e: {  	_ =	swait.ge [sflag:s22], s20  }
0x9f: {  	s4 =	ssub.s32 $0x0, s20;
	[sflag:s22] =	ssyncset.done $0x0  }
0xa0: {  	[sflag:s22] =	ssyncadd.s32 s4;
	_ =	sdelay $0x1  }
0xa1: {  	s23 =	simm.s32 $0x1B8B  }
0xa2: {  	_ =	swait.ge [sflag:s23], $0x1  }
0xa3: {  	[sflag:s23] =	ssyncset.done $0x0  }
0xa4: {  	s25 =	simm.s32 $0x1B8E;
	s24 =	sld [smem:$0x3FFE];
	[sflag:s23] =	ssyncadd.s32 $0xFFFFFFFF  }
0xa5: {  	s26 =	simm.s32 $execute0_lowered;
	[smem:$0x3FD2] =	sst s25  }
0xa6: {  	s5 =	sshll.u32 s26, $0x1;
	_ =	strace $0x80000046;
	[dreg:$0x1] =	wrdreg $0xFFFFFFFF  }
0xa7: {  	s28 =	simm.s32 $_size_execute0_lowered;
	s3 =	sadd.s32 s3, s5;
	[dreg:$0x0] =	wrdreg $0x0  }
0xa8: {  	s5 =	sshll.u32 s28, $0x1;
	[dreg:$0x2] =	wrdreg s3  }
0xa9: {  	[dreg:$0x3] =	wrdreg s5  }
0xaa: {  	[dreg:$0x4] =	wrdreg $0xC0  }
0xab: {  	_ =	task [dreg:s7], $0x5FFFF  }
0xac: {  	[dreg:$0x1] =	wrdreg $0xFFFFFFFF  }
0xad: {  	[dreg:$0x0] =	wrdreg $0x60  }
0xae: {  	[dreg:$0x2] =	wrdreg s24  }
0xaf: {  	[dreg:$0x3] =	wrdreg s2  }
0xb0: {  	[dreg:$0x4] =	wrdreg $0x1000  }
0xb1: {  	[dreg:$0x5] =	wrdreg $0x9  }
0xb2: {  	_ =	task.clear_ibuf [dreg:s7], $0x6FFFF;
	_ =	strace $0x90000046  }
0xb3: {  	s29 =	simm.s32 $0x9;
	_ =	strace $0x80000048  }
0xb4: {  	_ =	swait.ge [sflag:s29], $0x1  }
0xb5: {  	[sflag:s29] =	ssyncadd.s32 $0xFFFFFFFF  }
0xb6: {  	_ =	strace $0x90000048  }
0xb7: {  	_ =	sfence  }
0xb8: {  	s30 =	sld [smem:$0x0];
	_ =	sdelay $0x2  }
0xb9: {  	s31 =	sshll.u32 s1, $0xD;
	s1 =	sshrl.u32 s1, $0x2  }
0xba: {  	s3 =	sand.u32 $0x4000, s31;
	s1 =	sadd.s32 s1, s30  }
0xbb: {  	s0 =	sor.u32 s3, s0;
	s1 =	sshll.u32 s1, $0x11  }
0xbc: {  	s0 =	sor.u32 s1, s0  }
0xbd: {  	s0 =	sadd.s32 $0x8F2B, s0  }
0xbe: {  	[sflag:s0] =	ssyncadd.remote.s32 $0x1  }
0xbf: {  	_ =	sfence.sel $0xFFFF  }
0xc0: {  	[dreg:$0x0] =	wrdreg $0xFFFFFFFF;
	(pc) =	sbr.abs _section_cstart, $3  }
0xc1: {  	[dreg:$0x1] =	wrdreg $0xFFFFFFFF  }
0xc2: {  	_ =	task.clear_ibuf [dreg:s7], $0x2FFFF;
	_ =	strace $0x9FFFFFFF  }
0xc3: {  	(tm) =	ssettm $0x7FFFFFFF  }
tec
execute0_lowered:
.L_overlay_start_1:
0x0: {  	(tag) =	ssettag $0x1  }
0x1: {  	s6 =	rddreg [dreg:$0x0]  }
0x2: {  	s1 =	rddreg [dreg:$0x1];
	s0 =	stileid.u32  }
0x3: {  	s2 =	srdreg.scid;
	s3 =	rddreg [dreg:$0x2];
	s4 =	simm.s32 $0x0  }
0x4: {  	s5 =	smul.u32 $0xA00, s0;
	s7 =	sand.u32 $0x1, s2;
	s2 =	rddreg [dreg:$0x3]  }
0x5: {  	s8 =	smul.u32 $0x280, s0;
	[smem:$0x7FF] =	sst s4;
	s30 =	sshll.u32 s0, $0x6  }
0x6: {  	s9 =	smul.u32 $0x2800, s7;
	_ =	strace $0x80000047;
	s11 =	ssub.s32 $0x2, s7  }
0x7: {  	s12 =	smul.u32 $0x500, s7;
	s10 =	sadd.s32 s5, s6;
	s5 =	sadd.s32 $0x19600, s6  }
0x8: {  	s29 =	sshrl.u32 s11, $0x1;
	s13 =	sadd.s32 s8, s3;
	s9 =	sadd.s32 s8, s9  }
0x9: {  	s11 =	ssub.s32 s11, s29;
	s31 =	sadd.s32 s12, s10;
	s10 =	sshrl.u32 s13, $0x3  }
0xa: {  	s12 =	simm.s32 $0x80;
	s13 =	simm.s32 $0x0;
	s9 =	sshrl.u32 s9, $0x3  }
0xb: {  	s8 =	smax.u32 s11, $0x1;
	s11 =	simm.s32 $0x1;
	s9 =	sadd.s32 s9, s6  }
0xc: {  	s6 =	sor.u32 $0x1C01, s30;
	s7 =	sadd.s32 $0x19800, s9;
	s9 =	sadd.s32 $0x5600, s31  }
.LBB2_1:
0xd: {  	[spmem:s10], [sflag:s6] =	dma.local [hbm:s1], $0x50  }
0xe: {  	_ =	swait.ge [sflag:s11], $0x50  }
0xf: {  	[sflag:s11] =	ssyncset.done $0x0  }
0x10: {  	[sflag:s11] =	ssyncadd.s32 $0xFFFFFFB0  }
0x11: {  	[tilespmem:s12], [sflag:$0x1] =	stream.linear.gather [hbm4b:s5+s4], $0x80, $0x38;
	[tilespmem:$0x380] =	vst v63  }
0x12: {  	_ =	swait.ge [sflag:s11], $0x80  }
0x13: {  	[sflag:s11] =	ssyncset.done $0x0  }
0x14: {  	[sflag:s11] =	ssyncadd.s32 $0xFFFFFF80  }
0x15: {  	s14 =	sadd.s32 $0x0, s9;
	[bflag:$0x0] =	sbarrier.arrive $0xFFFF  }
0x16: {  	[tilespmem:s4], [sflag:$0x1] =	stream.linear.gather [hbm4b:s14+s4], $0x80, $0x38;
	[tilespmem:$0x380] =	vst v63  }
0x17: {  	_ =	swait.ge [sflag:s11], $0x80  }
0x18: {  	[sflag:s11] =	ssyncset.done $0x0  }
0x19: {  	[sflag:s11] =	ssyncadd.s32 $0xFFFFFF80  }
0x1a: {  	[spmem:s3] =	stream.indirect.scatter.add.f32 [tilespmem:s12], [sflag:$0x1], $0x1, s4, s12, $0xb8;
	[tilespmem:$0x380] =	vst v63  }
0x1b: {  	_ =	swait.ge [sflag:s11], $0x80  }
0x1c: {  	s15 =	simm.s32 $0x20;
	s14 =	simm.s32 $0x10;
	[sflag:s11] =	ssyncset.done $0x0  }
.LBB2_2:
0x1d: {  	s16 =	sadd.s32 s14, s9  }
0x1e: {  	[sflag:s11] =	ssyncadd.s32 $0xFFFFFF80;
	s14 =	smov.u32 s15;
	s17 =	sadd.s32 $0x10, s15  }
0x1f: {  	[tilespmem:s4], [sflag:$0x1] =	stream.linear.gather [hbm4b:s16+s4], $0x80, $0x38;
	[tilespmem:$0x380] =	vst v63  }
0x20: {  	p0 =	sne.s32 s15, $0x4F0;
	_ =	swait.ge [sflag:s11], $0x80  }
.Ltmp0:
0x21: {  	[sflag:s11] =	ssyncset.done $0x0;
	(pc) =	sbr.rel @p0 .LBB2_2-.Ltmp0, $4  }
0x22: {  	[sflag:s11] =	ssyncadd.s32 $0xFFFFFF80  }
0x23: {  	[spmem:s3] =	stream.indirect.scatter.add.f32 [tilespmem:s12], [sflag:$0x1], $0x1, s4, s12, $0xb8;
	[tilespmem:$0x380] =	vst v63  }
0x24: {  	_ =	swait.ge [sflag:s11], $0x80  }
0x25: {  	s15 =	smov.u32 s17;
	[sflag:s11] =	ssyncset.done $0x0  }
0x26: {  	s14 =	sadd.s32 s14, s9;
	[sflag:s11] =	ssyncadd.s32 $0xFFFFFF80  }
0x27: {  	[tilespmem:s4], [sflag:$0x1] =	stream.linear.gather [hbm4b:s14+s4], $0x80, $0x38;
	[tilespmem:$0x380] =	vst v63  }
0x28: {  	_ =	swait.ge [sflag:s11], $0x80  }
0x29: {  	[sflag:s11] =	ssyncset.done $0x0  }
0x2a: {  	[sflag:s11] =	ssyncadd.s32 $0xFFFFFF80  }
0x2b: {  	[spmem:s3] =	stream.indirect.scatter.add.f32 [tilespmem:s12], [sflag:$0x1], $0x1, s4, s12, $0xb8;
	[tilespmem:$0x380] =	vst v63  }
0x2c: {  	_ =	swait.ge [sflag:s11], $0x80  }
0x2d: {  	s13 =	sadd.s32 $0x1, s13;
	[sflag:s11] =	ssyncset.done $0x0  }
0x2e: {  	p0 =	sne.s32 s13, s8;
	[sflag:s11] =	ssyncadd.s32 $0xFFFFFF80  }
.Ltmp1:
0x2f: {  	[bflag:$0x0] =	sbarrier.arrive $0xFFFF;
	(pc) =	sbr.rel @p0 .LBB2_1-.Ltmp1, $4  }
0x30: {  	[hbm:s7], [sflag:s6] =	dma.local [spmem:s10], $0x50  }
0x31: {  	_ =	swait.ge [sflag:s11], $0x50  }
0x32: {  	[sflag:s11] =	ssyncset.done $0x0  }
0x33: {  	[sflag:s11] =	ssyncadd.s32 $0xFFFFFFB0  }
0x34: {  	_ =	sfence.sel $0x180000  }
0x35: {  	[bflag:$0x0] =	sbarrier.arrive $0xFFFF  }
0x36: {  	p0 =	sne.s32 s0, $0x0;
	_ =	strace $0x90000047  }
0x37: {  	s0 =	sadd.s32 @!p0 $0x100000, s2;
	[bflag:$0x2] =	sbarrier.arrive $0xFFFF  }
0x38: {  	[sflag:s0] =	ssyncadd.tile.s32 @!p0 $0x1;
	_ =	shalt  }
.Lfunc_end2:
_tile_overlayer_lowered:
.L_overlay_start_2:
0x39: {  	(tag) =	ssettag $0x2  }
0x3a: {  	s0 =	rddreg [dreg:$0x0];
	s2 =	stileid.u32  }
0x3b: {  	s1 =	rddreg [dreg:$0x1];
	p0 =	sne.s32 s2, $0x0  }
0x3c: {  	s3 =	rddreg [dreg:$0x2];
	[bflag:$0x3] =	sbarrier.arrive $0xFFFF;
	s2 =	simm.s32 @!p0 $0x1C01  }
0x3d: {  	[timem:s3], [sflag:s2] =	dma.local @!p0 [hbm:s0], s1  }
0x3e: {  	s0 =	simm.s32 @!p0 $0x1  }
0x3f: {  	_ =	swait.ge @!p0 [sflag:s0], s1  }
0x40: {  	s1 =	ssub.s32 @!p0 $0x0, s1;
	[sflag:s0] =	ssyncset.done @!p0 $0x0  }
0x41: {  	[sflag:s0] =	ssyncadd.s32 @!p0 s1  }
0x42: {  	[bflag:$0x3] =	sbarrier.arrive $0xFFFF  }
0x43: {  	_ =	shalt  }

// kernel: kernel.13.cloned.1.call-start
scs
__scs_entry_jumppad:
0x0: {  	(pc) =	sbr.rel $0x88, $3  }
0x1: {  	(tag) =	ssettag $0x0;
	lr =	simm.s32 $0x1  }
0x2: {  	[smem:$0x3F96] =	sst lr;
	_ =	strace $0xD0000000  }
0x3: {  	_ = 	snop  }
0x4: {  	_ = 	snop  }
0x5: {  	_ = 	snop  }
0x6: {  	_ = 	snop  }
0x7: {  	_ = 	snop  }
__scs_overlays_trampoline_lowered:
0x8: {  	[smem:$0x3FA5] =	sst s0  }
0x9: {  	[smem:$0x3FA6] =	sst s1  }
0xa: {  	[smem:$0x3FA7] =	sst s2  }
0xb: {  	[smem:$0x3FA8] =	sst s3  }
0xc: {  	[smem:$0x3FA9] =	sst s4  }
0xd: {  	[smem:$0x3FAA] =	sst s5  }
0xe: {  	[smem:$0x3FAB] =	sst s6  }
0xf: {  	[smem:$0x3FAC] =	sst s7  }
0x10: {  	[smem:$0x3FAD] =	sst s8  }
0x11: {  	[smem:$0x3FAE] =	sst s9;
	s0 =	simm.s32 @!p0 $0x0  }
0x12: {  	s1 =	sld [smem:$0x3F94];
	s0 =	simm.s32 @p0 $0x1  }
0x13: {  	[smem:$0x3FAF] =	sst s0;
	s0 =	simm.s32 @!p1 $0x0  }
0x14: {  	s2 =	sld [smem:$0x3F93];
	s0 =	simm.s32 @p1 $0x1  }
0x15: {  	[smem:$0x3FB0] =	sst s0;
	s0 =	simm.s32 @!p2 $0x0  }
0x16: {  	s3 =	sld [smem:$0x3FDB];
	s0 =	simm.s32 @p2 $0x1  }
0x17: {  	s4 =	simm.s32 $0x1BF5;
	[smem:$0x3FB2] =	sst s0  }
0x18: {  	s0 =	sld [smem:$0x3F95];
	_ =	swait.ge [sflag:s4], $0x0  }
0x19: {  	s7 =	sld [smem:$0x3F96]  }
0x1a: {  	s8 =	sadd.s32 $0xFFFFE003, lr  }
0x1b: {  	s9 =	sadd.s32 $0xFFFFFEF7, lr;
	s5 =	simm.s32 $0xFFFFFFFF;
	p2 =	slt.u32 s8, $0xFFFFF086  }
0x1c: {  	p1 =	slt.u32 s9, $0xF7A;
	s5 =	simm.s32 @!p2 $0x0  }
0x1d: {  	s5 =	simm.s32 @p1 $0x1;
	p0 =	seq.s32 s7, s2  }
0x1e: {  	s7 =	smul.u32 @!p0 $0xF7A, s2;
	p2 =	seq.s32 @!p0 s5, $0x0  }
0x1f: {  	s9 =	smul.u32 $0xF7A, s1;
	s8 =	simm.s32 @!p0 $0x1BF5;
	p2 =	por !p2, p0  }
0x20: {  	[sflag:s8] =	ssyncset.s32 @!p0 $0xFFFFF086;
	s6 =	sadd.s32 @!p0 s3, s7;
	s7 =	simm.s32 @!p0 $0x108  }
0x21: {  	s3 =	sadd.s32 s3, s9;
	s6 =	sadd.s32 @!p0 $0x88, s6;
	s7 =	simm.s32 @p2 $0x1082  }
0x22: {  	[simem:s7], [sflag:s8] =	dma.local @!p0 [hbm:s6], $0xF7A  }
0x23: {  	s9 =	sor.u32 $0xD0000000, s2;
	s6 =	simm.s32 $0x108;
	_ =	swait.ge @!p0 [sflag:s8], $0x0  }
0x24: {  	s3 =	sadd.s32 $0x88, s3;
	s6 =	simm.s32 @!p1 $0x1082;
	[sflag:s4] =	ssyncset.s32 $0xFFFFF086  }
0x25: {  	[simem:s6], [sflag:s4] =	dma.local [hbm:s3], $0xF7A  }
0x26: {  	[smem:$0x3F96] =	sst s1;
	(tag) =	ssettag s2;
	_ =	strace s9  }
0x27: {  	s1 =	sld [smem:$0x3FA6]  }
0x28: {  	s2 =	sld [smem:$0x3FA7]  }
0x29: {  	s4 =	sld [smem:$0x3FA9]  }
0x2a: {  	p0 =	seq.s32 s5, $0x0;
	s5 =	sld [smem:$0x3FAA]  }
0x2b: {  	s6 =	sld [smem:$0x3FAB]  }
0x2c: {  	s7 =	sld [smem:$0x3FAC]  }
0x2d: {  	s3 =	simm.s32 $0x108;
	s8 =	sld [smem:$0x3FAD]  }
0x2e: {  	s3 =	simm.s32 @!p0 $0x1082;
	s9 =	sld [smem:$0x3FAE]  }
0x2f: {  	lr =	sadd.s32 s0, s3;
	s0 =	sld [smem:$0x3FA5]  }
0x30: {  	s3 =	sld [smem:$0x3FA8]  }
0x31: {  	[smem:$0x3FB1] =	sst s10  }
0x32: {  	s10 =	sld [smem:$0x3FAF];
	_ =	sdelay $0x3  }
0x33: {  	p0 =	seq.s32 s10, $0x1;
	s10 =	sld [smem:$0x3FB1];
	_ =	sdelay $0x3  }
0x34: {  	[smem:$0x3FB1] =	sst s10  }
0x35: {  	s10 =	sld [smem:$0x3FB0];
	_ =	sdelay $0x3  }
0x36: {  	p1 =	seq.s32 s10, $0x1;
	s10 =	sld [smem:$0x3FB1];
	_ =	sdelay $0x3  }
0x37: {  	[smem:$0x3FB1] =	sst s10  }
0x38: {  	s10 =	sld [smem:$0x3FB2]  }
0x39: {  	_ = 	snop;
	(pc) =	sbr.ind lr, $3  }
0x3a: {  	_ = 	snop  }
0x3b: {  	_ = 	snop  }
0x3c: {  	p2 =	seq.s32 s10, $0x1;
	s10 =	sld [smem:$0x3FB1]  }
0x3d: {  	_ =	shalt  }
0x3e: {  	_ =	shalt  }
0x3f: {  	_ =	shalt  }
0x40: {  	_ =	shalt  }
0x41: {  	_ =	shalt  }
0x42: {  	_ =	shalt  }
0x43: {  	_ =	shalt  }
0x44: {  	_ =	shalt  }
0x45: {  	_ =	shalt  }
0x46: {  	_ =	shalt  }
0x47: {  	_ =	shalt  }
0x48: {  	_ =	shalt  }
0x49: {  	_ =	shalt  }
0x4a: {  	_ =	shalt  }
0x4b: {  	_ =	shalt  }
0x4c: {  	_ =	shalt  }
0x4d: {  	_ =	shalt  }
0x4e: {  	_ =	shalt  }
0x4f: {  	_ =	shalt  }
0x50: {  	_ =	shalt  }
0x51: {  	_ =	shalt  }
0x52: {  	_ =	shalt  }
0x53: {  	_ =	shalt  }
0x54: {  	_ =	shalt  }
0x55: {  	_ =	shalt  }
0x56: {  	_ =	shalt  }
0x57: {  	_ =	shalt  }
0x58: {  	_ =	shalt  }
0x59: {  	_ =	shalt  }
0x5a: {  	_ =	shalt  }
0x5b: {  	_ =	shalt  }
0x5c: {  	_ =	shalt  }
0x5d: {  	_ =	shalt  }
0x5e: {  	_ =	shalt  }
0x5f: {  	_ =	shalt  }
0x60: {  	_ =	shalt  }
0x61: {  	_ =	shalt  }
0x62: {  	_ =	shalt  }
0x63: {  	_ =	shalt  }
0x64: {  	_ =	shalt  }
0x65: {  	_ =	shalt  }
0x66: {  	_ =	shalt  }
0x67: {  	_ =	shalt  }
0x68: {  	_ =	shalt  }
0x69: {  	_ =	shalt  }
0x6a: {  	_ =	shalt  }
0x6b: {  	_ =	shalt  }
0x6c: {  	_ =	shalt  }
0x6d: {  	_ =	shalt  }
0x6e: {  	_ =	shalt  }
0x6f: {  	_ =	shalt  }
0x70: {  	_ =	shalt  }
0x71: {  	_ =	shalt  }
0x72: {  	_ =	shalt  }
0x73: {  	_ =	shalt  }
0x74: {  	_ =	shalt  }
0x75: {  	_ =	shalt  }
0x76: {  	_ =	shalt  }
0x77: {  	_ =	shalt  }
0x78: {  	_ =	shalt  }
0x79: {  	_ =	shalt  }
0x7a: {  	_ =	shalt  }
0x7b: {  	_ =	shalt  }
0x7c: {  	_ =	shalt  }
0x7d: {  	_ =	shalt  }
0x7e: {  	_ =	shalt  }
0x7f: {  	_ =	shalt  }
0x80: {  	_ =	shalt  }
0x81: {  	_ =	shalt  }
0x82: {  	_ =	shalt  }
0x83: {  	_ =	shalt  }
0x84: {  	_ =	shalt  }
0x85: {  	_ =	shalt  }
0x86: {  	_ =	shalt  }
0x87: {  	_ =	shalt  }
.Lfunc_end0:
.L_simem_size_0:
called_computation.1_lowered:
.L_overlay_start_0:
0x88: {  	s2 =	sld [smem:$0x3FD9]  }
0x89: {  	s3 =	sld [smem:$0x3FFE];
	_ =	sdelay $0x1  }
0x8a: {  	s1 =	srdreg.scid  }
0x8b: {  	s0 =	sand.u32 $0x1, s1  }
0x8c: {  	s16 =	sshll.u32 s0, $0xA;
	s2 =	sadd.s32 s3, s2  }
0x8d: {  	s2 =	sadd.s32 s2, s16  }
0x8e: {  	[smem:$0x3FBD] =	sst s2  }
0x8f: {  	_ = 	snop  }
0x90: {  	(tm) =	ssettm $0x1  }
0x91: {  	s17 =	sld [smem:$0x3FFB];
	_ =	sdelay $0x3  }
0x92: {  	_ =	strace s17  }
0x93: {  	s2 =	sld [smem:$0x3FFC];
	_ =	sdelay $0x3  }
0x94: {  	_ =	strace s2  }
0x95: {  	s2 =	sld [smem:$0x3FFD];
	_ =	sdelay $0x3  }
0x96: {  	_ =	strace s2  }
0x97: {  	_ =	strace $0x8FFFFFFF  }
0x98: {  	s18 =	sld [smem:$0x3FDB];
	_ =	sdelay $0x1  }
0x99: {  	s19 =	simm.s32 $_scs_section_size  }
0x9a: {  	s4 =	simm.s32 $_size__tile_overlayer_lowered;
	s5 =	simm.s32 $_tile_overlayer_lowered  }
0x9b: {  	s22 =	simm.s32 $0x1BFF;
	s21 =	sshll.u32 s5, $0x1;
	s2 =	sadd.s32 s19, s18  }
0x9c: {  	s6 =	simm.s32 $0x0;
	s20 =	sshll.u32 s4, $0x1;
	s4 =	sadd.s32 s21, s2  }
0x9d: {  	[timem:s6], [sflag:s22] =	dma.local [hbm:s4], s20  }
0x9e: {  	_ =	swait.ge [sflag:s22], s20  }
0x9f: {  	s3 =	ssub.s32 $0x0, s20;
	[sflag:s22] =	ssyncset.done $0x0  }
0xa0: {  	[sflag:s22] =	ssyncadd.s32 s3;
	_ =	sdelay $0x1  }
0xa1: {  	s23 =	simm.s32 $0x1B8B  }
0xa2: {  	_ =	swait.ge [sflag:s23], $0x1  }
0xa3: {  	[sflag:s23] =	ssyncset.done $0x0  }
0xa4: {  	s25 =	simm.s32 $0x1B8E;
	s24 =	sld [smem:$0x3FFE];
	[sflag:s23] =	ssyncadd.s32 $0xFFFFFFFF  }
0xa5: {  	s26 =	simm.s32 $execute0_lowered;
	[smem:$0x3FD2] =	sst s25  }
0xa6: {  	s4 =	sshll.u32 s26, $0x1;
	_ =	strace $0x80000049;
	[dreg:$0x1] =	wrdreg $0xFFFFFFFF  }
0xa7: {  	s28 =	simm.s32 $_size_execute0_lowered;
	s2 =	sadd.s32 s2, s4;
	[dreg:$0x0] =	wrdreg $0x0  }
0xa8: {  	s4 =	sshll.u32 s28, $0x1;
	[dreg:$0x2] =	wrdreg s2  }
0xa9: {  	[dreg:$0x3] =	wrdreg s4  }
0xaa: {  	[dreg:$0x4] =	wrdreg $0xC0  }
0xab: {  	_ =	task [dreg:s6], $0x5FFFF  }
0xac: {  	[dreg:$0x1] =	wrdreg $0xFFFFFFFF  }
0xad: {  	[dreg:$0x0] =	wrdreg $0x60  }
0xae: {  	[dreg:$0x2] =	wrdreg s24  }
0xaf: {  	[dreg:$0x3] =	wrdreg $0x84000  }
0xb0: {  	[dreg:$0x4] =	wrdreg $0x9  }
0xb1: {  	_ =	task.clear_ibuf [dreg:s6], $0x5FFFF;
	_ =	strace $0x90000049  }
0xb2: {  	s29 =	simm.s32 $0x9;
	_ =	strace $0x8000004B  }
0xb3: {  	_ =	swait.ge [sflag:s29], $0x1  }
0xb4: {  	[sflag:s29] =	ssyncadd.s32 $0xFFFFFFFF  }
0xb5: {  	_ =	strace $0x9000004B  }
0xb6: {  	_ =	sfence  }
0xb7: {  	s30 =	sld [smem:$0x0];
	_ =	sdelay $0x2  }
0xb8: {  	s31 =	sshll.u32 s1, $0xD;
	s1 =	sshrl.u32 s1, $0x2  }
0xb9: {  	s3 =	sand.u32 $0x4000, s31;
	s1 =	sadd.s32 s1, s30  }
0xba: {  	s0 =	sor.u32 s3, s0;
	s1 =	sshll.u32 s1, $0x11  }
0xbb: {  	s0 =	sor.u32 s1, s0  }
0xbc: {  	s0 =	sadd.s32 $0x8F2B, s0  }
0xbd: {  	[sflag:s0] =	ssyncadd.remote.s32 $0x1  }
0xbe: {  	_ =	sfence.sel $0xFFFF  }
0xbf: {  	[dreg:$0x0] =	wrdreg $0xFFFFFFFF;
	(pc) =	sbr.abs _section_cstart, $3  }
0xc0: {  	[dreg:$0x1] =	wrdreg $0xFFFFFFFF  }
0xc1: {  	_ =	task.clear_ibuf [dreg:s6], $0x2FFFF;
	_ =	strace $0x9FFFFFFF  }
0xc2: {  	(tm) =	ssettm $0x7FFFFFFF  }
0xc3: {  	_ =	shalt  }
tec
execute0_lowered:
.L_overlay_start_1:
0x0: {  	(tag) =	ssettag $0x1  }
0x1: {  	s0 =	srdreg.scid;
	s11 =	stileid.u32  }
0x2: {  	s4 =	rddreg [dreg:$0x0];
	s1 =	simm.s32 $0x0;
	s3 =	smul.u32 $0x14000, s11  }
0x3: {  	s0 =	sand.u32 $0x1, s0;
	[smem:$0x7FF] =	sst s1;
	s8 =	smul.u32 $0x980, s11  }
0x4: {  	s6 =	sadd.s32 $0x1A200, s4;
	s9 =	sadd.s32 $0xF600, s4;
	s29 =	sadd.s32 $0x74200, s4  }
0x5: {  	s2 =	smul.u32 $0x140000, s0;
	s5 =	ssub.s32 $0x2, s0;
	s19 =	sor.u32 $0x10, s8  }
0x6: {  	p0 =	seq.s32 s0, $0x1;
	s7 =	sshrl.u32 s5, $0x1;
	s20 =	sadd.s32 s6, s19  }
0x7: {  	s21 =	sor.u32 $0x20, s8;
	s0 =	sadd.s32 s9, s19;
	[dreg:$0x3] =	wrdreg s20  }
0x8: {  	s23 =	sor.u32 $0x30, s8;
	s22 =	sadd.s32 s6, s21;
	[dreg:$0x4] =	wrdreg s0  }
0x9: {  	s5 =	ssub.s32 s5, s7;
	s7 =	sadd.s32 s9, s21;
	[dreg:$0x5] =	wrdreg s22  }
0xa: {  	s12 =	sadd.s32 s6, s23;
	s0 =	sshll.u32 s11, $0x7;
	[dreg:$0x6] =	wrdreg s7  }
0xb: {  	[dreg:$0x7] =	wrdreg s12;
	s7 =	sadd.s32 s9, s23;
	s24 =	sor.u32 $0x9800, s0  }
0xc: {  	s10 =	sadd.s32 s3, s2;
	[dreg:$0x8] =	wrdreg s7;
	s25 =	sadd.s32 s6, s24  }
0xd: {  	s28 =	sor.u32 $0x9810, s0;
	s26 =	sadd.s32 s9, s24;
	[dreg:$0x9] =	wrdreg s25  }
0xe: {  	s2 =	sadd.s32 s6, s8;
	s31 =	sadd.s32 s6, s28;
	[dreg:$0xa] =	wrdreg s26  }
0xf: {  	s30 =	sor.u32 $0x9820, s0;
	s7 =	sadd.s32 s9, s28;
	[dreg:$0xb] =	wrdreg s31  }
0x10: {  	s3 =	sadd.s32 s9, s8;
	s12 =	sadd.s32 s6, s30;
	[dreg:$0xc] =	wrdreg s7  }
0x11: {  	s14 =	sor.u32 $0x9830, s0;
	s13 =	sadd.s32 s9, s30;
	[dreg:$0xd] =	wrdreg s12  }
0x12: {  	s15 =	sor.u32 $0x9840, s0;
	s16 =	sadd.s32 s6, s14;
	[dreg:$0xe] =	wrdreg s13  }
0x13: {  	s8 =	simm.s32 $0x280;
	s17 =	sadd.s32 s6, s15;
	[dreg:$0xf] =	wrdreg s16  }
0x14: {  	s19 =	sor.u32 $0x9850, s0;
	s18 =	sadd.s32 s9, s15;
	[dreg:$0x11] =	wrdreg s17  }
0x15: {  	s20 =	sor.u32 $0x9860, s0;
	s21 =	sadd.s32 s6, s19;
	[dreg:$0x12] =	wrdreg s18  }
0x16: {  	s0 =	sor.u32 $0x9870, s0;
	s22 =	sadd.s32 s6, s20;
	[dreg:$0x13] =	wrdreg s21  }
0x17: {  	s23 =	sadd.s32 s9, s20;
	s6 =	sadd.s32 s6, s0;
	[dreg:$0x15] =	wrdreg s22  }
0x18: {  	s24 =	smul.u32 $0x50000, s11;
	s0 =	sadd.s32 s9, s0;
	[dreg:$0x16] =	wrdreg s23  }
0x19: {  	s30 =	sshll.u32 s11, $0x6;
	s11 =	simm.s32 $0x180;
	s25 =	rddreg [dreg:$0x1]  }
0x1a: {  	s15 =	simm.s32 $0x4;
	s20 =	simm.s32 $0x2;
	[dreg:$0x17] =	wrdreg s6  }
0x1b: {  	s7 =	sadd.s32 s9, s14;
	[dreg:$0x18] =	wrdreg s0;
	s26 =	sshrl.u32 s10, $0x3  }
0x1c: {  	s21 =	sor.u32 $0x1C08, s30;
	s31 =	smax.u32 s5, $0x1;
	s5 =	simm.s32 $0x8  }
0x1d: {  	s10 =	simm.s32 $0x300;
	s12 =	simm.s32 $0x380;
	s13 =	simm.s32 $0x3  }
0x1e: {  	s14 =	simm.s32 $0x400;
	s16 =	simm.s32 $0x4400;
	s17 =	simm.s32 $0x1  }
0x1f: {  	s18 =	simm.s32 $0x7;
	s22 =	simm.s32 $0x6;
	[dreg:$0x10] =	wrdreg s7  }
0x20: {  	s7 =	sadd.s32 s9, s19;
	s0 =	sadd.s32 s26, s4;
	s6 =	sshrl.u32 s24, $0x2  }
.Ltmp0:
0x21: {  	s4 =	sadd.s32 $0x5600, s4;
	[dreg:$0x14] =	wrdreg s7;
	(pc) =	sbr.rel .LBB2_1-.Ltmp0, $4  }
0x22: {  	s28 =	sadd.s32 s6, s25;
	_ =	strace $0x8000004A;
	[dreg:$0x19] =	wrdreg s4  }
0x23: {  	s23 =	simm.s32 $0x0;
	s0 =	sadd.s32 $0x9C200, s0;
	[dreg:$0x1a] =	wrdreg s28  }
0x24: {  	s9 =	simm.s32 $0x100;
	s19 =	simm.s32 $0x5;
	[dreg:$0x1b] =	wrdreg s0  }
0x25: {  	s6 =	simm.s32 $0x200;
	s7 =	simm.s32 $0x80;
	[dreg:$0x1c] =	wrdreg s31  }
.LBB2_5:
0x26: {  	s0 =	rddreg [dreg:$0x9]  }
0x27: {  	[tilespmem:s1], [sflag:$0x3] =	stream.linear.gather [hbm4b:s0+s1], $0x80, $0x38;
	[tilespmem:$0x1C400] =	vst v63  }
0x28: {  	s4 =	rddreg [dreg:$0xa]  }
0x29: {  	[tilespmem:s6], [sflag:$0x3] =	stream.linear.gather [hbm4b:s4+s1], $0x80, $0x38;
	[tilespmem:$0x1C400] =	vst v63  }
0x2a: {  	s26 =	rddreg [dreg:$0xb]  }
0x2b: {  	[tilespmem:s7], [sflag:$0x4] =	stream.linear.gather [hbm4b:s26+s1], $0x80, $0x38;
	[tilespmem:$0x1C400] =	vst v63  }
0x2c: {  	s28 =	rddreg [dreg:$0xc]  }
0x2d: {  	[tilespmem:s8], [sflag:$0x4] =	stream.linear.gather [hbm4b:s28+s1], $0x80, $0x38;
	[tilespmem:$0x1C400] =	vst v63  }
0x2e: {  	s30 =	rddreg [dreg:$0xd]  }
0x2f: {  	[tilespmem:s9], [sflag:$0x5] =	stream.linear.gather [hbm4b:s30+s1], $0x80, $0x38;
	[tilespmem:$0x1C400] =	vst v63  }
0x30: {  	s31 =	rddreg [dreg:$0xe]  }
0x31: {  	[tilespmem:s10], [sflag:$0x5] =	stream.linear.gather [hbm4b:s31+s1], $0x80, $0x38;
	[tilespmem:$0x1C400] =	vst v63  }
0x32: {  	s4 =	rddreg [dreg:$0xf]  }
0x33: {  	[tilespmem:s11], [sflag:$0x6] =	stream.linear.gather [hbm4b:s4+s1], $0x80, $0x38;
	[tilespmem:$0x1C400] =	vst v63  }
0x34: {  	s26 =	rddreg [dreg:$0x10]  }
0x35: {  	[tilespmem:s12], [sflag:$0x6] =	stream.linear.gather [hbm4b:s26+s1], $0x80, $0x38;
	[tilespmem:$0x1C400] =	vst v63  }
0x36: {  	_ =	swait.ge [sflag:s13], $0x80  }
0x37: {  	[sflag:s13] =	ssyncset.done $0x0  }
0x38: {  	[sflag:s13] =	ssyncadd.s32 $0xFFFFFF80  }
0x39: {  	_ =	swait.ge [sflag:s13], $0x80  }
0x3a: {  	[sflag:s13] =	ssyncset.done $0x0  }
0x3b: {  	[sflag:s13] =	ssyncadd.s32 $0xFFFFFF80  }
0x3c: {  	[tilespmem:s14], [sflag:$0x1] =	stream.indirect.gather [hbm4b:s29+s7], $0x80, s1, s7, $0xb8;
	[tilespmem:$0x1C400] =	vst v63  }
0x3d: {  	_ =	swait.ge [sflag:s15], $0x80  }
0x3e: {  	[sflag:s15] =	ssyncset.done $0x0  }
0x3f: {  	[sflag:s15] =	ssyncadd.s32 $0xFFFFFF80  }
0x40: {  	_ =	swait.ge [sflag:s15], $0x80  }
0x41: {  	[sflag:s15] =	ssyncset.done $0x0  }
0x42: {  	[sflag:s15] =	ssyncadd.s32 $0xFFFFFF80  }
0x43: {  	[tilespmem:s16], [sflag:$0x2] =	stream.indirect.gather [hbm4b:s29+s7], $0x80, s7, s7, $0xb8;
	[tilespmem:$0x1C400] =	vst v63  }
0x44: {  	_ =	swait.ge [sflag:s17], $0x4000  }
0x45: {  	[sflag:s17] =	ssyncset.done $0x0  }
0x46: {  	[sflag:s17] =	ssyncadd.s32 $0xFFFFC000  }
0x47: {  	[spmem:s25] =	stream.indirect.scatter.add.f32 [tilespmem:s14], [sflag:$0x7], $0x80, s6, s7, $0xb8;
	[tilespmem:$0x1C400] =	vst v63  }
0x48: {  	_ =	swait.ge [sflag:s18], $0x4000  }
0x49: {  	[sflag:s18] =	ssyncset.done $0x0  }
0x4a: {  	s28 =	rddreg [dreg:$0x11];
	[sflag:s18] =	ssyncadd.s32 $0xFFFFC000  }
0x4b: {  	[tilespmem:s1], [sflag:$0x3] =	stream.linear.gather [hbm4b:s28+s1], $0x80, $0x38;
	[tilespmem:$0x1C400] =	vst v63  }
0x4c: {  	s30 =	rddreg [dreg:$0x12]  }
0x4d: {  	[tilespmem:s6], [sflag:$0x3] =	stream.linear.gather [hbm4b:s30+s1], $0x80, $0x38;
	[tilespmem:$0x1C400] =	vst v63  }
0x4e: {  	_ =	swait.ge [sflag:s19], $0x80  }
0x4f: {  	[sflag:s19] =	ssyncset.done $0x0  }
0x50: {  	[sflag:s19] =	ssyncadd.s32 $0xFFFFFF80  }
0x51: {  	_ =	swait.ge [sflag:s19], $0x80  }
0x52: {  	[sflag:s19] =	ssyncset.done $0x0  }
0x53: {  	[sflag:s19] =	ssyncadd.s32 $0xFFFFFF80  }
0x54: {  	[tilespmem:s14], [sflag:$0x1] =	stream.indirect.gather [hbm4b:s29+s7], $0x80, s9, s7, $0xb8;
	[tilespmem:$0x1C400] =	vst v63  }
0x55: {  	_ =	swait.ge [sflag:s20], $0x4000  }
0x56: {  	[sflag:s20] =	ssyncset.done $0x0  }
0x57: {  	[sflag:s20] =	ssyncadd.s32 $0xFFFFC000  }
0x58: {  	[spmem:s25] =	stream.indirect.scatter.add.f32 [tilespmem:s16], [sflag:$0x7], $0x80, s8, s7, $0xb8;
	[tilespmem:$0x1C400] =	vst v63  }
0x59: {  	_ =	swait.ge [sflag:s18], $0x4000  }
0x5a: {  	[sflag:s18] =	ssyncset.done $0x0  }
0x5b: {  	s31 =	rddreg [dreg:$0x13];
	[sflag:s18] =	ssyncadd.s32 $0xFFFFC000  }
0x5c: {  	[tilespmem:s7], [sflag:$0x4] =	stream.linear.gather [hbm4b:s31+s1], $0x80, $0x38;
	[tilespmem:$0x1C400] =	vst v63  }
0x5d: {  	s4 =	rddreg [dreg:$0x14]  }
0x5e: {  	[tilespmem:s8], [sflag:$0x4] =	stream.linear.gather [hbm4b:s4+s1], $0x80, $0x38;
	[tilespmem:$0x1C400] =	vst v63  }
0x5f: {  	_ =	swait.ge [sflag:s22], $0x80  }
0x60: {  	[sflag:s22] =	ssyncset.done $0x0  }
0x61: {  	[sflag:s22] =	ssyncadd.s32 $0xFFFFFF80  }
0x62: {  	_ =	swait.ge [sflag:s22], $0x80  }
0x63: {  	[sflag:s22] =	ssyncset.done $0x0  }
0x64: {  	[sflag:s22] =	ssyncadd.s32 $0xFFFFFF80  }
0x65: {  	[tilespmem:s16], [sflag:$0x2] =	stream.indirect.gather [hbm4b:s29+s7], $0x80, s11, s7, $0xb8;
	[tilespmem:$0x1C400] =	vst v63  }
0x66: {  	_ =	swait.ge [sflag:s17], $0x4000  }
0x67: {  	[sflag:s17] =	ssyncset.done $0x0  }
0x68: {  	[sflag:s17] =	ssyncadd.s32 $0xFFFFC000  }
0x69: {  	[spmem:s25] =	stream.indirect.scatter.add.f32 [tilespmem:s14], [sflag:$0x7], $0x80, s10, s7, $0xb8;
	[tilespmem:$0x1C400] =	vst v63  }
0x6a: {  	_ =	swait.ge [sflag:s18], $0x4000  }
0x6b: {  	[sflag:s18] =	ssyncset.done $0x0  }
0x6c: {  	s26 =	rddreg [dreg:$0x15];
	[sflag:s18] =	ssyncadd.s32 $0xFFFFC000  }
0x6d: {  	[tilespmem:s9], [sflag:$0x5] =	stream.linear.gather [hbm4b:s26+s1], $0x80, $0x38;
	[tilespmem:$0x1C400] =	vst v63  }
0x6e: {  	s28 =	rddreg [dreg:$0x16]  }
0x6f: {  	[tilespmem:s10], [sflag:$0x5] =	stream.linear.gather [hbm4b:s28+s1], $0x80, $0x38;
	[tilespmem:$0x1C400] =	vst v63  }
0x70: {  	_ =	swait.ge [sflag:s13], $0x80  }
0x71: {  	[sflag:s13] =	ssyncset.done $0x0  }
0x72: {  	[sflag:s13] =	ssyncadd.s32 $0xFFFFFF80  }
0x73: {  	_ =	swait.ge [sflag:s13], $0x80  }
0x74: {  	[sflag:s13] =	ssyncset.done $0x0  }
0x75: {  	[sflag:s13] =	ssyncadd.s32 $0xFFFFFF80  }
0x76: {  	[tilespmem:s14], [sflag:$0x1] =	stream.indirect.gather [hbm4b:s29+s7], $0x80, s1, s7, $0xb8;
	[tilespmem:$0x1C400] =	vst v63  }
0x77: {  	_ =	swait.ge [sflag:s20], $0x4000  }
0x78: {  	[sflag:s20] =	ssyncset.done $0x0  }
0x79: {  	[sflag:s20] =	ssyncadd.s32 $0xFFFFC000  }
0x7a: {  	[spmem:s25] =	stream.indirect.scatter.add.f32 [tilespmem:s16], [sflag:$0x7], $0x80, s12, s7, $0xb8;
	[tilespmem:$0x1C400] =	vst v63  }
0x7b: {  	_ =	swait.ge [sflag:s18], $0x4000  }
0x7c: {  	[sflag:s18] =	ssyncset.done $0x0  }
0x7d: {  	s30 =	rddreg [dreg:$0x17];
	[sflag:s18] =	ssyncadd.s32 $0xFFFFC000  }
0x7e: {  	[tilespmem:s11], [sflag:$0x6] =	stream.linear.gather [hbm4b:s30+s1], $0x80, $0x38;
	[tilespmem:$0x1C400] =	vst v63  }
0x7f: {  	s31 =	rddreg [dreg:$0x18]  }
0x80: {  	[tilespmem:s12], [sflag:$0x6] =	stream.linear.gather [hbm4b:s31+s1], $0x80, $0x38;
	[tilespmem:$0x1C400] =	vst v63  }
0x81: {  	_ =	swait.ge [sflag:s15], $0x80  }
0x82: {  	[sflag:s15] =	ssyncset.done $0x0  }
0x83: {  	[sflag:s15] =	ssyncadd.s32 $0xFFFFFF80  }
0x84: {  	_ =	swait.ge [sflag:s15], $0x80  }
0x85: {  	[sflag:s15] =	ssyncset.done $0x0  }
0x86: {  	[sflag:s15] =	ssyncadd.s32 $0xFFFFFF80  }
0x87: {  	[tilespmem:s16], [sflag:$0x2] =	stream.indirect.gather [hbm4b:s29+s7], $0x80, s7, s7, $0xb8;
	[tilespmem:$0x1C400] =	vst v63  }
0x88: {  	_ =	swait.ge [sflag:s17], $0x4000  }
0x89: {  	[sflag:s17] =	ssyncset.done $0x0  }
0x8a: {  	[sflag:s17] =	ssyncadd.s32 $0xFFFFC000  }
0x8b: {  	[spmem:s25] =	stream.indirect.scatter.add.f32 [tilespmem:s14], [sflag:$0x7], $0x80, s6, s7, $0xb8;
	[tilespmem:$0x1C400] =	vst v63  }
0x8c: {  	_ =	swait.ge [sflag:s18], $0x4000  }
0x8d: {  	[sflag:s18] =	ssyncset.done $0x0  }
0x8e: {  	[sflag:s18] =	ssyncadd.s32 $0xFFFFC000  }
0x8f: {  	_ =	swait.ge [sflag:s19], $0x80  }
0x90: {  	[sflag:s19] =	ssyncset.done $0x0  }
0x91: {  	[sflag:s19] =	ssyncadd.s32 $0xFFFFFF80  }
0x92: {  	_ =	swait.ge [sflag:s19], $0x80  }
0x93: {  	[sflag:s19] =	ssyncset.done $0x0  }
0x94: {  	[sflag:s19] =	ssyncadd.s32 $0xFFFFFF80  }
0x95: {  	[tilespmem:s14], [sflag:$0x1] =	stream.indirect.gather [hbm4b:s29+s7], $0x80, s9, s7, $0xb8;
	[tilespmem:$0x1C400] =	vst v63  }
0x96: {  	_ =	swait.ge [sflag:s20], $0x4000  }
0x97: {  	[sflag:s20] =	ssyncset.done $0x0  }
0x98: {  	[sflag:s20] =	ssyncadd.s32 $0xFFFFC000  }
0x99: {  	[spmem:s25] =	stream.indirect.scatter.add.f32 [tilespmem:s16], [sflag:$0x7], $0x80, s8, s7, $0xb8;
	[tilespmem:$0x1C400] =	vst v63  }
0x9a: {  	_ =	swait.ge [sflag:s18], $0x4000  }
0x9b: {  	[sflag:s18] =	ssyncset.done $0x0  }
0x9c: {  	[sflag:s18] =	ssyncadd.s32 $0xFFFFC000  }
0x9d: {  	_ =	swait.ge [sflag:s22], $0x80  }
0x9e: {  	[sflag:s22] =	ssyncset.done $0x0  }
0x9f: {  	[sflag:s22] =	ssyncadd.s32 $0xFFFFFF80  }
0xa0: {  	_ =	swait.ge [sflag:s22], $0x80  }
0xa1: {  	[sflag:s22] =	ssyncset.done $0x0  }
0xa2: {  	[sflag:s22] =	ssyncadd.s32 $0xFFFFFF80  }
0xa3: {  	[tilespmem:s16], [sflag:$0x2] =	stream.indirect.gather [hbm4b:s29+s7], $0x80, s11, s7, $0xb8;
	[tilespmem:$0x1C400] =	vst v63  }
0xa4: {  	_ =	swait.ge [sflag:s17], $0x4000  }
0xa5: {  	[sflag:s17] =	ssyncset.done $0x0  }
0xa6: {  	[sflag:s17] =	ssyncadd.s32 $0xFFFFC000  }
0xa7: {  	[spmem:s25] =	stream.indirect.scatter.add.f32 [tilespmem:s14], [sflag:$0x7], $0x80, s10, s7, $0xb8;
	[tilespmem:$0x1C400] =	vst v63  }
0xa8: {  	_ =	swait.ge [sflag:s18], $0x4000  }
0xa9: {  	[sflag:s18] =	ssyncset.done $0x0  }
0xaa: {  	[sflag:s18] =	ssyncadd.s32 $0xFFFFC000  }
.LBB2_6:
0xab: {  	_ =	swait.ge [sflag:s20], $0x4000  }
0xac: {  	[sflag:s20] =	ssyncset.done $0x0  }
0xad: {  	[sflag:s20] =	ssyncadd.s32 $0xFFFFC000  }
0xae: {  	[spmem:s25] =	stream.indirect.scatter.add.f32 [tilespmem:s16], [sflag:$0x7], $0x80, s12, s7, $0xb8;
	[tilespmem:$0x1C400] =	vst v63  }
0xaf: {  	_ =	swait.ge [sflag:s18], $0x4000  }
0xb0: {  	[sflag:s18] =	ssyncset.done $0x0  }
0xb1: {  	[sflag:s18] =	ssyncadd.s32 $0xFFFFC000  }
0xb2: {  	[bflag:$0x0] =	sbarrier.arrive $0xFFFF  }
0xb3: {  	s0 =	rddreg [dreg:$0x1b]  }
0xb4: {  	[hbm:s0], [sflag:s21] =	dma.local [spmem:s24], $0x2800  }
0xb5: {  	_ =	swait.ge [sflag:s5], $0x2800  }
0xb6: {  	s23 =	sadd.s32 $0x1, s23;
	s31 =	rddreg [dreg:$0x1c]  }
0xb7: {  	p1 =	sne.s32 s23, s31  }
.Ltmp1:
0xb8: {  	_ = 	snop;
	(pc) =	sbr.rel @!p1 .LBB2_7-.Ltmp1, $3  }
0xb9: {  	_ =	sdelay $0x1  }
0xba: {  	[sflag:s5] =	ssyncset.done $0x0  }
0xbb: {  	[sflag:s5] =	ssyncadd.s32 $0xFFFFD800  }
.LBB2_1:
0xbc: {  	s0 =	rddreg [dreg:$0x1a]  }
0xbd: {  	s31 =	rddreg [dreg:$0x19];
	s24 =	sshrl.u32 s0, $0x3  }
0xbe: {  	[spmem:s24], [sflag:s21] =	dma.local [hbm:s31], $0x2800  }
.Ltmp2:
0xbf: {  	_ =	swait.ge [sflag:s5], $0x2800;
	(pc) =	sbr.rel @p0 .LBB2_5-.Ltmp2, $3  }
0xc0: {  	[sflag:s5] =	ssyncset.done $0x0  }
0xc1: {  	[sflag:s5] =	ssyncadd.s32 $0xFFFFD800  }
0xc2: {  	[bflag:$0x0] =	sbarrier.arrive $0xFFFF;
	_ =	sdelay $0x1  }
0xc3: {  	s26 =	simm.s32 $0x0  }
0xc4: {  	[tilespmem:s26], [sflag:$0x3] =	stream.linear.gather [hbm4b:s2+s26], $0x80, $0x38;
	[tilespmem:$0x1C400] =	vst v63  }
0xc5: {  	_ = 	snop  }
0xc6: {  	[tilespmem:s6], [sflag:$0x3] =	stream.linear.gather [hbm4b:s3+s26], $0x80, $0x38;
	[tilespmem:$0x1C400] =	vst v63  }
0xc7: {  	s0 =	rddreg [dreg:$0x3]  }
0xc8: {  	[tilespmem:s7], [sflag:$0x4] =	stream.linear.gather [hbm4b:s0+s26], $0x80, $0x38;
	[tilespmem:$0x1C400] =	vst v63  }
0xc9: {  	s31 =	rddreg [dreg:$0x4]  }
0xca: {  	[tilespmem:s8], [sflag:$0x4] =	stream.linear.gather [hbm4b:s31+s26], $0x80, $0x38;
	[tilespmem:$0x1C400] =	vst v63  }
0xcb: {  	s4 =	rddreg [dreg:$0x5]  }
0xcc: {  	[tilespmem:s9], [sflag:$0x5] =	stream.linear.gather [hbm4b:s4+s26], $0x80, $0x38;
	[tilespmem:$0x1C400] =	vst v63  }
0xcd: {  	s28 =	rddreg [dreg:$0x6]  }
0xce: {  	[tilespmem:s10], [sflag:$0x5] =	stream.linear.gather [hbm4b:s28+s26], $0x80, $0x38;
	[tilespmem:$0x1C400] =	vst v63  }
0xcf: {  	s30 =	rddreg [dreg:$0x7]  }
0xd0: {  	[tilespmem:s11], [sflag:$0x6] =	stream.linear.gather [hbm4b:s30+s26], $0x80, $0x38;
	[tilespmem:$0x1C400] =	vst v63  }
0xd1: {  	s31 =	rddreg [dreg:$0x8]  }
0xd2: {  	[tilespmem:s12], [sflag:$0x6] =	stream.linear.gather [hbm4b:s31+s26], $0x80, $0x38;
	[tilespmem:$0x1C400] =	vst v63  }
0xd3: {  	_ =	swait.ge [sflag:s13], $0x80  }
0xd4: {  	[sflag:s13] =	ssyncset.done $0x0  }
0xd5: {  	[sflag:s13] =	ssyncadd.s32 $0xFFFFFF80  }
0xd6: {  	_ =	swait.ge [sflag:s13], $0x80  }
0xd7: {  	[sflag:s13] =	ssyncset.done $0x0  }
0xd8: {  	[sflag:s13] =	ssyncadd.s32 $0xFFFFFF80  }
0xd9: {  	[tilespmem:s14], [sflag:$0x1] =	stream.indirect.gather [hbm4b:s29+s7], $0x80, s26, s7, $0xb8;
	[tilespmem:$0x1C400] =	vst v63  }
0xda: {  	_ =	swait.ge [sflag:s15], $0x80  }
0xdb: {  	[sflag:s15] =	ssyncset.done $0x0  }
0xdc: {  	[sflag:s15] =	ssyncadd.s32 $0xFFFFFF80  }
0xdd: {  	_ =	swait.ge [sflag:s15], $0x80  }
0xde: {  	[sflag:s15] =	ssyncset.done $0x0  }
0xdf: {  	[sflag:s15] =	ssyncadd.s32 $0xFFFFFF80  }
0xe0: {  	[tilespmem:s16], [sflag:$0x2] =	stream.indirect.gather [hbm4b:s29+s7], $0x80, s7, s7, $0xb8;
	[tilespmem:$0x1C400] =	vst v63  }
.LBB2_3:
0xe1: {  	_ =	swait.ge [sflag:s17], $0x4000  }
0xe2: {  	[sflag:s17] =	ssyncset.done $0x0  }
0xe3: {  	[sflag:s17] =	ssyncadd.s32 $0xFFFFC000  }
0xe4: {  	[spmem:s25] =	stream.indirect.scatter.add.f32 [tilespmem:s14], [sflag:$0x7], $0x80, s6, s7, $0xb8;
	[tilespmem:$0x1C400] =	vst v63  }
0xe5: {  	p1 =	seq.s32 s26, $0x940;
	_ =	swait.ge [sflag:s18], $0x4000  }
0xe6: {  	s28 =	sadd.s32 @!p1 s26, s2;
	[sflag:s18] =	ssyncset.done $0x0  }
0xe7: {  	s31 =	simm.s32 @!p1 $0x0;
	s30 =	sadd.s32 @!p1 $0x40, s28;
	[sflag:s18] =	ssyncadd.s32 $0xFFFFC000  }
0xe8: {  	[tilespmem:s31], [sflag:$0x3] =	stream.linear.gather @!p1 [hbm4b:s30+s31], $0x80, $0x38;
	[tilespmem:$0x1C400] =	vst v63  }
0xe9: {  	s30 =	sadd.s32 @!p1 s26, s3  }
0xea: {  	s4 =	simm.s32 @!p1 $0x200;
	s0 =	sadd.s32 @!p1 $0x40, s30  }
0xeb: {  	[tilespmem:s4], [sflag:$0x3] =	stream.linear.gather @!p1 [hbm4b:s0+s31], $0x80, $0x38;
	[tilespmem:$0x1C400] =	vst v63  }
0xec: {  	_ =	swait.ge [sflag:s19], $0x80  }
0xed: {  	[sflag:s19] =	ssyncset.done $0x0  }
0xee: {  	[sflag:s19] =	ssyncadd.s32 $0xFFFFFF80  }
0xef: {  	_ =	swait.ge [sflag:s19], $0x80  }
0xf0: {  	[sflag:s19] =	ssyncset.done $0x0  }
0xf1: {  	[sflag:s19] =	ssyncadd.s32 $0xFFFFFF80  }
0xf2: {  	[tilespmem:s14], [sflag:$0x1] =	stream.indirect.gather [hbm4b:s29+s7], $0x80, s9, s7, $0xb8;
	[tilespmem:$0x1C400] =	vst v63  }
0xf3: {  	_ =	swait.ge [sflag:s20], $0x4000  }
0xf4: {  	[sflag:s20] =	ssyncset.done $0x0  }
0xf5: {  	[sflag:s20] =	ssyncadd.s32 $0xFFFFC000  }
0xf6: {  	[spmem:s25] =	stream.indirect.scatter.add.f32 [tilespmem:s16], [sflag:$0x7], $0x80, s8, s7, $0xb8;
	[tilespmem:$0x1C400] =	vst v63  }
0xf7: {  	_ =	swait.ge [sflag:s18], $0x4000  }
0xf8: {  	[sflag:s18] =	ssyncset.done $0x0  }
0xf9: {  	s0 =	sadd.s32 @!p1 $0x50, s28;
	s4 =	simm.s32 @!p1 $0x80;
	[sflag:s18] =	ssyncadd.s32 $0xFFFFC000  }
0xfa: {  	[tilespmem:s4], [sflag:$0x4] =	stream.linear.gather @!p1 [hbm4b:s0+s31], $0x80, $0x38;
	[tilespmem:$0x1C400] =	vst v63  }
0xfb: {  	s0 =	sadd.s32 @!p1 $0x50, s30;
	s4 =	simm.s32 @!p1 $0x280  }
0xfc: {  	[tilespmem:s4], [sflag:$0x4] =	stream.linear.gather @!p1 [hbm4b:s0+s31], $0x80, $0x38;
	[tilespmem:$0x1C400] =	vst v63  }
0xfd: {  	_ =	swait.ge [sflag:s22], $0x80  }
0xfe: {  	[sflag:s22] =	ssyncset.done $0x0  }
0xff: {  	[sflag:s22] =	ssyncadd.s32 $0xFFFFFF80  }
0x100: {  	_ =	swait.ge [sflag:s22], $0x80  }
0x101: {  	[sflag:s22] =	ssyncset.done $0x0  }
0x102: {  	[sflag:s22] =	ssyncadd.s32 $0xFFFFFF80  }
0x103: {  	[tilespmem:s16], [sflag:$0x2] =	stream.indirect.gather [hbm4b:s29+s7], $0x80, s11, s7, $0xb8;
	[tilespmem:$0x1C400] =	vst v63  }
0x104: {  	_ =	swait.ge [sflag:s17], $0x4000  }
0x105: {  	[sflag:s17] =	ssyncset.done $0x0  }
.Ltmp3:
0x106: {  	[sflag:s17] =	ssyncadd.s32 $0xFFFFC000;
	(pc) =	sbr.rel @p1 .LBB2_6-.Ltmp3, $4  }
0x107: {  	[spmem:s25] =	stream.indirect.scatter.add.f32 [tilespmem:s14], [sflag:$0x7], $0x80, s10, s7, $0xb8;
	[tilespmem:$0x1C400] =	vst v63  }
0x108: {  	_ =	swait.ge [sflag:s18], $0x4000  }
0x109: {  	[sflag:s18] =	ssyncset.done $0x0  }
0x10a: {  	[sflag:s18] =	ssyncadd.s32 $0xFFFFC000  }
0x10b: {  	s0 =	sadd.s32 s26, s2  }
0x10c: {  	s30 =	sadd.s32 s26, s3;
	s4 =	sadd.s32 $0x60, s0  }
0x10d: {  	[tilespmem:s9], [sflag:$0x5] =	stream.linear.gather [hbm4b:s4+s1], $0x80, $0x38;
	[tilespmem:$0x1C400] =	vst v63  }
0x10e: {  	s28 =	sadd.s32 $0x60, s30  }
0x10f: {  	[tilespmem:s10], [sflag:$0x5] =	stream.linear.gather [hbm4b:s28+s1], $0x80, $0x38;
	[tilespmem:$0x1C400] =	vst v63  }
0x110: {  	_ =	swait.ge [sflag:s13], $0x80  }
0x111: {  	[sflag:s13] =	ssyncset.done $0x0  }
0x112: {  	[sflag:s13] =	ssyncadd.s32 $0xFFFFFF80  }
0x113: {  	_ =	swait.ge [sflag:s13], $0x80  }
0x114: {  	[sflag:s13] =	ssyncset.done $0x0  }
0x115: {  	[sflag:s13] =	ssyncadd.s32 $0xFFFFFF80  }
0x116: {  	[tilespmem:s14], [sflag:$0x1] =	stream.indirect.gather [hbm4b:s29+s7], $0x80, s1, s7, $0xb8;
	[tilespmem:$0x1C400] =	vst v63  }
0x117: {  	_ =	swait.ge [sflag:s20], $0x4000  }
0x118: {  	[sflag:s20] =	ssyncset.done $0x0  }
0x119: {  	[sflag:s20] =	ssyncadd.s32 $0xFFFFC000  }
0x11a: {  	[spmem:s25] =	stream.indirect.scatter.add.f32 [tilespmem:s16], [sflag:$0x7], $0x80, s12, s7, $0xb8;
	[tilespmem:$0x1C400] =	vst v63  }
0x11b: {  	_ =	swait.ge [sflag:s18], $0x4000  }
0x11c: {  	[sflag:s18] =	ssyncset.done $0x0  }
0x11d: {  	s0 =	sadd.s32 $0x70, s0;
	[sflag:s18] =	ssyncadd.s32 $0xFFFFC000  }
0x11e: {  	[tilespmem:s11], [sflag:$0x6] =	stream.linear.gather [hbm4b:s0+s1], $0x80, $0x38;
	[tilespmem:$0x1C400] =	vst v63  }
0x11f: {  	s31 =	sadd.s32 $0x70, s30  }
0x120: {  	[tilespmem:s12], [sflag:$0x6] =	stream.linear.gather [hbm4b:s31+s1], $0x80, $0x38;
	[tilespmem:$0x1C400] =	vst v63  }
0x121: {  	_ =	swait.ge [sflag:s15], $0x80  }
0x122: {  	[sflag:s15] =	ssyncset.done $0x0  }
.Ltmp4:
0x123: {  	[sflag:s15] =	ssyncadd.s32 $0xFFFFFF80;
	(pc) =	sbr.rel .LBB2_3-.Ltmp4, $4  }
0x124: {  	_ =	swait.ge [sflag:s15], $0x80  }
0x125: {  	[sflag:s15] =	ssyncset.done $0x0  }
0x126: {  	s26 =	sadd.s32 $0x40, s26;
	[sflag:s15] =	ssyncadd.s32 $0xFFFFFF80  }
0x127: {  	[tilespmem:s16], [sflag:$0x2] =	stream.indirect.gather [hbm4b:s29+s7], $0x80, s7, s7, $0xb8;
	[tilespmem:$0x1C400] =	vst v63  }
.LBB2_7:
0x128: {  	_ =	sfence.sel $0x180000  }
0x129: {  	[bflag:$0x0] =	sbarrier.arrive $0xFFFF  }
0x12a: {  	_ =	strace $0x9000004A  }
0x12b: {  	s0 =	stileid.u32;
	[bflag:$0x2] =	sbarrier.arrive $0xFFFF  }
0x12c: {  	p0 =	sne.s32 s0, $0x0;
	s0 =	rddreg [dreg:$0x2]  }
0x12d: {  	s0 =	sadd.s32 @!p0 $0x100000, s0  }
0x12e: {  	[sflag:s0] =	ssyncadd.tile.s32 @!p0 $0x1;
	_ =	shalt  }
.Lfunc_end2:
_tile_overlayer_lowered:
.L_overlay_start_2:
0x12f: {  	(tag) =	ssettag $0x2  }
0x130: {  	s0 =	rddreg [dreg:$0x0];
	s2 =	stileid.u32  }
0x131: {  	s1 =	rddreg [dreg:$0x1];
	p0 =	sne.s32 s2, $0x0  }
0x132: {  	s3 =	rddreg [dreg:$0x2];
	[bflag:$0x3] =	sbarrier.arrive $0xFFFF;
	s2 =	simm.s32 @!p0 $0x1C08  }
0x133: {  	[timem:s3], [sflag:s2] =	dma.local @!p0 [hbm:s0], s1  }
0x134: {  	s0 =	simm.s32 @!p0 $0x8  }
0x135: {  	_ =	swait.ge @!p0 [sflag:s0], s1  }
0x136: {  	s1 =	ssub.s32 @!p0 $0x0, s1;
	[sflag:s0] =	ssyncset.done @!p0 $0x0  }
0x137: {  	[sflag:s0] =	ssyncadd.s32 @!p0 s1  }
0x138: {  	[bflag:$0x3] =	sbarrier.arrive $0xFFFF  }
0x139: {  	_ =	shalt  }

// kernel: kernel.16.cloned.1.call-start
scs
__scs_entry_jumppad:
0x0: {  	(pc) =	sbr.rel $0x88, $3  }
0x1: {  	(tag) =	ssettag $0x0;
	lr =	simm.s32 $0x1  }
0x2: {  	[smem:$0x3F96] =	sst lr;
	_ =	strace $0xD0000000  }
0x3: {  	_ = 	snop  }
0x4: {  	_ = 	snop  }
0x5: {  	_ = 	snop  }
0x6: {  	_ = 	snop  }
0x7: {  	_ = 	snop  }
__scs_overlays_trampoline_lowered:
0x8: {  	[smem:$0x3FA5] =	sst s0  }
0x9: {  	[smem:$0x3FA6] =	sst s1  }
0xa: {  	[smem:$0x3FA7] =	sst s2  }
0xb: {  	[smem:$0x3FA8] =	sst s3  }
0xc: {  	[smem:$0x3FA9] =	sst s4  }
0xd: {  	[smem:$0x3FAA] =	sst s5  }
0xe: {  	[smem:$0x3FAB] =	sst s6  }
0xf: {  	[smem:$0x3FAC] =	sst s7  }
0x10: {  	[smem:$0x3FAD] =	sst s8  }
0x11: {  	[smem:$0x3FAE] =	sst s9;
	s0 =	simm.s32 @!p0 $0x0  }
0x12: {  	s1 =	sld [smem:$0x3F94];
	s0 =	simm.s32 @p0 $0x1  }
0x13: {  	[smem:$0x3FAF] =	sst s0;
	s0 =	simm.s32 @!p1 $0x0  }
0x14: {  	s2 =	sld [smem:$0x3F93];
	s0 =	simm.s32 @p1 $0x1  }
0x15: {  	[smem:$0x3FB0] =	sst s0;
	s0 =	simm.s32 @!p2 $0x0  }
0x16: {  	s3 =	sld [smem:$0x3FDB];
	s0 =	simm.s32 @p2 $0x1  }
0x17: {  	s4 =	simm.s32 $0x1BF5;
	[smem:$0x3FB2] =	sst s0  }
0x18: {  	s0 =	sld [smem:$0x3F95];
	_ =	swait.ge [sflag:s4], $0x0  }
0x19: {  	s7 =	sld [smem:$0x3F96]  }
0x1a: {  	s8 =	sadd.s32 $0xFFFFE003, lr  }
0x1b: {  	s9 =	sadd.s32 $0xFFFFFEF7, lr;
	s5 =	simm.s32 $0xFFFFFFFF;
	p2 =	slt.u32 s8, $0xFFFFF086  }
0x1c: {  	p1 =	slt.u32 s9, $0xF7A;
	s5 =	simm.s32 @!p2 $0x0  }
0x1d: {  	s5 =	simm.s32 @p1 $0x1;
	p0 =	seq.s32 s7, s2  }
0x1e: {  	s7 =	smul.u32 @!p0 $0xF7A, s2;
	p2 =	seq.s32 @!p0 s5, $0x0  }
0x1f: {  	s9 =	smul.u32 $0xF7A, s1;
	s8 =	simm.s32 @!p0 $0x1BF5;
	p2 =	por !p2, p0  }
0x20: {  	[sflag:s8] =	ssyncset.s32 @!p0 $0xFFFFF086;
	s6 =	sadd.s32 @!p0 s3, s7;
	s7 =	simm.s32 @!p0 $0x108  }
0x21: {  	s3 =	sadd.s32 s3, s9;
	s6 =	sadd.s32 @!p0 $0x88, s6;
	s7 =	simm.s32 @p2 $0x1082  }
0x22: {  	[simem:s7], [sflag:s8] =	dma.local @!p0 [hbm:s6], $0xF7A  }
0x23: {  	s9 =	sor.u32 $0xD0000000, s2;
	s6 =	simm.s32 $0x108;
	_ =	swait.ge @!p0 [sflag:s8], $0x0  }
0x24: {  	s3 =	sadd.s32 $0x88, s3;
	s6 =	simm.s32 @!p1 $0x1082;
	[sflag:s4] =	ssyncset.s32 $0xFFFFF086  }
0x25: {  	[simem:s6], [sflag:s4] =	dma.local [hbm:s3], $0xF7A  }
0x26: {  	[smem:$0x3F96] =	sst s1;
	(tag) =	ssettag s2;
	_ =	strace s9  }
0x27: {  	s1 =	sld [smem:$0x3FA6]  }
0x28: {  	s2 =	sld [smem:$0x3FA7]  }
0x29: {  	s4 =	sld [smem:$0x3FA9]  }
0x2a: {  	p0 =	seq.s32 s5, $0x0;
	s5 =	sld [smem:$0x3FAA]  }
0x2b: {  	s6 =	sld [smem:$0x3FAB]  }
0x2c: {  	s7 =	sld [smem:$0x3FAC]  }
0x2d: {  	s3 =	simm.s32 $0x108;
	s8 =	sld [smem:$0x3FAD]  }
0x2e: {  	s3 =	simm.s32 @!p0 $0x1082;
	s9 =	sld [smem:$0x3FAE]  }
0x2f: {  	lr =	sadd.s32 s0, s3;
	s0 =	sld [smem:$0x3FA5]  }
0x30: {  	s3 =	sld [smem:$0x3FA8]  }
0x31: {  	[smem:$0x3FB1] =	sst s10  }
0x32: {  	s10 =	sld [smem:$0x3FAF];
	_ =	sdelay $0x3  }
0x33: {  	p0 =	seq.s32 s10, $0x1;
	s10 =	sld [smem:$0x3FB1];
	_ =	sdelay $0x3  }
0x34: {  	[smem:$0x3FB1] =	sst s10  }
0x35: {  	s10 =	sld [smem:$0x3FB0];
	_ =	sdelay $0x3  }
0x36: {  	p1 =	seq.s32 s10, $0x1;
	s10 =	sld [smem:$0x3FB1];
	_ =	sdelay $0x3  }
0x37: {  	[smem:$0x3FB1] =	sst s10  }
0x38: {  	s10 =	sld [smem:$0x3FB2]  }
0x39: {  	_ = 	snop;
	(pc) =	sbr.ind lr, $3  }
0x3a: {  	_ = 	snop  }
0x3b: {  	_ = 	snop  }
0x3c: {  	p2 =	seq.s32 s10, $0x1;
	s10 =	sld [smem:$0x3FB1]  }
0x3d: {  	_ =	shalt  }
0x3e: {  	_ =	shalt  }
0x3f: {  	_ =	shalt  }
0x40: {  	_ =	shalt  }
0x41: {  	_ =	shalt  }
0x42: {  	_ =	shalt  }
0x43: {  	_ =	shalt  }
0x44: {  	_ =	shalt  }
0x45: {  	_ =	shalt  }
0x46: {  	_ =	shalt  }
0x47: {  	_ =	shalt  }
0x48: {  	_ =	shalt  }
0x49: {  	_ =	shalt  }
0x4a: {  	_ =	shalt  }
0x4b: {  	_ =	shalt  }
0x4c: {  	_ =	shalt  }
0x4d: {  	_ =	shalt  }
0x4e: {  	_ =	shalt  }
0x4f: {  	_ =	shalt  }
0x50: {  	_ =	shalt  }
0x51: {  	_ =	shalt  }
0x52: {  	_ =	shalt  }
0x53: {  	_ =	shalt  }
0x54: {  	_ =	shalt  }
0x55: {  	_ =	shalt  }
0x56: {  	_ =	shalt  }
0x57: {  	_ =	shalt  }
0x58: {  	_ =	shalt  }
0x59: {  	_ =	shalt  }
0x5a: {  	_ =	shalt  }
0x5b: {  	_ =	shalt  }
0x5c: {  	_ =	shalt  }
0x5d: {  	_ =	shalt  }
0x5e: {  	_ =	shalt  }
0x5f: {  	_ =	shalt  }
0x60: {  	_ =	shalt  }
0x61: {  	_ =	shalt  }
0x62: {  	_ =	shalt  }
0x63: {  	_ =	shalt  }
0x64: {  	_ =	shalt  }
0x65: {  	_ =	shalt  }
0x66: {  	_ =	shalt  }
0x67: {  	_ =	shalt  }
0x68: {  	_ =	shalt  }
0x69: {  	_ =	shalt  }
0x6a: {  	_ =	shalt  }
0x6b: {  	_ =	shalt  }
0x6c: {  	_ =	shalt  }
0x6d: {  	_ =	shalt  }
0x6e: {  	_ =	shalt  }
0x6f: {  	_ =	shalt  }
0x70: {  	_ =	shalt  }
0x71: {  	_ =	shalt  }
0x72: {  	_ =	shalt  }
0x73: {  	_ =	shalt  }
0x74: {  	_ =	shalt  }
0x75: {  	_ =	shalt  }
0x76: {  	_ =	shalt  }
0x77: {  	_ =	shalt  }
0x78: {  	_ =	shalt  }
0x79: {  	_ =	shalt  }
0x7a: {  	_ =	shalt  }
0x7b: {  	_ =	shalt  }
0x7c: {  	_ =	shalt  }
0x7d: {  	_ =	shalt  }
0x7e: {  	_ =	shalt  }
0x7f: {  	_ =	shalt  }
0x80: {  	_ =	shalt  }
0x81: {  	_ =	shalt  }
0x82: {  	_ =	shalt  }
0x83: {  	_ =	shalt  }
0x84: {  	_ =	shalt  }
0x85: {  	_ =	shalt  }
0x86: {  	_ =	shalt  }
0x87: {  	_ =	shalt  }
.Lfunc_end0:
.L_simem_size_0:
called_computation.2_lowered:
.L_overlay_start_0:
0x88: {  	s2 =	sld [smem:$0x3FD9]  }
0x89: {  	s3 =	sld [smem:$0x3FFE];
	_ =	sdelay $0x1  }
0x8a: {  	s1 =	srdreg.scid  }
0x8b: {  	s0 =	sand.u32 $0x1, s1  }
0x8c: {  	s16 =	sshll.u32 s0, $0xA;
	s2 =	sadd.s32 s3, s2  }
0x8d: {  	s2 =	sadd.s32 s2, s16  }
0x8e: {  	[smem:$0x3FBD] =	sst s2  }
0x8f: {  	_ = 	snop  }
0x90: {  	(tm) =	ssettm $0x1  }
0x91: {  	s17 =	sld [smem:$0x3FFB];
	_ =	sdelay $0x3  }
0x92: {  	_ =	strace s17  }
0x93: {  	s2 =	sld [smem:$0x3FFC];
	_ =	sdelay $0x3  }
0x94: {  	_ =	strace s2  }
0x95: {  	s2 =	sld [smem:$0x3FFD];
	_ =	sdelay $0x3  }
0x96: {  	_ =	strace s2  }
0x97: {  	_ =	strace $0x8FFFFFFF  }
0x98: {  	s18 =	sld [smem:$0x3FDB];
	_ =	sdelay $0x1  }
0x99: {  	s19 =	simm.s32 $_scs_section_size  }
0x9a: {  	s4 =	simm.s32 $_size__tile_overlayer_lowered;
	s5 =	simm.s32 $_tile_overlayer_lowered  }
0x9b: {  	s22 =	simm.s32 $0x1BFF;
	s21 =	sshll.u32 s5, $0x1;
	s2 =	sadd.s32 s19, s18  }
0x9c: {  	s6 =	simm.s32 $0x0;
	s20 =	sshll.u32 s4, $0x1;
	s4 =	sadd.s32 s21, s2  }
0x9d: {  	[timem:s6], [sflag:s22] =	dma.local [hbm:s4], s20  }
0x9e: {  	_ =	swait.ge [sflag:s22], s20  }
0x9f: {  	s3 =	ssub.s32 $0x0, s20;
	[sflag:s22] =	ssyncset.done $0x0  }
0xa0: {  	[sflag:s22] =	ssyncadd.s32 s3;
	_ =	sdelay $0x1  }
0xa1: {  	s23 =	simm.s32 $0x1B8B  }
0xa2: {  	_ =	swait.ge [sflag:s23], $0x1  }
0xa3: {  	[sflag:s23] =	ssyncset.done $0x0  }
0xa4: {  	s25 =	simm.s32 $0x1B8E;
	s24 =	sld [smem:$0x3FFE];
	[sflag:s23] =	ssyncadd.s32 $0xFFFFFFFF  }
0xa5: {  	s26 =	simm.s32 $execute0_lowered;
	[smem:$0x3FD2] =	sst s25  }
0xa6: {  	s4 =	sshll.u32 s26, $0x1;
	_ =	strace $0x8000004C;
	[dreg:$0x1] =	wrdreg $0xFFFFFFFF  }
0xa7: {  	s28 =	simm.s32 $_size_execute0_lowered;
	s2 =	sadd.s32 s2, s4;
	[dreg:$0x0] =	wrdreg $0x0  }
0xa8: {  	s4 =	sshll.u32 s28, $0x1;
	[dreg:$0x2] =	wrdreg s2  }
0xa9: {  	[dreg:$0x3] =	wrdreg s4  }
0xaa: {  	[dreg:$0x4] =	wrdreg $0xC0  }
0xab: {  	_ =	task [dreg:s6], $0x5FFFF  }
0xac: {  	[dreg:$0x1] =	wrdreg $0xFFFFFFFF  }
0xad: {  	[dreg:$0x0] =	wrdreg $0x60  }
0xae: {  	[dreg:$0x2] =	wrdreg s24  }
0xaf: {  	[dreg:$0x3] =	wrdreg $0x84000  }
0xb0: {  	[dreg:$0x4] =	wrdreg $0x9  }
0xb1: {  	_ =	task.clear_ibuf [dreg:s6], $0x5FFFF;
	_ =	strace $0x9000004C  }
0xb2: {  	s29 =	simm.s32 $0x9;
	_ =	strace $0x8000004E  }
0xb3: {  	_ =	swait.ge [sflag:s29], $0x1  }
0xb4: {  	[sflag:s29] =	ssyncadd.s32 $0xFFFFFFFF  }
0xb5: {  	_ =	strace $0x9000004E  }
0xb6: {  	_ =	sfence  }
0xb7: {  	s30 =	sld [smem:$0x0];
	_ =	sdelay $0x2  }
0xb8: {  	s31 =	sshll.u32 s1, $0xD;
	s1 =	sshrl.u32 s1, $0x2  }
0xb9: {  	s3 =	sand.u32 $0x4000, s31;
	s1 =	sadd.s32 s1, s30  }
0xba: {  	s0 =	sor.u32 s3, s0;
	s1 =	sshll.u32 s1, $0x11  }
0xbb: {  	s0 =	sor.u32 s1, s0  }
0xbc: {  	s0 =	sadd.s32 $0x8F2B, s0  }
0xbd: {  	[sflag:s0] =	ssyncadd.remote.s32 $0x1  }
0xbe: {  	_ =	sfence.sel $0xFFFF  }
0xbf: {  	[dreg:$0x0] =	wrdreg $0xFFFFFFFF;
	(pc) =	sbr.abs _section_cstart, $3  }
0xc0: {  	[dreg:$0x1] =	wrdreg $0xFFFFFFFF  }
0xc1: {  	_ =	task.clear_ibuf [dreg:s6], $0x2FFFF;
	_ =	strace $0x9FFFFFFF  }
0xc2: {  	(tm) =	ssettm $0x7FFFFFFF  }
0xc3: {  	_ =	shalt  }
tec
execute0_lowered:
.L_overlay_start_1:
0x0: {  	(tag) =	ssettag $0x1  }
0x1: {  	s0 =	srdreg.scid;
	s11 =	stileid.u32  }
0x2: {  	s4 =	rddreg [dreg:$0x0];
	s1 =	simm.s32 $0x0;
	s3 =	smul.u32 $0x14000, s11  }
0x3: {  	s0 =	sand.u32 $0x1, s0;
	[smem:$0x7FF] =	sst s1;
	s8 =	smul.u32 $0x980, s11  }
0x4: {  	s6 =	sadd.s32 $0x1A200, s4;
	s9 =	sadd.s32 $0xF600, s4;
	s29 =	sadd.s32 $0x74200, s4  }
0x5: {  	s2 =	smul.u32 $0x140000, s0;
	s5 =	ssub.s32 $0x2, s0;
	s19 =	sor.u32 $0x10, s8  }
0x6: {  	p0 =	seq.s32 s0, $0x1;
	s7 =	sshrl.u32 s5, $0x1;
	s20 =	sadd.s32 s6, s19  }
0x7: {  	s21 =	sor.u32 $0x20, s8;
	s0 =	sadd.s32 s9, s19;
	[dreg:$0x3] =	wrdreg s20  }
0x8: {  	s23 =	sor.u32 $0x30, s8;
	s22 =	sadd.s32 s6, s21;
	[dreg:$0x4] =	wrdreg s0  }
0x9: {  	s5 =	ssub.s32 s5, s7;
	s7 =	sadd.s32 s9, s21;
	[dreg:$0x5] =	wrdreg s22  }
0xa: {  	s12 =	sadd.s32 s6, s23;
	s0 =	sshll.u32 s11, $0x7;
	[dreg:$0x6] =	wrdreg s7  }
0xb: {  	[dreg:$0x7] =	wrdreg s12;
	s7 =	sadd.s32 s9, s23;
	s24 =	sor.u32 $0x9800, s0  }
0xc: {  	s10 =	sadd.s32 s3, s2;
	[dreg:$0x8] =	wrdreg s7;
	s25 =	sadd.s32 s6, s24  }
0xd: {  	s28 =	sor.u32 $0x9810, s0;
	s26 =	sadd.s32 s9, s24;
	[dreg:$0x9] =	wrdreg s25  }
0xe: {  	s2 =	sadd.s32 s6, s8;
	s31 =	sadd.s32 s6, s28;
	[dreg:$0xa] =	wrdreg s26  }
0xf: {  	s30 =	sor.u32 $0x9820, s0;
	s7 =	sadd.s32 s9, s28;
	[dreg:$0xb] =	wrdreg s31  }
0x10: {  	s3 =	sadd.s32 s9, s8;
	s12 =	sadd.s32 s6, s30;
	[dreg:$0xc] =	wrdreg s7  }
0x11: {  	s14 =	sor.u32 $0x9830, s0;
	s13 =	sadd.s32 s9, s30;
	[dreg:$0xd] =	wrdreg s12  }
0x12: {  	s15 =	sor.u32 $0x9840, s0;
	s16 =	sadd.s32 s6, s14;
	[dreg:$0xe] =	wrdreg s13  }
0x13: {  	s8 =	simm.s32 $0x280;
	s17 =	sadd.s32 s6, s15;
	[dreg:$0xf] =	wrdreg s16  }
0x14: {  	s19 =	sor.u32 $0x9850, s0;
	s18 =	sadd.s32 s9, s15;
	[dreg:$0x11] =	wrdreg s17  }
0x15: {  	s20 =	sor.u32 $0x9860, s0;
	s21 =	sadd.s32 s6, s19;
	[dreg:$0x12] =	wrdreg s18  }
0x16: {  	s0 =	sor.u32 $0x9870, s0;
	s22 =	sadd.s32 s6, s20;
	[dreg:$0x13] =	wrdreg s21  }
0x17: {  	s23 =	sadd.s32 s9, s20;
	s6 =	sadd.s32 s6, s0;
	[dreg:$0x15] =	wrdreg s22  }
0x18: {  	s24 =	smul.u32 $0x50000, s11;
	s0 =	sadd.s32 s9, s0;
	[dreg:$0x16] =	wrdreg s23  }
0x19: {  	s30 =	sshll.u32 s11, $0x6;
	s11 =	simm.s32 $0x180;
	s25 =	rddreg [dreg:$0x1]  }
0x1a: {  	s15 =	simm.s32 $0x4;
	s20 =	simm.s32 $0x2;
	[dreg:$0x17] =	wrdreg s6  }
0x1b: {  	s7 =	sadd.s32 s9, s14;
	[dreg:$0x18] =	wrdreg s0;
	s26 =	sshrl.u32 s10, $0x3  }
0x1c: {  	s21 =	sor.u32 $0x1C08, s30;
	s31 =	smax.u32 s5, $0x1;
	s5 =	simm.s32 $0x8  }
0x1d: {  	s10 =	simm.s32 $0x300;
	s12 =	simm.s32 $0x380;
	s13 =	simm.s32 $0x3  }
0x1e: {  	s14 =	simm.s32 $0x400;
	s16 =	simm.s32 $0x4400;
	s17 =	simm.s32 $0x1  }
0x1f: {  	s18 =	simm.s32 $0x7;
	s22 =	simm.s32 $0x6;
	[dreg:$0x10] =	wrdreg s7  }
0x20: {  	s7 =	sadd.s32 s9, s19;
	s0 =	sadd.s32 s26, s4;
	s6 =	sshrl.u32 s24, $0x2  }
.Ltmp0:
0x21: {  	s4 =	sadd.s32 $0x5600, s4;
	[dreg:$0x14] =	wrdreg s7;
	(pc) =	sbr.rel .LBB2_1-.Ltmp0, $4  }
0x22: {  	s28 =	sadd.s32 s6, s25;
	_ =	strace $0x8000004D;
	[dreg:$0x19] =	wrdreg s4  }
0x23: {  	s23 =	simm.s32 $0x0;
	s0 =	sadd.s32 $0x9C200, s0;
	[dreg:$0x1a] =	wrdreg s28  }
0x24: {  	s9 =	simm.s32 $0x100;
	s19 =	simm.s32 $0x5;
	[dreg:$0x1b] =	wrdreg s0  }
0x25: {  	s6 =	simm.s32 $0x200;
	s7 =	simm.s32 $0x80;
	[dreg:$0x1c] =	wrdreg s31  }
.LBB2_5:
0x26: {  	s0 =	rddreg [dreg:$0x9]  }
0x27: {  	[tilespmem:s1], [sflag:$0x3] =	stream.linear.gather [hbm4b:s0+s1], $0x80, $0x38;
	[tilespmem:$0x1C400] =	vst v63  }
0x28: {  	s4 =	rddreg [dreg:$0xa]  }
0x29: {  	[tilespmem:s6], [sflag:$0x3] =	stream.linear.gather [hbm4b:s4+s1], $0x80, $0x38;
	[tilespmem:$0x1C400] =	vst v63  }
0x2a: {  	s26 =	rddreg [dreg:$0xb]  }
0x2b: {  	[tilespmem:s7], [sflag:$0x4] =	stream.linear.gather [hbm4b:s26+s1], $0x80, $0x38;
	[tilespmem:$0x1C400] =	vst v63  }
0x2c: {  	s28 =	rddreg [dreg:$0xc]  }
0x2d: {  	[tilespmem:s8], [sflag:$0x4] =	stream.linear.gather [hbm4b:s28+s1], $0x80, $0x38;
	[tilespmem:$0x1C400] =	vst v63  }
0x2e: {  	s30 =	rddreg [dreg:$0xd]  }
0x2f: {  	[tilespmem:s9], [sflag:$0x5] =	stream.linear.gather [hbm4b:s30+s1], $0x80, $0x38;
	[tilespmem:$0x1C400] =	vst v63  }
0x30: {  	s31 =	rddreg [dreg:$0xe]  }
0x31: {  	[tilespmem:s10], [sflag:$0x5] =	stream.linear.gather [hbm4b:s31+s1], $0x80, $0x38;
	[tilespmem:$0x1C400] =	vst v63  }
0x32: {  	s4 =	rddreg [dreg:$0xf]  }
0x33: {  	[tilespmem:s11], [sflag:$0x6] =	stream.linear.gather [hbm4b:s4+s1], $0x80, $0x38;
	[tilespmem:$0x1C400] =	vst v63  }
0x34: {  	s26 =	rddreg [dreg:$0x10]  }
0x35: {  	[tilespmem:s12], [sflag:$0x6] =	stream.linear.gather [hbm4b:s26+s1], $0x80, $0x38;
	[tilespmem:$0x1C400] =	vst v63  }
0x36: {  	_ =	swait.ge [sflag:s13], $0x80  }
0x37: {  	[sflag:s13] =	ssyncset.done $0x0  }
0x38: {  	[sflag:s13] =	ssyncadd.s32 $0xFFFFFF80  }
0x39: {  	_ =	swait.ge [sflag:s13], $0x80  }
0x3a: {  	[sflag:s13] =	ssyncset.done $0x0  }
0x3b: {  	[sflag:s13] =	ssyncadd.s32 $0xFFFFFF80  }
0x3c: {  	[tilespmem:s14], [sflag:$0x1] =	stream.indirect.gather [hbm4b:s29+s7], $0x80, s1, s7, $0xb8;
	[tilespmem:$0x1C400] =	vst v63  }
0x3d: {  	_ =	swait.ge [sflag:s15], $0x80  }
0x3e: {  	[sflag:s15] =	ssyncset.done $0x0  }
0x3f: {  	[sflag:s15] =	ssyncadd.s32 $0xFFFFFF80  }
0x40: {  	_ =	swait.ge [sflag:s15], $0x80  }
0x41: {  	[sflag:s15] =	ssyncset.done $0x0  }
0x42: {  	[sflag:s15] =	ssyncadd.s32 $0xFFFFFF80  }
0x43: {  	[tilespmem:s16], [sflag:$0x2] =	stream.indirect.gather [hbm4b:s29+s7], $0x80, s7, s7, $0xb8;
	[tilespmem:$0x1C400] =	vst v63  }
0x44: {  	_ =	swait.ge [sflag:s17], $0x4000  }
0x45: {  	[sflag:s17] =	ssyncset.done $0x0  }
0x46: {  	[sflag:s17] =	ssyncadd.s32 $0xFFFFC000  }
0x47: {  	[spmem:s25] =	stream.indirect.scatter.add.f32 [tilespmem:s14], [sflag:$0x7], $0x80, s6, s7, $0xb8;
	[tilespmem:$0x1C400] =	vst v63  }
0x48: {  	_ =	swait.ge [sflag:s18], $0x4000  }
0x49: {  	[sflag:s18] =	ssyncset.done $0x0  }
0x4a: {  	s28 =	rddreg [dreg:$0x11];
	[sflag:s18] =	ssyncadd.s32 $0xFFFFC000  }
0x4b: {  	[tilespmem:s1], [sflag:$0x3] =	stream.linear.gather [hbm4b:s28+s1], $0x80, $0x38;
	[tilespmem:$0x1C400] =	vst v63  }
0x4c: {  	s30 =	rddreg [dreg:$0x12]  }
0x4d: {  	[tilespmem:s6], [sflag:$0x3] =	stream.linear.gather [hbm4b:s30+s1], $0x80, $0x38;
	[tilespmem:$0x1C400] =	vst v63  }
0x4e: {  	_ =	swait.ge [sflag:s19], $0x80  }
0x4f: {  	[sflag:s19] =	ssyncset.done $0x0  }
0x50: {  	[sflag:s19] =	ssyncadd.s32 $0xFFFFFF80  }
0x51: {  	_ =	swait.ge [sflag:s19], $0x80  }
0x52: {  	[sflag:s19] =	ssyncset.done $0x0  }
0x53: {  	[sflag:s19] =	ssyncadd.s32 $0xFFFFFF80  }
0x54: {  	[tilespmem:s14], [sflag:$0x1] =	stream.indirect.gather [hbm4b:s29+s7], $0x80, s9, s7, $0xb8;
	[tilespmem:$0x1C400] =	vst v63  }
0x55: {  	_ =	swait.ge [sflag:s20], $0x4000  }
0x56: {  	[sflag:s20] =	ssyncset.done $0x0  }
0x57: {  	[sflag:s20] =	ssyncadd.s32 $0xFFFFC000  }
0x58: {  	[spmem:s25] =	stream.indirect.scatter.add.f32 [tilespmem:s16], [sflag:$0x7], $0x80, s8, s7, $0xb8;
	[tilespmem:$0x1C400] =	vst v63  }
0x59: {  	_ =	swait.ge [sflag:s18], $0x4000  }
0x5a: {  	[sflag:s18] =	ssyncset.done $0x0  }
0x5b: {  	s31 =	rddreg [dreg:$0x13];
	[sflag:s18] =	ssyncadd.s32 $0xFFFFC000  }
0x5c: {  	[tilespmem:s7], [sflag:$0x4] =	stream.linear.gather [hbm4b:s31+s1], $0x80, $0x38;
	[tilespmem:$0x1C400] =	vst v63  }
0x5d: {  	s4 =	rddreg [dreg:$0x14]  }
0x5e: {  	[tilespmem:s8], [sflag:$0x4] =	stream.linear.gather [hbm4b:s4+s1], $0x80, $0x38;
	[tilespmem:$0x1C400] =	vst v63  }
0x5f: {  	_ =	swait.ge [sflag:s22], $0x80  }
0x60: {  	[sflag:s22] =	ssyncset.done $0x0  }
0x61: {  	[sflag:s22] =	ssyncadd.s32 $0xFFFFFF80  }
0x62: {  	_ =	swait.ge [sflag:s22], $0x80  }
0x63: {  	[sflag:s22] =	ssyncset.done $0x0  }
0x64: {  	[sflag:s22] =	ssyncadd.s32 $0xFFFFFF80  }
0x65: {  	[tilespmem:s16], [sflag:$0x2] =	stream.indirect.gather [hbm4b:s29+s7], $0x80, s11, s7, $0xb8;
	[tilespmem:$0x1C400] =	vst v63  }
0x66: {  	_ =	swait.ge [sflag:s17], $0x4000  }
0x67: {  	[sflag:s17] =	ssyncset.done $0x0  }
0x68: {  	[sflag:s17] =	ssyncadd.s32 $0xFFFFC000  }
0x69: {  	[spmem:s25] =	stream.indirect.scatter.add.f32 [tilespmem:s14], [sflag:$0x7], $0x80, s10, s7, $0xb8;
	[tilespmem:$0x1C400] =	vst v63  }
0x6a: {  	_ =	swait.ge [sflag:s18], $0x4000  }
0x6b: {  	[sflag:s18] =	ssyncset.done $0x0  }
0x6c: {  	s26 =	rddreg [dreg:$0x15];
	[sflag:s18] =	ssyncadd.s32 $0xFFFFC000  }
0x6d: {  	[tilespmem:s9], [sflag:$0x5] =	stream.linear.gather [hbm4b:s26+s1], $0x80, $0x38;
	[tilespmem:$0x1C400] =	vst v63  }
0x6e: {  	s28 =	rddreg [dreg:$0x16]  }
0x6f: {  	[tilespmem:s10], [sflag:$0x5] =	stream.linear.gather [hbm4b:s28+s1], $0x80, $0x38;
	[tilespmem:$0x1C400] =	vst v63  }
0x70: {  	_ =	swait.ge [sflag:s13], $0x80  }
0x71: {  	[sflag:s13] =	ssyncset.done $0x0  }
0x72: {  	[sflag:s13] =	ssyncadd.s32 $0xFFFFFF80  }
0x73: {  	_ =	swait.ge [sflag:s13], $0x80  }
0x74: {  	[sflag:s13] =	ssyncset.done $0x0  }
0x75: {  	[sflag:s13] =	ssyncadd.s32 $0xFFFFFF80  }
0x76: {  	[tilespmem:s14], [sflag:$0x1] =	stream.indirect.gather [hbm4b:s29+s7], $0x80, s1, s7, $0xb8;
	[tilespmem:$0x1C400] =	vst v63  }
0x77: {  	_ =	swait.ge [sflag:s20], $0x4000  }
0x78: {  	[sflag:s20] =	ssyncset.done $0x0  }
0x79: {  	[sflag:s20] =	ssyncadd.s32 $0xFFFFC000  }
0x7a: {  	[spmem:s25] =	stream.indirect.scatter.add.f32 [tilespmem:s16], [sflag:$0x7], $0x80, s12, s7, $0xb8;
	[tilespmem:$0x1C400] =	vst v63  }
0x7b: {  	_ =	swait.ge [sflag:s18], $0x4000  }
0x7c: {  	[sflag:s18] =	ssyncset.done $0x0  }
0x7d: {  	s30 =	rddreg [dreg:$0x17];
	[sflag:s18] =	ssyncadd.s32 $0xFFFFC000  }
0x7e: {  	[tilespmem:s11], [sflag:$0x6] =	stream.linear.gather [hbm4b:s30+s1], $0x80, $0x38;
	[tilespmem:$0x1C400] =	vst v63  }
0x7f: {  	s31 =	rddreg [dreg:$0x18]  }
0x80: {  	[tilespmem:s12], [sflag:$0x6] =	stream.linear.gather [hbm4b:s31+s1], $0x80, $0x38;
	[tilespmem:$0x1C400] =	vst v63  }
0x81: {  	_ =	swait.ge [sflag:s15], $0x80  }
0x82: {  	[sflag:s15] =	ssyncset.done $0x0  }
0x83: {  	[sflag:s15] =	ssyncadd.s32 $0xFFFFFF80  }
0x84: {  	_ =	swait.ge [sflag:s15], $0x80  }
0x85: {  	[sflag:s15] =	ssyncset.done $0x0  }
0x86: {  	[sflag:s15] =	ssyncadd.s32 $0xFFFFFF80  }
0x87: {  	[tilespmem:s16], [sflag:$0x2] =	stream.indirect.gather [hbm4b:s29+s7], $0x80, s7, s7, $0xb8;
	[tilespmem:$0x1C400] =	vst v63  }
0x88: {  	_ =	swait.ge [sflag:s17], $0x4000  }
0x89: {  	[sflag:s17] =	ssyncset.done $0x0  }
0x8a: {  	[sflag:s17] =	ssyncadd.s32 $0xFFFFC000  }
0x8b: {  	[spmem:s25] =	stream.indirect.scatter.add.f32 [tilespmem:s14], [sflag:$0x7], $0x80, s6, s7, $0xb8;
	[tilespmem:$0x1C400] =	vst v63  }
0x8c: {  	_ =	swait.ge [sflag:s18], $0x4000  }
0x8d: {  	[sflag:s18] =	ssyncset.done $0x0  }
0x8e: {  	[sflag:s18] =	ssyncadd.s32 $0xFFFFC000  }
0x8f: {  	_ =	swait.ge [sflag:s19], $0x80  }
0x90: {  	[sflag:s19] =	ssyncset.done $0x0  }
0x91: {  	[sflag:s19] =	ssyncadd.s32 $0xFFFFFF80  }
0x92: {  	_ =	swait.ge [sflag:s19], $0x80  }
0x93: {  	[sflag:s19] =	ssyncset.done $0x0  }
0x94: {  	[sflag:s19] =	ssyncadd.s32 $0xFFFFFF80  }
0x95: {  	[tilespmem:s14], [sflag:$0x1] =	stream.indirect.gather [hbm4b:s29+s7], $0x80, s9, s7, $0xb8;
	[tilespmem:$0x1C400] =	vst v63  }
0x96: {  	_ =	swait.ge [sflag:s20], $0x4000  }
0x97: {  	[sflag:s20] =	ssyncset.done $0x0  }
0x98: {  	[sflag:s20] =	ssyncadd.s32 $0xFFFFC000  }
0x99: {  	[spmem:s25] =	stream.indirect.scatter.add.f32 [tilespmem:s16], [sflag:$0x7], $0x80, s8, s7, $0xb8;
	[tilespmem:$0x1C400] =	vst v63  }
0x9a: {  	_ =	swait.ge [sflag:s18], $0x4000  }
0x9b: {  	[sflag:s18] =	ssyncset.done $0x0  }
0x9c: {  	[sflag:s18] =	ssyncadd.s32 $0xFFFFC000  }
0x9d: {  	_ =	swait.ge [sflag:s22], $0x80  }
0x9e: {  	[sflag:s22] =	ssyncset.done $0x0  }
0x9f: {  	[sflag:s22] =	ssyncadd.s32 $0xFFFFFF80  }
0xa0: {  	_ =	swait.ge [sflag:s22], $0x80  }
0xa1: {  	[sflag:s22] =	ssyncset.done $0x0  }
0xa2: {  	[sflag:s22] =	ssyncadd.s32 $0xFFFFFF80  }
0xa3: {  	[tilespmem:s16], [sflag:$0x2] =	stream.indirect.gather [hbm4b:s29+s7], $0x80, s11, s7, $0xb8;
	[tilespmem:$0x1C400] =	vst v63  }
0xa4: {  	_ =	swait.ge [sflag:s17], $0x4000  }
0xa5: {  	[sflag:s17] =	ssyncset.done $0x0  }
0xa6: {  	[sflag:s17] =	ssyncadd.s32 $0xFFFFC000  }
0xa7: {  	[spmem:s25] =	stream.indirect.scatter.add.f32 [tilespmem:s14], [sflag:$0x7], $0x80, s10, s7, $0xb8;
	[tilespmem:$0x1C400] =	vst v63  }
0xa8: {  	_ =	swait.ge [sflag:s18], $0x4000  }
0xa9: {  	[sflag:s18] =	ssyncset.done $0x0  }
0xaa: {  	[sflag:s18] =	ssyncadd.s32 $0xFFFFC000  }
.LBB2_6:
0xab: {  	_ =	swait.ge [sflag:s20], $0x4000  }
0xac: {  	[sflag:s20] =	ssyncset.done $0x0  }
0xad: {  	[sflag:s20] =	ssyncadd.s32 $0xFFFFC000  }
0xae: {  	[spmem:s25] =	stream.indirect.scatter.add.f32 [tilespmem:s16], [sflag:$0x7], $0x80, s12, s7, $0xb8;
	[tilespmem:$0x1C400] =	vst v63  }
0xaf: {  	_ =	swait.ge [sflag:s18], $0x4000  }
0xb0: {  	[sflag:s18] =	ssyncset.done $0x0  }
0xb1: {  	[sflag:s18] =	ssyncadd.s32 $0xFFFFC000  }
0xb2: {  	[bflag:$0x0] =	sbarrier.arrive $0xFFFF  }
0xb3: {  	s0 =	rddreg [dreg:$0x1b]  }
0xb4: {  	[hbm:s0], [sflag:s21] =	dma.local [spmem:s24], $0x2800  }
0xb5: {  	_ =	swait.ge [sflag:s5], $0x2800  }
0xb6: {  	s23 =	sadd.s32 $0x1, s23;
	s31 =	rddreg [dreg:$0x1c]  }
0xb7: {  	p1 =	sne.s32 s23, s31  }
.Ltmp1:
0xb8: {  	_ = 	snop;
	(pc) =	sbr.rel @!p1 .LBB2_7-.Ltmp1, $3  }
0xb9: {  	_ =	sdelay $0x1  }
0xba: {  	[sflag:s5] =	ssyncset.done $0x0  }
0xbb: {  	[sflag:s5] =	ssyncadd.s32 $0xFFFFD800  }
.LBB2_1:
0xbc: {  	s0 =	rddreg [dreg:$0x1a]  }
0xbd: {  	s31 =	rddreg [dreg:$0x19];
	s24 =	sshrl.u32 s0, $0x3  }
0xbe: {  	[spmem:s24], [sflag:s21] =	dma.local [hbm:s31], $0x2800  }
.Ltmp2:
0xbf: {  	_ =	swait.ge [sflag:s5], $0x2800;
	(pc) =	sbr.rel @p0 .LBB2_5-.Ltmp2, $3  }
0xc0: {  	[sflag:s5] =	ssyncset.done $0x0  }
0xc1: {  	[sflag:s5] =	ssyncadd.s32 $0xFFFFD800  }
0xc2: {  	[bflag:$0x0] =	sbarrier.arrive $0xFFFF;
	_ =	sdelay $0x1  }
0xc3: {  	s26 =	simm.s32 $0x0  }
0xc4: {  	[tilespmem:s26], [sflag:$0x3] =	stream.linear.gather [hbm4b:s2+s26], $0x80, $0x38;
	[tilespmem:$0x1C400] =	vst v63  }
0xc5: {  	_ = 	snop  }
0xc6: {  	[tilespmem:s6], [sflag:$0x3] =	stream.linear.gather [hbm4b:s3+s26], $0x80, $0x38;
	[tilespmem:$0x1C400] =	vst v63  }
0xc7: {  	s0 =	rddreg [dreg:$0x3]  }
0xc8: {  	[tilespmem:s7], [sflag:$0x4] =	stream.linear.gather [hbm4b:s0+s26], $0x80, $0x38;
	[tilespmem:$0x1C400] =	vst v63  }
0xc9: {  	s31 =	rddreg [dreg:$0x4]  }
0xca: {  	[tilespmem:s8], [sflag:$0x4] =	stream.linear.gather [hbm4b:s31+s26], $0x80, $0x38;
	[tilespmem:$0x1C400] =	vst v63  }
0xcb: {  	s4 =	rddreg [dreg:$0x5]  }
0xcc: {  	[tilespmem:s9], [sflag:$0x5] =	stream.linear.gather [hbm4b:s4+s26], $0x80, $0x38;
	[tilespmem:$0x1C400] =	vst v63  }
0xcd: {  	s28 =	rddreg [dreg:$0x6]  }
0xce: {  	[tilespmem:s10], [sflag:$0x5] =	stream.linear.gather [hbm4b:s28+s26], $0x80, $0x38;
	[tilespmem:$0x1C400] =	vst v63  }
0xcf: {  	s30 =	rddreg [dreg:$0x7]  }
0xd0: {  	[tilespmem:s11], [sflag:$0x6] =	stream.linear.gather [hbm4b:s30+s26], $0x80, $0x38;
	[tilespmem:$0x1C400] =	vst v63  }
0xd1: {  	s31 =	rddreg [dreg:$0x8]  }
0xd2: {  	[tilespmem:s12], [sflag:$0x6] =	stream.linear.gather [hbm4b:s31+s26], $0x80, $0x38;
	[tilespmem:$0x1C400] =	vst v63  }
0xd3: {  	_ =	swait.ge [sflag:s13], $0x80  }
0xd4: {  	[sflag:s13] =	ssyncset.done $0x0  }
0xd5: {  	[sflag:s13] =	ssyncadd.s32 $0xFFFFFF80  }
0xd6: {  	_ =	swait.ge [sflag:s13], $0x80  }
0xd7: {  	[sflag:s13] =	ssyncset.done $0x0  }
0xd8: {  	[sflag:s13] =	ssyncadd.s32 $0xFFFFFF80  }
0xd9: {  	[tilespmem:s14], [sflag:$0x1] =	stream.indirect.gather [hbm4b:s29+s7], $0x80, s26, s7, $0xb8;
	[tilespmem:$0x1C400] =	vst v63  }
0xda: {  	_ =	swait.ge [sflag:s15], $0x80  }
0xdb: {  	[sflag:s15] =	ssyncset.done $0x0  }
0xdc: {  	[sflag:s15] =	ssyncadd.s32 $0xFFFFFF80  }
0xdd: {  	_ =	swait.ge [sflag:s15], $0x80  }
0xde: {  	[sflag:s15] =	ssyncset.done $0x0  }
0xdf: {  	[sflag:s15] =	ssyncadd.s32 $0xFFFFFF80  }
0xe0: {  	[tilespmem:s16], [sflag:$0x2] =	stream.indirect.gather [hbm4b:s29+s7], $0x80, s7, s7, $0xb8;
	[tilespmem:$0x1C400] =	vst v63  }
.LBB2_3:
0xe1: {  	_ =	swait.ge [sflag:s17], $0x4000  }
0xe2: {  	[sflag:s17] =	ssyncset.done $0x0  }
0xe3: {  	[sflag:s17] =	ssyncadd.s32 $0xFFFFC000  }
0xe4: {  	[spmem:s25] =	stream.indirect.scatter.add.f32 [tilespmem:s14], [sflag:$0x7], $0x80, s6, s7, $0xb8;
	[tilespmem:$0x1C400] =	vst v63  }
0xe5: {  	p1 =	seq.s32 s26, $0x940;
	_ =	swait.ge [sflag:s18], $0x4000  }
0xe6: {  	s28 =	sadd.s32 @!p1 s26, s2;
	[sflag:s18] =	ssyncset.done $0x0  }
0xe7: {  	s31 =	simm.s32 @!p1 $0x0;
	s30 =	sadd.s32 @!p1 $0x40, s28;
	[sflag:s18] =	ssyncadd.s32 $0xFFFFC000  }
0xe8: {  	[tilespmem:s31], [sflag:$0x3] =	stream.linear.gather @!p1 [hbm4b:s30+s31], $0x80, $0x38;
	[tilespmem:$0x1C400] =	vst v63  }
0xe9: {  	s30 =	sadd.s32 @!p1 s26, s3  }
0xea: {  	s4 =	simm.s32 @!p1 $0x200;
	s0 =	sadd.s32 @!p1 $0x40, s30  }
0xeb: {  	[tilespmem:s4], [sflag:$0x3] =	stream.linear.gather @!p1 [hbm4b:s0+s31], $0x80, $0x38;
	[tilespmem:$0x1C400] =	vst v63  }
0xec: {  	_ =	swait.ge [sflag:s19], $0x80  }
0xed: {  	[sflag:s19] =	ssyncset.done $0x0  }
0xee: {  	[sflag:s19] =	ssyncadd.s32 $0xFFFFFF80  }
0xef: {  	_ =	swait.ge [sflag:s19], $0x80  }
0xf0: {  	[sflag:s19] =	ssyncset.done $0x0  }
0xf1: {  	[sflag:s19] =	ssyncadd.s32 $0xFFFFFF80  }
0xf2: {  	[tilespmem:s14], [sflag:$0x1] =	stream.indirect.gather [hbm4b:s29+s7], $0x80, s9, s7, $0xb8;
	[tilespmem:$0x1C400] =	vst v63  }
0xf3: {  	_ =	swait.ge [sflag:s20], $0x4000  }
0xf4: {  	[sflag:s20] =	ssyncset.done $0x0  }
0xf5: {  	[sflag:s20] =	ssyncadd.s32 $0xFFFFC000  }
0xf6: {  	[spmem:s25] =	stream.indirect.scatter.add.f32 [tilespmem:s16], [sflag:$0x7], $0x80, s8, s7, $0xb8;
	[tilespmem:$0x1C400] =	vst v63  }
0xf7: {  	_ =	swait.ge [sflag:s18], $0x4000  }
0xf8: {  	[sflag:s18] =	ssyncset.done $0x0  }
0xf9: {  	s0 =	sadd.s32 @!p1 $0x50, s28;
	s4 =	simm.s32 @!p1 $0x80;
	[sflag:s18] =	ssyncadd.s32 $0xFFFFC000  }
0xfa: {  	[tilespmem:s4], [sflag:$0x4] =	stream.linear.gather @!p1 [hbm4b:s0+s31], $0x80, $0x38;
	[tilespmem:$0x1C400] =	vst v63  }
0xfb: {  	s0 =	sadd.s32 @!p1 $0x50, s30;
	s4 =	simm.s32 @!p1 $0x280  }
0xfc: {  	[tilespmem:s4], [sflag:$0x4] =	stream.linear.gather @!p1 [hbm4b:s0+s31], $0x80, $0x38;
	[tilespmem:$0x1C400] =	vst v63  }
0xfd: {  	_ =	swait.ge [sflag:s22], $0x80  }
0xfe: {  	[sflag:s22] =	ssyncset.done $0x0  }
0xff: {  	[sflag:s22] =	ssyncadd.s32 $0xFFFFFF80  }
0x100: {  	_ =	swait.ge [sflag:s22], $0x80  }
0x101: {  	[sflag:s22] =	ssyncset.done $0x0  }
0x102: {  	[sflag:s22] =	ssyncadd.s32 $0xFFFFFF80  }
0x103: {  	[tilespmem:s16], [sflag:$0x2] =	stream.indirect.gather [hbm4b:s29+s7], $0x80, s11, s7, $0xb8;
	[tilespmem:$0x1C400] =	vst v63  }
0x104: {  	_ =	swait.ge [sflag:s17], $0x4000  }
0x105: {  	[sflag:s17] =	ssyncset.done $0x0  }
.Ltmp3:
0x106: {  	[sflag:s17] =	ssyncadd.s32 $0xFFFFC000;
	(pc) =	sbr.rel @p1 .LBB2_6-.Ltmp3, $4  }
0x107: {  	[spmem:s25] =	stream.indirect.scatter.add.f32 [tilespmem:s14], [sflag:$0x7], $0x80, s10, s7, $0xb8;
	[tilespmem:$0x1C400] =	vst v63  }
0x108: {  	_ =	swait.ge [sflag:s18], $0x4000  }
0x109: {  	[sflag:s18] =	ssyncset.done $0x0  }
0x10a: {  	[sflag:s18] =	ssyncadd.s32 $0xFFFFC000  }
0x10b: {  	s0 =	sadd.s32 s26, s2  }
0x10c: {  	s30 =	sadd.s32 s26, s3;
	s4 =	sadd.s32 $0x60, s0  }
0x10d: {  	[tilespmem:s9], [sflag:$0x5] =	stream.linear.gather [hbm4b:s4+s1], $0x80, $0x38;
	[tilespmem:$0x1C400] =	vst v63  }
0x10e: {  	s28 =	sadd.s32 $0x60, s30  }
0x10f: {  	[tilespmem:s10], [sflag:$0x5] =	stream.linear.gather [hbm4b:s28+s1], $0x80, $0x38;
	[tilespmem:$0x1C400] =	vst v63  }
0x110: {  	_ =	swait.ge [sflag:s13], $0x80  }
0x111: {  	[sflag:s13] =	ssyncset.done $0x0  }
0x112: {  	[sflag:s13] =	ssyncadd.s32 $0xFFFFFF80  }
0x113: {  	_ =	swait.ge [sflag:s13], $0x80  }
0x114: {  	[sflag:s13] =	ssyncset.done $0x0  }
0x115: {  	[sflag:s13] =	ssyncadd.s32 $0xFFFFFF80  }
0x116: {  	[tilespmem:s14], [sflag:$0x1] =	stream.indirect.gather [hbm4b:s29+s7], $0x80, s1, s7, $0xb8;
	[tilespmem:$0x1C400] =	vst v63  }
0x117: {  	_ =	swait.ge [sflag:s20], $0x4000  }
0x118: {  	[sflag:s20] =	ssyncset.done $0x0  }
0x119: {  	[sflag:s20] =	ssyncadd.s32 $0xFFFFC000  }
0x11a: {  	[spmem:s25] =	stream.indirect.scatter.add.f32 [tilespmem:s16], [sflag:$0x7], $0x80, s12, s7, $0xb8;
	[tilespmem:$0x1C400] =	vst v63  }
0x11b: {  	_ =	swait.ge [sflag:s18], $0x4000  }
0x11c: {  	[sflag:s18] =	ssyncset.done $0x0  }
0x11d: {  	s0 =	sadd.s32 $0x70, s0;
	[sflag:s18] =	ssyncadd.s32 $0xFFFFC000  }
0x11e: {  	[tilespmem:s11], [sflag:$0x6] =	stream.linear.gather [hbm4b:s0+s1], $0x80, $0x38;
	[tilespmem:$0x1C400] =	vst v63  }
0x11f: {  	s31 =	sadd.s32 $0x70, s30  }
0x120: {  	[tilespmem:s12], [sflag:$0x6] =	stream.linear.gather [hbm4b:s31+s1], $0x80, $0x38;
	[tilespmem:$0x1C400] =	vst v63  }
0x121: {  	_ =	swait.ge [sflag:s15], $0x80  }
0x122: {  	[sflag:s15] =	ssyncset.done $0x0  }
.Ltmp4:
0x123: {  	[sflag:s15] =	ssyncadd.s32 $0xFFFFFF80;
	(pc) =	sbr.rel .LBB2_3-.Ltmp4, $4  }
0x124: {  	_ =	swait.ge [sflag:s15], $0x80  }
0x125: {  	[sflag:s15] =	ssyncset.done $0x0  }
0x126: {  	s26 =	sadd.s32 $0x40, s26;
	[sflag:s15] =	ssyncadd.s32 $0xFFFFFF80  }
0x127: {  	[tilespmem:s16], [sflag:$0x2] =	stream.indirect.gather [hbm4b:s29+s7], $0x80, s7, s7, $0xb8;
	[tilespmem:$0x1C400] =	vst v63  }
.LBB2_7:
0x128: {  	_ =	sfence.sel $0x180000  }
0x129: {  	[bflag:$0x0] =	sbarrier.arrive $0xFFFF  }
0x12a: {  	_ =	strace $0x9000004D  }
0x12b: {  	s0 =	stileid.u32;
	[bflag:$0x2] =	sbarrier.arrive $0xFFFF  }
0x12c: {  	p0 =	sne.s32 s0, $0x0;
	s0 =	rddreg [dreg:$0x2]  }
0x12d: {  	s0 =	sadd.s32 @!p0 $0x100000, s0  }
0x12e: {  	[sflag:s0] =	ssyncadd.tile.s32 @!p0 $0x1;
	_ =	shalt  }
.Lfunc_end2:
_tile_overlayer_lowered:
.L_overlay_start_2:
0x12f: {  	(tag) =	ssettag $0x2  }
0x130: {  	s0 =	rddreg [dreg:$0x0];
	s2 =	stileid.u32  }
0x131: {  	s1 =	rddreg [dreg:$0x1];
	p0 =	sne.s32 s2, $0x0  }
0x132: {  	s3 =	rddreg [dreg:$0x2];
	[bflag:$0x3] =	sbarrier.arrive $0xFFFF;
	s2 =	simm.s32 @!p0 $0x1C08  }
0x133: {  	[timem:s3], [sflag:s2] =	dma.local @!p0 [hbm:s0], s1  }
0x134: {  	s0 =	simm.s32 @!p0 $0x8  }
0x135: {  	_ =	swait.ge @!p0 [sflag:s0], s1  }
0x136: {  	s1 =	ssub.s32 @!p0 $0x0, s1;
	[sflag:s0] =	ssyncset.done @!p0 $0x0  }
0x137: {  	[sflag:s0] =	ssyncadd.s32 @!p0 s1  }
0x138: {  	[bflag:$0x3] =	sbarrier.arrive $0xFFFF  }
0x139: {  	_ =	shalt  }

// kernel: kernel.19.cloned.1.call-start
scs
__scs_entry_jumppad:
0x0: {  	(pc) =	sbr.rel $0x88, $3  }
0x1: {  	(tag) =	ssettag $0x0;
	lr =	simm.s32 $0x1  }
0x2: {  	[smem:$0x3F96] =	sst lr;
	_ =	strace $0xD0000000  }
0x3: {  	_ = 	snop  }
0x4: {  	_ = 	snop  }
0x5: {  	_ = 	snop  }
0x6: {  	_ = 	snop  }
0x7: {  	_ = 	snop  }
__scs_overlays_trampoline_lowered:
0x8: {  	[smem:$0x3FA5] =	sst s0  }
0x9: {  	[smem:$0x3FA6] =	sst s1  }
0xa: {  	[smem:$0x3FA7] =	sst s2  }
0xb: {  	[smem:$0x3FA8] =	sst s3  }
0xc: {  	[smem:$0x3FA9] =	sst s4  }
0xd: {  	[smem:$0x3FAA] =	sst s5  }
0xe: {  	[smem:$0x3FAB] =	sst s6  }
0xf: {  	[smem:$0x3FAC] =	sst s7  }
0x10: {  	[smem:$0x3FAD] =	sst s8  }
0x11: {  	[smem:$0x3FAE] =	sst s9;
	s0 =	simm.s32 @!p0 $0x0  }
0x12: {  	s1 =	sld [smem:$0x3F94];
	s0 =	simm.s32 @p0 $0x1  }
0x13: {  	[smem:$0x3FAF] =	sst s0;
	s0 =	simm.s32 @!p1 $0x0  }
0x14: {  	s2 =	sld [smem:$0x3F93];
	s0 =	simm.s32 @p1 $0x1  }
0x15: {  	[smem:$0x3FB0] =	sst s0;
	s0 =	simm.s32 @!p2 $0x0  }
0x16: {  	s3 =	sld [smem:$0x3FDB];
	s0 =	simm.s32 @p2 $0x1  }
0x17: {  	s4 =	simm.s32 $0x1BF5;
	[smem:$0x3FB2] =	sst s0  }
0x18: {  	s0 =	sld [smem:$0x3F95];
	_ =	swait.ge [sflag:s4], $0x0  }
0x19: {  	s7 =	sld [smem:$0x3F96]  }
0x1a: {  	s8 =	sadd.s32 $0xFFFFE003, lr  }
0x1b: {  	s9 =	sadd.s32 $0xFFFFFEF7, lr;
	s5 =	simm.s32 $0xFFFFFFFF;
	p2 =	slt.u32 s8, $0xFFFFF086  }
0x1c: {  	p1 =	slt.u32 s9, $0xF7A;
	s5 =	simm.s32 @!p2 $0x0  }
0x1d: {  	s5 =	simm.s32 @p1 $0x1;
	p0 =	seq.s32 s7, s2  }
0x1e: {  	s7 =	smul.u32 @!p0 $0xF7A, s2;
	p2 =	seq.s32 @!p0 s5, $0x0  }
0x1f: {  	s9 =	smul.u32 $0xF7A, s1;
	s8 =	simm.s32 @!p0 $0x1BF5;
	p2 =	por !p2, p0  }
0x20: {  	[sflag:s8] =	ssyncset.s32 @!p0 $0xFFFFF086;
	s6 =	sadd.s32 @!p0 s3, s7;
	s7 =	simm.s32 @!p0 $0x108  }
0x21: {  	s3 =	sadd.s32 s3, s9;
	s6 =	sadd.s32 @!p0 $0x88, s6;
	s7 =	simm.s32 @p2 $0x1082  }
0x22: {  	[simem:s7], [sflag:s8] =	dma.local @!p0 [hbm:s6], $0xF7A  }
0x23: {  	s9 =	sor.u32 $0xD0000000, s2;
	s6 =	simm.s32 $0x108;
	_ =	swait.ge @!p0 [sflag:s8], $0x0  }
0x24: {  	s3 =	sadd.s32 $0x88, s3;
	s6 =	simm.s32 @!p1 $0x1082;
	[sflag:s4] =	ssyncset.s32 $0xFFFFF086  }
0x25: {  	[simem:s6], [sflag:s4] =	dma.local [hbm:s3], $0xF7A  }
0x26: {  	[smem:$0x3F96] =	sst s1;
	(tag) =	ssettag s2;
	_ =	strace s9  }
0x27: {  	s1 =	sld [smem:$0x3FA6]  }
0x28: {  	s2 =	sld [smem:$0x3FA7]  }
0x29: {  	s4 =	sld [smem:$0x3FA9]  }
0x2a: {  	p0 =	seq.s32 s5, $0x0;
	s5 =	sld [smem:$0x3FAA]  }
0x2b: {  	s6 =	sld [smem:$0x3FAB]  }
0x2c: {  	s7 =	sld [smem:$0x3FAC]  }
0x2d: {  	s3 =	simm.s32 $0x108;
	s8 =	sld [smem:$0x3FAD]  }
0x2e: {  	s3 =	simm.s32 @!p0 $0x1082;
	s9 =	sld [smem:$0x3FAE]  }
0x2f: {  	lr =	sadd.s32 s0, s3;
	s0 =	sld [smem:$0x3FA5]  }
0x30: {  	s3 =	sld [smem:$0x3FA8]  }
0x31: {  	[smem:$0x3FB1] =	sst s10  }
0x32: {  	s10 =	sld [smem:$0x3FAF];
	_ =	sdelay $0x3  }
0x33: {  	p0 =	seq.s32 s10, $0x1;
	s10 =	sld [smem:$0x3FB1];
	_ =	sdelay $0x3  }
0x34: {  	[smem:$0x3FB1] =	sst s10  }
0x35: {  	s10 =	sld [smem:$0x3FB0];
	_ =	sdelay $0x3  }
0x36: {  	p1 =	seq.s32 s10, $0x1;
	s10 =	sld [smem:$0x3FB1];
	_ =	sdelay $0x3  }
0x37: {  	[smem:$0x3FB1] =	sst s10  }
0x38: {  	s10 =	sld [smem:$0x3FB2]  }
0x39: {  	_ = 	snop;
	(pc) =	sbr.ind lr, $3  }
0x3a: {  	_ = 	snop  }
0x3b: {  	_ = 	snop  }
0x3c: {  	p2 =	seq.s32 s10, $0x1;
	s10 =	sld [smem:$0x3FB1]  }
0x3d: {  	_ =	shalt  }
0x3e: {  	_ =	shalt  }
0x3f: {  	_ =	shalt  }
0x40: {  	_ =	shalt  }
0x41: {  	_ =	shalt  }
0x42: {  	_ =	shalt  }
0x43: {  	_ =	shalt  }
0x44: {  	_ =	shalt  }
0x45: {  	_ =	shalt  }
0x46: {  	_ =	shalt  }
0x47: {  	_ =	shalt  }
0x48: {  	_ =	shalt  }
0x49: {  	_ =	shalt  }
0x4a: {  	_ =	shalt  }
0x4b: {  	_ =	shalt  }
0x4c: {  	_ =	shalt  }
0x4d: {  	_ =	shalt  }
0x4e: {  	_ =	shalt  }
0x4f: {  	_ =	shalt  }
0x50: {  	_ =	shalt  }
0x51: {  	_ =	shalt  }
0x52: {  	_ =	shalt  }
0x53: {  	_ =	shalt  }
0x54: {  	_ =	shalt  }
0x55: {  	_ =	shalt  }
0x56: {  	_ =	shalt  }
0x57: {  	_ =	shalt  }
0x58: {  	_ =	shalt  }
0x59: {  	_ =	shalt  }
0x5a: {  	_ =	shalt  }
0x5b: {  	_ =	shalt  }
0x5c: {  	_ =	shalt  }
0x5d: {  	_ =	shalt  }
0x5e: {  	_ =	shalt  }
0x5f: {  	_ =	shalt  }
0x60: {  	_ =	shalt  }
0x61: {  	_ =	shalt  }
0x62: {  	_ =	shalt  }
0x63: {  	_ =	shalt  }
0x64: {  	_ =	shalt  }
0x65: {  	_ =	shalt  }
0x66: {  	_ =	shalt  }
0x67: {  	_ =	shalt  }
0x68: {  	_ =	shalt  }
0x69: {  	_ =	shalt  }
0x6a: {  	_ =	shalt  }
0x6b: {  	_ =	shalt  }
0x6c: {  	_ =	shalt  }
0x6d: {  	_ =	shalt  }
0x6e: {  	_ =	shalt  }
0x6f: {  	_ =	shalt  }
0x70: {  	_ =	shalt  }
0x71: {  	_ =	shalt  }
0x72: {  	_ =	shalt  }
0x73: {  	_ =	shalt  }
0x74: {  	_ =	shalt  }
0x75: {  	_ =	shalt  }
0x76: {  	_ =	shalt  }
0x77: {  	_ =	shalt  }
0x78: {  	_ =	shalt  }
0x79: {  	_ =	shalt  }
0x7a: {  	_ =	shalt  }
0x7b: {  	_ =	shalt  }
0x7c: {  	_ =	shalt  }
0x7d: {  	_ =	shalt  }
0x7e: {  	_ =	shalt  }
0x7f: {  	_ =	shalt  }
0x80: {  	_ =	shalt  }
0x81: {  	_ =	shalt  }
0x82: {  	_ =	shalt  }
0x83: {  	_ =	shalt  }
0x84: {  	_ =	shalt  }
0x85: {  	_ =	shalt  }
0x86: {  	_ =	shalt  }
0x87: {  	_ =	shalt  }
.Lfunc_end0:
.L_simem_size_0:
called_computation.3_lowered:
.L_overlay_start_0:
0x88: {  	s2 =	sld [smem:$0x3FD9]  }
0x89: {  	s3 =	sld [smem:$0x3FFE];
	_ =	sdelay $0x1  }
0x8a: {  	s1 =	srdreg.scid  }
0x8b: {  	s0 =	sand.u32 $0x1, s1  }
0x8c: {  	s16 =	sshll.u32 s0, $0xA;
	s2 =	sadd.s32 s3, s2  }
0x8d: {  	s2 =	sadd.s32 s2, s16  }
0x8e: {  	[smem:$0x3FBD] =	sst s2  }
0x8f: {  	_ = 	snop  }
0x90: {  	(tm) =	ssettm $0x1  }
0x91: {  	s17 =	sld [smem:$0x3FFB];
	_ =	sdelay $0x3  }
0x92: {  	_ =	strace s17  }
0x93: {  	s2 =	sld [smem:$0x3FFC];
	_ =	sdelay $0x3  }
0x94: {  	_ =	strace s2  }
0x95: {  	s2 =	sld [smem:$0x3FFD];
	_ =	sdelay $0x3  }
0x96: {  	_ =	strace s2  }
0x97: {  	_ =	strace $0x8FFFFFFF  }
0x98: {  	s18 =	sld [smem:$0x3FDB];
	_ =	sdelay $0x1  }
0x99: {  	s19 =	simm.s32 $_scs_section_size  }
0x9a: {  	s4 =	simm.s32 $_size__tile_overlayer_lowered;
	s5 =	simm.s32 $_tile_overlayer_lowered  }
0x9b: {  	s22 =	simm.s32 $0x1BFF;
	s21 =	sshll.u32 s5, $0x1;
	s2 =	sadd.s32 s19, s18  }
0x9c: {  	s6 =	simm.s32 $0x0;
	s20 =	sshll.u32 s4, $0x1;
	s4 =	sadd.s32 s21, s2  }
0x9d: {  	[timem:s6], [sflag:s22] =	dma.local [hbm:s4], s20  }
0x9e: {  	_ =	swait.ge [sflag:s22], s20  }
0x9f: {  	s3 =	ssub.s32 $0x0, s20;
	[sflag:s22] =	ssyncset.done $0x0  }
0xa0: {  	[sflag:s22] =	ssyncadd.s32 s3;
	_ =	sdelay $0x1  }
0xa1: {  	s23 =	simm.s32 $0x1B8B  }
0xa2: {  	_ =	swait.ge [sflag:s23], $0x1  }
0xa3: {  	[sflag:s23] =	ssyncset.done $0x0  }
0xa4: {  	s25 =	simm.s32 $0x1B8E;
	s24 =	sld [smem:$0x3FFE];
	[sflag:s23] =	ssyncadd.s32 $0xFFFFFFFF  }
0xa5: {  	s26 =	simm.s32 $execute0_lowered;
	[smem:$0x3FD2] =	sst s25  }
0xa6: {  	s4 =	sshll.u32 s26, $0x1;
	_ =	strace $0x8000004F;
	[dreg:$0x1] =	wrdreg $0xFFFFFFFF  }
0xa7: {  	s28 =	simm.s32 $_size_execute0_lowered;
	s2 =	sadd.s32 s2, s4;
	[dreg:$0x0] =	wrdreg $0x0  }
0xa8: {  	s4 =	sshll.u32 s28, $0x1;
	[dreg:$0x2] =	wrdreg s2  }
0xa9: {  	[dreg:$0x3] =	wrdreg s4  }
0xaa: {  	[dreg:$0x4] =	wrdreg $0xC0  }
0xab: {  	_ =	task [dreg:s6], $0x5FFFF  }
0xac: {  	[dreg:$0x1] =	wrdreg $0xFFFFFFFF  }
0xad: {  	[dreg:$0x0] =	wrdreg $0x60  }
0xae: {  	[dreg:$0x2] =	wrdreg s24  }
0xaf: {  	[dreg:$0x3] =	wrdreg $0x84000  }
0xb0: {  	[dreg:$0x4] =	wrdreg $0x9  }
0xb1: {  	_ =	task.clear_ibuf [dreg:s6], $0x5FFFF;
	_ =	strace $0x9000004F  }
0xb2: {  	s29 =	simm.s32 $0x9;
	_ =	strace $0x80000051  }
0xb3: {  	_ =	swait.ge [sflag:s29], $0x1  }
0xb4: {  	[sflag:s29] =	ssyncadd.s32 $0xFFFFFFFF  }
0xb5: {  	_ =	strace $0x90000051  }
0xb6: {  	_ =	sfence  }
0xb7: {  	s30 =	sld [smem:$0x0];
	_ =	sdelay $0x2  }
0xb8: {  	s31 =	sshll.u32 s1, $0xD;
	s1 =	sshrl.u32 s1, $0x2  }
0xb9: {  	s3 =	sand.u32 $0x4000, s31;
	s1 =	sadd.s32 s1, s30  }
0xba: {  	s0 =	sor.u32 s3, s0;
	s1 =	sshll.u32 s1, $0x11  }
0xbb: {  	s0 =	sor.u32 s1, s0  }
0xbc: {  	s0 =	sadd.s32 $0x8F2B, s0  }
0xbd: {  	[sflag:s0] =	ssyncadd.remote.s32 $0x1  }
0xbe: {  	_ =	sfence.sel $0xFFFF  }
0xbf: {  	[dreg:$0x0] =	wrdreg $0xFFFFFFFF;
	(pc) =	sbr.abs _section_cstart, $3  }
0xc0: {  	[dreg:$0x1] =	wrdreg $0xFFFFFFFF  }
0xc1: {  	_ =	task.clear_ibuf [dreg:s6], $0x2FFFF;
	_ =	strace $0x9FFFFFFF  }
0xc2: {  	(tm) =	ssettm $0x7FFFFFFF  }
0xc3: {  	_ =	shalt  }
tec
execute0_lowered:
.L_overlay_start_1:
0x0: {  	(tag) =	ssettag $0x1  }
0x1: {  	s0 =	srdreg.scid;
	s11 =	stileid.u32  }
0x2: {  	s4 =	rddreg [dreg:$0x0];
	s1 =	simm.s32 $0x0;
	s3 =	smul.u32 $0x14000, s11  }
0x3: {  	s0 =	sand.u32 $0x1, s0;
	[smem:$0x7FF] =	sst s1;
	s8 =	smul.u32 $0x980, s11  }
0x4: {  	s6 =	sadd.s32 $0x1A200, s4;
	s9 =	sadd.s32 $0xF600, s4;
	s29 =	sadd.s32 $0x74200, s4  }
0x5: {  	s2 =	smul.u32 $0x140000, s0;
	s5 =	ssub.s32 $0x2, s0;
	s19 =	sor.u32 $0x10, s8  }
0x6: {  	p0 =	seq.s32 s0, $0x1;
	s7 =	sshrl.u32 s5, $0x1;
	s20 =	sadd.s32 s6, s19  }
0x7: {  	s21 =	sor.u32 $0x20, s8;
	s0 =	sadd.s32 s9, s19;
	[dreg:$0x3] =	wrdreg s20  }
0x8: {  	s23 =	sor.u32 $0x30, s8;
	s22 =	sadd.s32 s6, s21;
	[dreg:$0x4] =	wrdreg s0  }
0x9: {  	s5 =	ssub.s32 s5, s7;
	s7 =	sadd.s32 s9, s21;
	[dreg:$0x5] =	wrdreg s22  }
0xa: {  	s12 =	sadd.s32 s6, s23;
	s0 =	sshll.u32 s11, $0x7;
	[dreg:$0x6] =	wrdreg s7  }
0xb: {  	[dreg:$0x7] =	wrdreg s12;
	s7 =	sadd.s32 s9, s23;
	s24 =	sor.u32 $0x9800, s0  }
0xc: {  	s10 =	sadd.s32 s3, s2;
	[dreg:$0x8] =	wrdreg s7;
	s25 =	sadd.s32 s6, s24  }
0xd: {  	s28 =	sor.u32 $0x9810, s0;
	s26 =	sadd.s32 s9, s24;
	[dreg:$0x9] =	wrdreg s25  }
0xe: {  	s2 =	sadd.s32 s6, s8;
	s31 =	sadd.s32 s6, s28;
	[dreg:$0xa] =	wrdreg s26  }
0xf: {  	s30 =	sor.u32 $0x9820, s0;
	s7 =	sadd.s32 s9, s28;
	[dreg:$0xb] =	wrdreg s31  }
0x10: {  	s3 =	sadd.s32 s9, s8;
	s12 =	sadd.s32 s6, s30;
	[dreg:$0xc] =	wrdreg s7  }
0x11: {  	s14 =	sor.u32 $0x9830, s0;
	s13 =	sadd.s32 s9, s30;
	[dreg:$0xd] =	wrdreg s12  }
0x12: {  	s15 =	sor.u32 $0x9840, s0;
	s16 =	sadd.s32 s6, s14;
	[dreg:$0xe] =	wrdreg s13  }
0x13: {  	s8 =	simm.s32 $0x280;
	s17 =	sadd.s32 s6, s15;
	[dreg:$0xf] =	wrdreg s16  }
0x14: {  	s19 =	sor.u32 $0x9850, s0;
	s18 =	sadd.s32 s9, s15;
	[dreg:$0x11] =	wrdreg s17  }
0x15: {  	s20 =	sor.u32 $0x9860, s0;
	s21 =	sadd.s32 s6, s19;
	[dreg:$0x12] =	wrdreg s18  }
0x16: {  	s0 =	sor.u32 $0x9870, s0;
	s22 =	sadd.s32 s6, s20;
	[dreg:$0x13] =	wrdreg s21  }
0x17: {  	s23 =	sadd.s32 s9, s20;
	s6 =	sadd.s32 s6, s0;
	[dreg:$0x15] =	wrdreg s22  }
0x18: {  	s24 =	smul.u32 $0x50000, s11;
	s0 =	sadd.s32 s9, s0;
	[dreg:$0x16] =	wrdreg s23  }
0x19: {  	s30 =	sshll.u32 s11, $0x6;
	s11 =	simm.s32 $0x180;
	s25 =	rddreg [dreg:$0x1]  }
0x1a: {  	s15 =	simm.s32 $0x4;
	s20 =	simm.s32 $0x2;
	[dreg:$0x17] =	wrdreg s6  }
0x1b: {  	s7 =	sadd.s32 s9, s14;
	[dreg:$0x18] =	wrdreg s0;
	s26 =	sshrl.u32 s10, $0x3  }
0x1c: {  	s21 =	sor.u32 $0x1C08, s30;
	s31 =	smax.u32 s5, $0x1;
	s5 =	simm.s32 $0x8  }
0x1d: {  	s10 =	simm.s32 $0x300;
	s12 =	simm.s32 $0x380;
	s13 =	simm.s32 $0x3  }
0x1e: {  	s14 =	simm.s32 $0x400;
	s16 =	simm.s32 $0x4400;
	s17 =	simm.s32 $0x1  }
0x1f: {  	s18 =	simm.s32 $0x7;
	s22 =	simm.s32 $0x6;
	[dreg:$0x10] =	wrdreg s7  }
0x20: {  	s7 =	sadd.s32 s9, s19;
	s0 =	sadd.s32 s26, s4;
	s6 =	sshrl.u32 s24, $0x2  }
.Ltmp0:
0x21: {  	s4 =	sadd.s32 $0x5600, s4;
	[dreg:$0x14] =	wrdreg s7;
	(pc) =	sbr.rel .LBB2_1-.Ltmp0, $4  }
0x22: {  	s28 =	sadd.s32 s6, s25;
	_ =	strace $0x80000050;
	[dreg:$0x19] =	wrdreg s4  }
0x23: {  	s23 =	simm.s32 $0x0;
	s0 =	sadd.s32 $0x9C200, s0;
	[dreg:$0x1a] =	wrdreg s28  }
0x24: {  	s9 =	simm.s32 $0x100;
	s19 =	simm.s32 $0x5;
	[dreg:$0x1b] =	wrdreg s0  }
0x25: {  	s6 =	simm.s32 $0x200;
	s7 =	simm.s32 $0x80;
	[dreg:$0x1c] =	wrdreg s31  }
.LBB2_5:
0x26: {  	s0 =	rddreg [dreg:$0x9]  }
0x27: {  	[tilespmem:s1], [sflag:$0x3] =	stream.linear.gather [hbm4b:s0+s1], $0x80, $0x38;
	[tilespmem:$0x1C400] =	vst v63  }
0x28: {  	s4 =	rddreg [dreg:$0xa]  }
0x29: {  	[tilespmem:s6], [sflag:$0x3] =	stream.linear.gather [hbm4b:s4+s1], $0x80, $0x38;
	[tilespmem:$0x1C400] =	vst v63  }
0x2a: {  	s26 =	rddreg [dreg:$0xb]  }
0x2b: {  	[tilespmem:s7], [sflag:$0x4] =	stream.linear.gather [hbm4b:s26+s1], $0x80, $0x38;
	[tilespmem:$0x1C400] =	vst v63  }
0x2c: {  	s28 =	rddreg [dreg:$0xc]  }
0x2d: {  	[tilespmem:s8], [sflag:$0x4] =	stream.linear.gather [hbm4b:s28+s1], $0x80, $0x38;
	[tilespmem:$0x1C400] =	vst v63  }
0x2e: {  	s30 =	rddreg [dreg:$0xd]  }
0x2f: {  	[tilespmem:s9], [sflag:$0x5] =	stream.linear.gather [hbm4b:s30+s1], $0x80, $0x38;
	[tilespmem:$0x1C400] =	vst v63  }
0x30: {  	s31 =	rddreg [dreg:$0xe]  }
0x31: {  	[tilespmem:s10], [sflag:$0x5] =	stream.linear.gather [hbm4b:s31+s1], $0x80, $0x38;
	[tilespmem:$0x1C400] =	vst v63  }
0x32: {  	s4 =	rddreg [dreg:$0xf]  }
0x33: {  	[tilespmem:s11], [sflag:$0x6] =	stream.linear.gather [hbm4b:s4+s1], $0x80, $0x38;
	[tilespmem:$0x1C400] =	vst v63  }
0x34: {  	s26 =	rddreg [dreg:$0x10]  }
0x35: {  	[tilespmem:s12], [sflag:$0x6] =	stream.linear.gather [hbm4b:s26+s1], $0x80, $0x38;
	[tilespmem:$0x1C400] =	vst v63  }
0x36: {  	_ =	swait.ge [sflag:s13], $0x80  }
0x37: {  	[sflag:s13] =	ssyncset.done $0x0  }
0x38: {  	[sflag:s13] =	ssyncadd.s32 $0xFFFFFF80  }
0x39: {  	_ =	swait.ge [sflag:s13], $0x80  }
0x3a: {  	[sflag:s13] =	ssyncset.done $0x0  }
0x3b: {  	[sflag:s13] =	ssyncadd.s32 $0xFFFFFF80  }
0x3c: {  	[tilespmem:s14], [sflag:$0x1] =	stream.indirect.gather [hbm4b:s29+s7], $0x80, s1, s7, $0xb8;
	[tilespmem:$0x1C400] =	vst v63  }
0x3d: {  	_ =	swait.ge [sflag:s15], $0x80  }
0x3e: {  	[sflag:s15] =	ssyncset.done $0x0  }
0x3f: {  	[sflag:s15] =	ssyncadd.s32 $0xFFFFFF80  }
0x40: {  	_ =	swait.ge [sflag:s15], $0x80  }
0x41: {  	[sflag:s15] =	ssyncset.done $0x0  }
0x42: {  	[sflag:s15] =	ssyncadd.s32 $0xFFFFFF80  }
0x43: {  	[tilespmem:s16], [sflag:$0x2] =	stream.indirect.gather [hbm4b:s29+s7], $0x80, s7, s7, $0xb8;
	[tilespmem:$0x1C400] =	vst v63  }
0x44: {  	_ =	swait.ge [sflag:s17], $0x4000  }
0x45: {  	[sflag:s17] =	ssyncset.done $0x0  }
0x46: {  	[sflag:s17] =	ssyncadd.s32 $0xFFFFC000  }
0x47: {  	[spmem:s25] =	stream.indirect.scatter.add.f32 [tilespmem:s14], [sflag:$0x7], $0x80, s6, s7, $0xb8;
	[tilespmem:$0x1C400] =	vst v63  }
0x48: {  	_ =	swait.ge [sflag:s18], $0x4000  }
0x49: {  	[sflag:s18] =	ssyncset.done $0x0  }
0x4a: {  	s28 =	rddreg [dreg:$0x11];
	[sflag:s18] =	ssyncadd.s32 $0xFFFFC000  }
0x4b: {  	[tilespmem:s1], [sflag:$0x3] =	stream.linear.gather [hbm4b:s28+s1], $0x80, $0x38;
	[tilespmem:$0x1C400] =	vst v63  }
0x4c: {  	s30 =	rddreg [dreg:$0x12]  }
0x4d: {  	[tilespmem:s6], [sflag:$0x3] =	stream.linear.gather [hbm4b:s30+s1], $0x80, $0x38;
	[tilespmem:$0x1C400] =	vst v63  }
0x4e: {  	_ =	swait.ge [sflag:s19], $0x80  }
0x4f: {  	[sflag:s19] =	ssyncset.done $0x0  }
0x50: {  	[sflag:s19] =	ssyncadd.s32 $0xFFFFFF80  }
0x51: {  	_ =	swait.ge [sflag:s19], $0x80  }
0x52: {  	[sflag:s19] =	ssyncset.done $0x0  }
0x53: {  	[sflag:s19] =	ssyncadd.s32 $0xFFFFFF80  }
0x54: {  	[tilespmem:s14], [sflag:$0x1] =	stream.indirect.gather [hbm4b:s29+s7], $0x80, s9, s7, $0xb8;
	[tilespmem:$0x1C400] =	vst v63  }
0x55: {  	_ =	swait.ge [sflag:s20], $0x4000  }
0x56: {  	[sflag:s20] =	ssyncset.done $0x0  }
0x57: {  	[sflag:s20] =	ssyncadd.s32 $0xFFFFC000  }
0x58: {  	[spmem:s25] =	stream.indirect.scatter.add.f32 [tilespmem:s16], [sflag:$0x7], $0x80, s8, s7, $0xb8;
	[tilespmem:$0x1C400] =	vst v63  }
0x59: {  	_ =	swait.ge [sflag:s18], $0x4000  }
0x5a: {  	[sflag:s18] =	ssyncset.done $0x0  }
0x5b: {  	s31 =	rddreg [dreg:$0x13];
	[sflag:s18] =	ssyncadd.s32 $0xFFFFC000  }
0x5c: {  	[tilespmem:s7], [sflag:$0x4] =	stream.linear.gather [hbm4b:s31+s1], $0x80, $0x38;
	[tilespmem:$0x1C400] =	vst v63  }
0x5d: {  	s4 =	rddreg [dreg:$0x14]  }
0x5e: {  	[tilespmem:s8], [sflag:$0x4] =	stream.linear.gather [hbm4b:s4+s1], $0x80, $0x38;
	[tilespmem:$0x1C400] =	vst v63  }
0x5f: {  	_ =	swait.ge [sflag:s22], $0x80  }
0x60: {  	[sflag:s22] =	ssyncset.done $0x0  }
0x61: {  	[sflag:s22] =	ssyncadd.s32 $0xFFFFFF80  }
0x62: {  	_ =	swait.ge [sflag:s22], $0x80  }
0x63: {  	[sflag:s22] =	ssyncset.done $0x0  }
0x64: {  	[sflag:s22] =	ssyncadd.s32 $0xFFFFFF80  }
0x65: {  	[tilespmem:s16], [sflag:$0x2] =	stream.indirect.gather [hbm4b:s29+s7], $0x80, s11, s7, $0xb8;
	[tilespmem:$0x1C400] =	vst v63  }
0x66: {  	_ =	swait.ge [sflag:s17], $0x4000  }
0x67: {  	[sflag:s17] =	ssyncset.done $0x0  }
0x68: {  	[sflag:s17] =	ssyncadd.s32 $0xFFFFC000  }
0x69: {  	[spmem:s25] =	stream.indirect.scatter.add.f32 [tilespmem:s14], [sflag:$0x7], $0x80, s10, s7, $0xb8;
	[tilespmem:$0x1C400] =	vst v63  }
0x6a: {  	_ =	swait.ge [sflag:s18], $0x4000  }
0x6b: {  	[sflag:s18] =	ssyncset.done $0x0  }
0x6c: {  	s26 =	rddreg [dreg:$0x15];
	[sflag:s18] =	ssyncadd.s32 $0xFFFFC000  }
0x6d: {  	[tilespmem:s9], [sflag:$0x5] =	stream.linear.gather [hbm4b:s26+s1], $0x80, $0x38;
	[tilespmem:$0x1C400] =	vst v63  }
0x6e: {  	s28 =	rddreg [dreg:$0x16]  }
0x6f: {  	[tilespmem:s10], [sflag:$0x5] =	stream.linear.gather [hbm4b:s28+s1], $0x80, $0x38;
	[tilespmem:$0x1C400] =	vst v63  }
0x70: {  	_ =	swait.ge [sflag:s13], $0x80  }
0x71: {  	[sflag:s13] =	ssyncset.done $0x0  }
0x72: {  	[sflag:s13] =	ssyncadd.s32 $0xFFFFFF80  }
0x73: {  	_ =	swait.ge [sflag:s13], $0x80  }
0x74: {  	[sflag:s13] =	ssyncset.done $0x0  }
0x75: {  	[sflag:s13] =	ssyncadd.s32 $0xFFFFFF80  }
0x76: {  	[tilespmem:s14], [sflag:$0x1] =	stream.indirect.gather [hbm4b:s29+s7], $0x80, s1, s7, $0xb8;
	[tilespmem:$0x1C400] =	vst v63  }
0x77: {  	_ =	swait.ge [sflag:s20], $0x4000  }
0x78: {  	[sflag:s20] =	ssyncset.done $0x0  }
0x79: {  	[sflag:s20] =	ssyncadd.s32 $0xFFFFC000  }
0x7a: {  	[spmem:s25] =	stream.indirect.scatter.add.f32 [tilespmem:s16], [sflag:$0x7], $0x80, s12, s7, $0xb8;
	[tilespmem:$0x1C400] =	vst v63  }
0x7b: {  	_ =	swait.ge [sflag:s18], $0x4000  }
0x7c: {  	[sflag:s18] =	ssyncset.done $0x0  }
0x7d: {  	s30 =	rddreg [dreg:$0x17];
	[sflag:s18] =	ssyncadd.s32 $0xFFFFC000  }
0x7e: {  	[tilespmem:s11], [sflag:$0x6] =	stream.linear.gather [hbm4b:s30+s1], $0x80, $0x38;
	[tilespmem:$0x1C400] =	vst v63  }
0x7f: {  	s31 =	rddreg [dreg:$0x18]  }
0x80: {  	[tilespmem:s12], [sflag:$0x6] =	stream.linear.gather [hbm4b:s31+s1], $0x80, $0x38;
	[tilespmem:$0x1C400] =	vst v63  }
0x81: {  	_ =	swait.ge [sflag:s15], $0x80  }
0x82: {  	[sflag:s15] =	ssyncset.done $0x0  }
0x83: {  	[sflag:s15] =	ssyncadd.s32 $0xFFFFFF80  }
0x84: {  	_ =	swait.ge [sflag:s15], $0x80  }
0x85: {  	[sflag:s15] =	ssyncset.done $0x0  }
0x86: {  	[sflag:s15] =	ssyncadd.s32 $0xFFFFFF80  }
0x87: {  	[tilespmem:s16], [sflag:$0x2] =	stream.indirect.gather [hbm4b:s29+s7], $0x80, s7, s7, $0xb8;
	[tilespmem:$0x1C400] =	vst v63  }
0x88: {  	_ =	swait.ge [sflag:s17], $0x4000  }
0x89: {  	[sflag:s17] =	ssyncset.done $0x0  }
0x8a: {  	[sflag:s17] =	ssyncadd.s32 $0xFFFFC000  }
0x8b: {  	[spmem:s25] =	stream.indirect.scatter.add.f32 [tilespmem:s14], [sflag:$0x7], $0x80, s6, s7, $0xb8;
	[tilespmem:$0x1C400] =	vst v63  }
0x8c: {  	_ =	swait.ge [sflag:s18], $0x4000  }
0x8d: {  	[sflag:s18] =	ssyncset.done $0x0  }
0x8e: {  	[sflag:s18] =	ssyncadd.s32 $0xFFFFC000  }
0x8f: {  	_ =	swait.ge [sflag:s19], $0x80  }
0x90: {  	[sflag:s19] =	ssyncset.done $0x0  }
0x91: {  	[sflag:s19] =	ssyncadd.s32 $0xFFFFFF80  }
0x92: {  	_ =	swait.ge [sflag:s19], $0x80  }
0x93: {  	[sflag:s19] =	ssyncset.done $0x0  }
0x94: {  	[sflag:s19] =	ssyncadd.s32 $0xFFFFFF80  }
0x95: {  	[tilespmem:s14], [sflag:$0x1] =	stream.indirect.gather [hbm4b:s29+s7], $0x80, s9, s7, $0xb8;
	[tilespmem:$0x1C400] =	vst v63  }
0x96: {  	_ =	swait.ge [sflag:s20], $0x4000  }
0x97: {  	[sflag:s20] =	ssyncset.done $0x0  }
0x98: {  	[sflag:s20] =	ssyncadd.s32 $0xFFFFC000  }
0x99: {  	[spmem:s25] =	stream.indirect.scatter.add.f32 [tilespmem:s16], [sflag:$0x7], $0x80, s8, s7, $0xb8;
	[tilespmem:$0x1C400] =	vst v63  }
0x9a: {  	_ =	swait.ge [sflag:s18], $0x4000  }
0x9b: {  	[sflag:s18] =	ssyncset.done $0x0  }
0x9c: {  	[sflag:s18] =	ssyncadd.s32 $0xFFFFC000  }
0x9d: {  	_ =	swait.ge [sflag:s22], $0x80  }
0x9e: {  	[sflag:s22] =	ssyncset.done $0x0  }
0x9f: {  	[sflag:s22] =	ssyncadd.s32 $0xFFFFFF80  }
0xa0: {  	_ =	swait.ge [sflag:s22], $0x80  }
0xa1: {  	[sflag:s22] =	ssyncset.done $0x0  }
0xa2: {  	[sflag:s22] =	ssyncadd.s32 $0xFFFFFF80  }
0xa3: {  	[tilespmem:s16], [sflag:$0x2] =	stream.indirect.gather [hbm4b:s29+s7], $0x80, s11, s7, $0xb8;
	[tilespmem:$0x1C400] =	vst v63  }
0xa4: {  	_ =	swait.ge [sflag:s17], $0x4000  }
0xa5: {  	[sflag:s17] =	ssyncset.done $0x0  }
0xa6: {  	[sflag:s17] =	ssyncadd.s32 $0xFFFFC000  }
0xa7: {  	[spmem:s25] =	stream.indirect.scatter.add.f32 [tilespmem:s14], [sflag:$0x7], $0x80, s10, s7, $0xb8;
	[tilespmem:$0x1C400] =	vst v63  }
0xa8: {  	_ =	swait.ge [sflag:s18], $0x4000  }
0xa9: {  	[sflag:s18] =	ssyncset.done $0x0  }
0xaa: {  	[sflag:s18] =	ssyncadd.s32 $0xFFFFC000  }
.LBB2_6:
0xab: {  	_ =	swait.ge [sflag:s20], $0x4000  }
0xac: {  	[sflag:s20] =	ssyncset.done $0x0  }
0xad: {  	[sflag:s20] =	ssyncadd.s32 $0xFFFFC000  }
0xae: {  	[spmem:s25] =	stream.indirect.scatter.add.f32 [tilespmem:s16], [sflag:$0x7], $0x80, s12, s7, $0xb8;
	[tilespmem:$0x1C400] =	vst v63  }
0xaf: {  	_ =	swait.ge [sflag:s18], $0x4000  }
0xb0: {  	[sflag:s18] =	ssyncset.done $0x0  }
0xb1: {  	[sflag:s18] =	ssyncadd.s32 $0xFFFFC000  }
0xb2: {  	[bflag:$0x0] =	sbarrier.arrive $0xFFFF  }
0xb3: {  	s0 =	rddreg [dreg:$0x1b]  }
0xb4: {  	[hbm:s0], [sflag:s21] =	dma.local [spmem:s24], $0x2800  }
0xb5: {  	_ =	swait.ge [sflag:s5], $0x2800  }
0xb6: {  	s23 =	sadd.s32 $0x1, s23;
	s31 =	rddreg [dreg:$0x1c]  }
0xb7: {  	p1 =	sne.s32 s23, s31  }
.Ltmp1:
0xb8: {  	_ = 	snop;
	(pc) =	sbr.rel @!p1 .LBB2_7-.Ltmp1, $3  }
0xb9: {  	_ =	sdelay $0x1  }
0xba: {  	[sflag:s5] =	ssyncset.done $0x0  }
0xbb: {  	[sflag:s5] =	ssyncadd.s32 $0xFFFFD800  }
.LBB2_1:
0xbc: {  	s0 =	rddreg [dreg:$0x1a]  }
0xbd: {  	s31 =	rddreg [dreg:$0x19];
	s24 =	sshrl.u32 s0, $0x3  }
0xbe: {  	[spmem:s24], [sflag:s21] =	dma.local [hbm:s31], $0x2800  }
.Ltmp2:
0xbf: {  	_ =	swait.ge [sflag:s5], $0x2800;
	(pc) =	sbr.rel @p0 .LBB2_5-.Ltmp2, $3  }
0xc0: {  	[sflag:s5] =	ssyncset.done $0x0  }
0xc1: {  	[sflag:s5] =	ssyncadd.s32 $0xFFFFD800  }
0xc2: {  	[bflag:$0x0] =	sbarrier.arrive $0xFFFF;
	_ =	sdelay $0x1  }
0xc3: {  	s26 =	simm.s32 $0x0  }
0xc4: {  	[tilespmem:s26], [sflag:$0x3] =	stream.linear.gather [hbm4b:s2+s26], $0x80, $0x38;
	[tilespmem:$0x1C400] =	vst v63  }
0xc5: {  	_ = 	snop  }
0xc6: {  	[tilespmem:s6], [sflag:$0x3] =	stream.linear.gather [hbm4b:s3+s26], $0x80, $0x38;
	[tilespmem:$0x1C400] =	vst v63  }
0xc7: {  	s0 =	rddreg [dreg:$0x3]  }
0xc8: {  	[tilespmem:s7], [sflag:$0x4] =	stream.linear.gather [hbm4b:s0+s26], $0x80, $0x38;
	[tilespmem:$0x1C400] =	vst v63  }
0xc9: {  	s31 =	rddreg [dreg:$0x4]  }
0xca: {  	[tilespmem:s8], [sflag:$0x4] =	stream.linear.gather [hbm4b:s31+s26], $0x80, $0x38;
	[tilespmem:$0x1C400] =	vst v63  }
0xcb: {  	s4 =	rddreg [dreg:$0x5]  }
0xcc: {  	[tilespmem:s9], [sflag:$0x5] =	stream.linear.gather [hbm4b:s4+s26], $0x80, $0x38;
	[tilespmem:$0x1C400] =	vst v63  }
0xcd: {  	s28 =	rddreg [dreg:$0x6]  }
0xce: {  	[tilespmem:s10], [sflag:$0x5] =	stream.linear.gather [hbm4b:s28+s26], $0x80, $0x38;
	[tilespmem:$0x1C400] =	vst v63  }
0xcf: {  	s30 =	rddreg [dreg:$0x7]  }
0xd0: {  	[tilespmem:s11], [sflag:$0x6] =	stream.linear.gather [hbm4b:s30+s26], $0x80, $0x38;
	[tilespmem:$0x1C400] =	vst v63  }
0xd1: {  	s31 =	rddreg [dreg:$0x8]  }
0xd2: {  	[tilespmem:s12], [sflag:$0x6] =	stream.linear.gather [hbm4b:s31+s26], $0x80, $0x38;
	[tilespmem:$0x1C400] =	vst v63  }
0xd3: {  	_ =	swait.ge [sflag:s13], $0x80  }
0xd4: {  	[sflag:s13] =	ssyncset.done $0x0  }
0xd5: {  	[sflag:s13] =	ssyncadd.s32 $0xFFFFFF80  }
0xd6: {  	_ =	swait.ge [sflag:s13], $0x80  }
0xd7: {  	[sflag:s13] =	ssyncset.done $0x0  }
0xd8: {  	[sflag:s13] =	ssyncadd.s32 $0xFFFFFF80  }
0xd9: {  	[tilespmem:s14], [sflag:$0x1] =	stream.indirect.gather [hbm4b:s29+s7], $0x80, s26, s7, $0xb8;
	[tilespmem:$0x1C400] =	vst v63  }
0xda: {  	_ =	swait.ge [sflag:s15], $0x80  }
0xdb: {  	[sflag:s15] =	ssyncset.done $0x0  }
0xdc: {  	[sflag:s15] =	ssyncadd.s32 $0xFFFFFF80  }
0xdd: {  	_ =	swait.ge [sflag:s15], $0x80  }
0xde: {  	[sflag:s15] =	ssyncset.done $0x0  }
0xdf: {  	[sflag:s15] =	ssyncadd.s32 $0xFFFFFF80  }
0xe0: {  	[tilespmem:s16], [sflag:$0x2] =	stream.indirect.gather [hbm4b:s29+s7], $0x80, s7, s7, $0xb8;
	[tilespmem:$0x1C400] =	vst v63  }
.LBB2_3:
0xe1: {  	_ =	swait.ge [sflag:s17], $0x4000  }
0xe2: {  	[sflag:s17] =	ssyncset.done $0x0  }
0xe3: {  	[sflag:s17] =	ssyncadd.s32 $0xFFFFC000  }
0xe4: {  	[spmem:s25] =	stream.indirect.scatter.add.f32 [tilespmem:s14], [sflag:$0x7], $0x80, s6, s7, $0xb8;
	[tilespmem:$0x1C400] =	vst v63  }
0xe5: {  	p1 =	seq.s32 s26, $0x940;
	_ =	swait.ge [sflag:s18], $0x4000  }
0xe6: {  	s28 =	sadd.s32 @!p1 s26, s2;
	[sflag:s18] =	ssyncset.done $0x0  }
0xe7: {  	s31 =	simm.s32 @!p1 $0x0;
	s30 =	sadd.s32 @!p1 $0x40, s28;
	[sflag:s18] =	ssyncadd.s32 $0xFFFFC000  }
0xe8: {  	[tilespmem:s31], [sflag:$0x3] =	stream.linear.gather @!p1 [hbm4b:s30+s31], $0x80, $0x38;
	[tilespmem:$0x1C400] =	vst v63  }
0xe9: {  	s30 =	sadd.s32 @!p1 s26, s3  }
0xea: {  	s4 =	simm.s32 @!p1 $0x200;
	s0 =	sadd.s32 @!p1 $0x40, s30  }
0xeb: {  	[tilespmem:s4], [sflag:$0x3] =	stream.linear.gather @!p1 [hbm4b:s0+s31], $0x80, $0x38;
	[tilespmem:$0x1C400] =	vst v63  }
0xec: {  	_ =	swait.ge [sflag:s19], $0x80  }
0xed: {  	[sflag:s19] =	ssyncset.done $0x0  }
0xee: {  	[sflag:s19] =	ssyncadd.s32 $0xFFFFFF80  }
0xef: {  	_ =	swait.ge [sflag:s19], $0x80  }
0xf0: {  	[sflag:s19] =	ssyncset.done $0x0  }
0xf1: {  	[sflag:s19] =	ssyncadd.s32 $0xFFFFFF80  }
0xf2: {  	[tilespmem:s14], [sflag:$0x1] =	stream.indirect.gather [hbm4b:s29+s7], $0x80, s9, s7, $0xb8;
	[tilespmem:$0x1C400] =	vst v63  }
0xf3: {  	_ =	swait.ge [sflag:s20], $0x4000  }
0xf4: {  	[sflag:s20] =	ssyncset.done $0x0  }
0xf5: {  	[sflag:s20] =	ssyncadd.s32 $0xFFFFC000  }
0xf6: {  	[spmem:s25] =	stream.indirect.scatter.add.f32 [tilespmem:s16], [sflag:$0x7], $0x80, s8, s7, $0xb8;
	[tilespmem:$0x1C400] =	vst v63  }
0xf7: {  	_ =	swait.ge [sflag:s18], $0x4000  }
0xf8: {  	[sflag:s18] =	ssyncset.done $0x0  }
0xf9: {  	s0 =	sadd.s32 @!p1 $0x50, s28;
	s4 =	simm.s32 @!p1 $0x80;
	[sflag:s18] =	ssyncadd.s32 $0xFFFFC000  }
0xfa: {  	[tilespmem:s4], [sflag:$0x4] =	stream.linear.gather @!p1 [hbm4b:s0+s31], $0x80, $0x38;
	[tilespmem:$0x1C400] =	vst v63  }
0xfb: {  	s0 =	sadd.s32 @!p1 $0x50, s30;
	s4 =	simm.s32 @!p1 $0x280  }
0xfc: {  	[tilespmem:s4], [sflag:$0x4] =	stream.linear.gather @!p1 [hbm4b:s0+s31], $0x80, $0x38;
	[tilespmem:$0x1C400] =	vst v63  }
0xfd: {  	_ =	swait.ge [sflag:s22], $0x80  }
0xfe: {  	[sflag:s22] =	ssyncset.done $0x0  }
0xff: {  	[sflag:s22] =	ssyncadd.s32 $0xFFFFFF80  }
0x100: {  	_ =	swait.ge [sflag:s22], $0x80  }
0x101: {  	[sflag:s22] =	ssyncset.done $0x0  }
0x102: {  	[sflag:s22] =	ssyncadd.s32 $0xFFFFFF80  }
0x103: {  	[tilespmem:s16], [sflag:$0x2] =	stream.indirect.gather [hbm4b:s29+s7], $0x80, s11, s7, $0xb8;
	[tilespmem:$0x1C400] =	vst v63  }
0x104: {  	_ =	swait.ge [sflag:s17], $0x4000  }
0x105: {  	[sflag:s17] =	ssyncset.done $0x0  }
.Ltmp3:
0x106: {  	[sflag:s17] =	ssyncadd.s32 $0xFFFFC000;
	(pc) =	sbr.rel @p1 .LBB2_6-.Ltmp3, $4  }
0x107: {  	[spmem:s25] =	stream.indirect.scatter.add.f32 [tilespmem:s14], [sflag:$0x7], $0x80, s10, s7, $0xb8;
	[tilespmem:$0x1C400] =	vst v63  }
0x108: {  	_ =	swait.ge [sflag:s18], $0x4000  }
0x109: {  	[sflag:s18] =	ssyncset.done $0x0  }
0x10a: {  	[sflag:s18] =	ssyncadd.s32 $0xFFFFC000  }
0x10b: {  	s0 =	sadd.s32 s26, s2  }
0x10c: {  	s30 =	sadd.s32 s26, s3;
	s4 =	sadd.s32 $0x60, s0  }
0x10d: {  	[tilespmem:s9], [sflag:$0x5] =	stream.linear.gather [hbm4b:s4+s1], $0x80, $0x38;
	[tilespmem:$0x1C400] =	vst v63  }
0x10e: {  	s28 =	sadd.s32 $0x60, s30  }
0x10f: {  	[tilespmem:s10], [sflag:$0x5] =	stream.linear.gather [hbm4b:s28+s1], $0x80, $0x38;
	[tilespmem:$0x1C400] =	vst v63  }
0x110: {  	_ =	swait.ge [sflag:s13], $0x80  }
0x111: {  	[sflag:s13] =	ssyncset.done $0x0  }
0x112: {  	[sflag:s13] =	ssyncadd.s32 $0xFFFFFF80  }
0x113: {  	_ =	swait.ge [sflag:s13], $0x80  }
0x114: {  	[sflag:s13] =	ssyncset.done $0x0  }
0x115: {  	[sflag:s13] =	ssyncadd.s32 $0xFFFFFF80  }
0x116: {  	[tilespmem:s14], [sflag:$0x1] =	stream.indirect.gather [hbm4b:s29+s7], $0x80, s1, s7, $0xb8;
	[tilespmem:$0x1C400] =	vst v63  }
0x117: {  	_ =	swait.ge [sflag:s20], $0x4000  }
0x118: {  	[sflag:s20] =	ssyncset.done $0x0  }
0x119: {  	[sflag:s20] =	ssyncadd.s32 $0xFFFFC000  }
0x11a: {  	[spmem:s25] =	stream.indirect.scatter.add.f32 [tilespmem:s16], [sflag:$0x7], $0x80, s12, s7, $0xb8;
	[tilespmem:$0x1C400] =	vst v63  }
0x11b: {  	_ =	swait.ge [sflag:s18], $0x4000  }
0x11c: {  	[sflag:s18] =	ssyncset.done $0x0  }
0x11d: {  	s0 =	sadd.s32 $0x70, s0;
	[sflag:s18] =	ssyncadd.s32 $0xFFFFC000  }
0x11e: {  	[tilespmem:s11], [sflag:$0x6] =	stream.linear.gather [hbm4b:s0+s1], $0x80, $0x38;
	[tilespmem:$0x1C400] =	vst v63  }
0x11f: {  	s31 =	sadd.s32 $0x70, s30  }
0x120: {  	[tilespmem:s12], [sflag:$0x6] =	stream.linear.gather [hbm4b:s31+s1], $0x80, $0x38;
	[tilespmem:$0x1C400] =	vst v63  }
0x121: {  	_ =	swait.ge [sflag:s15], $0x80  }
0x122: {  	[sflag:s15] =	ssyncset.done $0x0  }
.Ltmp4:
0x123: {  	[sflag:s15] =	ssyncadd.s32 $0xFFFFFF80;
	(pc) =	sbr.rel .LBB2_3-.Ltmp4, $4  }
0x124: {  	_ =	swait.ge [sflag:s15], $0x80  }
0x125: {  	[sflag:s15] =	ssyncset.done $0x0  }
0x126: {  	s26 =	sadd.s32 $0x40, s26;
	[sflag:s15] =	ssyncadd.s32 $0xFFFFFF80  }
0x127: {  	[tilespmem:s16], [sflag:$0x2] =	stream.indirect.gather [hbm4b:s29+s7], $0x80, s7, s7, $0xb8;
	[tilespmem:$0x1C400] =	vst v63  }
.LBB2_7:
0x128: {  	_ =	sfence.sel $0x180000  }
0x129: {  	[bflag:$0x0] =	sbarrier.arrive $0xFFFF  }
0x12a: {  	_ =	strace $0x90000050  }
0x12b: {  	s0 =	stileid.u32;
	[bflag:$0x2] =	sbarrier.arrive $0xFFFF  }
0x12c: {  	p0 =	sne.s32 s0, $0x0;
	s0 =	rddreg [dreg:$0x2]  }
0x12d: {  	s0 =	sadd.s32 @!p0 $0x100000, s0  }
0x12e: {  	[sflag:s0] =	ssyncadd.tile.s32 @!p0 $0x1;
	_ =	shalt  }
.Lfunc_end2:
_tile_overlayer_lowered:
.L_overlay_start_2:
0x12f: {  	(tag) =	ssettag $0x2  }
0x130: {  	s0 =	rddreg [dreg:$0x0];
	s2 =	stileid.u32  }
0x131: {  	s1 =	rddreg [dreg:$0x1];
	p0 =	sne.s32 s2, $0x0  }
0x132: {  	s3 =	rddreg [dreg:$0x2];
	[bflag:$0x3] =	sbarrier.arrive $0xFFFF;
	s2 =	simm.s32 @!p0 $0x1C08  }
0x133: {  	[timem:s3], [sflag:s2] =	dma.local @!p0 [hbm:s0], s1  }
0x134: {  	s0 =	simm.s32 @!p0 $0x8  }
0x135: {  	_ =	swait.ge @!p0 [sflag:s0], s1  }
0x136: {  	s1 =	ssub.s32 @!p0 $0x0, s1;
	[sflag:s0] =	ssyncset.done @!p0 $0x0  }
0x137: {  	[sflag:s0] =	ssyncadd.s32 @!p0 s1  }
0x138: {  	[bflag:$0x3] =	sbarrier.arrive $0xFFFF  }
0x139: {  	_ =	shalt  }

</sc_bundles>
